<compile_context>
chip_gen: v7x
topology: tpu7x:2x2x1
jax: 0.10.2.dev20260603
libtpu: 0.0.44.dev20260713+nightly
codegen_flags: <defaults>
</compile_context>

<pallas_src>
import functools

import jax
import jax.numpy as jnp
from jax import lax
from jax.experimental import pallas as pl
from jax.experimental.pallas import tpu as pltpu
from jax.experimental.pallas import tpu_sc as plsc

N = 6400000
K = 1000
KP = 1024
NC = 2
NS = 16
NW = NC * NS
H = 1
NPTS = N // H
P = NPTS // NW
T = 4000
NT = P // T
SUB = T // 16
UF = 25
LANES = 16
TBL = LANES * 4 * KP


def _sc_segment_sums(dx, dy, dz, labels, base):
    mesh = plsc.VectorSubcoreMesh(core_axis_name="c", subcore_axis_name="s")

    @functools.partial(
        pl.kernel,
        mesh=mesh,
        out_type=jax.ShapeDtypeStruct((NW * 4, KP), jnp.float32),
        scratch_types=[
            pltpu.VMEM((TBL,), jnp.float32),
            pltpu.VMEM((4, KP), jnp.float32),
            pltpu.VMEM((T,), jnp.int32),
            pltpu.VMEM((T,), jnp.float32),
            pltpu.VMEM((T,), jnp.float32),
            pltpu.VMEM((T,), jnp.float32),
            pltpu.VMEM((T,), jnp.int32),
            pltpu.VMEM((T,), jnp.float32),
            pltpu.VMEM((T,), jnp.float32),
            pltpu.VMEM((T,), jnp.float32),
            pltpu.SemaphoreType.DMA,
            pltpu.SemaphoreType.DMA,
        ],
        compiler_params=pltpu.CompilerParams(needs_layout_passes=False),
    )
    def k(dx_hbm, dy_hbm, dz_hbm, lab_hbm, out_hbm,
          table, res, lab_v0, dx_v0, dy_v0, dz_v0,
          lab_v1, dx_v1, dy_v1, dz_v1, sem0, sem1):
        wid = lax.axis_index("s") * NC + lax.axis_index("c")
        lane = lax.iota(jnp.int32, 16)
        ivec = lane * SUB
        lanebase = lane * (4 * KP)
        zeros = jnp.zeros((16,), jnp.float32)
        ones = jnp.ones((16,), jnp.float32)
        izeros = jnp.zeros((16,), jnp.int32)
        bufs = ((lab_v0, dx_v0, dy_v0, dz_v0), (lab_v1, dx_v1, dy_v1, dz_v1))
        sems = (sem0, sem1)

        pbase = wid * P

        def start(t, b):
            off = pl.ds(pbase + t * T, T)
            loff = pl.ds(base + pbase + t * T, T)
            lab_b, dx_b, dy_b, dz_b = bufs[b]
            sem = sems[b]
            pltpu.async_copy(lab_hbm.at[loff], lab_b, sem)
            pltpu.async_copy(dx_hbm.at[off], dx_b, sem)
            pltpu.async_copy(dy_hbm.at[off], dy_b, sem)
            pltpu.async_copy(dz_hbm.at[off], dz_b, sem)

        cur = (izeros, zeros, zeros, zeros, zeros)
        start(0, 0)

        def zero_body(i, _):
            for u in range(8):
                table[pl.ds((i * 8 + u) * 16, 16)] = zeros
            return 0

        lax.fori_loop(0, TBL // 128, zero_body, 0)
        start(1, 1)

        def make_step(lab_b, dx_b, dy_b, dz_b):
            def step(s, carry):
                clab, ax, ay, az, ac = carry
                pidx = ivec + s
                nlab = plsc.load_gather(lab_b, [pidx])
                vx = plsc.load_gather(dx_b, [pidx])
                vy = plsc.load_gather(dy_b, [pidx])
                vz = plsc.load_gather(dz_b, [pidx])
                flush = nlab != clab
                bi = lanebase + clab
                plsc.addupdate_scatter(table, [bi], ax, mask=flush)
                plsc.addupdate_scatter(table, [bi + KP], ay, mask=flush)
                plsc.addupdate_scatter(table, [bi + 2 * KP], az, mask=flush)
                plsc.addupdate_scatter(table, [bi + 3 * KP], ac, mask=flush)
                ax = jnp.where(flush, vx, ax + vx)
                ay = jnp.where(flush, vy, ay + vy)
                az = jnp.where(flush, vz, az + vz)
                ac = jnp.where(flush, 1.0, ac + 1.0)
                return (nlab, ax, ay, az, ac)

            def stepu(i, carry):
                for u in range(UF):
                    carry = step(i * UF + u, carry)
                return carry

            return stepu

        def pair(i, carry):
            for b in range(2):
                t = 2 * i + b
                lab_b, dx_b, dy_b, dz_b = bufs[b]
                sem = sems[b]
                pltpu.make_async_copy(lab_hbm.at[pl.ds(0, T)], lab_b, sem).wait()
                pltpu.make_async_copy(dx_hbm.at[pl.ds(0, T)], dx_b, sem).wait()
                pltpu.make_async_copy(dy_hbm.at[pl.ds(0, T)], dy_b, sem).wait()
                pltpu.make_async_copy(dz_hbm.at[pl.ds(0, T)], dz_b, sem).wait()
                carry = lax.fori_loop(
                    0, SUB // UF, make_step(lab_b, dx_b, dy_b, dz_b), carry
                )

                @pl.when(t + 2 < NT)
                def _():
                    start(t + 2, b)

            return carry

        cur = lax.fori_loop(0, NT // 2, pair, cur)

        clab, ax, ay, az, ac = cur
        bi = lanebase + clab
        plsc.addupdate_scatter(table, [bi], ax)
        plsc.addupdate_scatter(table, [bi + KP], ay)
        plsc.addupdate_scatter(table, [bi + 2 * KP], az)
        plsc.addupdate_scatter(table, [bi + 3 * KP], ac)

        for c in range(4):
            def red_body(j, _, c=c):
                acc = zeros
                for l in range(LANES):
                    acc = acc + table[pl.ds(l * (4 * KP) + c * KP + j * 16, 16)]
                res[c, pl.ds(j * 16, 16)] = acc
                return 0

            lax.fori_loop(0, KP // 16, red_body, 0)

        pltpu.sync_copy(res, out_hbm.at[pl.ds(wid * 4, 4)])

    return k(dx, dy, dz, labels)


def _loss_body(*refs):
    o_ref = refs[-1]
    x = refs[0][...]
    for r in refs[1:-1]:
        x = x + r[...]
    rid = lax.broadcasted_iota(jnp.int32, (NW * 4, KP), 0)
    rmod = lax.rem(rid, 4)

    def csum(c):
        return jnp.sum(jnp.where(rmod == c, x, 0.0), axis=0, keepdims=True)

    s0, s1, s2, cnt = csum(0), csum(1), csum(2), csum(3)
    safe = jnp.where(cnt > 0.0, cnt, 1.0)
    d0, d1, d2 = s0 / safe, s1 / safe, s2 / safe
    pt = d0 * d0 + d1 * d1 + d2 * d2
    kidx = lax.broadcasted_iota(jnp.int32, (1, KP), 1)
    valid = kidx > 0
    contrib = (cnt >= 2.0) & valid
    present = (cnt >= 1.0) & valid
    total = jnp.sum(jnp.where(contrib, pt, 0.0))
    ntree = jnp.sum(jnp.where(present, 1.0, 0.0))
    loss = jnp.where(ntree > 0.0, total / jnp.maximum(ntree, 1.0), 0.0)
    o_ref[...] = jnp.full((1, 1), loss, jnp.float32)


def kernel(coords, offset_inst, offset_tree, tree_labels):
    del coords
    partials = []
    for h in range(H):
        lo = h * NPTS
        oi = jax.lax.slice_in_dim(offset_inst, lo, lo + NPTS, axis=0)
        ot = jax.lax.slice_in_dim(offset_tree, lo, lo + NPTS, axis=0)
        dx = oi[:, 0] - ot[:, 0]
        dy = oi[:, 1] - ot[:, 1]
        dz = oi[:, 2] - ot[:, 2]
        partials.append(_sc_segment_sums(dx, dy, dz, tree_labels, lo))
    loss = pl.pallas_call(
        _loss_body,
        out_shape=jax.ShapeDtypeStruct((1, 1), jnp.float32),
    )(*partials)
    return jnp.reshape(loss, ())

# --- scband reference (transcript-rebuilt; emitter-appended) ---
"""Pipeline reference for scband-hierarchical-consistency-loss-84241488544386 (READ-ONLY COPY).

The authoritative reference and input builder live on the scoring server;
editing this copy changes nothing except your own understanding.
"""

import jax, jax.numpy as jnp
import numpy as np

N = 6400000
K = 1000  # number of tree instance segments; labels drawn from [0, K), label 0 = invalid/stuff

def setup_inputs(seed: int = 0) -> dict:
    key = jax.random.key(seed)
    k1, k2, k3, k4 = jax.random.split(key, 4)
    coords = jax.random.normal(k1, (N, 3), dtype=jnp.float32)
    offset_inst = jax.random.normal(k2, (N, 3), dtype=jnp.float32)
    offset_tree = jax.random.normal(k3, (N, 3), dtype=jnp.float32)
    tree_labels = jnp.sort(jax.random.randint(k4, (N,), 0, K, dtype=jnp.int32))
    return {
        "coords": coords,
        "offset_inst": offset_inst,
        "offset_tree": offset_tree,
        "tree_labels": tree_labels,
    }

def reference(coords, offset_inst, offset_tree, tree_labels):
    # Predicted centers
    center_inst = coords + offset_inst
    center_tree = coords + offset_tree
    # Points with tree_labels > 0 are valid (things); label 0 / -1 are stuff
    w = (tree_labels > 0).astype(jnp.float32)
    # Per-tree point counts and center sums via segment reduce
    counts = jax.ops.segment_sum(w, tree_labels, num_segments=K)
    sum_inst = jax.ops.segment_sum(center_inst * w[:, None], tree_labels, num_segments=K)
    sum_tree = jax.ops.segment_sum(center_tree * w[:, None], tree_labels, num_segments=K)
    seg_ids = jnp.arange(K)
    # Trees contributing to the loss need >= 2 points (per torch: n_points < 2 -> skip)
    contrib = (counts >= 2.0) & (seg_ids > 0)
    # n_trees counts all unique valid tree ids present (even those with 1 point)
    present = (counts >= 1.0) & (seg_ids > 0)
    safe_counts = jnp.where(counts > 0, counts, 1.0)
    mean_diff = (sum_inst - sum_tree) / safe_counts[:, None]
    per_tree_loss = jnp.sum(mean_diff * mean_diff, axis=1)
    total_loss = jnp.sum(jnp.where(contrib, per_tree_loss, 0.0))
    n_trees = jnp.sum(present.astype(jnp.float32))
    # reduction='mean': divide by number of unique trees
    loss = jnp.where(n_trees > 0, total_loss / jnp.maximum(n_trees, 1.0), 0.0)
    return loss

if __name__ == "__main__":
    import jax
    _d = setup_inputs()
    print(jax.jit(kernel)(*tuple(_d.values())))

</pallas_src>

<mosaic_0001>
#map = affine_map<(d0, d1) -> (0)>
#map1 = affine_map<(d0, d1) -> (0, 0)>
module attributes {stable_mosaic.version = 14 : i64} {
  func.func @k(%arg0: i32, %arg1: i32, %arg2: memref<6400000xf32, #tpu.memory_space<hbm>>, %arg3: memref<6400000xf32, #tpu.memory_space<hbm>>, %arg4: memref<6400000xf32, #tpu.memory_space<hbm>>, %arg5: memref<6400000xi32, #tpu.memory_space<hbm>>, %arg6: memref<128x1024xf32, #tpu.memory_space<hbm>>, %arg7: memref<65536xf32, #tpu.memory_space<vmem>>, %arg8: memref<4x1024xf32, #tpu.memory_space<vmem>>, %arg9: memref<4000xi32, #tpu.memory_space<vmem>>, %arg10: memref<4000xf32, #tpu.memory_space<vmem>>, %arg11: memref<4000xf32, #tpu.memory_space<vmem>>, %arg12: memref<4000xf32, #tpu.memory_space<vmem>>, %arg13: memref<4000xi32, #tpu.memory_space<vmem>>, %arg14: memref<4000xf32, #tpu.memory_space<vmem>>, %arg15: memref<4000xf32, #tpu.memory_space<vmem>>, %arg16: memref<4000xf32, #tpu.memory_space<vmem>>, %arg17: memref<!tpu.dma_semaphore, #tpu.memory_space<semaphore_mem>>, %arg18: memref<!tpu.dma_semaphore, #tpu.memory_space<semaphore_mem>>) attributes {dimension_semantics = [#tpu.dimension_semantics<core_parallel>, #tpu.dimension_semantics<subcore_parallel>], iteration_bounds = array<i64: 2, 16>, scalar_prefetch = 0 : i64, scratch_operands = 12 : i64, tpu.core_type = #tpu.core_type<sc_vector_subcore>, window_params = [{transform_indices = #map}, {transform_indices = #map}, {transform_indices = #map}, {transform_indices = #map}, {transform_indices = #map1}]} {
    %mul3A = arith.constant 2 : i32
    %mul3A_0 = arith.muli %arg1, %mul3A : i32
    %add3A = arith.addi %mul3A_0, %arg0 : i32
    %iota3A = tpu.iota {dimensions = array<i32: 0>} : vector<16xi32>
    %mul3A_1 = arith.constant 250 : i32
    %mul3A_2 = vector.broadcast %mul3A_1 : i32 to vector<16xi32>
    %mul3A_3 = arith.muli %iota3A, %mul3A_2 : vector<16xi32>
    %mul3A_4 = arith.constant 4096 : i32
    %mul3A_5 = vector.broadcast %mul3A_4 : i32 to vector<16xi32>
    %mul3A_6 = arith.muli %iota3A, %mul3A_5 : vector<16xi32>
    %broadcast_in_dim3A = arith.constant 0.000000e+00 : f32
    %broadcast_in_dim3A_7 = vector.broadcast %broadcast_in_dim3A : f32 to vector<16xf32>
    %broadcast_in_dim3A_8 = arith.constant 1.000000e+00 : f32
    %broadcast_in_dim3A_9 = vector.broadcast %broadcast_in_dim3A_8 : f32 to vector<16xf32>
    %broadcast_in_dim3A_10 = arith.constant 0 : i32
    %broadcast_in_dim3A_11 = vector.broadcast %broadcast_in_dim3A_10 : i32 to vector<16xi32>
    %mul3A_12 = arith.constant 200000 : i32
    %mul3A_13 = arith.muli %add3A, %mul3A_12 : i32
    %add3A_14 = arith.constant 0 : i32
    %add3A_15 = arith.addi %mul3A_13, %add3A_14 : i32
    %add3A_16 = arith.constant 0 : i32
    %add3A_17 = arith.addi %add3A_16, %mul3A_13 : i32
    %add3A_18 = arith.constant 0 : i32
    %add3A_19 = arith.addi %add3A_17, %add3A_18 : i32
    %dma_start3A = tpu.memref_slice %arg5[%add3A_19] : memref<6400000xi32, #tpu.memory_space<hbm>> -> memref<4000xi32, #tpu.memory_space<hbm>>
    %dma_start3A_20 = tpu.memref_slice %arg5[%add3A_19] : memref<6400000xi32, #tpu.memory_space<hbm>> -> memref<4000xi32, #tpu.memory_space<hbm>>
    tpu.enqueue_dma source(%dma_start3A_20 : memref<4000xi32, #tpu.memory_space<hbm>>) target(%arg9 : memref<4000xi32, #tpu.memory_space<vmem>>) target_semaphore(%arg17 : memref<!tpu.dma_semaphore, #tpu.memory_space<semaphore_mem>>)
    %dma_start3A_21 = tpu.memref_slice %arg2[%add3A_15] : memref<6400000xf32, #tpu.memory_space<hbm>> -> memref<4000xf32, #tpu.memory_space<hbm>>
    %dma_start3A_22 = tpu.memref_slice %arg2[%add3A_15] : memref<6400000xf32, #tpu.memory_space<hbm>> -> memref<4000xf32, #tpu.memory_space<hbm>>
    tpu.enqueue_dma source(%dma_start3A_22 : memref<4000xf32, #tpu.memory_space<hbm>>) target(%arg10 : memref<4000xf32, #tpu.memory_space<vmem>>) target_semaphore(%arg17 : memref<!tpu.dma_semaphore, #tpu.memory_space<semaphore_mem>>)
    %dma_start3A_23 = tpu.memref_slice %arg3[%add3A_15] : memref<6400000xf32, #tpu.memory_space<hbm>> -> memref<4000xf32, #tpu.memory_space<hbm>>
    %dma_start3A_24 = tpu.memref_slice %arg3[%add3A_15] : memref<6400000xf32, #tpu.memory_space<hbm>> -> memref<4000xf32, #tpu.memory_space<hbm>>
    tpu.enqueue_dma source(%dma_start3A_24 : memref<4000xf32, #tpu.memory_space<hbm>>) target(%arg11 : memref<4000xf32, #tpu.memory_space<vmem>>) target_semaphore(%arg17 : memref<!tpu.dma_semaphore, #tpu.memory_space<semaphore_mem>>)
    %dma_start3A_25 = tpu.memref_slice %arg4[%add3A_15] : memref<6400000xf32, #tpu.memory_space<hbm>> -> memref<4000xf32, #tpu.memory_space<hbm>>
    %dma_start3A_26 = tpu.memref_slice %arg4[%add3A_15] : memref<6400000xf32, #tpu.memory_space<hbm>> -> memref<4000xf32, #tpu.memory_space<hbm>>
    tpu.enqueue_dma source(%dma_start3A_26 : memref<4000xf32, #tpu.memory_space<hbm>>) target(%arg12 : memref<4000xf32, #tpu.memory_space<vmem>>) target_semaphore(%arg17 : memref<!tpu.dma_semaphore, #tpu.memory_space<semaphore_mem>>)
    %scan3A = arith.constant 0 : i32
    %scan3A_27 = arith.constant 0 : i32
    %scan3A_28 = arith.constant 512 : i32
    %scan3A_29 = arith.addi %scan3A_27, %scan3A_28 : i32
    %scan3A_30 = arith.constant 1 : i32
    %scan3A_31 = scf.for %scan3A_93 = %scan3A_27 to %scan3A_29 step %scan3A_30 iter_args(%scan3A_94 = %scan3A) -> (i32)  : i32 {
      %mul3A_95 = arith.constant 8 : i32
      %mul3A_96 = arith.muli %scan3A_93, %mul3A_95 : i32
      %add3A_97 = arith.constant 0 : i32
      %add3A_98 = arith.addi %mul3A_96, %add3A_97 : i32
      %mul3A_99 = arith.constant 16 : i32
      %mul3A_100 = arith.muli %add3A_98, %mul3A_99 : i32
      %swap3A = arith.index_cast %mul3A_100 : i32 to index
      %swap3A_101 = tpu.vector_load %arg7[%swap3A] {strides = array<i32>} : memref<65536xf32, #tpu.memory_space<vmem>>, vector<16xf32>,
      tpu.vector_store %arg7[%swap3A], %broadcast_in_dim3A_7 {strides = array<i32>} : memref<65536xf32, #tpu.memory_space<vmem>>, vector<16xf32>,
      %mul3A_102 = arith.constant 8 : i32
      %mul3A_103 = arith.muli %scan3A_93, %mul3A_102 : i32
      %add3A_104 = arith.constant 1 : i32
      %add3A_105 = arith.addi %mul3A_103, %add3A_104 : i32
      %mul3A_106 = arith.constant 16 : i32
      %mul3A_107 = arith.muli %add3A_105, %mul3A_106 : i32
      %swap3A_108 = arith.index_cast %mul3A_107 : i32 to index
      %swap3A_109 = tpu.vector_load %arg7[%swap3A_108] {strides = array<i32>} : memref<65536xf32, #tpu.memory_space<vmem>>, vector<16xf32>,
      tpu.vector_store %arg7[%swap3A_108], %broadcast_in_dim3A_7 {strides = array<i32>} : memref<65536xf32, #tpu.memory_space<vmem>>, vector<16xf32>,
      %mul3A_110 = arith.constant 8 : i32
      %mul3A_111 = arith.muli %scan3A_93, %mul3A_110 : i32
      %add3A_112 = arith.constant 2 : i32
      %add3A_113 = arith.addi %mul3A_111, %add3A_112 : i32
      %mul3A_114 = arith.constant 16 : i32
      %mul3A_115 = arith.muli %add3A_113, %mul3A_114 : i32
      %swap3A_116 = arith.index_cast %mul3A_115 : i32 to index
      %swap3A_117 = tpu.vector_load %arg7[%swap3A_116] {strides = array<i32>} : memref<65536xf32, #tpu.memory_space<vmem>>, vector<16xf32>,
      tpu.vector_store %arg7[%swap3A_116], %broadcast_in_dim3A_7 {strides = array<i32>} : memref<65536xf32, #tpu.memory_space<vmem>>, vector<16xf32>,
      %mul3A_118 = arith.constant 8 : i32
      %mul3A_119 = arith.muli %scan3A_93, %mul3A_118 : i32
      %add3A_120 = arith.constant 3 : i32
      %add3A_121 = arith.addi %mul3A_119, %add3A_120 : i32
      %mul3A_122 = arith.constant 16 : i32
      %mul3A_123 = arith.muli %add3A_121, %mul3A_122 : i32
      %swap3A_124 = arith.index_cast %mul3A_123 : i32 to index
      %swap3A_125 = tpu.vector_load %arg7[%swap3A_124] {strides = array<i32>} : memref<65536xf32, #tpu.memory_space<vmem>>, vector<16xf32>,
      tpu.vector_store %arg7[%swap3A_124], %broadcast_in_dim3A_7 {strides = array<i32>} : memref<65536xf32, #tpu.memory_space<vmem>>, vector<16xf32>,
      %mul3A_126 = arith.constant 8 : i32
      %mul3A_127 = arith.muli %scan3A_93, %mul3A_126 : i32
      %add3A_128 = arith.constant 4 : i32
      %add3A_129 = arith.addi %mul3A_127, %add3A_128 : i32
      %mul3A_130 = arith.constant 16 : i32
      %mul3A_131 = arith.muli %add3A_129, %mul3A_130 : i32
      %swap3A_132 = arith.index_cast %mul3A_131 : i32 to index
      %swap3A_133 = tpu.vector_load %arg7[%swap3A_132] {strides = array<i32>} : memref<65536xf32, #tpu.memory_space<vmem>>, vector<16xf32>,
      tpu.vector_store %arg7[%swap3A_132], %broadcast_in_dim3A_7 {strides = array<i32>} : memref<65536xf32, #tpu.memory_space<vmem>>, vector<16xf32>,
      %mul3A_134 = arith.constant 8 : i32
      %mul3A_135 = arith.muli %scan3A_93, %mul3A_134 : i32
      %add3A_136 = arith.constant 5 : i32
      %add3A_137 = arith.addi %mul3A_135, %add3A_136 : i32
      %mul3A_138 = arith.constant 16 : i32
      %mul3A_139 = arith.muli %add3A_137, %mul3A_138 : i32
      %swap3A_140 = arith.index_cast %mul3A_139 : i32 to index
      %swap3A_141 = tpu.vector_load %arg7[%swap3A_140] {strides = array<i32>} : memref<65536xf32, #tpu.memory_space<vmem>>, vector<16xf32>,
      tpu.vector_store %arg7[%swap3A_140], %broadcast_in_dim3A_7 {strides = array<i32>} : memref<65536xf32, #tpu.memory_space<vmem>>, vector<16xf32>,
      %mul3A_142 = arith.constant 8 : i32
      %mul3A_143 = arith.muli %scan3A_93, %mul3A_142 : i32
      %add3A_144 = arith.constant 6 : i32
      %add3A_145 = arith.addi %mul3A_143, %add3A_144 : i32
      %mul3A_146 = arith.constant 16 : i32
      %mul3A_147 = arith.muli %add3A_145, %mul3A_146 : i32
      %swap3A_148 = arith.index_cast %mul3A_147 : i32 to index
      %swap3A_149 = tpu.vector_load %arg7[%swap3A_148] {strides = array<i32>} : memref<65536xf32, #tpu.memory_space<vmem>>, vector<16xf32>,
      tpu.vector_store %arg7[%swap3A_148], %broadcast_in_dim3A_7 {strides = array<i32>} : memref<65536xf32, #tpu.memory_space<vmem>>, vector<16xf32>,
      %mul3A_150 = arith.constant 8 : i32
      %mul3A_151 = arith.muli %scan3A_93, %mul3A_150 : i32
      %add3A_152 = arith.constant 7 : i32
      %add3A_153 = arith.addi %mul3A_151, %add3A_152 : i32
      %mul3A_154 = arith.constant 16 : i32
      %mul3A_155 = arith.muli %add3A_153, %mul3A_154 : i32
      %swap3A_156 = arith.index_cast %mul3A_155 : i32 to index
      %swap3A_157 = tpu.vector_load %arg7[%swap3A_156] {strides = array<i32>} : memref<65536xf32, #tpu.memory_space<vmem>>, vector<16xf32>,
      tpu.vector_store %arg7[%swap3A_156], %broadcast_in_dim3A_7 {strides = array<i32>} : memref<65536xf32, #tpu.memory_space<vmem>>, vector<16xf32>,
      %scan3A_158 = arith.constant 0 : i32
      scf.yield %scan3A_158 : i32
    }
    %scan3A_32 = arith.constant 512 : i32
    %add3A_33 = arith.constant 4000 : i32
    %add3A_34 = arith.addi %mul3A_13, %add3A_33 : i32
    %add3A_35 = arith.constant 0 : i32
    %add3A_36 = arith.addi %add3A_35, %mul3A_13 : i32
    %add3A_37 = arith.constant 4000 : i32
    %add3A_38 = arith.addi %add3A_36, %add3A_37 : i32
    %dma_start3A_39 = tpu.memref_slice %arg5[%add3A_38] : memref<6400000xi32, #tpu.memory_space<hbm>> -> memref<4000xi32, #tpu.memory_space<hbm>>
    %dma_start3A_40 = tpu.memref_slice %arg5[%add3A_38] : memref<6400000xi32, #tpu.memory_space<hbm>> -> memref<4000xi32, #tpu.memory_space<hbm>>
    tpu.enqueue_dma source(%dma_start3A_40 : memref<4000xi32, #tpu.memory_space<hbm>>) target(%arg13 : memref<4000xi32, #tpu.memory_space<vmem>>) target_semaphore(%arg18 : memref<!tpu.dma_semaphore, #tpu.memory_space<semaphore_mem>>)
    %dma_start3A_41 = tpu.memref_slice %arg2[%add3A_34] : memref<6400000xf32, #tpu.memory_space<hbm>> -> memref<4000xf32, #tpu.memory_space<hbm>>
    %dma_start3A_42 = tpu.memref_slice %arg2[%add3A_34] : memref<6400000xf32, #tpu.memory_space<hbm>> -> memref<4000xf32, #tpu.memory_space<hbm>>
    tpu.enqueue_dma source(%dma_start3A_42 : memref<4000xf32, #tpu.memory_space<hbm>>) target(%arg14 : memref<4000xf32, #tpu.memory_space<vmem>>) target_semaphore(%arg18 : memref<!tpu.dma_semaphore, #tpu.memory_space<semaphore_mem>>)
    %dma_start3A_43 = tpu.memref_slice %arg3[%add3A_34] : memref<6400000xf32, #tpu.memory_space<hbm>> -> memref<4000xf32, #tpu.memory_space<hbm>>
    %dma_start3A_44 = tpu.memref_slice %arg3[%add3A_34] : memref<6400000xf32, #tpu.memory_space<hbm>> -> memref<4000xf32, #tpu.memory_space<hbm>>
    tpu.enqueue_dma source(%dma_start3A_44 : memref<4000xf32, #tpu.memory_space<hbm>>) target(%arg15 : memref<4000xf32, #tpu.memory_space<vmem>>) target_semaphore(%arg18 : memref<!tpu.dma_semaphore, #tpu.memory_space<semaphore_mem>>)
    %dma_start3A_45 = tpu.memref_slice %arg4[%add3A_34] : memref<6400000xf32, #tpu.memory_space<hbm>> -> memref<4000xf32, #tpu.memory_space<hbm>>
    %dma_start3A_46 = tpu.memref_slice %arg4[%add3A_34] : memref<6400000xf32, #tpu.memory_space<hbm>> -> memref<4000xf32, #tpu.memory_space<hbm>>
    tpu.enqueue_dma source(%dma_start3A_46 : memref<4000xf32, #tpu.memory_space<hbm>>) target(%arg16 : memref<4000xf32, #tpu.memory_space<vmem>>) target_semaphore(%arg18 : memref<!tpu.dma_semaphore, #tpu.memory_space<semaphore_mem>>)
    %scan3A_47 = arith.constant 0 : i32
    %scan3A_48 = arith.constant 25 : i32
    %scan3A_49 = arith.addi %scan3A_47, %scan3A_48 : i32
    %scan3A_50 = arith.constant 1 : i32
    %scan3A_51:5 = scf.for %scan3A_93 = %scan3A_47 to %scan3A_49 step %scan3A_50 iter_args(%scan3A_94 = %broadcast_in_dim3A_11, %scan3A_95 = %broadcast_in_dim3A_7, %scan3A_96 = %broadcast_in_dim3A_7, %scan3A_97 = %broadcast_in_dim3A_7, %scan3A_98 = %broadcast_in_dim3A_7) -> (vector<16xi32>, vector<16xf32>, vector<16xf32>, vector<16xf32>, vector<16xf32>)  : i32 {
      %mul3A_99 = arith.constant 2 : i32
      %mul3A_100 = arith.muli %mul3A_99, %scan3A_93 : i32
      %add3A_101 = arith.constant 0 : i32
      %add3A_102 = arith.addi %mul3A_100, %add3A_101 : i32
      %dma_wait3A = arith.constant 0 : i32
      %dma_wait3A_103 = tpu.memref_slice %arg5[%dma_wait3A] : memref<6400000xi32, #tpu.memory_space<hbm>> -> memref<4000xi32, #tpu.memory_space<hbm>>
      %dma_wait3A_104 = arith.constant 0 : i32
      %dma_wait3A_105 = tpu.memref_slice %arg5[%dma_wait3A_104] : memref<6400000xi32, #tpu.memory_space<hbm>> -> memref<4000xi32, #tpu.memory_space<hbm>>
      tpu.wait_dma2 semaphore(%arg17 : memref<!tpu.dma_semaphore, #tpu.memory_space<semaphore_mem>>) src(%dma_wait3A_105 : memref<4000xi32, #tpu.memory_space<hbm>>) dst(%arg9 : memref<4000xi32, #tpu.memory_space<vmem>>)
      %dma_wait3A_106 = arith.constant 0 : i32
      %dma_wait3A_107 = tpu.memref_slice %arg2[%dma_wait3A_106] : memref<6400000xf32, #tpu.memory_space<hbm>> -> memref<4000xf32, #tpu.memory_space<hbm>>
      %dma_wait3A_108 = arith.constant 0 : i32
      %dma_wait3A_109 = tpu.memref_slice %arg2[%dma_wait3A_108] : memref<6400000xf32, #tpu.memory_space<hbm>> -> memref<4000xf32, #tpu.memory_space<hbm>>
      tpu.wait_dma2 semaphore(%arg17 : memref<!tpu.dma_semaphore, #tpu.memory_space<semaphore_mem>>) src(%dma_wait3A_109 : memref<4000xf32, #tpu.memory_space<hbm>>) dst(%arg10 : memref<4000xf32, #tpu.memory_space<vmem>>)
      %dma_wait3A_110 = arith.constant 0 : i32
      %dma_wait3A_111 = tpu.memref_slice %arg3[%dma_wait3A_110] : memref<6400000xf32, #tpu.memory_space<hbm>> -> memref<4000xf32, #tpu.memory_space<hbm>>
      %dma_wait3A_112 = arith.constant 0 : i32
      %dma_wait3A_113 = tpu.memref_slice %arg3[%dma_wait3A_112] : memref<6400000xf32, #tpu.memory_space<hbm>> -> memref<4000xf32, #tpu.memory_space<hbm>>
      tpu.wait_dma2 semaphore(%arg17 : memref<!tpu.dma_semaphore, #tpu.memory_space<semaphore_mem>>) src(%dma_wait3A_113 : memref<4000xf32, #tpu.memory_space<hbm>>) dst(%arg11 : memref<4000xf32, #tpu.memory_space<vmem>>)
      %dma_wait3A_114 = arith.constant 0 : i32
      %dma_wait3A_115 = tpu.memref_slice %arg4[%dma_wait3A_114] : memref<6400000xf32, #tpu.memory_space<hbm>> -> memref<4000xf32, #tpu.memory_space<hbm>>
      %dma_wait3A_116 = arith.constant 0 : i32
      %dma_wait3A_117 = tpu.memref_slice %arg4[%dma_wait3A_116] : memref<6400000xf32, #tpu.memory_space<hbm>> -> memref<4000xf32, #tpu.memory_space<hbm>>
      tpu.wait_dma2 semaphore(%arg17 : memref<!tpu.dma_semaphore, #tpu.memory_space<semaphore_mem>>) src(%dma_wait3A_117 : memref<4000xf32, #tpu.memory_space<hbm>>) dst(%arg12 : memref<4000xf32, #tpu.memory_space<vmem>>)
      %scan3A_118 = arith.constant 0 : i32
      %scan3A_119 = arith.constant 10 : i32
      %scan3A_120 = arith.addi %scan3A_118, %scan3A_119 : i32
      %scan3A_121 = arith.constant 1 : i32
      %scan3A_122:5 = scf.for %scan3A_161 = %scan3A_118 to %scan3A_120 step %scan3A_121 iter_args(%scan3A_162 = %scan3A_94, %scan3A_163 = %scan3A_95, %scan3A_164 = %scan3A_96, %scan3A_165 = %scan3A_97, %scan3A_166 = %scan3A_98) -> (vector<16xi32>, vector<16xf32>, vector<16xf32>, vector<16xf32>, vector<16xf32>)  : i32 {
        %mul3A_167 = arith.constant 25 : i32
        %mul3A_168 = arith.muli %scan3A_161, %mul3A_167 : i32
        %add3A_169 = arith.constant 0 : i32
        %add3A_170 = arith.addi %mul3A_168, %add3A_169 : i32
        %add3A_171 = vector.broadcast %add3A_170 : i32 to vector<16xi32>
        %add3A_172 = arith.addi %mul3A_3, %add3A_171 : vector<16xi32>
        %gather3A = tpu.vector_load_idx %arg9[%add3A_172] : memref<4000xi32, #tpu.memory_space<vmem>>[vector<16xi32>], vector<16xi32>,
        %gather3A_173 = tpu.vector_load_idx %arg10[%add3A_172] : memref<4000xf32, #tpu.memory_space<vmem>>[vector<16xi32>], vector<16xf32>,
        %gather3A_174 = tpu.vector_load_idx %arg11[%add3A_172] : memref<4000xf32, #tpu.memory_space<vmem>>[vector<16xi32>], vector<16xf32>,
        %gather3A_175 = tpu.vector_load_idx %arg12[%add3A_172] : memref<4000xf32, #tpu.memory_space<vmem>>[vector<16xi32>], vector<16xf32>,
        %ne3A = arith.cmpi ne, %gather3A, %scan3A_162 : vector<16xi32>
        %add3A_176 = arith.addi %mul3A_6, %scan3A_162 : vector<16xi32>
        tpu.vector_store_idx %arg7[%add3A_176], %scan3A_163 masked %ne3A {add = true} : memref<65536xf32, #tpu.memory_space<vmem>>[vector<16xi32>], vector<16xf32>, vector<16xi1>
        %add3A_177 = arith.constant 1024 : i32
        %add3A_178 = vector.broadcast %add3A_177 : i32 to vector<16xi32>
        %add3A_179 = arith.addi %add3A_176, %add3A_178 : vector<16xi32>
        tpu.vector_store_idx %arg7[%add3A_179], %scan3A_164 masked %ne3A {add = true} : memref<65536xf32, #tpu.memory_space<vmem>>[vector<16xi32>], vector<16xf32>, vector<16xi1>
        %add3A_180 = arith.constant 2048 : i32
        %add3A_181 = vector.broadcast %add3A_180 : i32 to vector<16xi32>
        %add3A_182 = arith.addi %add3A_176, %add3A_181 : vector<16xi32>
        tpu.vector_store_idx %arg7[%add3A_182], %scan3A_165 masked %ne3A {add = true} : memref<65536xf32, #tpu.memory_space<vmem>>[vector<16xi32>], vector<16xf32>, vector<16xi1>
        %add3A_183 = arith.constant 3072 : i32
        %add3A_184 = vector.broadcast %add3A_183 : i32 to vector<16xi32>
        %add3A_185 = arith.addi %add3A_176, %add3A_184 : vector<16xi32>
        tpu.vector_store_idx %arg7[%add3A_185], %scan3A_166 masked %ne3A {add = true} : memref<65536xf32, #tpu.memory_space<vmem>>[vector<16xi32>], vector<16xf32>, vector<16xi1>
        %add3A_186 = arith.addf %scan3A_163, %gather3A_173 : vector<16xf32>
        %select_n3A = arith.select %ne3A, %gather3A_173, %add3A_186 : vector<16xi1>, vector<16xf32>
        %add3A_187 = arith.addf %scan3A_164, %gather3A_174 : vector<16xf32>
        %select_n3A_188 = arith.select %ne3A, %gather3A_174, %add3A_187 : vector<16xi1>, vector<16xf32>
        %add3A_189 = arith.addf %scan3A_165, %gather3A_175 : vector<16xf32>
        %select_n3A_190 = arith.select %ne3A, %gather3A_175, %add3A_189 : vector<16xi1>, vector<16xf32>
        %add3A_191 = arith.constant 1.000000e+00 : f32
        %add3A_192 = vector.broadcast %add3A_191 : f32 to vector<16xf32>
        %add3A_193 = arith.addf %scan3A_166, %add3A_192 : vector<16xf32>
        %jit3A = arith.constant 1.000000e+00 : f32
        %broadcast_in_dim3A_194 = vector.broadcast %jit3A : f32 to vector<16xf32>
        %select_n3A_195 = arith.select %ne3A, %broadcast_in_dim3A_194, %add3A_193 : vector<16xi1>, vector<16xf32>
        %mul3A_196 = arith.constant 25 : i32
        %mul3A_197 = arith.muli %scan3A_161, %mul3A_196 : i32
        %add3A_198 = arith.constant 1 : i32
        %add3A_199 = arith.addi %mul3A_197, %add3A_198 : i32
        %add3A_200 = vector.broadcast %add3A_199 : i32 to vector<16xi32>
        %add3A_201 = arith.addi %mul3A_3, %add3A_200 : vector<16xi32>
        %gather3A_202 = tpu.vector_load_idx %arg9[%add3A_201] : memref<4000xi32, #tpu.memory_space<vmem>>[vector<16xi32>], vector<16xi32>,
        %gather3A_203 = tpu.vector_load_idx %arg10[%add3A_201] : memref<4000xf32, #tpu.memory_space<vmem>>[vector<16xi32>], vector<16xf32>,
        %gather3A_204 = tpu.vector_load_idx %arg11[%add3A_201] : memref<4000xf32, #tpu.memory_space<vmem>>[vector<16xi32>], vector<16xf32>,
        %gather3A_205 = tpu.vector_load_idx %arg12[%add3A_201] : memref<4000xf32, #tpu.memory_space<vmem>>[vector<16xi32>], vector<16xf32>,
        %ne3A_206 = arith.cmpi ne, %gather3A_202, %gather3A : vector<16xi32>
        %add3A_207 = arith.addi %mul3A_6, %gather3A : vector<16xi32>
        tpu.vector_store_idx %arg7[%add3A_207], %select_n3A masked %ne3A_206 {add = true} : memref<65536xf32, #tpu.memory_space<vmem>>[vector<16xi32>], vector<16xf32>, vector<16xi1>
        %add3A_208 = arith.constant 1024 : i32
        %add3A_209 = vector.broadcast %add3A_208 : i32 to vector<16xi32>
        %add3A_210 = arith.addi %add3A_207, %add3A_209 : vector<16xi32>
        tpu.vector_store_idx %arg7[%add3A_210], %select_n3A_188 masked %ne3A_206 {add = true} : memref<65536xf32, #tpu.memory_space<vmem>>[vector<16xi32>], vector<16xf32>, vector<16xi1>
        %add3A_211 = arith.constant 2048 : i32
        %add3A_212 = vector.broadcast %add3A_211 : i32 to vector<16xi32>
        %add3A_213 = arith.addi %add3A_207, %add3A_212 : vector<16xi32>
        tpu.vector_store_idx %arg7[%add3A_213], %select_n3A_190 masked %ne3A_206 {add = true} : memref<65536xf32, #tpu.memory_space<vmem>>[vector<16xi32>], vector<16xf32>, vector<16xi1>
        %add3A_214 = arith.constant 3072 : i32
        %add3A_215 = vector.broadcast %add3A_214 : i32 to vector<16xi32>
        %add3A_216 = arith.addi %add3A_207, %add3A_215 : vector<16xi32>
        tpu.vector_store_idx %arg7[%add3A_216], %select_n3A_195 masked %ne3A_206 {add = true} : memref<65536xf32, #tpu.memory_space<vmem>>[vector<16xi32>], vector<16xf32>, vector<16xi1>
        %add3A_217 = arith.addf %select_n3A, %gather3A_203 : vector<16xf32>
        %select_n3A_218 = arith.select %ne3A_206, %gather3A_203, %add3A_217 : vector<16xi1>, vector<16xf32>
        %add3A_219 = arith.addf %select_n3A_188, %gather3A_204 : vector<16xf32>
        %select_n3A_220 = arith.select %ne3A_206, %gather3A_204, %add3A_219 : vector<16xi1>, vector<16xf32>
        %add3A_221 = arith.addf %select_n3A_190, %gather3A_205 : vector<16xf32>
        %select_n3A_222 = arith.select %ne3A_206, %gather3A_205, %add3A_221 : vector<16xi1>, vector<16xf32>
        %add3A_223 = arith.constant 1.000000e+00 : f32
        %add3A_224 = vector.broadcast %add3A_223 : f32 to vector<16xf32>
        %add3A_225 = arith.addf %select_n3A_195, %add3A_224 : vector<16xf32>
        %jit3A_226 = arith.constant 1.000000e+00 : f32
        %broadcast_in_dim3A_227 = vector.broadcast %jit3A_226 : f32 to vector<16xf32>
        %select_n3A_228 = arith.select %ne3A_206, %broadcast_in_dim3A_227, %add3A_225 : vector<16xi1>, vector<16xf32>
        %mul3A_229 = arith.constant 25 : i32
        %mul3A_230 = arith.muli %scan3A_161, %mul3A_229 : i32
        %add3A_231 = arith.constant 2 : i32
        %add3A_232 = arith.addi %mul3A_230, %add3A_231 : i32
        %add3A_233 = vector.broadcast %add3A_232 : i32 to vector<16xi32>
        %add3A_234 = arith.addi %mul3A_3, %add3A_233 : vector<16xi32>
        %gather3A_235 = tpu.vector_load_idx %arg9[%add3A_234] : memref<4000xi32, #tpu.memory_space<vmem>>[vector<16xi32>], vector<16xi32>,
        %gather3A_236 = tpu.vector_load_idx %arg10[%add3A_234] : memref<4000xf32, #tpu.memory_space<vmem>>[vector<16xi32>], vector<16xf32>,
        %gather3A_237 = tpu.vector_load_idx %arg11[%add3A_234] : memref<4000xf32, #tpu.memory_space<vmem>>[vector<16xi32>], vector<16xf32>,
        %gather3A_238 = tpu.vector_load_idx %arg12[%add3A_234] : memref<4000xf32, #tpu.memory_space<vmem>>[vector<16xi32>], vector<16xf32>,
        %ne3A_239 = arith.cmpi ne, %gather3A_235, %gather3A_202 : vector<16xi32>
        %add3A_240 = arith.addi %mul3A_6, %gather3A_202 : vector<16xi32>
        tpu.vector_store_idx %arg7[%add3A_240], %select_n3A_218 masked %ne3A_239 {add = true} : memref<65536xf32, #tpu.memory_space<vmem>>[vector<16xi32>], vector<16xf32>, vector<16xi1>
        %add3A_241 = arith.constant 1024 : i32
        %add3A_242 = vector.broadcast %add3A_241 : i32 to vector<16xi32>
        %add3A_243 = arith.addi %add3A_240, %add3A_242 : vector<16xi32>
        tpu.vector_store_idx %arg7[%add3A_243], %select_n3A_220 masked %ne3A_239 {add = true} : memref<65536xf32, #tpu.memory_space<vmem>>[vector<16xi32>], vector<16xf32>, vector<16xi1>
        %add3A_244 = arith.constant 2048 : i32
        %add3A_245 = vector.broadcast %add3A_244 : i32 to vector<16xi32>
        %add3A_246 = arith.addi %add3A_240, %add3A_245 : vector<16xi32>
        tpu.vector_store_idx %arg7[%add3A_246], %select_n3A_222 masked %ne3A_239 {add = true} : memref<65536xf32, #tpu.memory_space<vmem>>[vector<16xi32>], vector<16xf32>, vector<16xi1>
        %add3A_247 = arith.constant 3072 : i32
        %add3A_248 = vector.broadcast %add3A_247 : i32 to vector<16xi32>
        %add3A_249 = arith.addi %add3A_240, %add3A_248 : vector<16xi32>
        tpu.vector_store_idx %arg7[%add3A_249], %select_n3A_228 masked %ne3A_239 {add = true} : memref<65536xf32, #tpu.memory_space<vmem>>[vector<16xi32>], vector<16xf32>, vector<16xi1>
        %add3A_250 = arith.addf %select_n3A_218, %gather3A_236 : vector<16xf32>
        %select_n3A_251 = arith.select %ne3A_239, %gather3A_236, %add3A_250 : vector<16xi1>, vector<16xf32>
        %add3A_252 = arith.addf %select_n3A_220, %gather3A_237 : vector<16xf32>
        %select_n3A_253 = arith.select %ne3A_239, %gather3A_237, %add3A_252 : vector<16xi1>, vector<16xf32>
        %add3A_254 = arith.addf %select_n3A_222, %gather3A_238 : vector<16xf32>
        %select_n3A_255 = arith.select %ne3A_239, %gather3A_238, %add3A_254 : vector<16xi1>, vector<16xf32>
        %add3A_256 = arith.constant 1.000000e+00 : f32
        %add3A_257 = vector.broadcast %add3A_256 : f32 to vector<16xf32>
        %add3A_258 = arith.addf %select_n3A_228, %add3A_257 : vector<16xf32>
        %jit3A_259 = arith.constant 1.000000e+00 : f32
        %broadcast_in_dim3A_260 = vector.broadcast %jit3A_259 : f32 to vector<16xf32>
        %select_n3A_261 = arith.select %ne3A_239, %broadcast_in_dim3A_260, %add3A_258 : vector<16xi1>, vector<16xf32>
        %mul3A_262 = arith.constant 25 : i32
        %mul3A_263 = arith.muli %scan3A_161, %mul3A_262 : i32
        %add3A_264 = arith.constant 3 : i32
        %add3A_265 = arith.addi %mul3A_263, %add3A_264 : i32
        %add3A_266 = vector.broadcast %add3A_265 : i32 to vector<16xi32>
        %add3A_267 = arith.addi %mul3A_3, %add3A_266 : vector<16xi32>
        %gather3A_268 = tpu.vector_load_idx %arg9[%add3A_267] : memref<4000xi32, #tpu.memory_space<vmem>>[vector<16xi32>], vector<16xi32>,
        %gather3A_269 = tpu.vector_load_idx %arg10[%add3A_267] : memref<4000xf32, #tpu.memory_space<vmem>>[vector<16xi32>], vector<16xf32>,
        %gather3A_270 = tpu.vector_load_idx %arg11[%add3A_267] : memref<4000xf32, #tpu.memory_space<vmem>>[vector<16xi32>], vector<16xf32>,
        %gather3A_271 = tpu.vector_load_idx %arg12[%add3A_267] : memref<4000xf32, #tpu.memory_space<vmem>>[vector<16xi32>], vector<16xf32>,
        %ne3A_272 = arith.cmpi ne, %gather3A_268, %gather3A_235 : vector<16xi32>
        %add3A_273 = arith.addi %mul3A_6, %gather3A_235 : vector<16xi32>
        tpu.vector_store_idx %arg7[%add3A_273], %select_n3A_251 masked %ne3A_272 {add = true} : memref<65536xf32, #tpu.memory_space<vmem>>[vector<16xi32>], vector<16xf32>, vector<16xi1>
        %add3A_274 = arith.constant 1024 : i32
        %add3A_275 = vector.broadcast %add3A_274 : i32 to vector<16xi32>
        %add3A_276 = arith.addi %add3A_273, %add3A_275 : vector<16xi32>
        tpu.vector_store_idx %arg7[%add3A_276], %select_n3A_253 masked %ne3A_272 {add = true} : memref<65536xf32, #tpu.memory_space<vmem>>[vector<16xi32>], vector<16xf32>, vector<16xi1>
        %add3A_277 = arith.constant 2048 : i32
        %add3A_278 = vector.broadcast %add3A_277 : i32 to vector<16xi32>
        %add3A_279 = arith.addi %add3A_273, %add3A_278 : vector<16xi32>
        tpu.vector_store_idx %arg7[%add3A_279], %select_n3A_255 masked %ne3A_272 {add = true} : memref<65536xf32, #tpu.memory_space<vmem>>[vector<16xi32>], vector<16xf32>, vector<16xi1>
        %add3A_280 = arith.constant 3072 : i32
        %add3A_281 = vector.broadcast %add3A_280 : i32 to vector<16xi32>
        %add3A_282 = arith.addi %add3A_273, %add3A_281 : vector<16xi32>
        tpu.vector_store_idx %arg7[%add3A_282], %select_n3A_261 masked %ne3A_272 {add = true} : memref<65536xf32, #tpu.memory_space<vmem>>[vector<16xi32>], vector<16xf32>, vector<16xi1>
        %add3A_283 = arith.addf %select_n3A_251, %gather3A_269 : vector<16xf32>
        %select_n3A_284 = arith.select %ne3A_272, %gather3A_269, %add3A_283 : vector<16xi1>, vector<16xf32>
        %add3A_285 = arith.addf %select_n3A_253, %gather3A_270 : vector<16xf32>
        %select_n3A_286 = arith.select %ne3A_272, %gather3A_270, %add3A_285 : vector<16xi1>, vector<16xf32>
        %add3A_287 = arith.addf %select_n3A_255, %gather3A_271 : vector<16xf32>
        %select_n3A_288 = arith.select %ne3A_272, %gather3A_271, %add3A_287 : vector<16xi1>, vector<16xf32>
        %add3A_289 = arith.constant 1.000000e+00 : f32
        %add3A_290 = vector.broadcast %add3A_289 : f32 to vector<16xf32>
        %add3A_291 = arith.addf %select_n3A_261, %add3A_290 : vector<16xf32>
        %jit3A_292 = arith.constant 1.000000e+00 : f32
        %broadcast_in_dim3A_293 = vector.broadcast %jit3A_292 : f32 to vector<16xf32>
        %select_n3A_294 = arith.select %ne3A_272, %broadcast_in_dim3A_293, %add3A_291 : vector<16xi1>, vector<16xf32>
        %mul3A_295 = arith.constant 25 : i32
        %mul3A_296 = arith.muli %scan3A_161, %mul3A_295 : i32
        %add3A_297 = arith.constant 4 : i32
        %add3A_298 = arith.addi %mul3A_296, %add3A_297 : i32
        %add3A_299 = vector.broadcast %add3A_298 : i32 to vector<16xi32>
        %add3A_300 = arith.addi %mul3A_3, %add3A_299 : vector<16xi32>
        %gather3A_301 = tpu.vector_load_idx %arg9[%add3A_300] : memref<4000xi32, #tpu.memory_space<vmem>>[vector<16xi32>], vector<16xi32>,
        %gather3A_302 = tpu.vector_load_idx %arg10[%add3A_300] : memref<4000xf32, #tpu.memory_space<vmem>>[vector<16xi32>], vector<16xf32>,
        %gather3A_303 = tpu.vector_load_idx %arg11[%add3A_300] : memref<4000xf32, #tpu.memory_space<vmem>>[vector<16xi32>], vector<16xf32>,
        %gather3A_304 = tpu.vector_load_idx %arg12[%add3A_300] : memref<4000xf32, #tpu.memory_space<vmem>>[vector<16xi32>], vector<16xf32>,
        %ne3A_305 = arith.cmpi ne, %gather3A_301, %gather3A_268 : vector<16xi32>
        %add3A_306 = arith.addi %mul3A_6, %gather3A_268 : vector<16xi32>
        tpu.vector_store_idx %arg7[%add3A_306], %select_n3A_284 masked %ne3A_305 {add = true} : memref<65536xf32, #tpu.memory_space<vmem>>[vector<16xi32>], vector<16xf32>, vector<16xi1>
        %add3A_307 = arith.constant 1024 : i32
        %add3A_308 = vector.broadcast %add3A_307 : i32 to vector<16xi32>
        %add3A_309 = arith.addi %add3A_306, %add3A_308 : vector<16xi32>
        tpu.vector_store_idx %arg7[%add3A_309], %select_n3A_286 masked %ne3A_305 {add = true} : memref<65536xf32, #tpu.memory_space<vmem>>[vector<16xi32>], vector<16xf32>, vector<16xi1>
        %add3A_310 = arith.constant 2048 : i32
        %add3A_311 = vector.broadcast %add3A_310 : i32 to vector<16xi32>
        %add3A_312 = arith.addi %add3A_306, %add3A_311 : vector<16xi32>
        tpu.vector_store_idx %arg7[%add3A_312], %select_n3A_288 masked %ne3A_305 {add = true} : memref<65536xf32, #tpu.memory_space<vmem>>[vector<16xi32>], vector<16xf32>, vector<16xi1>
        %add3A_313 = arith.constant 3072 : i32
        %add3A_314 = vector.broadcast %add3A_313 : i32 to vector<16xi32>
        %add3A_315 = arith.addi %add3A_306, %add3A_314 : vector<16xi32>
        tpu.vector_store_idx %arg7[%add3A_315], %select_n3A_294 masked %ne3A_305 {add = true} : memref<65536xf32, #tpu.memory_space<vmem>>[vector<16xi32>], vector<16xf32>, vector<16xi1>
        %add3A_316 = arith.addf %select_n3A_284, %gather3A_302 : vector<16xf32>
        %select_n3A_317 = arith.select %ne3A_305, %gather3A_302, %add3A_316 : vector<16xi1>, vector<16xf32>
        %add3A_318 = arith.addf %select_n3A_286, %gather3A_303 : vector<16xf32>
        %select_n3A_319 = arith.select %ne3A_305, %gather3A_303, %add3A_318 : vector<16xi1>, vector<16xf32>
        %add3A_320 = arith.addf %select_n3A_288, %gather3A_304 : vector<16xf32>
        %select_n3A_321 = arith.select %ne3A_305, %gather3A_304, %add3A_320 : vector<16xi1>, vector<16xf32>
        %add3A_322 = arith.constant 1.000000e+00 : f32
        %add3A_323 = vector.broadcast %add3A_322 : f32 to vector<16xf32>
        %add3A_324 = arith.addf %select_n3A_294, %add3A_323 : vector<16xf32>
        %jit3A_325 = arith.constant 1.000000e+00 : f32
        %broadcast_in_dim3A_326 = vector.broadcast %jit3A_325 : f32 to vector<16xf32>
        %select_n3A_327 = arith.select %ne3A_305, %broadcast_in_dim3A_326, %add3A_324 : vector<16xi1>, vector<16xf32>
        %mul3A_328 = arith.constant 25 : i32
        %mul3A_329 = arith.muli %scan3A_161, %mul3A_328 : i32
        %add3A_330 = arith.constant 5 : i32
        %add3A_331 = arith.addi %mul3A_329, %add3A_330 : i32
        %add3A_332 = vector.broadcast %add3A_331 : i32 to vector<16xi32>
        %add3A_333 = arith.addi %mul3A_3, %add3A_332 : vector<16xi32>
        %gather3A_334 = tpu.vector_load_idx %arg9[%add3A_333] : memref<4000xi32, #tpu.memory_space<vmem>>[vector<16xi32>], vector<16xi32>,
        %gather3A_335 = tpu.vector_load_idx %arg10[%add3A_333] : memref<4000xf32, #tpu.memory_space<vmem>>[vector<16xi32>], vector<16xf32>,
        %gather3A_336 = tpu.vector_load_idx %arg11[%add3A_333] : memref<4000xf32, #tpu.memory_space<vmem>>[vector<16xi32>], vector<16xf32>,
        %gather3A_337 = tpu.vector_load_idx %arg12[%add3A_333] : memref<4000xf32, #tpu.memory_space<vmem>>[vector<16xi32>], vector<16xf32>,
        %ne3A_338 = arith.cmpi ne, %gather3A_334, %gather3A_301 : vector<16xi32>
        %add3A_339 = arith.addi %mul3A_6, %gather3A_301 : vector<16xi32>
        tpu.vector_store_idx %arg7[%add3A_339], %select_n3A_317 masked %ne3A_338 {add = true} : memref<65536xf32, #tpu.memory_space<vmem>>[vector<16xi32>], vector<16xf32>, vector<16xi1>
        %add3A_340 = arith.constant 1024 : i32
        %add3A_341 = vector.broadcast %add3A_340 : i32 to vector<16xi32>
        %add3A_342 = arith.addi %add3A_339, %add3A_341 : vector<16xi32>
        tpu.vector_store_idx %arg7[%add3A_342], %select_n3A_319 masked %ne3A_338 {add = true} : memref<65536xf32, #tpu.memory_space<vmem>>[vector<16xi32>], vector<16xf32>, vector<16xi1>
        %add3A_343 = arith.constant 2048 : i32
        %add3A_344 = vector.broadcast %add3A_343 : i32 to vector<16xi32>
        %add3A_345 = arith.addi %add3A_339, %add3A_344 : vector<16xi32>
        tpu.vector_store_idx %arg7[%add3A_345], %select_n3A_321 masked %ne3A_338 {add = true} : memref<65536xf32, #tpu.memory_space<vmem>>[vector<16xi32>], vector<16xf32>, vector<16xi1>
        %add3A_346 = arith.constant 3072 : i32
        %add3A_347 = vector.broadcast %add3A_346 : i32 to vector<16xi32>
        %add3A_348 = arith.addi %add3A_339, %add3A_347 : vector<16xi32>
        tpu.vector_store_idx %arg7[%add3A_348], %select_n3A_327 masked %ne3A_338 {add = true} : memref<65536xf32, #tpu.memory_space<vmem>>[vector<16xi32>], vector<16xf32>, vector<16xi1>
        %add3A_349 = arith.addf %select_n3A_317, %gather3A_335 : vector<16xf32>
        %select_n3A_350 = arith.select %ne3A_338, %gather3A_335, %add3A_349 : vector<16xi1>, vector<16xf32>
        %add3A_351 = arith.addf %select_n3A_319, %gather3A_336 : vector<16xf32>
        %select_n3A_352 = arith.select %ne3A_338, %gather3A_336, %add3A_351 : vector<16xi1>, vector<16xf32>
        %add3A_353 = arith.addf %select_n3A_321, %gather3A_337 : vector<16xf32>
        %select_n3A_354 = arith.select %ne3A_338, %gather3A_337, %add3A_353 : vector<16xi1>, vector<16xf32>
        %add3A_355 = arith.constant 1.000000e+00 : f32
        %add3A_356 = vector.broadcast %add3A_355 : f32 to vector<16xf32>
        %add3A_357 = arith.addf %select_n3A_327, %add3A_356 : vector<16xf32>
        %jit3A_358 = arith.constant 1.000000e+00 : f32
        %broadcast_in_dim3A_359 = vector.broadcast %jit3A_358 : f32 to vector<16xf32>
        %select_n3A_360 = arith.select %ne3A_338, %broadcast_in_dim3A_359, %add3A_357 : vector<16xi1>, vector<16xf32>
        %mul3A_361 = arith.constant 25 : i32
        %mul3A_362 = arith.muli %scan3A_161, %mul3A_361 : i32
        %add3A_363 = arith.constant 6 : i32
        %add3A_364 = arith.addi %mul3A_362, %add3A_363 : i32
        %add3A_365 = vector.broadcast %add3A_364 : i32 to vector<16xi32>
        %add3A_366 = arith.addi %mul3A_3, %add3A_365 : vector<16xi32>
        %gather3A_367 = tpu.vector_load_idx %arg9[%add3A_366] : memref<4000xi32, #tpu.memory_space<vmem>>[vector<16xi32>], vector<16xi32>,
        %gather3A_368 = tpu.vector_load_idx %arg10[%add3A_366] : memref<4000xf32, #tpu.memory_space<vmem>>[vector<16xi32>], vector<16xf32>,
        %gather3A_369 = tpu.vector_load_idx %arg11[%add3A_366] : memref<4000xf32, #tpu.memory_space<vmem>>[vector<16xi32>], vector<16xf32>,
        %gather3A_370 = tpu.vector_load_idx %arg12[%add3A_366] : memref<4000xf32, #tpu.memory_space<vmem>>[vector<16xi32>], vector<16xf32>,
        %ne3A_371 = arith.cmpi ne, %gather3A_367, %gather3A_334 : vector<16xi32>
        %add3A_372 = arith.addi %mul3A_6, %gather3A_334 : vector<16xi32>
        tpu.vector_store_idx %arg7[%add3A_372], %select_n3A_350 masked %ne3A_371 {add = true} : memref<65536xf32, #tpu.memory_space<vmem>>[vector<16xi32>], vector<16xf32>, vector<16xi1>
        %add3A_373 = arith.constant 1024 : i32
        %add3A_374 = vector.broadcast %add3A_373 : i32 to vector<16xi32>
        %add3A_375 = arith.addi %add3A_372, %add3A_374 : vector<16xi32>
        tpu.vector_store_idx %arg7[%add3A_375], %select_n3A_352 masked %ne3A_371 {add = true} : memref<65536xf32, #tpu.memory_space<vmem>>[vector<16xi32>], vector<16xf32>, vector<16xi1>
        %add3A_376 = arith.constant 2048 : i32
        %add3A_377 = vector.broadcast %add3A_376 : i32 to vector<16xi32>
        %add3A_378 = arith.addi %add3A_372, %add3A_377 : vector<16xi32>
        tpu.vector_store_idx %arg7[%add3A_378], %select_n3A_354 masked %ne3A_371 {add = true} : memref<65536xf32, #tpu.memory_space<vmem>>[vector<16xi32>], vector<16xf32>, vector<16xi1>
        %add3A_379 = arith.constant 3072 : i32
        %add3A_380 = vector.broadcast %add3A_379 : i32 to vector<16xi32>
        %add3A_381 = arith.addi %add3A_372, %add3A_380 : vector<16xi32>
        tpu.vector_store_idx %arg7[%add3A_381], %select_n3A_360 masked %ne3A_371 {add = true} : memref<65536xf32, #tpu.memory_space<vmem>>[vector<16xi32>], vector<16xf32>, vector<16xi1>
        %add3A_382 = arith.addf %select_n3A_350, %gather3A_368 : vector<16xf32>
        %select_n3A_383 = arith.select %ne3A_371, %gather3A_368, %add3A_382 : vector<16xi1>, vector<16xf32>
        %add3A_384 = arith.addf %select_n3A_352, %gather3A_369 : vector<16xf32>
        %select_n3A_385 = arith.select %ne3A_371, %gather3A_369, %add3A_384 : vector<16xi1>, vector<16xf32>
        %add3A_386 = arith.addf %select_n3A_354, %gather3A_370 : vector<16xf32>
        %select_n3A_387 = arith.select %ne3A_371, %gather3A_370, %add3A_386 : vector<16xi1>, vector<16xf32>
        %add3A_388 = arith.constant 1.000000e+00 : f32
        %add3A_389 = vector.broadcast %add3A_388 : f32 to vector<16xf32>
        %add3A_390 = arith.addf %select_n3A_360, %add3A_389 : vector<16xf32>
        %jit3A_391 = arith.constant 1.000000e+00 : f32
        %broadcast_in_dim3A_392 = vector.broadcast %jit3A_391 : f32 to vector<16xf32>
        %select_n3A_393 = arith.select %ne3A_371, %broadcast_in_dim3A_392, %add3A_390 : vector<16xi1>, vector<16xf32>
        %mul3A_394 = arith.constant 25 : i32
        %mul3A_395 = arith.muli %scan3A_161, %mul3A_394 : i32
        %add3A_396 = arith.constant 7 : i32
        %add3A_397 = arith.addi %mul3A_395, %add3A_396 : i32
        %add3A_398 = vector.broadcast %add3A_397 : i32 to vector<16xi32>
        %add3A_399 = arith.addi %mul3A_3, %add3A_398 : vector<16xi32>
        %gather3A_400 = tpu.vector_load_idx %arg9[%add3A_399] : memref<4000xi32, #tpu.memory_space<vmem>>[vector<16xi32>], vector<16xi32>,
        %gather3A_401 = tpu.vector_load_idx %arg10[%add3A_399] : memref<4000xf32, #tpu.memory_space<vmem>>[vector<16xi32>], vector<16xf32>,
        %gather3A_402 = tpu.vector_load_idx %arg11[%add3A_399] : memref<4000xf32, #tpu.memory_space<vmem>>[vector<16xi32>], vector<16xf32>,
        %gather3A_403 = tpu.vector_load_idx %arg12[%add3A_399] : memref<4000xf32, #tpu.memory_space<vmem>>[vector<16xi32>], vector<16xf32>,
        %ne3A_404 = arith.cmpi ne, %gather3A_400, %gather3A_367 : vector<16xi32>
        %add3A_405 = arith.addi %mul3A_6, %gather3A_367 : vector<16xi32>
        tpu.vector_store_idx %arg7[%add3A_405], %select_n3A_383 masked %ne3A_404 {add = true} : memref<65536xf32, #tpu.memory_space<vmem>>[vector<16xi32>], vector<16xf32>, vector<16xi1>
        %add3A_406 = arith.constant 1024 : i32
        %add3A_407 = vector.broadcast %add3A_406 : i32 to vector<16xi32>
        %add3A_408 = arith.addi %add3A_405, %add3A_407 : vector<16xi32>
        tpu.vector_store_idx %arg7[%add3A_408], %select_n3A_385 masked %ne3A_404 {add = true} : memref<65536xf32, #tpu.memory_space<vmem>>[vector<16xi32>], vector<16xf32>, vector<16xi1>
        %add3A_409 = arith.constant 2048 : i32
        %add3A_410 = vector.broadcast %add3A_409 : i32 to vector<16xi32>
        %add3A_411 = arith.addi %add3A_405, %add3A_410 : vector<16xi32>
        tpu.vector_store_idx %arg7[%add3A_411], %select_n3A_387 masked %ne3A_404 {add = true} : memref<65536xf32, #tpu.memory_space<vmem>>[vector<16xi32>], vector<16xf32>, vector<16xi1>
        %add3A_412 = arith.constant 3072 : i32
        %add3A_413 = vector.broadcast %add3A_412 : i32 to vector<16xi32>
        %add3A_414 = arith.addi %add3A_405, %add3A_413 : vector<16xi32>
        tpu.vector_store_idx %arg7[%add3A_414], %select_n3A_393 masked %ne3A_404 {add = true} : memref<65536xf32, #tpu.memory_space<vmem>>[vector<16xi32>], vector<16xf32>, vector<16xi1>
        %add3A_415 = arith.addf %select_n3A_383, %gather3A_401 : vector<16xf32>
        %select_n3A_416 = arith.select %ne3A_404, %gather3A_401, %add3A_415 : vector<16xi1>, vector<16xf32>
        %add3A_417 = arith.addf %select_n3A_385, %gather3A_402 : vector<16xf32>
        %select_n3A_418 = arith.select %ne3A_404, %gather3A_402, %add3A_417 : vector<16xi1>, vector<16xf32>
        %add3A_419 = arith.addf %select_n3A_387, %gather3A_403 : vector<16xf32>
        %select_n3A_420 = arith.select %ne3A_404, %gather3A_403, %add3A_419 : vector<16xi1>, vector<16xf32>
        %add3A_421 = arith.constant 1.000000e+00 : f32
        %add3A_422 = vector.broadcast %add3A_421 : f32 to vector<16xf32>
        %add3A_423 = arith.addf %select_n3A_393, %add3A_422 : vector<16xf32>
        %jit3A_424 = arith.constant 1.000000e+00 : f32
        %broadcast_in_dim3A_425 = vector.broadcast %jit3A_424 : f32 to vector<16xf32>
        %select_n3A_426 = arith.select %ne3A_404, %broadcast_in_dim3A_425, %add3A_423 : vector<16xi1>, vector<16xf32>
        %mul3A_427 = arith.constant 25 : i32
        %mul3A_428 = arith.muli %scan3A_161, %mul3A_427 : i32
        %add3A_429 = arith.constant 8 : i32
        %add3A_430 = arith.addi %mul3A_428, %add3A_429 : i32
        %add3A_431 = vector.broadcast %add3A_430 : i32 to vector<16xi32>
        %add3A_432 = arith.addi %mul3A_3, %add3A_431 : vector<16xi32>
        %gather3A_433 = tpu.vector_load_idx %arg9[%add3A_432] : memref<4000xi32, #tpu.memory_space<vmem>>[vector<16xi32>], vector<16xi32>,
        %gather3A_434 = tpu.vector_load_idx %arg10[%add3A_432] : memref<4000xf32, #tpu.memory_space<vmem>>[vector<16xi32>], vector<16xf32>,
        %gather3A_435 = tpu.vector_load_idx %arg11[%add3A_432] : memref<4000xf32, #tpu.memory_space<vmem>>[vector<16xi32>], vector<16xf32>,
        %gather3A_436 = tpu.vector_load_idx %arg12[%add3A_432] : memref<4000xf32, #tpu.memory_space<vmem>>[vector<16xi32>], vector<16xf32>,
        %ne3A_437 = arith.cmpi ne, %gather3A_433, %gather3A_400 : vector<16xi32>
        %add3A_438 = arith.addi %mul3A_6, %gather3A_400 : vector<16xi32>
        tpu.vector_store_idx %arg7[%add3A_438], %select_n3A_416 masked %ne3A_437 {add = true} : memref<65536xf32, #tpu.memory_space<vmem>>[vector<16xi32>], vector<16xf32>, vector<16xi1>
        %add3A_439 = arith.constant 1024 : i32
        %add3A_440 = vector.broadcast %add3A_439 : i32 to vector<16xi32>
        %add3A_441 = arith.addi %add3A_438, %add3A_440 : vector<16xi32>
        tpu.vector_store_idx %arg7[%add3A_441], %select_n3A_418 masked %ne3A_437 {add = true} : memref<65536xf32, #tpu.memory_space<vmem>>[vector<16xi32>], vector<16xf32>, vector<16xi1>
        %add3A_442 = arith.constant 2048 : i32
        %add3A_443 = vector.broadcast %add3A_442 : i32 to vector<16xi32>
        %add3A_444 = arith.addi %add3A_438, %add3A_443 : vector<16xi32>
        tpu.vector_store_idx %arg7[%add3A_444], %select_n3A_420 masked %ne3A_437 {add = true} : memref<65536xf32, #tpu.memory_space<vmem>>[vector<16xi32>], vector<16xf32>, vector<16xi1>
        %add3A_445 = arith.constant 3072 : i32
        %add3A_446 = vector.broadcast %add3A_445 : i32 to vector<16xi32>
        %add3A_447 = arith.addi %add3A_438, %add3A_446 : vector<16xi32>
        tpu.vector_store_idx %arg7[%add3A_447], %select_n3A_426 masked %ne3A_437 {add = true} : memref<65536xf32, #tpu.memory_space<vmem>>[vector<16xi32>], vector<16xf32>, vector<16xi1>
        %add3A_448 = arith.addf %select_n3A_416, %gather3A_434 : vector<16xf32>
        %select_n3A_449 = arith.select %ne3A_437, %gather3A_434, %add3A_448 : vector<16xi1>, vector<16xf32>
        %add3A_450 = arith.addf %select_n3A_418, %gather3A_435 : vector<16xf32>
        %select_n3A_451 = arith.select %ne3A_437, %gather3A_435, %add3A_450 : vector<16xi1>, vector<16xf32>
        %add3A_452 = arith.addf %select_n3A_420, %gather3A_436 : vector<16xf32>
        %select_n3A_453 = arith.select %ne3A_437, %gather3A_436, %add3A_452 : vector<16xi1>, vector<16xf32>
        %add3A_454 = arith.constant 1.000000e+00 : f32
        %add3A_455 = vector.broadcast %add3A_454 : f32 to vector<16xf32>
        %add3A_456 = arith.addf %select_n3A_426, %add3A_455 : vector<16xf32>
        %jit3A_457 = arith.constant 1.000000e+00 : f32
        %broadcast_in_dim3A_458 = vector.broadcast %jit3A_457 : f32 to vector<16xf32>
        %select_n3A_459 = arith.select %ne3A_437, %broadcast_in_dim3A_458, %add3A_456 : vector<16xi1>, vector<16xf32>
        %mul3A_460 = arith.constant 25 : i32
        %mul3A_461 = arith.muli %scan3A_161, %mul3A_460 : i32
        %add3A_462 = arith.constant 9 : i32
        %add3A_463 = arith.addi %mul3A_461, %add3A_462 : i32
        %add3A_464 = vector.broadcast %add3A_463 : i32 to vector<16xi32>
        %add3A_465 = arith.addi %mul3A_3, %add3A_464 : vector<16xi32>
        %gather3A_466 = tpu.vector_load_idx %arg9[%add3A_465] : memref<4000xi32, #tpu.memory_space<vmem>>[vector<16xi32>], vector<16xi32>,
        %gather3A_467 = tpu.vector_load_idx %arg10[%add3A_465] : memref<4000xf32, #tpu.memory_space<vmem>>[vector<16xi32>], vector<16xf32>,
        %gather3A_468 = tpu.vector_load_idx %arg11[%add3A_465] : memref<4000xf32, #tpu.memory_space<vmem>>[vector<16xi32>], vector<16xf32>,
        %gather3A_469 = tpu.vector_load_idx %arg12[%add3A_465] : memref<4000xf32, #tpu.memory_space<vmem>>[vector<16xi32>], vector<16xf32>,
        %ne3A_470 = arith.cmpi ne, %gather3A_466, %gather3A_433 : vector<16xi32>
        %add3A_471 = arith.addi %mul3A_6, %gather3A_433 : vector<16xi32>
        tpu.vector_store_idx %arg7[%add3A_471], %select_n3A_449 masked %ne3A_470 {add = true} : memref<65536xf32, #tpu.memory_space<vmem>>[vector<16xi32>], vector<16xf32>, vector<16xi1>
        %add3A_472 = arith.constant 1024 : i32
        %add3A_473 = vector.broadcast %add3A_472 : i32 to vector<16xi32>
        %add3A_474 = arith.addi %add3A_471, %add3A_473 : vector<16xi32>
        tpu.vector_store_idx %arg7[%add3A_474], %select_n3A_451 masked %ne3A_470 {add = true} : memref<65536xf32, #tpu.memory_space<vmem>>[vector<16xi32>], vector<16xf32>, vector<16xi1>
        %add3A_475 = arith.constant 2048 : i32
        %add3A_476 = vector.broadcast %add3A_475 : i32 to vector<16xi32>
        %add3A_477 = arith.addi %add3A_471, %add3A_476 : vector<16xi32>
        tpu.vector_store_idx %arg7[%add3A_477], %select_n3A_453 masked %ne3A_470 {add = true} : memref<65536xf32, #tpu.memory_space<vmem>>[vector<16xi32>], vector<16xf32>, vector<16xi1>
        %add3A_478 = arith.constant 3072 : i32
        %add3A_479 = vector.broadcast %add3A_478 : i32 to vector<16xi32>
        %add3A_480 = arith.addi %add3A_471, %add3A_479 : vector<16xi32>
        tpu.vector_store_idx %arg7[%add3A_480], %select_n3A_459 masked %ne3A_470 {add = true} : memref<65536xf32, #tpu.memory_space<vmem>>[vector<16xi32>], vector<16xf32>, vector<16xi1>
        %add3A_481 = arith.addf %select_n3A_449, %gather3A_467 : vector<16xf32>
        %select_n3A_482 = arith.select %ne3A_470, %gather3A_467, %add3A_481 : vector<16xi1>, vector<16xf32>
        %add3A_483 = arith.addf %select_n3A_451, %gather3A_468 : vector<16xf32>
        %select_n3A_484 = arith.select %ne3A_470, %gather3A_468, %add3A_483 : vector<16xi1>, vector<16xf32>
        %add3A_485 = arith.addf %select_n3A_453, %gather3A_469 : vector<16xf32>
        %select_n3A_486 = arith.select %ne3A_470, %gather3A_469, %add3A_485 : vector<16xi1>, vector<16xf32>
        %add3A_487 = arith.constant 1.000000e+00 : f32
        %add3A_488 = vector.broadcast %add3A_487 : f32 to vector<16xf32>
        %add3A_489 = arith.addf %select_n3A_459, %add3A_488 : vector<16xf32>
        %jit3A_490 = arith.constant 1.000000e+00 : f32
        %broadcast_in_dim3A_491 = vector.broadcast %jit3A_490 : f32 to vector<16xf32>
        %select_n3A_492 = arith.select %ne3A_470, %broadcast_in_dim3A_491, %add3A_489 : vector<16xi1>, vector<16xf32>
        %mul3A_493 = arith.constant 25 : i32
        %mul3A_494 = arith.muli %scan3A_161, %mul3A_493 : i32
        %add3A_495 = arith.constant 10 : i32
        %add3A_496 = arith.addi %mul3A_494, %add3A_495 : i32
        %add3A_497 = vector.broadcast %add3A_496 : i32 to vector<16xi32>
        %add3A_498 = arith.addi %mul3A_3, %add3A_497 : vector<16xi32>
        %gather3A_499 = tpu.vector_load_idx %arg9[%add3A_498] : memref<4000xi32, #tpu.memory_space<vmem>>[vector<16xi32>], vector<16xi32>,
        %gather3A_500 = tpu.vector_load_idx %arg10[%add3A_498] : memref<4000xf32, #tpu.memory_space<vmem>>[vector<16xi32>], vector<16xf32>,
        %gather3A_501 = tpu.vector_load_idx %arg11[%add3A_498] : memref<4000xf32, #tpu.memory_space<vmem>>[vector<16xi32>], vector<16xf32>,
        %gather3A_502 = tpu.vector_load_idx %arg12[%add3A_498] : memref<4000xf32, #tpu.memory_space<vmem>>[vector<16xi32>], vector<16xf32>,
        %ne3A_503 = arith.cmpi ne, %gather3A_499, %gather3A_466 : vector<16xi32>
        %add3A_504 = arith.addi %mul3A_6, %gather3A_466 : vector<16xi32>
        tpu.vector_store_idx %arg7[%add3A_504], %select_n3A_482 masked %ne3A_503 {add = true} : memref<65536xf32, #tpu.memory_space<vmem>>[vector<16xi32>], vector<16xf32>, vector<16xi1>
        %add3A_505 = arith.constant 1024 : i32
        %add3A_506 = vector.broadcast %add3A_505 : i32 to vector<16xi32>
        %add3A_507 = arith.addi %add3A_504, %add3A_506 : vector<16xi32>
        tpu.vector_store_idx %arg7[%add3A_507], %select_n3A_484 masked %ne3A_503 {add = true} : memref<65536xf32, #tpu.memory_space<vmem>>[vector<16xi32>], vector<16xf32>, vector<16xi1>
        %add3A_508 = arith.constant 2048 : i32
        %add3A_509 = vector.broadcast %add3A_508 : i32 to vector<16xi32>
        %add3A_510 = arith.addi %add3A_504, %add3A_509 : vector<16xi32>
        tpu.vector_store_idx %arg7[%add3A_510], %select_n3A_486 masked %ne3A_503 {add = true} : memref<65536xf32, #tpu.memory_space<vmem>>[vector<16xi32>], vector<16xf32>, vector<16xi1>
        %add3A_511 = arith.constant 3072 : i32
        %add3A_512 = vector.broadcast %add3A_511 : i32 to vector<16xi32>
        %add3A_513 = arith.addi %add3A_504, %add3A_512 : vector<16xi32>
        tpu.vector_store_idx %arg7[%add3A_513], %select_n3A_492 masked %ne3A_503 {add = true} : memref<65536xf32, #tpu.memory_space<vmem>>[vector<16xi32>], vector<16xf32>, vector<16xi1>
        %add3A_514 = arith.addf %select_n3A_482, %gather3A_500 : vector<16xf32>
        %select_n3A_515 = arith.select %ne3A_503, %gather3A_500, %add3A_514 : vector<16xi1>, vector<16xf32>
        %add3A_516 = arith.addf %select_n3A_484, %gather3A_501 : vector<16xf32>
        %select_n3A_517 = arith.select %ne3A_503, %gather3A_501, %add3A_516 : vector<16xi1>, vector<16xf32>
        %add3A_518 = arith.addf %select_n3A_486, %gather3A_502 : vector<16xf32>
        %select_n3A_519 = arith.select %ne3A_503, %gather3A_502, %add3A_518 : vector<16xi1>, vector<16xf32>
        %add3A_520 = arith.constant 1.000000e+00 : f32
        %add3A_521 = vector.broadcast %add3A_520 : f32 to vector<16xf32>
        %add3A_522 = arith.addf %select_n3A_492, %add3A_521 : vector<16xf32>
        %jit3A_523 = arith.constant 1.000000e+00 : f32
        %broadcast_in_dim3A_524 = vector.broadcast %jit3A_523 : f32 to vector<16xf32>
        %select_n3A_525 = arith.select %ne3A_503, %broadcast_in_dim3A_524, %add3A_522 : vector<16xi1>, vector<16xf32>
        %mul3A_526 = arith.constant 25 : i32
        %mul3A_527 = arith.muli %scan3A_161, %mul3A_526 : i32
        %add3A_528 = arith.constant 11 : i32
        %add3A_529 = arith.addi %mul3A_527, %add3A_528 : i32
        %add3A_530 = vector.broadcast %add3A_529 : i32 to vector<16xi32>
        %add3A_531 = arith.addi %mul3A_3, %add3A_530 : vector<16xi32>
        %gather3A_532 = tpu.vector_load_idx %arg9[%add3A_531] : memref<4000xi32, #tpu.memory_space<vmem>>[vector<16xi32>], vector<16xi32>,
        %gather3A_533 = tpu.vector_load_idx %arg10[%add3A_531] : memref<4000xf32, #tpu.memory_space<vmem>>[vector<16xi32>], vector<16xf32>,
        %gather3A_534 = tpu.vector_load_idx %arg11[%add3A_531] : memref<4000xf32, #tpu.memory_space<vmem>>[vector<16xi32>], vector<16xf32>,
        %gather3A_535 = tpu.vector_load_idx %arg12[%add3A_531] : memref<4000xf32, #tpu.memory_space<vmem>>[vector<16xi32>], vector<16xf32>,
        %ne3A_536 = arith.cmpi ne, %gather3A_532, %gather3A_499 : vector<16xi32>
        %add3A_537 = arith.addi %mul3A_6, %gather3A_499 : vector<16xi32>
        tpu.vector_store_idx %arg7[%add3A_537], %select_n3A_515 masked %ne3A_536 {add = true} : memref<65536xf32, #tpu.memory_space<vmem>>[vector<16xi32>], vector<16xf32>, vector<16xi1>
        %add3A_538 = arith.constant 1024 : i32
        %add3A_539 = vector.broadcast %add3A_538 : i32 to vector<16xi32>
        %add3A_540 = arith.addi %add3A_537, %add3A_539 : vector<16xi32>
        tpu.vector_store_idx %arg7[%add3A_540], %select_n3A_517 masked %ne3A_536 {add = true} : memref<65536xf32, #tpu.memory_space<vmem>>[vector<16xi32>], vector<16xf32>, vector<16xi1>
        %add3A_541 = arith.constant 2048 : i32
        %add3A_542 = vector.broadcast %add3A_541 : i32 to vector<16xi32>
        %add3A_543 = arith.addi %add3A_537, %add3A_542 : vector<16xi32>
        tpu.vector_store_idx %arg7[%add3A_543], %select_n3A_519 masked %ne3A_536 {add = true} : memref<65536xf32, #tpu.memory_space<vmem>>[vector<16xi32>], vector<16xf32>, vector<16xi1>
        %add3A_544 = arith.constant 3072 : i32
        %add3A_545 = vector.broadcast %add3A_544 : i32 to vector<16xi32>
        %add3A_546 = arith.addi %add3A_537, %add3A_545 : vector<16xi32>
        tpu.vector_store_idx %arg7[%add3A_546], %select_n3A_525 masked %ne3A_536 {add = true} : memref<65536xf32, #tpu.memory_space<vmem>>[vector<16xi32>], vector<16xf32>, vector<16xi1>
        %add3A_547 = arith.addf %select_n3A_515, %gather3A_533 : vector<16xf32>
        %select_n3A_548 = arith.select %ne3A_536, %gather3A_533, %add3A_547 : vector<16xi1>, vector<16xf32>
        %add3A_549 = arith.addf %select_n3A_517, %gather3A_534 : vector<16xf32>
        %select_n3A_550 = arith.select %ne3A_536, %gather3A_534, %add3A_549 : vector<16xi1>, vector<16xf32>
        %add3A_551 = arith.addf %select_n3A_519, %gather3A_535 : vector<16xf32>
        %select_n3A_552 = arith.select %ne3A_536, %gather3A_535, %add3A_551 : vector<16xi1>, vector<16xf32>
        %add3A_553 = arith.constant 1.000000e+00 : f32
        %add3A_554 = vector.broadcast %add3A_553 : f32 to vector<16xf32>
        %add3A_555 = arith.addf %select_n3A_525, %add3A_554 : vector<16xf32>
        %jit3A_556 = arith.constant 1.000000e+00 : f32
        %broadcast_in_dim3A_557 = vector.broadcast %jit3A_556 : f32 to vector<16xf32>
        %select_n3A_558 = arith.select %ne3A_536, %broadcast_in_dim3A_557, %add3A_555 : vector<16xi1>, vector<16xf32>
        %mul3A_559 = arith.constant 25 : i32
        %mul3A_560 = arith.muli %scan3A_161, %mul3A_559 : i32
        %add3A_561 = arith.constant 12 : i32
        %add3A_562 = arith.addi %mul3A_560, %add3A_561 : i32
        %add3A_563 = vector.broadcast %add3A_562 : i32 to vector<16xi32>
        %add3A_564 = arith.addi %mul3A_3, %add3A_563 : vector<16xi32>
        %gather3A_565 = tpu.vector_load_idx %arg9[%add3A_564] : memref<4000xi32, #tpu.memory_space<vmem>>[vector<16xi32>], vector<16xi32>,
        %gather3A_566 = tpu.vector_load_idx %arg10[%add3A_564] : memref<4000xf32, #tpu.memory_space<vmem>>[vector<16xi32>], vector<16xf32>,
        %gather3A_567 = tpu.vector_load_idx %arg11[%add3A_564] : memref<4000xf32, #tpu.memory_space<vmem>>[vector<16xi32>], vector<16xf32>,
        %gather3A_568 = tpu.vector_load_idx %arg12[%add3A_564] : memref<4000xf32, #tpu.memory_space<vmem>>[vector<16xi32>], vector<16xf32>,
        %ne3A_569 = arith.cmpi ne, %gather3A_565, %gather3A_532 : vector<16xi32>
        %add3A_570 = arith.addi %mul3A_6, %gather3A_532 : vector<16xi32>
        tpu.vector_store_idx %arg7[%add3A_570], %select_n3A_548 masked %ne3A_569 {add = true} : memref<65536xf32, #tpu.memory_space<vmem>>[vector<16xi32>], vector<16xf32>, vector<16xi1>
        %add3A_571 = arith.constant 1024 : i32
        %add3A_572 = vector.broadcast %add3A_571 : i32 to vector<16xi32>
        %add3A_573 = arith.addi %add3A_570, %add3A_572 : vector<16xi32>
        tpu.vector_store_idx %arg7[%add3A_573], %select_n3A_550 masked %ne3A_569 {add = true} : memref<65536xf32, #tpu.memory_space<vmem>>[vector<16xi32>], vector<16xf32>, vector<16xi1>
        %add3A_574 = arith.constant 2048 : i32
        %add3A_575 = vector.broadcast %add3A_574 : i32 to vector<16xi32>
        %add3A_576 = arith.addi %add3A_570, %add3A_575 : vector<16xi32>
        tpu.vector_store_idx %arg7[%add3A_576], %select_n3A_552 masked %ne3A_569 {add = true} : memref<65536xf32, #tpu.memory_space<vmem>>[vector<16xi32>], vector<16xf32>, vector<16xi1>
        %add3A_577 = arith.constant 3072 : i32
        %add3A_578 = vector.broadcast %add3A_577 : i32 to vector<16xi32>
        %add3A_579 = arith.addi %add3A_570, %add3A_578 : vector<16xi32>
        tpu.vector_store_idx %arg7[%add3A_579], %select_n3A_558 masked %ne3A_569 {add = true} : memref<65536xf32, #tpu.memory_space<vmem>>[vector<16xi32>], vector<16xf32>, vector<16xi1>
        %add3A_580 = arith.addf %select_n3A_548, %gather3A_566 : vector<16xf32>
        %select_n3A_581 = arith.select %ne3A_569, %gather3A_566, %add3A_580 : vector<16xi1>, vector<16xf32>
        %add3A_582 = arith.addf %select_n3A_550, %gather3A_567 : vector<16xf32>
        %select_n3A_583 = arith.select %ne3A_569, %gather3A_567, %add3A_582 : vector<16xi1>, vector<16xf32>
        %add3A_584 = arith.addf %select_n3A_552, %gather3A_568 : vector<16xf32>
        %select_n3A_585 = arith.select %ne3A_569, %gather3A_568, %add3A_584 : vector<16xi1>, vector<16xf32>
        %add3A_586 = arith.constant 1.000000e+00 : f32
        %add3A_587 = vector.broadcast %add3A_586 : f32 to vector<16xf32>
        %add3A_588 = arith.addf %select_n3A_558, %add3A_587 : vector<16xf32>
        %jit3A_589 = arith.constant 1.000000e+00 : f32
        %broadcast_in_dim3A_590 = vector.broadcast %jit3A_589 : f32 to vector<16xf32>
        %select_n3A_591 = arith.select %ne3A_569, %broadcast_in_dim3A_590, %add3A_588 : vector<16xi1>, vector<16xf32>
        %mul3A_592 = arith.constant 25 : i32
        %mul3A_593 = arith.muli %scan3A_161, %mul3A_592 : i32
        %add3A_594 = arith.constant 13 : i32
        %add3A_595 = arith.addi %mul3A_593, %add3A_594 : i32
        %add3A_596 = vector.broadcast %add3A_595 : i32 to vector<16xi32>
        %add3A_597 = arith.addi %mul3A_3, %add3A_596 : vector<16xi32>
        %gather3A_598 = tpu.vector_load_idx %arg9[%add3A_597] : memref<4000xi32, #tpu.memory_space<vmem>>[vector<16xi32>], vector<16xi32>,
        %gather3A_599 = tpu.vector_load_idx %arg10[%add3A_597] : memref<4000xf32, #tpu.memory_space<vmem>>[vector<16xi32>], vector<16xf32>,
        %gather3A_600 = tpu.vector_load_idx %arg11[%add3A_597] : memref<4000xf32, #tpu.memory_space<vmem>>[vector<16xi32>], vector<16xf32>,
        %gather3A_601 = tpu.vector_load_idx %arg12[%add3A_597] : memref<4000xf32, #tpu.memory_space<vmem>>[vector<16xi32>], vector<16xf32>,
        %ne3A_602 = arith.cmpi ne, %gather3A_598, %gather3A_565 : vector<16xi32>
        %add3A_603 = arith.addi %mul3A_6, %gather3A_565 : vector<16xi32>
        tpu.vector_store_idx %arg7[%add3A_603], %select_n3A_581 masked %ne3A_602 {add = true} : memref<65536xf32, #tpu.memory_space<vmem>>[vector<16xi32>], vector<16xf32>, vector<16xi1>
        %add3A_604 = arith.constant 1024 : i32
        %add3A_605 = vector.broadcast %add3A_604 : i32 to vector<16xi32>
        %add3A_606 = arith.addi %add3A_603, %add3A_605 : vector<16xi32>
        tpu.vector_store_idx %arg7[%add3A_606], %select_n3A_583 masked %ne3A_602 {add = true} : memref<65536xf32, #tpu.memory_space<vmem>>[vector<16xi32>], vector<16xf32>, vector<16xi1>
        %add3A_607 = arith.constant 2048 : i32
        %add3A_608 = vector.broadcast %add3A_607 : i32 to vector<16xi32>
        %add3A_609 = arith.addi %add3A_603, %add3A_608 : vector<16xi32>
        tpu.vector_store_idx %arg7[%add3A_609], %select_n3A_585 masked %ne3A_602 {add = true} : memref<65536xf32, #tpu.memory_space<vmem>>[vector<16xi32>], vector<16xf32>, vector<16xi1>
        %add3A_610 = arith.constant 3072 : i32
        %add3A_611 = vector.broadcast %add3A_610 : i32 to vector<16xi32>
        %add3A_612 = arith.addi %add3A_603, %add3A_611 : vector<16xi32>
        tpu.vector_store_idx %arg7[%add3A_612], %select_n3A_591 masked %ne3A_602 {add = true} : memref<65536xf32, #tpu.memory_space<vmem>>[vector<16xi32>], vector<16xf32>, vector<16xi1>
        %add3A_613 = arith.addf %select_n3A_581, %gather3A_599 : vector<16xf32>
        %select_n3A_614 = arith.select %ne3A_602, %gather3A_599, %add3A_613 : vector<16xi1>, vector<16xf32>
        %add3A_615 = arith.addf %select_n3A_583, %gather3A_600 : vector<16xf32>
        %select_n3A_616 = arith.select %ne3A_602, %gather3A_600, %add3A_615 : vector<16xi1>, vector<16xf32>
        %add3A_617 = arith.addf %select_n3A_585, %gather3A_601 : vector<16xf32>
        %select_n3A_618 = arith.select %ne3A_602, %gather3A_601, %add3A_617 : vector<16xi1>, vector<16xf32>
        %add3A_619 = arith.constant 1.000000e+00 : f32
        %add3A_620 = vector.broadcast %add3A_619 : f32 to vector<16xf32>
        %add3A_621 = arith.addf %select_n3A_591, %add3A_620 : vector<16xf32>
        %jit3A_622 = arith.constant 1.000000e+00 : f32
        %broadcast_in_dim3A_623 = vector.broadcast %jit3A_622 : f32 to vector<16xf32>
        %select_n3A_624 = arith.select %ne3A_602, %broadcast_in_dim3A_623, %add3A_621 : vector<16xi1>, vector<16xf32>
        %mul3A_625 = arith.constant 25 : i32
        %mul3A_626 = arith.muli %scan3A_161, %mul3A_625 : i32
        %add3A_627 = arith.constant 14 : i32
        %add3A_628 = arith.addi %mul3A_626, %add3A_627 : i32
        %add3A_629 = vector.broadcast %add3A_628 : i32 to vector<16xi32>
        %add3A_630 = arith.addi %mul3A_3, %add3A_629 : vector<16xi32>
        %gather3A_631 = tpu.vector_load_idx %arg9[%add3A_630] : memref<4000xi32, #tpu.memory_space<vmem>>[vector<16xi32>], vector<16xi32>,
        %gather3A_632 = tpu.vector_load_idx %arg10[%add3A_630] : memref<4000xf32, #tpu.memory_space<vmem>>[vector<16xi32>], vector<16xf32>,
        %gather3A_633 = tpu.vector_load_idx %arg11[%add3A_630] : memref<4000xf32, #tpu.memory_space<vmem>>[vector<16xi32>], vector<16xf32>,
        %gather3A_634 = tpu.vector_load_idx %arg12[%add3A_630] : memref<4000xf32, #tpu.memory_space<vmem>>[vector<16xi32>], vector<16xf32>,
        %ne3A_635 = arith.cmpi ne, %gather3A_631, %gather3A_598 : vector<16xi32>
        %add3A_636 = arith.addi %mul3A_6, %gather3A_598 : vector<16xi32>
        tpu.vector_store_idx %arg7[%add3A_636], %select_n3A_614 masked %ne3A_635 {add = true} : memref<65536xf32, #tpu.memory_space<vmem>>[vector<16xi32>], vector<16xf32>, vector<16xi1>
        %add3A_637 = arith.constant 1024 : i32
        %add3A_638 = vector.broadcast %add3A_637 : i32 to vector<16xi32>
        %add3A_639 = arith.addi %add3A_636, %add3A_638 : vector<16xi32>
        tpu.vector_store_idx %arg7[%add3A_639], %select_n3A_616 masked %ne3A_635 {add = true} : memref<65536xf32, #tpu.memory_space<vmem>>[vector<16xi32>], vector<16xf32>, vector<16xi1>
        %add3A_640 = arith.constant 2048 : i32
        %add3A_641 = vector.broadcast %add3A_640 : i32 to vector<16xi32>
        %add3A_642 = arith.addi %add3A_636, %add3A_641 : vector<16xi32>
        tpu.vector_store_idx %arg7[%add3A_642], %select_n3A_618 masked %ne3A_635 {add = true} : memref<65536xf32, #tpu.memory_space<vmem>>[vector<16xi32>], vector<16xf32>, vector<16xi1>
        %add3A_643 = arith.constant 3072 : i32
        %add3A_644 = vector.broadcast %add3A_643 : i32 to vector<16xi32>
        %add3A_645 = arith.addi %add3A_636, %add3A_644 : vector<16xi32>
        tpu.vector_store_idx %arg7[%add3A_645], %select_n3A_624 masked %ne3A_635 {add = true} : memref<65536xf32, #tpu.memory_space<vmem>>[vector<16xi32>], vector<16xf32>, vector<16xi1>
        %add3A_646 = arith.addf %select_n3A_614, %gather3A_632 : vector<16xf32>
        %select_n3A_647 = arith.select %ne3A_635, %gather3A_632, %add3A_646 : vector<16xi1>, vector<16xf32>
        %add3A_648 = arith.addf %select_n3A_616, %gather3A_633 : vector<16xf32>
        %select_n3A_649 = arith.select %ne3A_635, %gather3A_633, %add3A_648 : vector<16xi1>, vector<16xf32>
        %add3A_650 = arith.addf %select_n3A_618, %gather3A_634 : vector<16xf32>
        %select_n3A_651 = arith.select %ne3A_635, %gather3A_634, %add3A_650 : vector<16xi1>, vector<16xf32>
        %add3A_652 = arith.constant 1.000000e+00 : f32
        %add3A_653 = vector.broadcast %add3A_652 : f32 to vector<16xf32>
        %add3A_654 = arith.addf %select_n3A_624, %add3A_653 : vector<16xf32>
        %jit3A_655 = arith.constant 1.000000e+00 : f32
        %broadcast_in_dim3A_656 = vector.broadcast %jit3A_655 : f32 to vector<16xf32>
        %select_n3A_657 = arith.select %ne3A_635, %broadcast_in_dim3A_656, %add3A_654 : vector<16xi1>, vector<16xf32>
        %mul3A_658 = arith.constant 25 : i32
        %mul3A_659 = arith.muli %scan3A_161, %mul3A_658 : i32
        %add3A_660 = arith.constant 15 : i32
        %add3A_661 = arith.addi %mul3A_659, %add3A_660 : i32
        %add3A_662 = vector.broadcast %add3A_661 : i32 to vector<16xi32>
        %add3A_663 = arith.addi %mul3A_3, %add3A_662 : vector<16xi32>
        %gather3A_664 = tpu.vector_load_idx %arg9[%add3A_663] : memref<4000xi32, #tpu.memory_space<vmem>>[vector<16xi32>], vector<16xi32>,
        %gather3A_665 = tpu.vector_load_idx %arg10[%add3A_663] : memref<4000xf32, #tpu.memory_space<vmem>>[vector<16xi32>], vector<16xf32>,
        %gather3A_666 = tpu.vector_load_idx %arg11[%add3A_663] : memref<4000xf32, #tpu.memory_space<vmem>>[vector<16xi32>], vector<16xf32>,
        %gather3A_667 = tpu.vector_load_idx %arg12[%add3A_663] : memref<4000xf32, #tpu.memory_space<vmem>>[vector<16xi32>], vector<16xf32>,
        %ne3A_668 = arith.cmpi ne, %gather3A_664, %gather3A_631 : vector<16xi32>
        %add3A_669 = arith.addi %mul3A_6, %gather3A_631 : vector<16xi32>
        tpu.vector_store_idx %arg7[%add3A_669], %select_n3A_647 masked %ne3A_668 {add = true} : memref<65536xf32, #tpu.memory_space<vmem>>[vector<16xi32>], vector<16xf32>, vector<16xi1>
        %add3A_670 = arith.constant 1024 : i32
        %add3A_671 = vector.broadcast %add3A_670 : i32 to vector<16xi32>
        %add3A_672 = arith.addi %add3A_669, %add3A_671 : vector<16xi32>
        tpu.vector_store_idx %arg7[%add3A_672], %select_n3A_649 masked %ne3A_668 {add = true} : memref<65536xf32, #tpu.memory_space<vmem>>[vector<16xi32>], vector<16xf32>, vector<16xi1>
        %add3A_673 = arith.constant 2048 : i32
        %add3A_674 = vector.broadcast %add3A_673 : i32 to vector<16xi32>
        %add3A_675 = arith.addi %add3A_669, %add3A_674 : vector<16xi32>
        tpu.vector_store_idx %arg7[%add3A_675], %select_n3A_651 masked %ne3A_668 {add = true} : memref<65536xf32, #tpu.memory_space<vmem>>[vector<16xi32>], vector<16xf32>, vector<16xi1>
        %add3A_676 = arith.constant 3072 : i32
        %add3A_677 = vector.broadcast %add3A_676 : i32 to vector<16xi32>
        %add3A_678 = arith.addi %add3A_669, %add3A_677 : vector<16xi32>
        tpu.vector_store_idx %arg7[%add3A_678], %select_n3A_657 masked %ne3A_668 {add = true} : memref<65536xf32, #tpu.memory_space<vmem>>[vector<16xi32>], vector<16xf32>, vector<16xi1>
        %add3A_679 = arith.addf %select_n3A_647, %gather3A_665 : vector<16xf32>
        %select_n3A_680 = arith.select %ne3A_668, %gather3A_665, %add3A_679 : vector<16xi1>, vector<16xf32>
        %add3A_681 = arith.addf %select_n3A_649, %gather3A_666 : vector<16xf32>
        %select_n3A_682 = arith.select %ne3A_668, %gather3A_666, %add3A_681 : vector<16xi1>, vector<16xf32>
        %add3A_683 = arith.addf %select_n3A_651, %gather3A_667 : vector<16xf32>
        %select_n3A_684 = arith.select %ne3A_668, %gather3A_667, %add3A_683 : vector<16xi1>, vector<16xf32>
        %add3A_685 = arith.constant 1.000000e+00 : f32
        %add3A_686 = vector.broadcast %add3A_685 : f32 to vector<16xf32>
        %add3A_687 = arith.addf %select_n3A_657, %add3A_686 : vector<16xf32>
        %jit3A_688 = arith.constant 1.000000e+00 : f32
        %broadcast_in_dim3A_689 = vector.broadcast %jit3A_688 : f32 to vector<16xf32>
        %select_n3A_690 = arith.select %ne3A_668, %broadcast_in_dim3A_689, %add3A_687 : vector<16xi1>, vector<16xf32>
        %mul3A_691 = arith.constant 25 : i32
        %mul3A_692 = arith.muli %scan3A_161, %mul3A_691 : i32
        %add3A_693 = arith.constant 16 : i32
        %add3A_694 = arith.addi %mul3A_692, %add3A_693 : i32
        %add3A_695 = vector.broadcast %add3A_694 : i32 to vector<16xi32>
        %add3A_696 = arith.addi %mul3A_3, %add3A_695 : vector<16xi32>
        %gather3A_697 = tpu.vector_load_idx %arg9[%add3A_696] : memref<4000xi32, #tpu.memory_space<vmem>>[vector<16xi32>], vector<16xi32>,
        %gather3A_698 = tpu.vector_load_idx %arg10[%add3A_696] : memref<4000xf32, #tpu.memory_space<vmem>>[vector<16xi32>], vector<16xf32>,
        %gather3A_699 = tpu.vector_load_idx %arg11[%add3A_696] : memref<4000xf32, #tpu.memory_space<vmem>>[vector<16xi32>], vector<16xf32>,
        %gather3A_700 = tpu.vector_load_idx %arg12[%add3A_696] : memref<4000xf32, #tpu.memory_space<vmem>>[vector<16xi32>], vector<16xf32>,
        %ne3A_701 = arith.cmpi ne, %gather3A_697, %gather3A_664 : vector<16xi32>
        %add3A_702 = arith.addi %mul3A_6, %gather3A_664 : vector<16xi32>
        tpu.vector_store_idx %arg7[%add3A_702], %select_n3A_680 masked %ne3A_701 {add = true} : memref<65536xf32, #tpu.memory_space<vmem>>[vector<16xi32>], vector<16xf32>, vector<16xi1>
        %add3A_703 = arith.constant 1024 : i32
        %add3A_704 = vector.broadcast %add3A_703 : i32 to vector<16xi32>
        %add3A_705 = arith.addi %add3A_702, %add3A_704 : vector<16xi32>
        tpu.vector_store_idx %arg7[%add3A_705], %select_n3A_682 masked %ne3A_701 {add = true} : memref<65536xf32, #tpu.memory_space<vmem>>[vector<16xi32>], vector<16xf32>, vector<16xi1>
        %add3A_706 = arith.constant 2048 : i32
        %add3A_707 = vector.broadcast %add3A_706 : i32 to vector<16xi32>
        %add3A_708 = arith.addi %add3A_702, %add3A_707 : vector<16xi32>
        tpu.vector_store_idx %arg7[%add3A_708], %select_n3A_684 masked %ne3A_701 {add = true} : memref<65536xf32, #tpu.memory_space<vmem>>[vector<16xi32>], vector<16xf32>, vector<16xi1>
        %add3A_709 = arith.constant 3072 : i32
        %add3A_710 = vector.broadcast %add3A_709 : i32 to vector<16xi32>
        %add3A_711 = arith.addi %add3A_702, %add3A_710 : vector<16xi32>
        tpu.vector_store_idx %arg7[%add3A_711], %select_n3A_690 masked %ne3A_701 {add = true} : memref<65536xf32, #tpu.memory_space<vmem>>[vector<16xi32>], vector<16xf32>, vector<16xi1>
        %add3A_712 = arith.addf %select_n3A_680, %gather3A_698 : vector<16xf32>
        %select_n3A_713 = arith.select %ne3A_701, %gather3A_698, %add3A_712 : vector<16xi1>, vector<16xf32>
        %add3A_714 = arith.addf %select_n3A_682, %gather3A_699 : vector<16xf32>
        %select_n3A_715 = arith.select %ne3A_701, %gather3A_699, %add3A_714 : vector<16xi1>, vector<16xf32>
        %add3A_716 = arith.addf %select_n3A_684, %gather3A_700 : vector<16xf32>
        %select_n3A_717 = arith.select %ne3A_701, %gather3A_700, %add3A_716 : vector<16xi1>, vector<16xf32>
        %add3A_718 = arith.constant 1.000000e+00 : f32
        %add3A_719 = vector.broadcast %add3A_718 : f32 to vector<16xf32>
        %add3A_720 = arith.addf %select_n3A_690, %add3A_719 : vector<16xf32>
        %jit3A_721 = arith.constant 1.000000e+00 : f32
        %broadcast_in_dim3A_722 = vector.broadcast %jit3A_721 : f32 to vector<16xf32>
        %select_n3A_723 = arith.select %ne3A_701, %broadcast_in_dim3A_722, %add3A_720 : vector<16xi1>, vector<16xf32>
        %mul3A_724 = arith.constant 25 : i32
        %mul3A_725 = arith.muli %scan3A_161, %mul3A_724 : i32
        %add3A_726 = arith.constant 17 : i32
        %add3A_727 = arith.addi %mul3A_725, %add3A_726 : i32
        %add3A_728 = vector.broadcast %add3A_727 : i32 to vector<16xi32>
        %add3A_729 = arith.addi %mul3A_3, %add3A_728 : vector<16xi32>
        %gather3A_730 = tpu.vector_load_idx %arg9[%add3A_729] : memref<4000xi32, #tpu.memory_space<vmem>>[vector<16xi32>], vector<16xi32>,
        %gather3A_731 = tpu.vector_load_idx %arg10[%add3A_729] : memref<4000xf32, #tpu.memory_space<vmem>>[vector<16xi32>], vector<16xf32>,
        %gather3A_732 = tpu.vector_load_idx %arg11[%add3A_729] : memref<4000xf32, #tpu.memory_space<vmem>>[vector<16xi32>], vector<16xf32>,
        %gather3A_733 = tpu.vector_load_idx %arg12[%add3A_729] : memref<4000xf32, #tpu.memory_space<vmem>>[vector<16xi32>], vector<16xf32>,
        %ne3A_734 = arith.cmpi ne, %gather3A_730, %gather3A_697 : vector<16xi32>
        %add3A_735 = arith.addi %mul3A_6, %gather3A_697 : vector<16xi32>
        tpu.vector_store_idx %arg7[%add3A_735], %select_n3A_713 masked %ne3A_734 {add = true} : memref<65536xf32, #tpu.memory_space<vmem>>[vector<16xi32>], vector<16xf32>, vector<16xi1>
        %add3A_736 = arith.constant 1024 : i32
        %add3A_737 = vector.broadcast %add3A_736 : i32 to vector<16xi32>
        %add3A_738 = arith.addi %add3A_735, %add3A_737 : vector<16xi32>
        tpu.vector_store_idx %arg7[%add3A_738], %select_n3A_715 masked %ne3A_734 {add = true} : memref<65536xf32, #tpu.memory_space<vmem>>[vector<16xi32>], vector<16xf32>, vector<16xi1>
        %add3A_739 = arith.constant 2048 : i32
        %add3A_740 = vector.broadcast %add3A_739 : i32 to vector<16xi32>
        %add3A_741 = arith.addi %add3A_735, %add3A_740 : vector<16xi32>
        tpu.vector_store_idx %arg7[%add3A_741], %select_n3A_717 masked %ne3A_734 {add = true} : memref<65536xf32, #tpu.memory_space<vmem>>[vector<16xi32>], vector<16xf32>, vector<16xi1>
        %add3A_742 = arith.constant 3072 : i32
        %add3A_743 = vector.broadcast %add3A_742 : i32 to vector<16xi32>
        %add3A_744 = arith.addi %add3A_735, %add3A_743 : vector<16xi32>
        tpu.vector_store_idx %arg7[%add3A_744], %select_n3A_723 masked %ne3A_734 {add = true} : memref<65536xf32, #tpu.memory_space<vmem>>[vector<16xi32>], vector<16xf32>, vector<16xi1>
        %add3A_745 = arith.addf %select_n3A_713, %gather3A_731 : vector<16xf32>
        %select_n3A_746 = arith.select %ne3A_734, %gather3A_731, %add3A_745 : vector<16xi1>, vector<16xf32>
        %add3A_747 = arith.addf %select_n3A_715, %gather3A_732 : vector<16xf32>
        %select_n3A_748 = arith.select %ne3A_734, %gather3A_732, %add3A_747 : vector<16xi1>, vector<16xf32>
        %add3A_749 = arith.addf %select_n3A_717, %gather3A_733 : vector<16xf32>
        %select_n3A_750 = arith.select %ne3A_734, %gather3A_733, %add3A_749 : vector<16xi1>, vector<16xf32>
        %add3A_751 = arith.constant 1.000000e+00 : f32
        %add3A_752 = vector.broadcast %add3A_751 : f32 to vector<16xf32>
        %add3A_753 = arith.addf %select_n3A_723, %add3A_752 : vector<16xf32>
        %jit3A_754 = arith.constant 1.000000e+00 : f32
        %broadcast_in_dim3A_755 = vector.broadcast %jit3A_754 : f32 to vector<16xf32>
        %select_n3A_756 = arith.select %ne3A_734, %broadcast_in_dim3A_755, %add3A_753 : vector<16xi1>, vector<16xf32>
        %mul3A_757 = arith.constant 25 : i32
        %mul3A_758 = arith.muli %scan3A_161, %mul3A_757 : i32
        %add3A_759 = arith.constant 18 : i32
        %add3A_760 = arith.addi %mul3A_758, %add3A_759 : i32
        %add3A_761 = vector.broadcast %add3A_760 : i32 to vector<16xi32>
        %add3A_762 = arith.addi %mul3A_3, %add3A_761 : vector<16xi32>
        %gather3A_763 = tpu.vector_load_idx %arg9[%add3A_762] : memref<4000xi32, #tpu.memory_space<vmem>>[vector<16xi32>], vector<16xi32>,
        %gather3A_764 = tpu.vector_load_idx %arg10[%add3A_762] : memref<4000xf32, #tpu.memory_space<vmem>>[vector<16xi32>], vector<16xf32>,
        %gather3A_765 = tpu.vector_load_idx %arg11[%add3A_762] : memref<4000xf32, #tpu.memory_space<vmem>>[vector<16xi32>], vector<16xf32>,
        %gather3A_766 = tpu.vector_load_idx %arg12[%add3A_762] : memref<4000xf32, #tpu.memory_space<vmem>>[vector<16xi32>], vector<16xf32>,
        %ne3A_767 = arith.cmpi ne, %gather3A_763, %gather3A_730 : vector<16xi32>
        %add3A_768 = arith.addi %mul3A_6, %gather3A_730 : vector<16xi32>
        tpu.vector_store_idx %arg7[%add3A_768], %select_n3A_746 masked %ne3A_767 {add = true} : memref<65536xf32, #tpu.memory_space<vmem>>[vector<16xi32>], vector<16xf32>, vector<16xi1>
        %add3A_769 = arith.constant 1024 : i32
        %add3A_770 = vector.broadcast %add3A_769 : i32 to vector<16xi32>
        %add3A_771 = arith.addi %add3A_768, %add3A_770 : vector<16xi32>
        tpu.vector_store_idx %arg7[%add3A_771], %select_n3A_748 masked %ne3A_767 {add = true} : memref<65536xf32, #tpu.memory_space<vmem>>[vector<16xi32>], vector<16xf32>, vector<16xi1>
        %add3A_772 = arith.constant 2048 : i32
        %add3A_773 = vector.broadcast %add3A_772 : i32 to vector<16xi32>
        %add3A_774 = arith.addi %add3A_768, %add3A_773 : vector<16xi32>
        tpu.vector_store_idx %arg7[%add3A_774], %select_n3A_750 masked %ne3A_767 {add = true} : memref<65536xf32, #tpu.memory_space<vmem>>[vector<16xi32>], vector<16xf32>, vector<16xi1>
        %add3A_775 = arith.constant 3072 : i32
        %add3A_776 = vector.broadcast %add3A_775 : i32 to vector<16xi32>
        %add3A_777 = arith.addi %add3A_768, %add3A_776 : vector<16xi32>
        tpu.vector_store_idx %arg7[%add3A_777], %select_n3A_756 masked %ne3A_767 {add = true} : memref<65536xf32, #tpu.memory_space<vmem>>[vector<16xi32>], vector<16xf32>, vector<16xi1>
        %add3A_778 = arith.addf %select_n3A_746, %gather3A_764 : vector<16xf32>
        %select_n3A_779 = arith.select %ne3A_767, %gather3A_764, %add3A_778 : vector<16xi1>, vector<16xf32>
        %add3A_780 = arith.addf %select_n3A_748, %gather3A_765 : vector<16xf32>
        %select_n3A_781 = arith.select %ne3A_767, %gather3A_765, %add3A_780 : vector<16xi1>, vector<16xf32>
        %add3A_782 = arith.addf %select_n3A_750, %gather3A_766 : vector<16xf32>
        %select_n3A_783 = arith.select %ne3A_767, %gather3A_766, %add3A_782 : vector<16xi1>, vector<16xf32>
        %add3A_784 = arith.constant 1.000000e+00 : f32
        %add3A_785 = vector.broadcast %add3A_784 : f32 to vector<16xf32>
        %add3A_786 = arith.addf %select_n3A_756, %add3A_785 : vector<16xf32>
        %jit3A_787 = arith.constant 1.000000e+00 : f32
        %broadcast_in_dim3A_788 = vector.broadcast %jit3A_787 : f32 to vector<16xf32>
        %select_n3A_789 = arith.select %ne3A_767, %broadcast_in_dim3A_788, %add3A_786 : vector<16xi1>, vector<16xf32>
        %mul3A_790 = arith.constant 25 : i32
        %mul3A_791 = arith.muli %scan3A_161, %mul3A_790 : i32
        %add3A_792 = arith.constant 19 : i32
        %add3A_793 = arith.addi %mul3A_791, %add3A_792 : i32
        %add3A_794 = vector.broadcast %add3A_793 : i32 to vector<16xi32>
        %add3A_795 = arith.addi %mul3A_3, %add3A_794 : vector<16xi32>
        %gather3A_796 = tpu.vector_load_idx %arg9[%add3A_795] : memref<4000xi32, #tpu.memory_space<vmem>>[vector<16xi32>], vector<16xi32>,
        %gather3A_797 = tpu.vector_load_idx %arg10[%add3A_795] : memref<4000xf32, #tpu.memory_space<vmem>>[vector<16xi32>], vector<16xf32>,
        %gather3A_798 = tpu.vector_load_idx %arg11[%add3A_795] : memref<4000xf32, #tpu.memory_space<vmem>>[vector<16xi32>], vector<16xf32>,
        %gather3A_799 = tpu.vector_load_idx %arg12[%add3A_795] : memref<4000xf32, #tpu.memory_space<vmem>>[vector<16xi32>], vector<16xf32>,
        %ne3A_800 = arith.cmpi ne, %gather3A_796, %gather3A_763 : vector<16xi32>
        %add3A_801 = arith.addi %mul3A_6, %gather3A_763 : vector<16xi32>
        tpu.vector_store_idx %arg7[%add3A_801], %select_n3A_779 masked %ne3A_800 {add = true} : memref<65536xf32, #tpu.memory_space<vmem>>[vector<16xi32>], vector<16xf32>, vector<16xi1>
        %add3A_802 = arith.constant 1024 : i32
        %add3A_803 = vector.broadcast %add3A_802 : i32 to vector<16xi32>
        %add3A_804 = arith.addi %add3A_801, %add3A_803 : vector<16xi32>
        tpu.vector_store_idx %arg7[%add3A_804], %select_n3A_781 masked %ne3A_800 {add = true} : memref<65536xf32, #tpu.memory_space<vmem>>[vector<16xi32>], vector<16xf32>, vector<16xi1>
        %add3A_805 = arith.constant 2048 : i32
        %add3A_806 = vector.broadcast %add3A_805 : i32 to vector<16xi32>
        %add3A_807 = arith.addi %add3A_801, %add3A_806 : vector<16xi32>
        tpu.vector_store_idx %arg7[%add3A_807], %select_n3A_783 masked %ne3A_800 {add = true} : memref<65536xf32, #tpu.memory_space<vmem>>[vector<16xi32>], vector<16xf32>, vector<16xi1>
        %add3A_808 = arith.constant 3072 : i32
        %add3A_809 = vector.broadcast %add3A_808 : i32 to vector<16xi32>
        %add3A_810 = arith.addi %add3A_801, %add3A_809 : vector<16xi32>
        tpu.vector_store_idx %arg7[%add3A_810], %select_n3A_789 masked %ne3A_800 {add = true} : memref<65536xf32, #tpu.memory_space<vmem>>[vector<16xi32>], vector<16xf32>, vector<16xi1>
        %add3A_811 = arith.addf %select_n3A_779, %gather3A_797 : vector<16xf32>
        %select_n3A_812 = arith.select %ne3A_800, %gather3A_797, %add3A_811 : vector<16xi1>, vector<16xf32>
        %add3A_813 = arith.addf %select_n3A_781, %gather3A_798 : vector<16xf32>
        %select_n3A_814 = arith.select %ne3A_800, %gather3A_798, %add3A_813 : vector<16xi1>, vector<16xf32>
        %add3A_815 = arith.addf %select_n3A_783, %gather3A_799 : vector<16xf32>
        %select_n3A_816 = arith.select %ne3A_800, %gather3A_799, %add3A_815 : vector<16xi1>, vector<16xf32>
        %add3A_817 = arith.constant 1.000000e+00 : f32
        %add3A_818 = vector.broadcast %add3A_817 : f32 to vector<16xf32>
        %add3A_819 = arith.addf %select_n3A_789, %add3A_818 : vector<16xf32>
        %jit3A_820 = arith.constant 1.000000e+00 : f32
        %broadcast_in_dim3A_821 = vector.broadcast %jit3A_820 : f32 to vector<16xf32>
        %select_n3A_822 = arith.select %ne3A_800, %broadcast_in_dim3A_821, %add3A_819 : vector<16xi1>, vector<16xf32>
        %mul3A_823 = arith.constant 25 : i32
        %mul3A_824 = arith.muli %scan3A_161, %mul3A_823 : i32
        %add3A_825 = arith.constant 20 : i32
        %add3A_826 = arith.addi %mul3A_824, %add3A_825 : i32
        %add3A_827 = vector.broadcast %add3A_826 : i32 to vector<16xi32>
        %add3A_828 = arith.addi %mul3A_3, %add3A_827 : vector<16xi32>
        %gather3A_829 = tpu.vector_load_idx %arg9[%add3A_828] : memref<4000xi32, #tpu.memory_space<vmem>>[vector<16xi32>], vector<16xi32>,
        %gather3A_830 = tpu.vector_load_idx %arg10[%add3A_828] : memref<4000xf32, #tpu.memory_space<vmem>>[vector<16xi32>], vector<16xf32>,
        %gather3A_831 = tpu.vector_load_idx %arg11[%add3A_828] : memref<4000xf32, #tpu.memory_space<vmem>>[vector<16xi32>], vector<16xf32>,
        %gather3A_832 = tpu.vector_load_idx %arg12[%add3A_828] : memref<4000xf32, #tpu.memory_space<vmem>>[vector<16xi32>], vector<16xf32>,
        %ne3A_833 = arith.cmpi ne, %gather3A_829, %gather3A_796 : vector<16xi32>
        %add3A_834 = arith.addi %mul3A_6, %gather3A_796 : vector<16xi32>
        tpu.vector_store_idx %arg7[%add3A_834], %select_n3A_812 masked %ne3A_833 {add = true} : memref<65536xf32, #tpu.memory_space<vmem>>[vector<16xi32>], vector<16xf32>, vector<16xi1>
        %add3A_835 = arith.constant 1024 : i32
        %add3A_836 = vector.broadcast %add3A_835 : i32 to vector<16xi32>
        %add3A_837 = arith.addi %add3A_834, %add3A_836 : vector<16xi32>
        tpu.vector_store_idx %arg7[%add3A_837], %select_n3A_814 masked %ne3A_833 {add = true} : memref<65536xf32, #tpu.memory_space<vmem>>[vector<16xi32>], vector<16xf32>, vector<16xi1>
        %add3A_838 = arith.constant 2048 : i32
        %add3A_839 = vector.broadcast %add3A_838 : i32 to vector<16xi32>
        %add3A_840 = arith.addi %add3A_834, %add3A_839 : vector<16xi32>
        tpu.vector_store_idx %arg7[%add3A_840], %select_n3A_816 masked %ne3A_833 {add = true} : memref<65536xf32, #tpu.memory_space<vmem>>[vector<16xi32>], vector<16xf32>, vector<16xi1>
        %add3A_841 = arith.constant 3072 : i32
        %add3A_842 = vector.broadcast %add3A_841 : i32 to vector<16xi32>
        %add3A_843 = arith.addi %add3A_834, %add3A_842 : vector<16xi32>
        tpu.vector_store_idx %arg7[%add3A_843], %select_n3A_822 masked %ne3A_833 {add = true} : memref<65536xf32, #tpu.memory_space<vmem>>[vector<16xi32>], vector<16xf32>, vector<16xi1>
        %add3A_844 = arith.addf %select_n3A_812, %gather3A_830 : vector<16xf32>
        %select_n3A_845 = arith.select %ne3A_833, %gather3A_830, %add3A_844 : vector<16xi1>, vector<16xf32>
        %add3A_846 = arith.addf %select_n3A_814, %gather3A_831 : vector<16xf32>
        %select_n3A_847 = arith.select %ne3A_833, %gather3A_831, %add3A_846 : vector<16xi1>, vector<16xf32>
        %add3A_848 = arith.addf %select_n3A_816, %gather3A_832 : vector<16xf32>
        %select_n3A_849 = arith.select %ne3A_833, %gather3A_832, %add3A_848 : vector<16xi1>, vector<16xf32>
        %add3A_850 = arith.constant 1.000000e+00 : f32
        %add3A_851 = vector.broadcast %add3A_850 : f32 to vector<16xf32>
        %add3A_852 = arith.addf %select_n3A_822, %add3A_851 : vector<16xf32>
        %jit3A_853 = arith.constant 1.000000e+00 : f32
        %broadcast_in_dim3A_854 = vector.broadcast %jit3A_853 : f32 to vector<16xf32>
        %select_n3A_855 = arith.select %ne3A_833, %broadcast_in_dim3A_854, %add3A_852 : vector<16xi1>, vector<16xf32>
        %mul3A_856 = arith.constant 25 : i32
        %mul3A_857 = arith.muli %scan3A_161, %mul3A_856 : i32
        %add3A_858 = arith.constant 21 : i32
        %add3A_859 = arith.addi %mul3A_857, %add3A_858 : i32
        %add3A_860 = vector.broadcast %add3A_859 : i32 to vector<16xi32>
        %add3A_861 = arith.addi %mul3A_3, %add3A_860 : vector<16xi32>
        %gather3A_862 = tpu.vector_load_idx %arg9[%add3A_861] : memref<4000xi32, #tpu.memory_space<vmem>>[vector<16xi32>], vector<16xi32>,
        %gather3A_863 = tpu.vector_load_idx %arg10[%add3A_861] : memref<4000xf32, #tpu.memory_space<vmem>>[vector<16xi32>], vector<16xf32>,
        %gather3A_864 = tpu.vector_load_idx %arg11[%add3A_861] : memref<4000xf32, #tpu.memory_space<vmem>>[vector<16xi32>], vector<16xf32>,
        %gather3A_865 = tpu.vector_load_idx %arg12[%add3A_861] : memref<4000xf32, #tpu.memory_space<vmem>>[vector<16xi32>], vector<16xf32>,
        %ne3A_866 = arith.cmpi ne, %gather3A_862, %gather3A_829 : vector<16xi32>
        %add3A_867 = arith.addi %mul3A_6, %gather3A_829 : vector<16xi32>
        tpu.vector_store_idx %arg7[%add3A_867], %select_n3A_845 masked %ne3A_866 {add = true} : memref<65536xf32, #tpu.memory_space<vmem>>[vector<16xi32>], vector<16xf32>, vector<16xi1>
        %add3A_868 = arith.constant 1024 : i32
        %add3A_869 = vector.broadcast %add3A_868 : i32 to vector<16xi32>
        %add3A_870 = arith.addi %add3A_867, %add3A_869 : vector<16xi32>
        tpu.vector_store_idx %arg7[%add3A_870], %select_n3A_847 masked %ne3A_866 {add = true} : memref<65536xf32, #tpu.memory_space<vmem>>[vector<16xi32>], vector<16xf32>, vector<16xi1>
        %add3A_871 = arith.constant 2048 : i32
        %add3A_872 = vector.broadcast %add3A_871 : i32 to vector<16xi32>
        %add3A_873 = arith.addi %add3A_867, %add3A_872 : vector<16xi32>
        tpu.vector_store_idx %arg7[%add3A_873], %select_n3A_849 masked %ne3A_866 {add = true} : memref<65536xf32, #tpu.memory_space<vmem>>[vector<16xi32>], vector<16xf32>, vector<16xi1>
        %add3A_874 = arith.constant 3072 : i32
        %add3A_875 = vector.broadcast %add3A_874 : i32 to vector<16xi32>
        %add3A_876 = arith.addi %add3A_867, %add3A_875 : vector<16xi32>
        tpu.vector_store_idx %arg7[%add3A_876], %select_n3A_855 masked %ne3A_866 {add = true} : memref<65536xf32, #tpu.memory_space<vmem>>[vector<16xi32>], vector<16xf32>, vector<16xi1>
        %add3A_877 = arith.addf %select_n3A_845, %gather3A_863 : vector<16xf32>
        %select_n3A_878 = arith.select %ne3A_866, %gather3A_863, %add3A_877 : vector<16xi1>, vector<16xf32>
        %add3A_879 = arith.addf %select_n3A_847, %gather3A_864 : vector<16xf32>
        %select_n3A_880 = arith.select %ne3A_866, %gather3A_864, %add3A_879 : vector<16xi1>, vector<16xf32>
        %add3A_881 = arith.addf %select_n3A_849, %gather3A_865 : vector<16xf32>
        %select_n3A_882 = arith.select %ne3A_866, %gather3A_865, %add3A_881 : vector<16xi1>, vector<16xf32>
        %add3A_883 = arith.constant 1.000000e+00 : f32
        %add3A_884 = vector.broadcast %add3A_883 : f32 to vector<16xf32>
        %add3A_885 = arith.addf %select_n3A_855, %add3A_884 : vector<16xf32>
        %jit3A_886 = arith.constant 1.000000e+00 : f32
        %broadcast_in_dim3A_887 = vector.broadcast %jit3A_886 : f32 to vector<16xf32>
        %select_n3A_888 = arith.select %ne3A_866, %broadcast_in_dim3A_887, %add3A_885 : vector<16xi1>, vector<16xf32>
        %mul3A_889 = arith.constant 25 : i32
        %mul3A_890 = arith.muli %scan3A_161, %mul3A_889 : i32
        %add3A_891 = arith.constant 22 : i32
        %add3A_892 = arith.addi %mul3A_890, %add3A_891 : i32
        %add3A_893 = vector.broadcast %add3A_892 : i32 to vector<16xi32>
        %add3A_894 = arith.addi %mul3A_3, %add3A_893 : vector<16xi32>
        %gather3A_895 = tpu.vector_load_idx %arg9[%add3A_894] : memref<4000xi32, #tpu.memory_space<vmem>>[vector<16xi32>], vector<16xi32>,
        %gather3A_896 = tpu.vector_load_idx %arg10[%add3A_894] : memref<4000xf32, #tpu.memory_space<vmem>>[vector<16xi32>], vector<16xf32>,
        %gather3A_897 = tpu.vector_load_idx %arg11[%add3A_894] : memref<4000xf32, #tpu.memory_space<vmem>>[vector<16xi32>], vector<16xf32>,
        %gather3A_898 = tpu.vector_load_idx %arg12[%add3A_894] : memref<4000xf32, #tpu.memory_space<vmem>>[vector<16xi32>], vector<16xf32>,
        %ne3A_899 = arith.cmpi ne, %gather3A_895, %gather3A_862 : vector<16xi32>
        %add3A_900 = arith.addi %mul3A_6, %gather3A_862 : vector<16xi32>
        tpu.vector_store_idx %arg7[%add3A_900], %select_n3A_878 masked %ne3A_899 {add = true} : memref<65536xf32, #tpu.memory_space<vmem>>[vector<16xi32>], vector<16xf32>, vector<16xi1>
        %add3A_901 = arith.constant 1024 : i32
        %add3A_902 = vector.broadcast %add3A_901 : i32 to vector<16xi32>
        %add3A_903 = arith.addi %add3A_900, %add3A_902 : vector<16xi32>
        tpu.vector_store_idx %arg7[%add3A_903], %select_n3A_880 masked %ne3A_899 {add = true} : memref<65536xf32, #tpu.memory_space<vmem>>[vector<16xi32>], vector<16xf32>, vector<16xi1>
        %add3A_904 = arith.constant 2048 : i32
        %add3A_905 = vector.broadcast %add3A_904 : i32 to vector<16xi32>
        %add3A_906 = arith.addi %add3A_900, %add3A_905 : vector<16xi32>
        tpu.vector_store_idx %arg7[%add3A_906], %select_n3A_882 masked %ne3A_899 {add = true} : memref<65536xf32, #tpu.memory_space<vmem>>[vector<16xi32>], vector<16xf32>, vector<16xi1>
        %add3A_907 = arith.constant 3072 : i32
        %add3A_908 = vector.broadcast %add3A_907 : i32 to vector<16xi32>
        %add3A_909 = arith.addi %add3A_900, %add3A_908 : vector<16xi32>
        tpu.vector_store_idx %arg7[%add3A_909], %select_n3A_888 masked %ne3A_899 {add = true} : memref<65536xf32, #tpu.memory_space<vmem>>[vector<16xi32>], vector<16xf32>, vector<16xi1>
        %add3A_910 = arith.addf %select_n3A_878, %gather3A_896 : vector<16xf32>
        %select_n3A_911 = arith.select %ne3A_899, %gather3A_896, %add3A_910 : vector<16xi1>, vector<16xf32>
        %add3A_912 = arith.addf %select_n3A_880, %gather3A_897 : vector<16xf32>
        %select_n3A_913 = arith.select %ne3A_899, %gather3A_897, %add3A_912 : vector<16xi1>, vector<16xf32>
        %add3A_914 = arith.addf %select_n3A_882, %gather3A_898 : vector<16xf32>
        %select_n3A_915 = arith.select %ne3A_899, %gather3A_898, %add3A_914 : vector<16xi1>, vector<16xf32>
        %add3A_916 = arith.constant 1.000000e+00 : f32
        %add3A_917 = vector.broadcast %add3A_916 : f32 to vector<16xf32>
        %add3A_918 = arith.addf %select_n3A_888, %add3A_917 : vector<16xf32>
        %jit3A_919 = arith.constant 1.000000e+00 : f32
        %broadcast_in_dim3A_920 = vector.broadcast %jit3A_919 : f32 to vector<16xf32>
        %select_n3A_921 = arith.select %ne3A_899, %broadcast_in_dim3A_920, %add3A_918 : vector<16xi1>, vector<16xf32>
        %mul3A_922 = arith.constant 25 : i32
        %mul3A_923 = arith.muli %scan3A_161, %mul3A_922 : i32
        %add3A_924 = arith.constant 23 : i32
        %add3A_925 = arith.addi %mul3A_923, %add3A_924 : i32
        %add3A_926 = vector.broadcast %add3A_925 : i32 to vector<16xi32>
        %add3A_927 = arith.addi %mul3A_3, %add3A_926 : vector<16xi32>
        %gather3A_928 = tpu.vector_load_idx %arg9[%add3A_927] : memref<4000xi32, #tpu.memory_space<vmem>>[vector<16xi32>], vector<16xi32>,
        %gather3A_929 = tpu.vector_load_idx %arg10[%add3A_927] : memref<4000xf32, #tpu.memory_space<vmem>>[vector<16xi32>], vector<16xf32>,
        %gather3A_930 = tpu.vector_load_idx %arg11[%add3A_927] : memref<4000xf32, #tpu.memory_space<vmem>>[vector<16xi32>], vector<16xf32>,
        %gather3A_931 = tpu.vector_load_idx %arg12[%add3A_927] : memref<4000xf32, #tpu.memory_space<vmem>>[vector<16xi32>], vector<16xf32>,
        %ne3A_932 = arith.cmpi ne, %gather3A_928, %gather3A_895 : vector<16xi32>
        %add3A_933 = arith.addi %mul3A_6, %gather3A_895 : vector<16xi32>
        tpu.vector_store_idx %arg7[%add3A_933], %select_n3A_911 masked %ne3A_932 {add = true} : memref<65536xf32, #tpu.memory_space<vmem>>[vector<16xi32>], vector<16xf32>, vector<16xi1>
        %add3A_934 = arith.constant 1024 : i32
        %add3A_935 = vector.broadcast %add3A_934 : i32 to vector<16xi32>
        %add3A_936 = arith.addi %add3A_933, %add3A_935 : vector<16xi32>
        tpu.vector_store_idx %arg7[%add3A_936], %select_n3A_913 masked %ne3A_932 {add = true} : memref<65536xf32, #tpu.memory_space<vmem>>[vector<16xi32>], vector<16xf32>, vector<16xi1>
        %add3A_937 = arith.constant 2048 : i32
        %add3A_938 = vector.broadcast %add3A_937 : i32 to vector<16xi32>
        %add3A_939 = arith.addi %add3A_933, %add3A_938 : vector<16xi32>
        tpu.vector_store_idx %arg7[%add3A_939], %select_n3A_915 masked %ne3A_932 {add = true} : memref<65536xf32, #tpu.memory_space<vmem>>[vector<16xi32>], vector<16xf32>, vector<16xi1>
        %add3A_940 = arith.constant 3072 : i32
        %add3A_941 = vector.broadcast %add3A_940 : i32 to vector<16xi32>
        %add3A_942 = arith.addi %add3A_933, %add3A_941 : vector<16xi32>
        tpu.vector_store_idx %arg7[%add3A_942], %select_n3A_921 masked %ne3A_932 {add = true} : memref<65536xf32, #tpu.memory_space<vmem>>[vector<16xi32>], vector<16xf32>, vector<16xi1>
        %add3A_943 = arith.addf %select_n3A_911, %gather3A_929 : vector<16xf32>
        %select_n3A_944 = arith.select %ne3A_932, %gather3A_929, %add3A_943 : vector<16xi1>, vector<16xf32>
        %add3A_945 = arith.addf %select_n3A_913, %gather3A_930 : vector<16xf32>
        %select_n3A_946 = arith.select %ne3A_932, %gather3A_930, %add3A_945 : vector<16xi1>, vector<16xf32>
        %add3A_947 = arith.addf %select_n3A_915, %gather3A_931 : vector<16xf32>
        %select_n3A_948 = arith.select %ne3A_932, %gather3A_931, %add3A_947 : vector<16xi1>, vector<16xf32>
        %add3A_949 = arith.constant 1.000000e+00 : f32
        %add3A_950 = vector.broadcast %add3A_949 : f32 to vector<16xf32>
        %add3A_951 = arith.addf %select_n3A_921, %add3A_950 : vector<16xf32>
        %jit3A_952 = arith.constant 1.000000e+00 : f32
        %broadcast_in_dim3A_953 = vector.broadcast %jit3A_952 : f32 to vector<16xf32>
        %select_n3A_954 = arith.select %ne3A_932, %broadcast_in_dim3A_953, %add3A_951 : vector<16xi1>, vector<16xf32>
        %mul3A_955 = arith.constant 25 : i32
        %mul3A_956 = arith.muli %scan3A_161, %mul3A_955 : i32
        %add3A_957 = arith.constant 24 : i32
        %add3A_958 = arith.addi %mul3A_956, %add3A_957 : i32
        %add3A_959 = vector.broadcast %add3A_958 : i32 to vector<16xi32>
        %add3A_960 = arith.addi %mul3A_3, %add3A_959 : vector<16xi32>
        %gather3A_961 = tpu.vector_load_idx %arg9[%add3A_960] : memref<4000xi32, #tpu.memory_space<vmem>>[vector<16xi32>], vector<16xi32>,
        %gather3A_962 = tpu.vector_load_idx %arg10[%add3A_960] : memref<4000xf32, #tpu.memory_space<vmem>>[vector<16xi32>], vector<16xf32>,
        %gather3A_963 = tpu.vector_load_idx %arg11[%add3A_960] : memref<4000xf32, #tpu.memory_space<vmem>>[vector<16xi32>], vector<16xf32>,
        %gather3A_964 = tpu.vector_load_idx %arg12[%add3A_960] : memref<4000xf32, #tpu.memory_space<vmem>>[vector<16xi32>], vector<16xf32>,
        %ne3A_965 = arith.cmpi ne, %gather3A_961, %gather3A_928 : vector<16xi32>
        %add3A_966 = arith.addi %mul3A_6, %gather3A_928 : vector<16xi32>
        tpu.vector_store_idx %arg7[%add3A_966], %select_n3A_944 masked %ne3A_965 {add = true} : memref<65536xf32, #tpu.memory_space<vmem>>[vector<16xi32>], vector<16xf32>, vector<16xi1>
        %add3A_967 = arith.constant 1024 : i32
        %add3A_968 = vector.broadcast %add3A_967 : i32 to vector<16xi32>
        %add3A_969 = arith.addi %add3A_966, %add3A_968 : vector<16xi32>
        tpu.vector_store_idx %arg7[%add3A_969], %select_n3A_946 masked %ne3A_965 {add = true} : memref<65536xf32, #tpu.memory_space<vmem>>[vector<16xi32>], vector<16xf32>, vector<16xi1>
        %add3A_970 = arith.constant 2048 : i32
        %add3A_971 = vector.broadcast %add3A_970 : i32 to vector<16xi32>
        %add3A_972 = arith.addi %add3A_966, %add3A_971 : vector<16xi32>
        tpu.vector_store_idx %arg7[%add3A_972], %select_n3A_948 masked %ne3A_965 {add = true} : memref<65536xf32, #tpu.memory_space<vmem>>[vector<16xi32>], vector<16xf32>, vector<16xi1>
        %add3A_973 = arith.constant 3072 : i32
        %add3A_974 = vector.broadcast %add3A_973 : i32 to vector<16xi32>
        %add3A_975 = arith.addi %add3A_966, %add3A_974 : vector<16xi32>
        tpu.vector_store_idx %arg7[%add3A_975], %select_n3A_954 masked %ne3A_965 {add = true} : memref<65536xf32, #tpu.memory_space<vmem>>[vector<16xi32>], vector<16xf32>, vector<16xi1>
        %add3A_976 = arith.addf %select_n3A_944, %gather3A_962 : vector<16xf32>
        %select_n3A_977 = arith.select %ne3A_965, %gather3A_962, %add3A_976 : vector<16xi1>, vector<16xf32>
        %add3A_978 = arith.addf %select_n3A_946, %gather3A_963 : vector<16xf32>
        %select_n3A_979 = arith.select %ne3A_965, %gather3A_963, %add3A_978 : vector<16xi1>, vector<16xf32>
        %add3A_980 = arith.addf %select_n3A_948, %gather3A_964 : vector<16xf32>
        %select_n3A_981 = arith.select %ne3A_965, %gather3A_964, %add3A_980 : vector<16xi1>, vector<16xf32>
        %add3A_982 = arith.constant 1.000000e+00 : f32
        %add3A_983 = vector.broadcast %add3A_982 : f32 to vector<16xf32>
        %add3A_984 = arith.addf %select_n3A_954, %add3A_983 : vector<16xf32>
        %jit3A_985 = arith.constant 1.000000e+00 : f32
        %broadcast_in_dim3A_986 = vector.broadcast %jit3A_985 : f32 to vector<16xf32>
        %select_n3A_987 = arith.select %ne3A_965, %broadcast_in_dim3A_986, %add3A_984 : vector<16xi1>, vector<16xf32>
        scf.yield %gather3A_961, %select_n3A_977, %select_n3A_979, %select_n3A_981, %select_n3A_987 : vector<16xi32>, vector<16xf32>, vector<16xf32>, vector<16xf32>, vector<16xf32>
      }
      %scan3A_123 = arith.constant 10 : i32
      %add3A_124 = arith.constant 2 : i32
      %add3A_125 = arith.addi %add3A_102, %add3A_124 : i32
      %lt3A = arith.constant 50 : i32
      %lt3A_126 = arith.cmpi slt, %add3A_125, %lt3A : i32
      %convert_element_type3A = arith.extui %lt3A_126 : i1 to i32
      %cond3A = arith.constant 0 : i32
      %cond3A_127 = arith.cmpi ne, %convert_element_type3A, %cond3A : i32
      scf.if %cond3A_127 {
        %add3A_161 = arith.constant 2 : i32
        %add3A_162 = arith.addi %add3A_102, %add3A_161 : i32
        %mul3A_163 = arith.constant 4000 : i32
        %mul3A_164 = arith.muli %add3A_162, %mul3A_163 : i32
        %add3A_165 = arith.addi %mul3A_13, %mul3A_164 : i32
        %add3A_166 = arith.constant 0 : i32
        %add3A_167 = arith.addi %add3A_166, %mul3A_13 : i32
        %mul3A_168 = arith.constant 4000 : i32
        %mul3A_169 = arith.muli %add3A_162, %mul3A_168 : i32
        %add3A_170 = arith.addi %add3A_167, %mul3A_169 : i32
        %dma_start3A_171 = tpu.memref_slice %arg5[%add3A_170] : memref<6400000xi32, #tpu.memory_space<hbm>> -> memref<4000xi32, #tpu.memory_space<hbm>>
        %dma_start3A_172 = tpu.memref_slice %arg5[%add3A_170] : memref<6400000xi32, #tpu.memory_space<hbm>> -> memref<4000xi32, #tpu.memory_space<hbm>>
        tpu.enqueue_dma source(%dma_start3A_172 : memref<4000xi32, #tpu.memory_space<hbm>>) target(%arg9 : memref<4000xi32, #tpu.memory_space<vmem>>) target_semaphore(%arg17 : memref<!tpu.dma_semaphore, #tpu.memory_space<semaphore_mem>>)
        %dma_start3A_173 = tpu.memref_slice %arg2[%add3A_165] : memref<6400000xf32, #tpu.memory_space<hbm>> -> memref<4000xf32, #tpu.memory_space<hbm>>
        %dma_start3A_174 = tpu.memref_slice %arg2[%add3A_165] : memref<6400000xf32, #tpu.memory_space<hbm>> -> memref<4000xf32, #tpu.memory_space<hbm>>
        tpu.enqueue_dma source(%dma_start3A_174 : memref<4000xf32, #tpu.memory_space<hbm>>) target(%arg10 : memref<4000xf32, #tpu.memory_space<vmem>>) target_semaphore(%arg17 : memref<!tpu.dma_semaphore, #tpu.memory_space<semaphore_mem>>)
        %dma_start3A_175 = tpu.memref_slice %arg3[%add3A_165] : memref<6400000xf32, #tpu.memory_space<hbm>> -> memref<4000xf32, #tpu.memory_space<hbm>>
        %dma_start3A_176 = tpu.memref_slice %arg3[%add3A_165] : memref<6400000xf32, #tpu.memory_space<hbm>> -> memref<4000xf32, #tpu.memory_space<hbm>>
        tpu.enqueue_dma source(%dma_start3A_176 : memref<4000xf32, #tpu.memory_space<hbm>>) target(%arg11 : memref<4000xf32, #tpu.memory_space<vmem>>) target_semaphore(%arg17 : memref<!tpu.dma_semaphore, #tpu.memory_space<semaphore_mem>>)
        %dma_start3A_177 = tpu.memref_slice %arg4[%add3A_165] : memref<6400000xf32, #tpu.memory_space<hbm>> -> memref<4000xf32, #tpu.memory_space<hbm>>
        %dma_start3A_178 = tpu.memref_slice %arg4[%add3A_165] : memref<6400000xf32, #tpu.memory_space<hbm>> -> memref<4000xf32, #tpu.memory_space<hbm>>
        tpu.enqueue_dma source(%dma_start3A_178 : memref<4000xf32, #tpu.memory_space<hbm>>) target(%arg12 : memref<4000xf32, #tpu.memory_space<vmem>>) target_semaphore(%arg17 : memref<!tpu.dma_semaphore, #tpu.memory_space<semaphore_mem>>)
      } else {
      }
      %mul3A_128 = arith.constant 2 : i32
      %mul3A_129 = arith.muli %mul3A_128, %scan3A_93 : i32
      %add3A_130 = arith.constant 1 : i32
      %add3A_131 = arith.addi %mul3A_129, %add3A_130 : i32
      %dma_wait3A_132 = arith.constant 0 : i32
      %dma_wait3A_133 = tpu.memref_slice %arg5[%dma_wait3A_132] : memref<6400000xi32, #tpu.memory_space<hbm>> -> memref<4000xi32, #tpu.memory_space<hbm>>
      %dma_wait3A_134 = arith.constant 0 : i32
      %dma_wait3A_135 = tpu.memref_slice %arg5[%dma_wait3A_134] : memref<6400000xi32, #tpu.memory_space<hbm>> -> memref<4000xi32, #tpu.memory_space<hbm>>
      tpu.wait_dma2 semaphore(%arg18 : memref<!tpu.dma_semaphore, #tpu.memory_space<semaphore_mem>>) src(%dma_wait3A_135 : memref<4000xi32, #tpu.memory_space<hbm>>) dst(%arg13 : memref<4000xi32, #tpu.memory_space<vmem>>)
      %dma_wait3A_136 = arith.constant 0 : i32
      %dma_wait3A_137 = tpu.memref_slice %arg2[%dma_wait3A_136] : memref<6400000xf32, #tpu.memory_space<hbm>> -> memref<4000xf32, #tpu.memory_space<hbm>>
      %dma_wait3A_138 = arith.constant 0 : i32
      %dma_wait3A_139 = tpu.memref_slice %arg2[%dma_wait3A_138] : memref<6400000xf32, #tpu.memory_space<hbm>> -> memref<4000xf32, #tpu.memory_space<hbm>>
      tpu.wait_dma2 semaphore(%arg18 : memref<!tpu.dma_semaphore, #tpu.memory_space<semaphore_mem>>) src(%dma_wait3A_139 : memref<4000xf32, #tpu.memory_space<hbm>>) dst(%arg14 : memref<4000xf32, #tpu.memory_space<vmem>>)
      %dma_wait3A_140 = arith.constant 0 : i32
      %dma_wait3A_141 = tpu.memref_slice %arg3[%dma_wait3A_140] : memref<6400000xf32, #tpu.memory_space<hbm>> -> memref<4000xf32, #tpu.memory_space<hbm>>
      %dma_wait3A_142 = arith.constant 0 : i32
      %dma_wait3A_143 = tpu.memref_slice %arg3[%dma_wait3A_142] : memref<6400000xf32, #tpu.memory_space<hbm>> -> memref<4000xf32, #tpu.memory_space<hbm>>
      tpu.wait_dma2 semaphore(%arg18 : memref<!tpu.dma_semaphore, #tpu.memory_space<semaphore_mem>>) src(%dma_wait3A_143 : memref<4000xf32, #tpu.memory_space<hbm>>) dst(%arg15 : memref<4000xf32, #tpu.memory_space<vmem>>)
      %dma_wait3A_144 = arith.constant 0 : i32
      %dma_wait3A_145 = tpu.memref_slice %arg4[%dma_wait3A_144] : memref<6400000xf32, #tpu.memory_space<hbm>> -> memref<4000xf32, #tpu.memory_space<hbm>>
      %dma_wait3A_146 = arith.constant 0 : i32
      %dma_wait3A_147 = tpu.memref_slice %arg4[%dma_wait3A_146] : memref<6400000xf32, #tpu.memory_space<hbm>> -> memref<4000xf32, #tpu.memory_space<hbm>>
      tpu.wait_dma2 semaphore(%arg18 : memref<!tpu.dma_semaphore, #tpu.memory_space<semaphore_mem>>) src(%dma_wait3A_147 : memref<4000xf32, #tpu.memory_space<hbm>>) dst(%arg16 : memref<4000xf32, #tpu.memory_space<vmem>>)
      %scan3A_148 = arith.constant 0 : i32
      %scan3A_149 = arith.constant 10 : i32
      %scan3A_150 = arith.addi %scan3A_148, %scan3A_149 : i32
      %scan3A_151 = arith.constant 1 : i32
      %scan3A_152:5 = scf.for %scan3A_161 = %scan3A_148 to %scan3A_150 step %scan3A_151 iter_args(%scan3A_162 = %scan3A_122#0, %scan3A_163 = %scan3A_122#1, %scan3A_164 = %scan3A_122#2, %scan3A_165 = %scan3A_122#3, %scan3A_166 = %scan3A_122#4) -> (vector<16xi32>, vector<16xf32>, vector<16xf32>, vector<16xf32>, vector<16xf32>)  : i32 {
        %mul3A_167 = arith.constant 25 : i32
        %mul3A_168 = arith.muli %scan3A_161, %mul3A_167 : i32
        %add3A_169 = arith.constant 0 : i32
        %add3A_170 = arith.addi %mul3A_168, %add3A_169 : i32
        %add3A_171 = vector.broadcast %add3A_170 : i32 to vector<16xi32>
        %add3A_172 = arith.addi %mul3A_3, %add3A_171 : vector<16xi32>
        %gather3A = tpu.vector_load_idx %arg13[%add3A_172] : memref<4000xi32, #tpu.memory_space<vmem>>[vector<16xi32>], vector<16xi32>,
        %gather3A_173 = tpu.vector_load_idx %arg14[%add3A_172] : memref<4000xf32, #tpu.memory_space<vmem>>[vector<16xi32>], vector<16xf32>,
        %gather3A_174 = tpu.vector_load_idx %arg15[%add3A_172] : memref<4000xf32, #tpu.memory_space<vmem>>[vector<16xi32>], vector<16xf32>,
        %gather3A_175 = tpu.vector_load_idx %arg16[%add3A_172] : memref<4000xf32, #tpu.memory_space<vmem>>[vector<16xi32>], vector<16xf32>,
        %ne3A = arith.cmpi ne, %gather3A, %scan3A_162 : vector<16xi32>
        %add3A_176 = arith.addi %mul3A_6, %scan3A_162 : vector<16xi32>
        tpu.vector_store_idx %arg7[%add3A_176], %scan3A_163 masked %ne3A {add = true} : memref<65536xf32, #tpu.memory_space<vmem>>[vector<16xi32>], vector<16xf32>, vector<16xi1>
        %add3A_177 = arith.constant 1024 : i32
        %add3A_178 = vector.broadcast %add3A_177 : i32 to vector<16xi32>
        %add3A_179 = arith.addi %add3A_176, %add3A_178 : vector<16xi32>
        tpu.vector_store_idx %arg7[%add3A_179], %scan3A_164 masked %ne3A {add = true} : memref<65536xf32, #tpu.memory_space<vmem>>[vector<16xi32>], vector<16xf32>, vector<16xi1>
        %add3A_180 = arith.constant 2048 : i32
        %add3A_181 = vector.broadcast %add3A_180 : i32 to vector<16xi32>
        %add3A_182 = arith.addi %add3A_176, %add3A_181 : vector<16xi32>
        tpu.vector_store_idx %arg7[%add3A_182], %scan3A_165 masked %ne3A {add = true} : memref<65536xf32, #tpu.memory_space<vmem>>[vector<16xi32>], vector<16xf32>, vector<16xi1>
        %add3A_183 = arith.constant 3072 : i32
        %add3A_184 = vector.broadcast %add3A_183 : i32 to vector<16xi32>
        %add3A_185 = arith.addi %add3A_176, %add3A_184 : vector<16xi32>
        tpu.vector_store_idx %arg7[%add3A_185], %scan3A_166 masked %ne3A {add = true} : memref<65536xf32, #tpu.memory_space<vmem>>[vector<16xi32>], vector<16xf32>, vector<16xi1>
        %add3A_186 = arith.addf %scan3A_163, %gather3A_173 : vector<16xf32>
        %select_n3A = arith.select %ne3A, %gather3A_173, %add3A_186 : vector<16xi1>, vector<16xf32>
        %add3A_187 = arith.addf %scan3A_164, %gather3A_174 : vector<16xf32>
        %select_n3A_188 = arith.select %ne3A, %gather3A_174, %add3A_187 : vector<16xi1>, vector<16xf32>
        %add3A_189 = arith.addf %scan3A_165, %gather3A_175 : vector<16xf32>
        %select_n3A_190 = arith.select %ne3A, %gather3A_175, %add3A_189 : vector<16xi1>, vector<16xf32>
        %add3A_191 = arith.constant 1.000000e+00 : f32
        %add3A_192 = vector.broadcast %add3A_191 : f32 to vector<16xf32>
        %add3A_193 = arith.addf %scan3A_166, %add3A_192 : vector<16xf32>
        %jit3A = arith.constant 1.000000e+00 : f32
        %broadcast_in_dim3A_194 = vector.broadcast %jit3A : f32 to vector<16xf32>
        %select_n3A_195 = arith.select %ne3A, %broadcast_in_dim3A_194, %add3A_193 : vector<16xi1>, vector<16xf32>
        %mul3A_196 = arith.constant 25 : i32
        %mul3A_197 = arith.muli %scan3A_161, %mul3A_196 : i32
        %add3A_198 = arith.constant 1 : i32
        %add3A_199 = arith.addi %mul3A_197, %add3A_198 : i32
        %add3A_200 = vector.broadcast %add3A_199 : i32 to vector<16xi32>
        %add3A_201 = arith.addi %mul3A_3, %add3A_200 : vector<16xi32>
        %gather3A_202 = tpu.vector_load_idx %arg13[%add3A_201] : memref<4000xi32, #tpu.memory_space<vmem>>[vector<16xi32>], vector<16xi32>,
        %gather3A_203 = tpu.vector_load_idx %arg14[%add3A_201] : memref<4000xf32, #tpu.memory_space<vmem>>[vector<16xi32>], vector<16xf32>,
        %gather3A_204 = tpu.vector_load_idx %arg15[%add3A_201] : memref<4000xf32, #tpu.memory_space<vmem>>[vector<16xi32>], vector<16xf32>,
        %gather3A_205 = tpu.vector_load_idx %arg16[%add3A_201] : memref<4000xf32, #tpu.memory_space<vmem>>[vector<16xi32>], vector<16xf32>,
        %ne3A_206 = arith.cmpi ne, %gather3A_202, %gather3A : vector<16xi32>
        %add3A_207 = arith.addi %mul3A_6, %gather3A : vector<16xi32>
        tpu.vector_store_idx %arg7[%add3A_207], %select_n3A masked %ne3A_206 {add = true} : memref<65536xf32, #tpu.memory_space<vmem>>[vector<16xi32>], vector<16xf32>, vector<16xi1>
        %add3A_208 = arith.constant 1024 : i32
        %add3A_209 = vector.broadcast %add3A_208 : i32 to vector<16xi32>
        %add3A_210 = arith.addi %add3A_207, %add3A_209 : vector<16xi32>
        tpu.vector_store_idx %arg7[%add3A_210], %select_n3A_188 masked %ne3A_206 {add = true} : memref<65536xf32, #tpu.memory_space<vmem>>[vector<16xi32>], vector<16xf32>, vector<16xi1>
        %add3A_211 = arith.constant 2048 : i32
        %add3A_212 = vector.broadcast %add3A_211 : i32 to vector<16xi32>
        %add3A_213 = arith.addi %add3A_207, %add3A_212 : vector<16xi32>
        tpu.vector_store_idx %arg7[%add3A_213], %select_n3A_190 masked %ne3A_206 {add = true} : memref<65536xf32, #tpu.memory_space<vmem>>[vector<16xi32>], vector<16xf32>, vector<16xi1>
        %add3A_214 = arith.constant 3072 : i32
        %add3A_215 = vector.broadcast %add3A_214 : i32 to vector<16xi32>
        %add3A_216 = arith.addi %add3A_207, %add3A_215 : vector<16xi32>
        tpu.vector_store_idx %arg7[%add3A_216], %select_n3A_195 masked %ne3A_206 {add = true} : memref<65536xf32, #tpu.memory_space<vmem>>[vector<16xi32>], vector<16xf32>, vector<16xi1>
        %add3A_217 = arith.addf %select_n3A, %gather3A_203 : vector<16xf32>
        %select_n3A_218 = arith.select %ne3A_206, %gather3A_203, %add3A_217 : vector<16xi1>, vector<16xf32>
        %add3A_219 = arith.addf %select_n3A_188, %gather3A_204 : vector<16xf32>
        %select_n3A_220 = arith.select %ne3A_206, %gather3A_204, %add3A_219 : vector<16xi1>, vector<16xf32>
        %add3A_221 = arith.addf %select_n3A_190, %gather3A_205 : vector<16xf32>
        %select_n3A_222 = arith.select %ne3A_206, %gather3A_205, %add3A_221 : vector<16xi1>, vector<16xf32>
        %add3A_223 = arith.constant 1.000000e+00 : f32
        %add3A_224 = vector.broadcast %add3A_223 : f32 to vector<16xf32>
        %add3A_225 = arith.addf %select_n3A_195, %add3A_224 : vector<16xf32>
        %jit3A_226 = arith.constant 1.000000e+00 : f32
        %broadcast_in_dim3A_227 = vector.broadcast %jit3A_226 : f32 to vector<16xf32>
        %select_n3A_228 = arith.select %ne3A_206, %broadcast_in_dim3A_227, %add3A_225 : vector<16xi1>, vector<16xf32>
        %mul3A_229 = arith.constant 25 : i32
        %mul3A_230 = arith.muli %scan3A_161, %mul3A_229 : i32
        %add3A_231 = arith.constant 2 : i32
        %add3A_232 = arith.addi %mul3A_230, %add3A_231 : i32
        %add3A_233 = vector.broadcast %add3A_232 : i32 to vector<16xi32>
        %add3A_234 = arith.addi %mul3A_3, %add3A_233 : vector<16xi32>
        %gather3A_235 = tpu.vector_load_idx %arg13[%add3A_234] : memref<4000xi32, #tpu.memory_space<vmem>>[vector<16xi32>], vector<16xi32>,
        %gather3A_236 = tpu.vector_load_idx %arg14[%add3A_234] : memref<4000xf32, #tpu.memory_space<vmem>>[vector<16xi32>], vector<16xf32>,
        %gather3A_237 = tpu.vector_load_idx %arg15[%add3A_234] : memref<4000xf32, #tpu.memory_space<vmem>>[vector<16xi32>], vector<16xf32>,
        %gather3A_238 = tpu.vector_load_idx %arg16[%add3A_234] : memref<4000xf32, #tpu.memory_space<vmem>>[vector<16xi32>], vector<16xf32>,
        %ne3A_239 = arith.cmpi ne, %gather3A_235, %gather3A_202 : vector<16xi32>
        %add3A_240 = arith.addi %mul3A_6, %gather3A_202 : vector<16xi32>
        tpu.vector_store_idx %arg7[%add3A_240], %select_n3A_218 masked %ne3A_239 {add = true} : memref<65536xf32, #tpu.memory_space<vmem>>[vector<16xi32>], vector<16xf32>, vector<16xi1>
        %add3A_241 = arith.constant 1024 : i32
        %add3A_242 = vector.broadcast %add3A_241 : i32 to vector<16xi32>
        %add3A_243 = arith.addi %add3A_240, %add3A_242 : vector<16xi32>
        tpu.vector_store_idx %arg7[%add3A_243], %select_n3A_220 masked %ne3A_239 {add = true} : memref<65536xf32, #tpu.memory_space<vmem>>[vector<16xi32>], vector<16xf32>, vector<16xi1>
        %add3A_244 = arith.constant 2048 : i32
        %add3A_245 = vector.broadcast %add3A_244 : i32 to vector<16xi32>
        %add3A_246 = arith.addi %add3A_240, %add3A_245 : vector<16xi32>
        tpu.vector_store_idx %arg7[%add3A_246], %select_n3A_222 masked %ne3A_239 {add = true} : memref<65536xf32, #tpu.memory_space<vmem>>[vector<16xi32>], vector<16xf32>, vector<16xi1>
        %add3A_247 = arith.constant 3072 : i32
        %add3A_248 = vector.broadcast %add3A_247 : i32 to vector<16xi32>
        %add3A_249 = arith.addi %add3A_240, %add3A_248 : vector<16xi32>
        tpu.vector_store_idx %arg7[%add3A_249], %select_n3A_228 masked %ne3A_239 {add = true} : memref<65536xf32, #tpu.memory_space<vmem>>[vector<16xi32>], vector<16xf32>, vector<16xi1>
        %add3A_250 = arith.addf %select_n3A_218, %gather3A_236 : vector<16xf32>
        %select_n3A_251 = arith.select %ne3A_239, %gather3A_236, %add3A_250 : vector<16xi1>, vector<16xf32>
        %add3A_252 = arith.addf %select_n3A_220, %gather3A_237 : vector<16xf32>
        %select_n3A_253 = arith.select %ne3A_239, %gather3A_237, %add3A_252 : vector<16xi1>, vector<16xf32>
        %add3A_254 = arith.addf %select_n3A_222, %gather3A_238 : vector<16xf32>
        %select_n3A_255 = arith.select %ne3A_239, %gather3A_238, %add3A_254 : vector<16xi1>, vector<16xf32>
        %add3A_256 = arith.constant 1.000000e+00 : f32
        %add3A_257 = vector.broadcast %add3A_256 : f32 to vector<16xf32>
        %add3A_258 = arith.addf %select_n3A_228, %add3A_257 : vector<16xf32>
        %jit3A_259 = arith.constant 1.000000e+00 : f32
        %broadcast_in_dim3A_260 = vector.broadcast %jit3A_259 : f32 to vector<16xf32>
        %select_n3A_261 = arith.select %ne3A_239, %broadcast_in_dim3A_260, %add3A_258 : vector<16xi1>, vector<16xf32>
        %mul3A_262 = arith.constant 25 : i32
        %mul3A_263 = arith.muli %scan3A_161, %mul3A_262 : i32
        %add3A_264 = arith.constant 3 : i32
        %add3A_265 = arith.addi %mul3A_263, %add3A_264 : i32
        %add3A_266 = vector.broadcast %add3A_265 : i32 to vector<16xi32>
        %add3A_267 = arith.addi %mul3A_3, %add3A_266 : vector<16xi32>
        %gather3A_268 = tpu.vector_load_idx %arg13[%add3A_267] : memref<4000xi32, #tpu.memory_space<vmem>>[vector<16xi32>], vector<16xi32>,
        %gather3A_269 = tpu.vector_load_idx %arg14[%add3A_267] : memref<4000xf32, #tpu.memory_space<vmem>>[vector<16xi32>], vector<16xf32>,
        %gather3A_270 = tpu.vector_load_idx %arg15[%add3A_267] : memref<4000xf32, #tpu.memory_space<vmem>>[vector<16xi32>], vector<16xf32>,
        %gather3A_271 = tpu.vector_load_idx %arg16[%add3A_267] : memref<4000xf32, #tpu.memory_space<vmem>>[vector<16xi32>], vector<16xf32>,
        %ne3A_272 = arith.cmpi ne, %gather3A_268, %gather3A_235 : vector<16xi32>
        %add3A_273 = arith.addi %mul3A_6, %gather3A_235 : vector<16xi32>
        tpu.vector_store_idx %arg7[%add3A_273], %select_n3A_251 masked %ne3A_272 {add = true} : memref<65536xf32, #tpu.memory_space<vmem>>[vector<16xi32>], vector<16xf32>, vector<16xi1>
        %add3A_274 = arith.constant 1024 : i32
        %add3A_275 = vector.broadcast %add3A_274 : i32 to vector<16xi32>
        %add3A_276 = arith.addi %add3A_273, %add3A_275 : vector<16xi32>
        tpu.vector_store_idx %arg7[%add3A_276], %select_n3A_253 masked %ne3A_272 {add = true} : memref<65536xf32, #tpu.memory_space<vmem>>[vector<16xi32>], vector<16xf32>, vector<16xi1>
        %add3A_277 = arith.constant 2048 : i32
        %add3A_278 = vector.broadcast %add3A_277 : i32 to vector<16xi32>
        %add3A_279 = arith.addi %add3A_273, %add3A_278 : vector<16xi32>
        tpu.vector_store_idx %arg7[%add3A_279], %select_n3A_255 masked %ne3A_272 {add = true} : memref<65536xf32, #tpu.memory_space<vmem>>[vector<16xi32>], vector<16xf32>, vector<16xi1>
        %add3A_280 = arith.constant 3072 : i32
        %add3A_281 = vector.broadcast %add3A_280 : i32 to vector<16xi32>
        %add3A_282 = arith.addi %add3A_273, %add3A_281 : vector<16xi32>
        tpu.vector_store_idx %arg7[%add3A_282], %select_n3A_261 masked %ne3A_272 {add = true} : memref<65536xf32, #tpu.memory_space<vmem>>[vector<16xi32>], vector<16xf32>, vector<16xi1>
        %add3A_283 = arith.addf %select_n3A_251, %gather3A_269 : vector<16xf32>
        %select_n3A_284 = arith.select %ne3A_272, %gather3A_269, %add3A_283 : vector<16xi1>, vector<16xf32>
        %add3A_285 = arith.addf %select_n3A_253, %gather3A_270 : vector<16xf32>
        %select_n3A_286 = arith.select %ne3A_272, %gather3A_270, %add3A_285 : vector<16xi1>, vector<16xf32>
        %add3A_287 = arith.addf %select_n3A_255, %gather3A_271 : vector<16xf32>
        %select_n3A_288 = arith.select %ne3A_272, %gather3A_271, %add3A_287 : vector<16xi1>, vector<16xf32>
        %add3A_289 = arith.constant 1.000000e+00 : f32
        %add3A_290 = vector.broadcast %add3A_289 : f32 to vector<16xf32>
        %add3A_291 = arith.addf %select_n3A_261, %add3A_290 : vector<16xf32>
        %jit3A_292 = arith.constant 1.000000e+00 : f32
        %broadcast_in_dim3A_293 = vector.broadcast %jit3A_292 : f32 to vector<16xf32>
        %select_n3A_294 = arith.select %ne3A_272, %broadcast_in_dim3A_293, %add3A_291 : vector<16xi1>, vector<16xf32>
        %mul3A_295 = arith.constant 25 : i32
        %mul3A_296 = arith.muli %scan3A_161, %mul3A_295 : i32
        %add3A_297 = arith.constant 4 : i32
        %add3A_298 = arith.addi %mul3A_296, %add3A_297 : i32
        %add3A_299 = vector.broadcast %add3A_298 : i32 to vector<16xi32>
        %add3A_300 = arith.addi %mul3A_3, %add3A_299 : vector<16xi32>
        %gather3A_301 = tpu.vector_load_idx %arg13[%add3A_300] : memref<4000xi32, #tpu.memory_space<vmem>>[vector<16xi32>], vector<16xi32>,
        %gather3A_302 = tpu.vector_load_idx %arg14[%add3A_300] : memref<4000xf32, #tpu.memory_space<vmem>>[vector<16xi32>], vector<16xf32>,
        %gather3A_303 = tpu.vector_load_idx %arg15[%add3A_300] : memref<4000xf32, #tpu.memory_space<vmem>>[vector<16xi32>], vector<16xf32>,
        %gather3A_304 = tpu.vector_load_idx %arg16[%add3A_300] : memref<4000xf32, #tpu.memory_space<vmem>>[vector<16xi32>], vector<16xf32>,
        %ne3A_305 = arith.cmpi ne, %gather3A_301, %gather3A_268 : vector<16xi32>
        %add3A_306 = arith.addi %mul3A_6, %gather3A_268 : vector<16xi32>
        tpu.vector_store_idx %arg7[%add3A_306], %select_n3A_284 masked %ne3A_305 {add = true} : memref<65536xf32, #tpu.memory_space<vmem>>[vector<16xi32>], vector<16xf32>, vector<16xi1>
        %add3A_307 = arith.constant 1024 : i32
        %add3A_308 = vector.broadcast %add3A_307 : i32 to vector<16xi32>
        %add3A_309 = arith.addi %add3A_306, %add3A_308 : vector<16xi32>
        tpu.vector_store_idx %arg7[%add3A_309], %select_n3A_286 masked %ne3A_305 {add = true} : memref<65536xf32, #tpu.memory_space<vmem>>[vector<16xi32>], vector<16xf32>, vector<16xi1>
        %add3A_310 = arith.constant 2048 : i32
        %add3A_311 = vector.broadcast %add3A_310 : i32 to vector<16xi32>
        %add3A_312 = arith.addi %add3A_306, %add3A_311 : vector<16xi32>
        tpu.vector_store_idx %arg7[%add3A_312], %select_n3A_288 masked %ne3A_305 {add = true} : memref<65536xf32, #tpu.memory_space<vmem>>[vector<16xi32>], vector<16xf32>, vector<16xi1>
        %add3A_313 = arith.constant 3072 : i32
        %add3A_314 = vector.broadcast %add3A_313 : i32 to vector<16xi32>
        %add3A_315 = arith.addi %add3A_306, %add3A_314 : vector<16xi32>
        tpu.vector_store_idx %arg7[%add3A_315], %select_n3A_294 masked %ne3A_305 {add = true} : memref<65536xf32, #tpu.memory_space<vmem>>[vector<16xi32>], vector<16xf32>, vector<16xi1>
        %add3A_316 = arith.addf %select_n3A_284, %gather3A_302 : vector<16xf32>
        %select_n3A_317 = arith.select %ne3A_305, %gather3A_302, %add3A_316 : vector<16xi1>, vector<16xf32>
        %add3A_318 = arith.addf %select_n3A_286, %gather3A_303 : vector<16xf32>
        %select_n3A_319 = arith.select %ne3A_305, %gather3A_303, %add3A_318 : vector<16xi1>, vector<16xf32>
        %add3A_320 = arith.addf %select_n3A_288, %gather3A_304 : vector<16xf32>
        %select_n3A_321 = arith.select %ne3A_305, %gather3A_304, %add3A_320 : vector<16xi1>, vector<16xf32>
        %add3A_322 = arith.constant 1.000000e+00 : f32
        %add3A_323 = vector.broadcast %add3A_322 : f32 to vector<16xf32>
        %add3A_324 = arith.addf %select_n3A_294, %add3A_323 : vector<16xf32>
        %jit3A_325 = arith.constant 1.000000e+00 : f32
        %broadcast_in_dim3A_326 = vector.broadcast %jit3A_325 : f32 to vector<16xf32>
        %select_n3A_327 = arith.select %ne3A_305, %broadcast_in_dim3A_326, %add3A_324 : vector<16xi1>, vector<16xf32>
        %mul3A_328 = arith.constant 25 : i32
        %mul3A_329 = arith.muli %scan3A_161, %mul3A_328 : i32
        %add3A_330 = arith.constant 5 : i32
        %add3A_331 = arith.addi %mul3A_329, %add3A_330 : i32
        %add3A_332 = vector.broadcast %add3A_331 : i32 to vector<16xi32>
        %add3A_333 = arith.addi %mul3A_3, %add3A_332 : vector<16xi32>
        %gather3A_334 = tpu.vector_load_idx %arg13[%add3A_333] : memref<4000xi32, #tpu.memory_space<vmem>>[vector<16xi32>], vector<16xi32>,
        %gather3A_335 = tpu.vector_load_idx %arg14[%add3A_333] : memref<4000xf32, #tpu.memory_space<vmem>>[vector<16xi32>], vector<16xf32>,
        %gather3A_336 = tpu.vector_load_idx %arg15[%add3A_333] : memref<4000xf32, #tpu.memory_space<vmem>>[vector<16xi32>], vector<16xf32>,
        %gather3A_337 = tpu.vector_load_idx %arg16[%add3A_333] : memref<4000xf32, #tpu.memory_space<vmem>>[vector<16xi32>], vector<16xf32>,
        %ne3A_338 = arith.cmpi ne, %gather3A_334, %gather3A_301 : vector<16xi32>
        %add3A_339 = arith.addi %mul3A_6, %gather3A_301 : vector<16xi32>
        tpu.vector_store_idx %arg7[%add3A_339], %select_n3A_317 masked %ne3A_338 {add = true} : memref<65536xf32, #tpu.memory_space<vmem>>[vector<16xi32>], vector<16xf32>, vector<16xi1>
        %add3A_340 = arith.constant 1024 : i32
        %add3A_341 = vector.broadcast %add3A_340 : i32 to vector<16xi32>
        %add3A_342 = arith.addi %add3A_339, %add3A_341 : vector<16xi32>
        tpu.vector_store_idx %arg7[%add3A_342], %select_n3A_319 masked %ne3A_338 {add = true} : memref<65536xf32, #tpu.memory_space<vmem>>[vector<16xi32>], vector<16xf32>, vector<16xi1>
        %add3A_343 = arith.constant 2048 : i32
        %add3A_344 = vector.broadcast %add3A_343 : i32 to vector<16xi32>
        %add3A_345 = arith.addi %add3A_339, %add3A_344 : vector<16xi32>
        tpu.vector_store_idx %arg7[%add3A_345], %select_n3A_321 masked %ne3A_338 {add = true} : memref<65536xf32, #tpu.memory_space<vmem>>[vector<16xi32>], vector<16xf32>, vector<16xi1>
        %add3A_346 = arith.constant 3072 : i32
        %add3A_347 = vector.broadcast %add3A_346 : i32 to vector<16xi32>
        %add3A_348 = arith.addi %add3A_339, %add3A_347 : vector<16xi32>
        tpu.vector_store_idx %arg7[%add3A_348], %select_n3A_327 masked %ne3A_338 {add = true} : memref<65536xf32, #tpu.memory_space<vmem>>[vector<16xi32>], vector<16xf32>, vector<16xi1>
        %add3A_349 = arith.addf %select_n3A_317, %gather3A_335 : vector<16xf32>
        %select_n3A_350 = arith.select %ne3A_338, %gather3A_335, %add3A_349 : vector<16xi1>, vector<16xf32>
        %add3A_351 = arith.addf %select_n3A_319, %gather3A_336 : vector<16xf32>
        %select_n3A_352 = arith.select %ne3A_338, %gather3A_336, %add3A_351 : vector<16xi1>, vector<16xf32>
        %add3A_353 = arith.addf %select_n3A_321, %gather3A_337 : vector<16xf32>
        %select_n3A_354 = arith.select %ne3A_338, %gather3A_337, %add3A_353 : vector<16xi1>, vector<16xf32>
        %add3A_355 = arith.constant 1.000000e+00 : f32
        %add3A_356 = vector.broadcast %add3A_355 : f32 to vector<16xf32>
        %add3A_357 = arith.addf %select_n3A_327, %add3A_356 : vector<16xf32>
        %jit3A_358 = arith.constant 1.000000e+00 : f32
        %broadcast_in_dim3A_359 = vector.broadcast %jit3A_358 : f32 to vector<16xf32>
        %select_n3A_360 = arith.select %ne3A_338, %broadcast_in_dim3A_359, %add3A_357 : vector<16xi1>, vector<16xf32>
        %mul3A_361 = arith.constant 25 : i32
        %mul3A_362 = arith.muli %scan3A_161, %mul3A_361 : i32
        %add3A_363 = arith.constant 6 : i32
        %add3A_364 = arith.addi %mul3A_362, %add3A_363 : i32
        %add3A_365 = vector.broadcast %add3A_364 : i32 to vector<16xi32>
        %add3A_366 = arith.addi %mul3A_3, %add3A_365 : vector<16xi32>
        %gather3A_367 = tpu.vector_load_idx %arg13[%add3A_366] : memref<4000xi32, #tpu.memory_space<vmem>>[vector<16xi32>], vector<16xi32>,
        %gather3A_368 = tpu.vector_load_idx %arg14[%add3A_366] : memref<4000xf32, #tpu.memory_space<vmem>>[vector<16xi32>], vector<16xf32>,
        %gather3A_369 = tpu.vector_load_idx %arg15[%add3A_366] : memref<4000xf32, #tpu.memory_space<vmem>>[vector<16xi32>], vector<16xf32>,
        %gather3A_370 = tpu.vector_load_idx %arg16[%add3A_366] : memref<4000xf32, #tpu.memory_space<vmem>>[vector<16xi32>], vector<16xf32>,
        %ne3A_371 = arith.cmpi ne, %gather3A_367, %gather3A_334 : vector<16xi32>
        %add3A_372 = arith.addi %mul3A_6, %gather3A_334 : vector<16xi32>
        tpu.vector_store_idx %arg7[%add3A_372], %select_n3A_350 masked %ne3A_371 {add = true} : memref<65536xf32, #tpu.memory_space<vmem>>[vector<16xi32>], vector<16xf32>, vector<16xi1>
        %add3A_373 = arith.constant 1024 : i32
        %add3A_374 = vector.broadcast %add3A_373 : i32 to vector<16xi32>
        %add3A_375 = arith.addi %add3A_372, %add3A_374 : vector<16xi32>
        tpu.vector_store_idx %arg7[%add3A_375], %select_n3A_352 masked %ne3A_371 {add = true} : memref<65536xf32, #tpu.memory_space<vmem>>[vector<16xi32>], vector<16xf32>, vector<16xi1>
        %add3A_376 = arith.constant 2048 : i32
        %add3A_377 = vector.broadcast %add3A_376 : i32 to vector<16xi32>
        %add3A_378 = arith.addi %add3A_372, %add3A_377 : vector<16xi32>
        tpu.vector_store_idx %arg7[%add3A_378], %select_n3A_354 masked %ne3A_371 {add = true} : memref<65536xf32, #tpu.memory_space<vmem>>[vector<16xi32>], vector<16xf32>, vector<16xi1>
        %add3A_379 = arith.constant 3072 : i32
        %add3A_380 = vector.broadcast %add3A_379 : i32 to vector<16xi32>
        %add3A_381 = arith.addi %add3A_372, %add3A_380 : vector<16xi32>
        tpu.vector_store_idx %arg7[%add3A_381], %select_n3A_360 masked %ne3A_371 {add = true} : memref<65536xf32, #tpu.memory_space<vmem>>[vector<16xi32>], vector<16xf32>, vector<16xi1>
        %add3A_382 = arith.addf %select_n3A_350, %gather3A_368 : vector<16xf32>
        %select_n3A_383 = arith.select %ne3A_371, %gather3A_368, %add3A_382 : vector<16xi1>, vector<16xf32>
        %add3A_384 = arith.addf %select_n3A_352, %gather3A_369 : vector<16xf32>
        %select_n3A_385 = arith.select %ne3A_371, %gather3A_369, %add3A_384 : vector<16xi1>, vector<16xf32>
        %add3A_386 = arith.addf %select_n3A_354, %gather3A_370 : vector<16xf32>
        %select_n3A_387 = arith.select %ne3A_371, %gather3A_370, %add3A_386 : vector<16xi1>, vector<16xf32>
        %add3A_388 = arith.constant 1.000000e+00 : f32
        %add3A_389 = vector.broadcast %add3A_388 : f32 to vector<16xf32>
        %add3A_390 = arith.addf %select_n3A_360, %add3A_389 : vector<16xf32>
        %jit3A_391 = arith.constant 1.000000e+00 : f32
        %broadcast_in_dim3A_392 = vector.broadcast %jit3A_391 : f32 to vector<16xf32>
        %select_n3A_393 = arith.select %ne3A_371, %broadcast_in_dim3A_392, %add3A_390 : vector<16xi1>, vector<16xf32>
        %mul3A_394 = arith.constant 25 : i32
        %mul3A_395 = arith.muli %scan3A_161, %mul3A_394 : i32
        %add3A_396 = arith.constant 7 : i32
        %add3A_397 = arith.addi %mul3A_395, %add3A_396 : i32
        %add3A_398 = vector.broadcast %add3A_397 : i32 to vector<16xi32>
        %add3A_399 = arith.addi %mul3A_3, %add3A_398 : vector<16xi32>
        %gather3A_400 = tpu.vector_load_idx %arg13[%add3A_399] : memref<4000xi32, #tpu.memory_space<vmem>>[vector<16xi32>], vector<16xi32>,
        %gather3A_401 = tpu.vector_load_idx %arg14[%add3A_399] : memref<4000xf32, #tpu.memory_space<vmem>>[vector<16xi32>], vector<16xf32>,
        %gather3A_402 = tpu.vector_load_idx %arg15[%add3A_399] : memref<4000xf32, #tpu.memory_space<vmem>>[vector<16xi32>], vector<16xf32>,
        %gather3A_403 = tpu.vector_load_idx %arg16[%add3A_399] : memref<4000xf32, #tpu.memory_space<vmem>>[vector<16xi32>], vector<16xf32>,
        %ne3A_404 = arith.cmpi ne, %gather3A_400, %gather3A_367 : vector<16xi32>
        %add3A_405 = arith.addi %mul3A_6, %gather3A_367 : vector<16xi32>
        tpu.vector_store_idx %arg7[%add3A_405], %select_n3A_383 masked %ne3A_404 {add = true} : memref<65536xf32, #tpu.memory_space<vmem>>[vector<16xi32>], vector<16xf32>, vector<16xi1>
        %add3A_406 = arith.constant 1024 : i32
        %add3A_407 = vector.broadcast %add3A_406 : i32 to vector<16xi32>
        %add3A_408 = arith.addi %add3A_405, %add3A_407 : vector<16xi32>
        tpu.vector_store_idx %arg7[%add3A_408], %select_n3A_385 masked %ne3A_404 {add = true} : memref<65536xf32, #tpu.memory_space<vmem>>[vector<16xi32>], vector<16xf32>, vector<16xi1>
        %add3A_409 = arith.constant 2048 : i32
        %add3A_410 = vector.broadcast %add3A_409 : i32 to vector<16xi32>
        %add3A_411 = arith.addi %add3A_405, %add3A_410 : vector<16xi32>
        tpu.vector_store_idx %arg7[%add3A_411], %select_n3A_387 masked %ne3A_404 {add = true} : memref<65536xf32, #tpu.memory_space<vmem>>[vector<16xi32>], vector<16xf32>, vector<16xi1>
        %add3A_412 = arith.constant 3072 : i32
        %add3A_413 = vector.broadcast %add3A_412 : i32 to vector<16xi32>
        %add3A_414 = arith.addi %add3A_405, %add3A_413 : vector<16xi32>
        tpu.vector_store_idx %arg7[%add3A_414], %select_n3A_393 masked %ne3A_404 {add = true} : memref<65536xf32, #tpu.memory_space<vmem>>[vector<16xi32>], vector<16xf32>, vector<16xi1>
        %add3A_415 = arith.addf %select_n3A_383, %gather3A_401 : vector<16xf32>
        %select_n3A_416 = arith.select %ne3A_404, %gather3A_401, %add3A_415 : vector<16xi1>, vector<16xf32>
        %add3A_417 = arith.addf %select_n3A_385, %gather3A_402 : vector<16xf32>
        %select_n3A_418 = arith.select %ne3A_404, %gather3A_402, %add3A_417 : vector<16xi1>, vector<16xf32>
        %add3A_419 = arith.addf %select_n3A_387, %gather3A_403 : vector<16xf32>
        %select_n3A_420 = arith.select %ne3A_404, %gather3A_403, %add3A_419 : vector<16xi1>, vector<16xf32>
        %add3A_421 = arith.constant 1.000000e+00 : f32
        %add3A_422 = vector.broadcast %add3A_421 : f32 to vector<16xf32>
        %add3A_423 = arith.addf %select_n3A_393, %add3A_422 : vector<16xf32>
        %jit3A_424 = arith.constant 1.000000e+00 : f32
        %broadcast_in_dim3A_425 = vector.broadcast %jit3A_424 : f32 to vector<16xf32>
        %select_n3A_426 = arith.select %ne3A_404, %broadcast_in_dim3A_425, %add3A_423 : vector<16xi1>, vector<16xf32>
        %mul3A_427 = arith.constant 25 : i32
        %mul3A_428 = arith.muli %scan3A_161, %mul3A_427 : i32
        %add3A_429 = arith.constant 8 : i32
        %add3A_430 = arith.addi %mul3A_428, %add3A_429 : i32
        %add3A_431 = vector.broadcast %add3A_430 : i32 to vector<16xi32>
        %add3A_432 = arith.addi %mul3A_3, %add3A_431 : vector<16xi32>
        %gather3A_433 = tpu.vector_load_idx %arg13[%add3A_432] : memref<4000xi32, #tpu.memory_space<vmem>>[vector<16xi32>], vector<16xi32>,
        %gather3A_434 = tpu.vector_load_idx %arg14[%add3A_432] : memref<4000xf32, #tpu.memory_space<vmem>>[vector<16xi32>], vector<16xf32>,
        %gather3A_435 = tpu.vector_load_idx %arg15[%add3A_432] : memref<4000xf32, #tpu.memory_space<vmem>>[vector<16xi32>], vector<16xf32>,
        %gather3A_436 = tpu.vector_load_idx %arg16[%add3A_432] : memref<4000xf32, #tpu.memory_space<vmem>>[vector<16xi32>], vector<16xf32>,
        %ne3A_437 = arith.cmpi ne, %gather3A_433, %gather3A_400 : vector<16xi32>
        %add3A_438 = arith.addi %mul3A_6, %gather3A_400 : vector<16xi32>
        tpu.vector_store_idx %arg7[%add3A_438], %select_n3A_416 masked %ne3A_437 {add = true} : memref<65536xf32, #tpu.memory_space<vmem>>[vector<16xi32>], vector<16xf32>, vector<16xi1>
        %add3A_439 = arith.constant 1024 : i32
        %add3A_440 = vector.broadcast %add3A_439 : i32 to vector<16xi32>
        %add3A_441 = arith.addi %add3A_438, %add3A_440 : vector<16xi32>
        tpu.vector_store_idx %arg7[%add3A_441], %select_n3A_418 masked %ne3A_437 {add = true} : memref<65536xf32, #tpu.memory_space<vmem>>[vector<16xi32>], vector<16xf32>, vector<16xi1>
        %add3A_442 = arith.constant 2048 : i32
        %add3A_443 = vector.broadcast %add3A_442 : i32 to vector<16xi32>
        %add3A_444 = arith.addi %add3A_438, %add3A_443 : vector<16xi32>
        tpu.vector_store_idx %arg7[%add3A_444], %select_n3A_420 masked %ne3A_437 {add = true} : memref<65536xf32, #tpu.memory_space<vmem>>[vector<16xi32>], vector<16xf32>, vector<16xi1>
        %add3A_445 = arith.constant 3072 : i32
        %add3A_446 = vector.broadcast %add3A_445 : i32 to vector<16xi32>
        %add3A_447 = arith.addi %add3A_438, %add3A_446 : vector<16xi32>
        tpu.vector_store_idx %arg7[%add3A_447], %select_n3A_426 masked %ne3A_437 {add = true} : memref<65536xf32, #tpu.memory_space<vmem>>[vector<16xi32>], vector<16xf32>, vector<16xi1>
        %add3A_448 = arith.addf %select_n3A_416, %gather3A_434 : vector<16xf32>
        %select_n3A_449 = arith.select %ne3A_437, %gather3A_434, %add3A_448 : vector<16xi1>, vector<16xf32>
        %add3A_450 = arith.addf %select_n3A_418, %gather3A_435 : vector<16xf32>
        %select_n3A_451 = arith.select %ne3A_437, %gather3A_435, %add3A_450 : vector<16xi1>, vector<16xf32>
        %add3A_452 = arith.addf %select_n3A_420, %gather3A_436 : vector<16xf32>
        %select_n3A_453 = arith.select %ne3A_437, %gather3A_436, %add3A_452 : vector<16xi1>, vector<16xf32>
        %add3A_454 = arith.constant 1.000000e+00 : f32
        %add3A_455 = vector.broadcast %add3A_454 : f32 to vector<16xf32>
        %add3A_456 = arith.addf %select_n3A_426, %add3A_455 : vector<16xf32>
        %jit3A_457 = arith.constant 1.000000e+00 : f32
        %broadcast_in_dim3A_458 = vector.broadcast %jit3A_457 : f32 to vector<16xf32>
        %select_n3A_459 = arith.select %ne3A_437, %broadcast_in_dim3A_458, %add3A_456 : vector<16xi1>, vector<16xf32>
        %mul3A_460 = arith.constant 25 : i32
        %mul3A_461 = arith.muli %scan3A_161, %mul3A_460 : i32
        %add3A_462 = arith.constant 9 : i32
        %add3A_463 = arith.addi %mul3A_461, %add3A_462 : i32
        %add3A_464 = vector.broadcast %add3A_463 : i32 to vector<16xi32>
        %add3A_465 = arith.addi %mul3A_3, %add3A_464 : vector<16xi32>
        %gather3A_466 = tpu.vector_load_idx %arg13[%add3A_465] : memref<4000xi32, #tpu.memory_space<vmem>>[vector<16xi32>], vector<16xi32>,
        %gather3A_467 = tpu.vector_load_idx %arg14[%add3A_465] : memref<4000xf32, #tpu.memory_space<vmem>>[vector<16xi32>], vector<16xf32>,
        %gather3A_468 = tpu.vector_load_idx %arg15[%add3A_465] : memref<4000xf32, #tpu.memory_space<vmem>>[vector<16xi32>], vector<16xf32>,
        %gather3A_469 = tpu.vector_load_idx %arg16[%add3A_465] : memref<4000xf32, #tpu.memory_space<vmem>>[vector<16xi32>], vector<16xf32>,
        %ne3A_470 = arith.cmpi ne, %gather3A_466, %gather3A_433 : vector<16xi32>
        %add3A_471 = arith.addi %mul3A_6, %gather3A_433 : vector<16xi32>
        tpu.vector_store_idx %arg7[%add3A_471], %select_n3A_449 masked %ne3A_470 {add = true} : memref<65536xf32, #tpu.memory_space<vmem>>[vector<16xi32>], vector<16xf32>, vector<16xi1>
        %add3A_472 = arith.constant 1024 : i32
        %add3A_473 = vector.broadcast %add3A_472 : i32 to vector<16xi32>
        %add3A_474 = arith.addi %add3A_471, %add3A_473 : vector<16xi32>
        tpu.vector_store_idx %arg7[%add3A_474], %select_n3A_451 masked %ne3A_470 {add = true} : memref<65536xf32, #tpu.memory_space<vmem>>[vector<16xi32>], vector<16xf32>, vector<16xi1>
        %add3A_475 = arith.constant 2048 : i32
        %add3A_476 = vector.broadcast %add3A_475 : i32 to vector<16xi32>
        %add3A_477 = arith.addi %add3A_471, %add3A_476 : vector<16xi32>
        tpu.vector_store_idx %arg7[%add3A_477], %select_n3A_453 masked %ne3A_470 {add = true} : memref<65536xf32, #tpu.memory_space<vmem>>[vector<16xi32>], vector<16xf32>, vector<16xi1>
        %add3A_478 = arith.constant 3072 : i32
        %add3A_479 = vector.broadcast %add3A_478 : i32 to vector<16xi32>
        %add3A_480 = arith.addi %add3A_471, %add3A_479 : vector<16xi32>
        tpu.vector_store_idx %arg7[%add3A_480], %select_n3A_459 masked %ne3A_470 {add = true} : memref<65536xf32, #tpu.memory_space<vmem>>[vector<16xi32>], vector<16xf32>, vector<16xi1>
        %add3A_481 = arith.addf %select_n3A_449, %gather3A_467 : vector<16xf32>
        %select_n3A_482 = arith.select %ne3A_470, %gather3A_467, %add3A_481 : vector<16xi1>, vector<16xf32>
        %add3A_483 = arith.addf %select_n3A_451, %gather3A_468 : vector<16xf32>
        %select_n3A_484 = arith.select %ne3A_470, %gather3A_468, %add3A_483 : vector<16xi1>, vector<16xf32>
        %add3A_485 = arith.addf %select_n3A_453, %gather3A_469 : vector<16xf32>
        %select_n3A_486 = arith.select %ne3A_470, %gather3A_469, %add3A_485 : vector<16xi1>, vector<16xf32>
        %add3A_487 = arith.constant 1.000000e+00 : f32
        %add3A_488 = vector.broadcast %add3A_487 : f32 to vector<16xf32>
        %add3A_489 = arith.addf %select_n3A_459, %add3A_488 : vector<16xf32>
        %jit3A_490 = arith.constant 1.000000e+00 : f32
        %broadcast_in_dim3A_491 = vector.broadcast %jit3A_490 : f32 to vector<16xf32>
        %select_n3A_492 = arith.select %ne3A_470, %broadcast_in_dim3A_491, %add3A_489 : vector<16xi1>, vector<16xf32>
        %mul3A_493 = arith.constant 25 : i32
        %mul3A_494 = arith.muli %scan3A_161, %mul3A_493 : i32
        %add3A_495 = arith.constant 10 : i32
        %add3A_496 = arith.addi %mul3A_494, %add3A_495 : i32
        %add3A_497 = vector.broadcast %add3A_496 : i32 to vector<16xi32>
        %add3A_498 = arith.addi %mul3A_3, %add3A_497 : vector<16xi32>
        %gather3A_499 = tpu.vector_load_idx %arg13[%add3A_498] : memref<4000xi32, #tpu.memory_space<vmem>>[vector<16xi32>], vector<16xi32>,
        %gather3A_500 = tpu.vector_load_idx %arg14[%add3A_498] : memref<4000xf32, #tpu.memory_space<vmem>>[vector<16xi32>], vector<16xf32>,
        %gather3A_501 = tpu.vector_load_idx %arg15[%add3A_498] : memref<4000xf32, #tpu.memory_space<vmem>>[vector<16xi32>], vector<16xf32>,
        %gather3A_502 = tpu.vector_load_idx %arg16[%add3A_498] : memref<4000xf32, #tpu.memory_space<vmem>>[vector<16xi32>], vector<16xf32>,
        %ne3A_503 = arith.cmpi ne, %gather3A_499, %gather3A_466 : vector<16xi32>
        %add3A_504 = arith.addi %mul3A_6, %gather3A_466 : vector<16xi32>
        tpu.vector_store_idx %arg7[%add3A_504], %select_n3A_482 masked %ne3A_503 {add = true} : memref<65536xf32, #tpu.memory_space<vmem>>[vector<16xi32>], vector<16xf32>, vector<16xi1>
        %add3A_505 = arith.constant 1024 : i32
        %add3A_506 = vector.broadcast %add3A_505 : i32 to vector<16xi32>
        %add3A_507 = arith.addi %add3A_504, %add3A_506 : vector<16xi32>
        tpu.vector_store_idx %arg7[%add3A_507], %select_n3A_484 masked %ne3A_503 {add = true} : memref<65536xf32, #tpu.memory_space<vmem>>[vector<16xi32>], vector<16xf32>, vector<16xi1>
        %add3A_508 = arith.constant 2048 : i32
        %add3A_509 = vector.broadcast %add3A_508 : i32 to vector<16xi32>
        %add3A_510 = arith.addi %add3A_504, %add3A_509 : vector<16xi32>
        tpu.vector_store_idx %arg7[%add3A_510], %select_n3A_486 masked %ne3A_503 {add = true} : memref<65536xf32, #tpu.memory_space<vmem>>[vector<16xi32>], vector<16xf32>, vector<16xi1>
        %add3A_511 = arith.constant 3072 : i32
        %add3A_512 = vector.broadcast %add3A_511 : i32 to vector<16xi32>
        %add3A_513 = arith.addi %add3A_504, %add3A_512 : vector<16xi32>
        tpu.vector_store_idx %arg7[%add3A_513], %select_n3A_492 masked %ne3A_503 {add = true} : memref<65536xf32, #tpu.memory_space<vmem>>[vector<16xi32>], vector<16xf32>, vector<16xi1>
        %add3A_514 = arith.addf %select_n3A_482, %gather3A_500 : vector<16xf32>
        %select_n3A_515 = arith.select %ne3A_503, %gather3A_500, %add3A_514 : vector<16xi1>, vector<16xf32>
        %add3A_516 = arith.addf %select_n3A_484, %gather3A_501 : vector<16xf32>
        %select_n3A_517 = arith.select %ne3A_503, %gather3A_501, %add3A_516 : vector<16xi1>, vector<16xf32>
        %add3A_518 = arith.addf %select_n3A_486, %gather3A_502 : vector<16xf32>
        %select_n3A_519 = arith.select %ne3A_503, %gather3A_502, %add3A_518 : vector<16xi1>, vector<16xf32>
        %add3A_520 = arith.constant 1.000000e+00 : f32
        %add3A_521 = vector.broadcast %add3A_520 : f32 to vector<16xf32>
        %add3A_522 = arith.addf %select_n3A_492, %add3A_521 : vector<16xf32>
        %jit3A_523 = arith.constant 1.000000e+00 : f32
        %broadcast_in_dim3A_524 = vector.broadcast %jit3A_523 : f32 to vector<16xf32>
        %select_n3A_525 = arith.select %ne3A_503, %broadcast_in_dim3A_524, %add3A_522 : vector<16xi1>, vector<16xf32>
        %mul3A_526 = arith.constant 25 : i32
        %mul3A_527 = arith.muli %scan3A_161, %mul3A_526 : i32
        %add3A_528 = arith.constant 11 : i32
        %add3A_529 = arith.addi %mul3A_527, %add3A_528 : i32
        %add3A_530 = vector.broadcast %add3A_529 : i32 to vector<16xi32>
        %add3A_531 = arith.addi %mul3A_3, %add3A_530 : vector<16xi32>
        %gather3A_532 = tpu.vector_load_idx %arg13[%add3A_531] : memref<4000xi32, #tpu.memory_space<vmem>>[vector<16xi32>], vector<16xi32>,
        %gather3A_533 = tpu.vector_load_idx %arg14[%add3A_531] : memref<4000xf32, #tpu.memory_space<vmem>>[vector<16xi32>], vector<16xf32>,
        %gather3A_534 = tpu.vector_load_idx %arg15[%add3A_531] : memref<4000xf32, #tpu.memory_space<vmem>>[vector<16xi32>], vector<16xf32>,
        %gather3A_535 = tpu.vector_load_idx %arg16[%add3A_531] : memref<4000xf32, #tpu.memory_space<vmem>>[vector<16xi32>], vector<16xf32>,
        %ne3A_536 = arith.cmpi ne, %gather3A_532, %gather3A_499 : vector<16xi32>
        %add3A_537 = arith.addi %mul3A_6, %gather3A_499 : vector<16xi32>
        tpu.vector_store_idx %arg7[%add3A_537], %select_n3A_515 masked %ne3A_536 {add = true} : memref<65536xf32, #tpu.memory_space<vmem>>[vector<16xi32>], vector<16xf32>, vector<16xi1>
        %add3A_538 = arith.constant 1024 : i32
        %add3A_539 = vector.broadcast %add3A_538 : i32 to vector<16xi32>
        %add3A_540 = arith.addi %add3A_537, %add3A_539 : vector<16xi32>
        tpu.vector_store_idx %arg7[%add3A_540], %select_n3A_517 masked %ne3A_536 {add = true} : memref<65536xf32, #tpu.memory_space<vmem>>[vector<16xi32>], vector<16xf32>, vector<16xi1>
        %add3A_541 = arith.constant 2048 : i32
        %add3A_542 = vector.broadcast %add3A_541 : i32 to vector<16xi32>
        %add3A_543 = arith.addi %add3A_537, %add3A_542 : vector<16xi32>
        tpu.vector_store_idx %arg7[%add3A_543], %select_n3A_519 masked %ne3A_536 {add = true} : memref<65536xf32, #tpu.memory_space<vmem>>[vector<16xi32>], vector<16xf32>, vector<16xi1>
        %add3A_544 = arith.constant 3072 : i32
        %add3A_545 = vector.broadcast %add3A_544 : i32 to vector<16xi32>
        %add3A_546 = arith.addi %add3A_537, %add3A_545 : vector<16xi32>
        tpu.vector_store_idx %arg7[%add3A_546], %select_n3A_525 masked %ne3A_536 {add = true} : memref<65536xf32, #tpu.memory_space<vmem>>[vector<16xi32>], vector<16xf32>, vector<16xi1>
        %add3A_547 = arith.addf %select_n3A_515, %gather3A_533 : vector<16xf32>
        %select_n3A_548 = arith.select %ne3A_536, %gather3A_533, %add3A_547 : vector<16xi1>, vector<16xf32>
        %add3A_549 = arith.addf %select_n3A_517, %gather3A_534 : vector<16xf32>
        %select_n3A_550 = arith.select %ne3A_536, %gather3A_534, %add3A_549 : vector<16xi1>, vector<16xf32>
        %add3A_551 = arith.addf %select_n3A_519, %gather3A_535 : vector<16xf32>
        %select_n3A_552 = arith.select %ne3A_536, %gather3A_535, %add3A_551 : vector<16xi1>, vector<16xf32>
        %add3A_553 = arith.constant 1.000000e+00 : f32
        %add3A_554 = vector.broadcast %add3A_553 : f32 to vector<16xf32>
        %add3A_555 = arith.addf %select_n3A_525, %add3A_554 : vector<16xf32>
        %jit3A_556 = arith.constant 1.000000e+00 : f32
        %broadcast_in_dim3A_557 = vector.broadcast %jit3A_556 : f32 to vector<16xf32>
        %select_n3A_558 = arith.select %ne3A_536, %broadcast_in_dim3A_557, %add3A_555 : vector<16xi1>, vector<16xf32>
        %mul3A_559 = arith.constant 25 : i32
        %mul3A_560 = arith.muli %scan3A_161, %mul3A_559 : i32
        %add3A_561 = arith.constant 12 : i32
        %add3A_562 = arith.addi %mul3A_560, %add3A_561 : i32
        %add3A_563 = vector.broadcast %add3A_562 : i32 to vector<16xi32>
        %add3A_564 = arith.addi %mul3A_3, %add3A_563 : vector<16xi32>
        %gather3A_565 = tpu.vector_load_idx %arg13[%add3A_564] : memref<4000xi32, #tpu.memory_space<vmem>>[vector<16xi32>], vector<16xi32>,
        %gather3A_566 = tpu.vector_load_idx %arg14[%add3A_564] : memref<4000xf32, #tpu.memory_space<vmem>>[vector<16xi32>], vector<16xf32>,
        %gather3A_567 = tpu.vector_load_idx %arg15[%add3A_564] : memref<4000xf32, #tpu.memory_space<vmem>>[vector<16xi32>], vector<16xf32>,
        %gather3A_568 = tpu.vector_load_idx %arg16[%add3A_564] : memref<4000xf32, #tpu.memory_space<vmem>>[vector<16xi32>], vector<16xf32>,
        %ne3A_569 = arith.cmpi ne, %gather3A_565, %gather3A_532 : vector<16xi32>
        %add3A_570 = arith.addi %mul3A_6, %gather3A_532 : vector<16xi32>
        tpu.vector_store_idx %arg7[%add3A_570], %select_n3A_548 masked %ne3A_569 {add = true} : memref<65536xf32, #tpu.memory_space<vmem>>[vector<16xi32>], vector<16xf32>, vector<16xi1>
        %add3A_571 = arith.constant 1024 : i32
        %add3A_572 = vector.broadcast %add3A_571 : i32 to vector<16xi32>
        %add3A_573 = arith.addi %add3A_570, %add3A_572 : vector<16xi32>
        tpu.vector_store_idx %arg7[%add3A_573], %select_n3A_550 masked %ne3A_569 {add = true} : memref<65536xf32, #tpu.memory_space<vmem>>[vector<16xi32>], vector<16xf32>, vector<16xi1>
        %add3A_574 = arith.constant 2048 : i32
        %add3A_575 = vector.broadcast %add3A_574 : i32 to vector<16xi32>
        %add3A_576 = arith.addi %add3A_570, %add3A_575 : vector<16xi32>
        tpu.vector_store_idx %arg7[%add3A_576], %select_n3A_552 masked %ne3A_569 {add = true} : memref<65536xf32, #tpu.memory_space<vmem>>[vector<16xi32>], vector<16xf32>, vector<16xi1>
        %add3A_577 = arith.constant 3072 : i32
        %add3A_578 = vector.broadcast %add3A_577 : i32 to vector<16xi32>
        %add3A_579 = arith.addi %add3A_570, %add3A_578 : vector<16xi32>
        tpu.vector_store_idx %arg7[%add3A_579], %select_n3A_558 masked %ne3A_569 {add = true} : memref<65536xf32, #tpu.memory_space<vmem>>[vector<16xi32>], vector<16xf32>, vector<16xi1>
        %add3A_580 = arith.addf %select_n3A_548, %gather3A_566 : vector<16xf32>
        %select_n3A_581 = arith.select %ne3A_569, %gather3A_566, %add3A_580 : vector<16xi1>, vector<16xf32>
        %add3A_582 = arith.addf %select_n3A_550, %gather3A_567 : vector<16xf32>
        %select_n3A_583 = arith.select %ne3A_569, %gather3A_567, %add3A_582 : vector<16xi1>, vector<16xf32>
        %add3A_584 = arith.addf %select_n3A_552, %gather3A_568 : vector<16xf32>
        %select_n3A_585 = arith.select %ne3A_569, %gather3A_568, %add3A_584 : vector<16xi1>, vector<16xf32>
        %add3A_586 = arith.constant 1.000000e+00 : f32
        %add3A_587 = vector.broadcast %add3A_586 : f32 to vector<16xf32>
        %add3A_588 = arith.addf %select_n3A_558, %add3A_587 : vector<16xf32>
        %jit3A_589 = arith.constant 1.000000e+00 : f32
        %broadcast_in_dim3A_590 = vector.broadcast %jit3A_589 : f32 to vector<16xf32>
        %select_n3A_591 = arith.select %ne3A_569, %broadcast_in_dim3A_590, %add3A_588 : vector<16xi1>, vector<16xf32>
        %mul3A_592 = arith.constant 25 : i32
        %mul3A_593 = arith.muli %scan3A_161, %mul3A_592 : i32
        %add3A_594 = arith.constant 13 : i32
        %add3A_595 = arith.addi %mul3A_593, %add3A_594 : i32
        %add3A_596 = vector.broadcast %add3A_595 : i32 to vector<16xi32>
        %add3A_597 = arith.addi %mul3A_3, %add3A_596 : vector<16xi32>
        %gather3A_598 = tpu.vector_load_idx %arg13[%add3A_597] : memref<4000xi32, #tpu.memory_space<vmem>>[vector<16xi32>], vector<16xi32>,
        %gather3A_599 = tpu.vector_load_idx %arg14[%add3A_597] : memref<4000xf32, #tpu.memory_space<vmem>>[vector<16xi32>], vector<16xf32>,
        %gather3A_600 = tpu.vector_load_idx %arg15[%add3A_597] : memref<4000xf32, #tpu.memory_space<vmem>>[vector<16xi32>], vector<16xf32>,
        %gather3A_601 = tpu.vector_load_idx %arg16[%add3A_597] : memref<4000xf32, #tpu.memory_space<vmem>>[vector<16xi32>], vector<16xf32>,
        %ne3A_602 = arith.cmpi ne, %gather3A_598, %gather3A_565 : vector<16xi32>
        %add3A_603 = arith.addi %mul3A_6, %gather3A_565 : vector<16xi32>
        tpu.vector_store_idx %arg7[%add3A_603], %select_n3A_581 masked %ne3A_602 {add = true} : memref<65536xf32, #tpu.memory_space<vmem>>[vector<16xi32>], vector<16xf32>, vector<16xi1>
        %add3A_604 = arith.constant 1024 : i32
        %add3A_605 = vector.broadcast %add3A_604 : i32 to vector<16xi32>
        %add3A_606 = arith.addi %add3A_603, %add3A_605 : vector<16xi32>
        tpu.vector_store_idx %arg7[%add3A_606], %select_n3A_583 masked %ne3A_602 {add = true} : memref<65536xf32, #tpu.memory_space<vmem>>[vector<16xi32>], vector<16xf32>, vector<16xi1>
        %add3A_607 = arith.constant 2048 : i32
        %add3A_608 = vector.broadcast %add3A_607 : i32 to vector<16xi32>
        %add3A_609 = arith.addi %add3A_603, %add3A_608 : vector<16xi32>
        tpu.vector_store_idx %arg7[%add3A_609], %select_n3A_585 masked %ne3A_602 {add = true} : memref<65536xf32, #tpu.memory_space<vmem>>[vector<16xi32>], vector<16xf32>, vector<16xi1>
        %add3A_610 = arith.constant 3072 : i32
        %add3A_611 = vector.broadcast %add3A_610 : i32 to vector<16xi32>
        %add3A_612 = arith.addi %add3A_603, %add3A_611 : vector<16xi32>
        tpu.vector_store_idx %arg7[%add3A_612], %select_n3A_591 masked %ne3A_602 {add = true} : memref<65536xf32, #tpu.memory_space<vmem>>[vector<16xi32>], vector<16xf32>, vector<16xi1>
        %add3A_613 = arith.addf %select_n3A_581, %gather3A_599 : vector<16xf32>
        %select_n3A_614 = arith.select %ne3A_602, %gather3A_599, %add3A_613 : vector<16xi1>, vector<16xf32>
        %add3A_615 = arith.addf %select_n3A_583, %gather3A_600 : vector<16xf32>
        %select_n3A_616 = arith.select %ne3A_602, %gather3A_600, %add3A_615 : vector<16xi1>, vector<16xf32>
        %add3A_617 = arith.addf %select_n3A_585, %gather3A_601 : vector<16xf32>
        %select_n3A_618 = arith.select %ne3A_602, %gather3A_601, %add3A_617 : vector<16xi1>, vector<16xf32>
        %add3A_619 = arith.constant 1.000000e+00 : f32
        %add3A_620 = vector.broadcast %add3A_619 : f32 to vector<16xf32>
        %add3A_621 = arith.addf %select_n3A_591, %add3A_620 : vector<16xf32>
        %jit3A_622 = arith.constant 1.000000e+00 : f32
        %broadcast_in_dim3A_623 = vector.broadcast %jit3A_622 : f32 to vector<16xf32>
        %select_n3A_624 = arith.select %ne3A_602, %broadcast_in_dim3A_623, %add3A_621 : vector<16xi1>, vector<16xf32>
        %mul3A_625 = arith.constant 25 : i32
        %mul3A_626 = arith.muli %scan3A_161, %mul3A_625 : i32
        %add3A_627 = arith.constant 14 : i32
        %add3A_628 = arith.addi %mul3A_626, %add3A_627 : i32
        %add3A_629 = vector.broadcast %add3A_628 : i32 to vector<16xi32>
        %add3A_630 = arith.addi %mul3A_3, %add3A_629 : vector<16xi32>
        %gather3A_631 = tpu.vector_load_idx %arg13[%add3A_630] : memref<4000xi32, #tpu.memory_space<vmem>>[vector<16xi32>], vector<16xi32>,
        %gather3A_632 = tpu.vector_load_idx %arg14[%add3A_630] : memref<4000xf32, #tpu.memory_space<vmem>>[vector<16xi32>], vector<16xf32>,
        %gather3A_633 = tpu.vector_load_idx %arg15[%add3A_630] : memref<4000xf32, #tpu.memory_space<vmem>>[vector<16xi32>], vector<16xf32>,
        %gather3A_634 = tpu.vector_load_idx %arg16[%add3A_630] : memref<4000xf32, #tpu.memory_space<vmem>>[vector<16xi32>], vector<16xf32>,
        %ne3A_635 = arith.cmpi ne, %gather3A_631, %gather3A_598 : vector<16xi32>
        %add3A_636 = arith.addi %mul3A_6, %gather3A_598 : vector<16xi32>
        tpu.vector_store_idx %arg7[%add3A_636], %select_n3A_614 masked %ne3A_635 {add = true} : memref<65536xf32, #tpu.memory_space<vmem>>[vector<16xi32>], vector<16xf32>, vector<16xi1>
        %add3A_637 = arith.constant 1024 : i32
        %add3A_638 = vector.broadcast %add3A_637 : i32 to vector<16xi32>
        %add3A_639 = arith.addi %add3A_636, %add3A_638 : vector<16xi32>
        tpu.vector_store_idx %arg7[%add3A_639], %select_n3A_616 masked %ne3A_635 {add = true} : memref<65536xf32, #tpu.memory_space<vmem>>[vector<16xi32>], vector<16xf32>, vector<16xi1>
        %add3A_640 = arith.constant 2048 : i32
        %add3A_641 = vector.broadcast %add3A_640 : i32 to vector<16xi32>
        %add3A_642 = arith.addi %add3A_636, %add3A_641 : vector<16xi32>
        tpu.vector_store_idx %arg7[%add3A_642], %select_n3A_618 masked %ne3A_635 {add = true} : memref<65536xf32, #tpu.memory_space<vmem>>[vector<16xi32>], vector<16xf32>, vector<16xi1>
        %add3A_643 = arith.constant 3072 : i32
        %add3A_644 = vector.broadcast %add3A_643 : i32 to vector<16xi32>
        %add3A_645 = arith.addi %add3A_636, %add3A_644 : vector<16xi32>
        tpu.vector_store_idx %arg7[%add3A_645], %select_n3A_624 masked %ne3A_635 {add = true} : memref<65536xf32, #tpu.memory_space<vmem>>[vector<16xi32>], vector<16xf32>, vector<16xi1>
        %add3A_646 = arith.addf %select_n3A_614, %gather3A_632 : vector<16xf32>
        %select_n3A_647 = arith.select %ne3A_635, %gather3A_632, %add3A_646 : vector<16xi1>, vector<16xf32>
        %add3A_648 = arith.addf %select_n3A_616, %gather3A_633 : vector<16xf32>
        %select_n3A_649 = arith.select %ne3A_635, %gather3A_633, %add3A_648 : vector<16xi1>, vector<16xf32>
        %add3A_650 = arith.addf %select_n3A_618, %gather3A_634 : vector<16xf32>
        %select_n3A_651 = arith.select %ne3A_635, %gather3A_634, %add3A_650 : vector<16xi1>, vector<16xf32>
        %add3A_652 = arith.constant 1.000000e+00 : f32
        %add3A_653 = vector.broadcast %add3A_652 : f32 to vector<16xf32>
        %add3A_654 = arith.addf %select_n3A_624, %add3A_653 : vector<16xf32>
        %jit3A_655 = arith.constant 1.000000e+00 : f32
        %broadcast_in_dim3A_656 = vector.broadcast %jit3A_655 : f32 to vector<16xf32>
        %select_n3A_657 = arith.select %ne3A_635, %broadcast_in_dim3A_656, %add3A_654 : vector<16xi1>, vector<16xf32>
        %mul3A_658 = arith.constant 25 : i32
        %mul3A_659 = arith.muli %scan3A_161, %mul3A_658 : i32
        %add3A_660 = arith.constant 15 : i32
        %add3A_661 = arith.addi %mul3A_659, %add3A_660 : i32
        %add3A_662 = vector.broadcast %add3A_661 : i32 to vector<16xi32>
        %add3A_663 = arith.addi %mul3A_3, %add3A_662 : vector<16xi32>
        %gather3A_664 = tpu.vector_load_idx %arg13[%add3A_663] : memref<4000xi32, #tpu.memory_space<vmem>>[vector<16xi32>], vector<16xi32>,
        %gather3A_665 = tpu.vector_load_idx %arg14[%add3A_663] : memref<4000xf32, #tpu.memory_space<vmem>>[vector<16xi32>], vector<16xf32>,
        %gather3A_666 = tpu.vector_load_idx %arg15[%add3A_663] : memref<4000xf32, #tpu.memory_space<vmem>>[vector<16xi32>], vector<16xf32>,
        %gather3A_667 = tpu.vector_load_idx %arg16[%add3A_663] : memref<4000xf32, #tpu.memory_space<vmem>>[vector<16xi32>], vector<16xf32>,
        %ne3A_668 = arith.cmpi ne, %gather3A_664, %gather3A_631 : vector<16xi32>
        %add3A_669 = arith.addi %mul3A_6, %gather3A_631 : vector<16xi32>
        tpu.vector_store_idx %arg7[%add3A_669], %select_n3A_647 masked %ne3A_668 {add = true} : memref<65536xf32, #tpu.memory_space<vmem>>[vector<16xi32>], vector<16xf32>, vector<16xi1>
        %add3A_670 = arith.constant 1024 : i32
        %add3A_671 = vector.broadcast %add3A_670 : i32 to vector<16xi32>
        %add3A_672 = arith.addi %add3A_669, %add3A_671 : vector<16xi32>
        tpu.vector_store_idx %arg7[%add3A_672], %select_n3A_649 masked %ne3A_668 {add = true} : memref<65536xf32, #tpu.memory_space<vmem>>[vector<16xi32>], vector<16xf32>, vector<16xi1>
        %add3A_673 = arith.constant 2048 : i32
        %add3A_674 = vector.broadcast %add3A_673 : i32 to vector<16xi32>
        %add3A_675 = arith.addi %add3A_669, %add3A_674 : vector<16xi32>
        tpu.vector_store_idx %arg7[%add3A_675], %select_n3A_651 masked %ne3A_668 {add = true} : memref<65536xf32, #tpu.memory_space<vmem>>[vector<16xi32>], vector<16xf32>, vector<16xi1>
        %add3A_676 = arith.constant 3072 : i32
        %add3A_677 = vector.broadcast %add3A_676 : i32 to vector<16xi32>
        %add3A_678 = arith.addi %add3A_669, %add3A_677 : vector<16xi32>
        tpu.vector_store_idx %arg7[%add3A_678], %select_n3A_657 masked %ne3A_668 {add = true} : memref<65536xf32, #tpu.memory_space<vmem>>[vector<16xi32>], vector<16xf32>, vector<16xi1>
        %add3A_679 = arith.addf %select_n3A_647, %gather3A_665 : vector<16xf32>
        %select_n3A_680 = arith.select %ne3A_668, %gather3A_665, %add3A_679 : vector<16xi1>, vector<16xf32>
        %add3A_681 = arith.addf %select_n3A_649, %gather3A_666 : vector<16xf32>
        %select_n3A_682 = arith.select %ne3A_668, %gather3A_666, %add3A_681 : vector<16xi1>, vector<16xf32>
        %add3A_683 = arith.addf %select_n3A_651, %gather3A_667 : vector<16xf32>
        %select_n3A_684 = arith.select %ne3A_668, %gather3A_667, %add3A_683 : vector<16xi1>, vector<16xf32>
        %add3A_685 = arith.constant 1.000000e+00 : f32
        %add3A_686 = vector.broadcast %add3A_685 : f32 to vector<16xf32>
        %add3A_687 = arith.addf %select_n3A_657, %add3A_686 : vector<16xf32>
        %jit3A_688 = arith.constant 1.000000e+00 : f32
        %broadcast_in_dim3A_689 = vector.broadcast %jit3A_688 : f32 to vector<16xf32>
        %select_n3A_690 = arith.select %ne3A_668, %broadcast_in_dim3A_689, %add3A_687 : vector<16xi1>, vector<16xf32>
        %mul3A_691 = arith.constant 25 : i32
        %mul3A_692 = arith.muli %scan3A_161, %mul3A_691 : i32
        %add3A_693 = arith.constant 16 : i32
        %add3A_694 = arith.addi %mul3A_692, %add3A_693 : i32
        %add3A_695 = vector.broadcast %add3A_694 : i32 to vector<16xi32>
        %add3A_696 = arith.addi %mul3A_3, %add3A_695 : vector<16xi32>
        %gather3A_697 = tpu.vector_load_idx %arg13[%add3A_696] : memref<4000xi32, #tpu.memory_space<vmem>>[vector<16xi32>], vector<16xi32>,
        %gather3A_698 = tpu.vector_load_idx %arg14[%add3A_696] : memref<4000xf32, #tpu.memory_space<vmem>>[vector<16xi32>], vector<16xf32>,
        %gather3A_699 = tpu.vector_load_idx %arg15[%add3A_696] : memref<4000xf32, #tpu.memory_space<vmem>>[vector<16xi32>], vector<16xf32>,
        %gather3A_700 = tpu.vector_load_idx %arg16[%add3A_696] : memref<4000xf32, #tpu.memory_space<vmem>>[vector<16xi32>], vector<16xf32>,
        %ne3A_701 = arith.cmpi ne, %gather3A_697, %gather3A_664 : vector<16xi32>
        %add3A_702 = arith.addi %mul3A_6, %gather3A_664 : vector<16xi32>
        tpu.vector_store_idx %arg7[%add3A_702], %select_n3A_680 masked %ne3A_701 {add = true} : memref<65536xf32, #tpu.memory_space<vmem>>[vector<16xi32>], vector<16xf32>, vector<16xi1>
        %add3A_703 = arith.constant 1024 : i32
        %add3A_704 = vector.broadcast %add3A_703 : i32 to vector<16xi32>
        %add3A_705 = arith.addi %add3A_702, %add3A_704 : vector<16xi32>
        tpu.vector_store_idx %arg7[%add3A_705], %select_n3A_682 masked %ne3A_701 {add = true} : memref<65536xf32, #tpu.memory_space<vmem>>[vector<16xi32>], vector<16xf32>, vector<16xi1>
        %add3A_706 = arith.constant 2048 : i32
        %add3A_707 = vector.broadcast %add3A_706 : i32 to vector<16xi32>
        %add3A_708 = arith.addi %add3A_702, %add3A_707 : vector<16xi32>
        tpu.vector_store_idx %arg7[%add3A_708], %select_n3A_684 masked %ne3A_701 {add = true} : memref<65536xf32, #tpu.memory_space<vmem>>[vector<16xi32>], vector<16xf32>, vector<16xi1>
        %add3A_709 = arith.constant 3072 : i32
        %add3A_710 = vector.broadcast %add3A_709 : i32 to vector<16xi32>
        %add3A_711 = arith.addi %add3A_702, %add3A_710 : vector<16xi32>
        tpu.vector_store_idx %arg7[%add3A_711], %select_n3A_690 masked %ne3A_701 {add = true} : memref<65536xf32, #tpu.memory_space<vmem>>[vector<16xi32>], vector<16xf32>, vector<16xi1>
        %add3A_712 = arith.addf %select_n3A_680, %gather3A_698 : vector<16xf32>
        %select_n3A_713 = arith.select %ne3A_701, %gather3A_698, %add3A_712 : vector<16xi1>, vector<16xf32>
        %add3A_714 = arith.addf %select_n3A_682, %gather3A_699 : vector<16xf32>
        %select_n3A_715 = arith.select %ne3A_701, %gather3A_699, %add3A_714 : vector<16xi1>, vector<16xf32>
        %add3A_716 = arith.addf %select_n3A_684, %gather3A_700 : vector<16xf32>
        %select_n3A_717 = arith.select %ne3A_701, %gather3A_700, %add3A_716 : vector<16xi1>, vector<16xf32>
        %add3A_718 = arith.constant 1.000000e+00 : f32
        %add3A_719 = vector.broadcast %add3A_718 : f32 to vector<16xf32>
        %add3A_720 = arith.addf %select_n3A_690, %add3A_719 : vector<16xf32>
        %jit3A_721 = arith.constant 1.000000e+00 : f32
        %broadcast_in_dim3A_722 = vector.broadcast %jit3A_721 : f32 to vector<16xf32>
        %select_n3A_723 = arith.select %ne3A_701, %broadcast_in_dim3A_722, %add3A_720 : vector<16xi1>, vector<16xf32>
        %mul3A_724 = arith.constant 25 : i32
        %mul3A_725 = arith.muli %scan3A_161, %mul3A_724 : i32
        %add3A_726 = arith.constant 17 : i32
        %add3A_727 = arith.addi %mul3A_725, %add3A_726 : i32
        %add3A_728 = vector.broadcast %add3A_727 : i32 to vector<16xi32>
        %add3A_729 = arith.addi %mul3A_3, %add3A_728 : vector<16xi32>
        %gather3A_730 = tpu.vector_load_idx %arg13[%add3A_729] : memref<4000xi32, #tpu.memory_space<vmem>>[vector<16xi32>], vector<16xi32>,
        %gather3A_731 = tpu.vector_load_idx %arg14[%add3A_729] : memref<4000xf32, #tpu.memory_space<vmem>>[vector<16xi32>], vector<16xf32>,
        %gather3A_732 = tpu.vector_load_idx %arg15[%add3A_729] : memref<4000xf32, #tpu.memory_space<vmem>>[vector<16xi32>], vector<16xf32>,
        %gather3A_733 = tpu.vector_load_idx %arg16[%add3A_729] : memref<4000xf32, #tpu.memory_space<vmem>>[vector<16xi32>], vector<16xf32>,
        %ne3A_734 = arith.cmpi ne, %gather3A_730, %gather3A_697 : vector<16xi32>
        %add3A_735 = arith.addi %mul3A_6, %gather3A_697 : vector<16xi32>
        tpu.vector_store_idx %arg7[%add3A_735], %select_n3A_713 masked %ne3A_734 {add = true} : memref<65536xf32, #tpu.memory_space<vmem>>[vector<16xi32>], vector<16xf32>, vector<16xi1>
        %add3A_736 = arith.constant 1024 : i32
        %add3A_737 = vector.broadcast %add3A_736 : i32 to vector<16xi32>
        %add3A_738 = arith.addi %add3A_735, %add3A_737 : vector<16xi32>
        tpu.vector_store_idx %arg7[%add3A_738], %select_n3A_715 masked %ne3A_734 {add = true} : memref<65536xf32, #tpu.memory_space<vmem>>[vector<16xi32>], vector<16xf32>, vector<16xi1>
        %add3A_739 = arith.constant 2048 : i32
        %add3A_740 = vector.broadcast %add3A_739 : i32 to vector<16xi32>
        %add3A_741 = arith.addi %add3A_735, %add3A_740 : vector<16xi32>
        tpu.vector_store_idx %arg7[%add3A_741], %select_n3A_717 masked %ne3A_734 {add = true} : memref<65536xf32, #tpu.memory_space<vmem>>[vector<16xi32>], vector<16xf32>, vector<16xi1>
        %add3A_742 = arith.constant 3072 : i32
        %add3A_743 = vector.broadcast %add3A_742 : i32 to vector<16xi32>
        %add3A_744 = arith.addi %add3A_735, %add3A_743 : vector<16xi32>
        tpu.vector_store_idx %arg7[%add3A_744], %select_n3A_723 masked %ne3A_734 {add = true} : memref<65536xf32, #tpu.memory_space<vmem>>[vector<16xi32>], vector<16xf32>, vector<16xi1>
        %add3A_745 = arith.addf %select_n3A_713, %gather3A_731 : vector<16xf32>
        %select_n3A_746 = arith.select %ne3A_734, %gather3A_731, %add3A_745 : vector<16xi1>, vector<16xf32>
        %add3A_747 = arith.addf %select_n3A_715, %gather3A_732 : vector<16xf32>
        %select_n3A_748 = arith.select %ne3A_734, %gather3A_732, %add3A_747 : vector<16xi1>, vector<16xf32>
        %add3A_749 = arith.addf %select_n3A_717, %gather3A_733 : vector<16xf32>
        %select_n3A_750 = arith.select %ne3A_734, %gather3A_733, %add3A_749 : vector<16xi1>, vector<16xf32>
        %add3A_751 = arith.constant 1.000000e+00 : f32
        %add3A_752 = vector.broadcast %add3A_751 : f32 to vector<16xf32>
        %add3A_753 = arith.addf %select_n3A_723, %add3A_752 : vector<16xf32>
        %jit3A_754 = arith.constant 1.000000e+00 : f32
        %broadcast_in_dim3A_755 = vector.broadcast %jit3A_754 : f32 to vector<16xf32>
        %select_n3A_756 = arith.select %ne3A_734, %broadcast_in_dim3A_755, %add3A_753 : vector<16xi1>, vector<16xf32>
        %mul3A_757 = arith.constant 25 : i32
        %mul3A_758 = arith.muli %scan3A_161, %mul3A_757 : i32
        %add3A_759 = arith.constant 18 : i32
        %add3A_760 = arith.addi %mul3A_758, %add3A_759 : i32
        %add3A_761 = vector.broadcast %add3A_760 : i32 to vector<16xi32>
        %add3A_762 = arith.addi %mul3A_3, %add3A_761 : vector<16xi32>
        %gather3A_763 = tpu.vector_load_idx %arg13[%add3A_762] : memref<4000xi32, #tpu.memory_space<vmem>>[vector<16xi32>], vector<16xi32>,
        %gather3A_764 = tpu.vector_load_idx %arg14[%add3A_762] : memref<4000xf32, #tpu.memory_space<vmem>>[vector<16xi32>], vector<16xf32>,
        %gather3A_765 = tpu.vector_load_idx %arg15[%add3A_762] : memref<4000xf32, #tpu.memory_space<vmem>>[vector<16xi32>], vector<16xf32>,
        %gather3A_766 = tpu.vector_load_idx %arg16[%add3A_762] : memref<4000xf32, #tpu.memory_space<vmem>>[vector<16xi32>], vector<16xf32>,
        %ne3A_767 = arith.cmpi ne, %gather3A_763, %gather3A_730 : vector<16xi32>
        %add3A_768 = arith.addi %mul3A_6, %gather3A_730 : vector<16xi32>
        tpu.vector_store_idx %arg7[%add3A_768], %select_n3A_746 masked %ne3A_767 {add = true} : memref<65536xf32, #tpu.memory_space<vmem>>[vector<16xi32>], vector<16xf32>, vector<16xi1>
        %add3A_769 = arith.constant 1024 : i32
        %add3A_770 = vector.broadcast %add3A_769 : i32 to vector<16xi32>
        %add3A_771 = arith.addi %add3A_768, %add3A_770 : vector<16xi32>
        tpu.vector_store_idx %arg7[%add3A_771], %select_n3A_748 masked %ne3A_767 {add = true} : memref<65536xf32, #tpu.memory_space<vmem>>[vector<16xi32>], vector<16xf32>, vector<16xi1>
        %add3A_772 = arith.constant 2048 : i32
        %add3A_773 = vector.broadcast %add3A_772 : i32 to vector<16xi32>
        %add3A_774 = arith.addi %add3A_768, %add3A_773 : vector<16xi32>
        tpu.vector_store_idx %arg7[%add3A_774], %select_n3A_750 masked %ne3A_767 {add = true} : memref<65536xf32, #tpu.memory_space<vmem>>[vector<16xi32>], vector<16xf32>, vector<16xi1>
        %add3A_775 = arith.constant 3072 : i32
        %add3A_776 = vector.broadcast %add3A_775 : i32 to vector<16xi32>
        %add3A_777 = arith.addi %add3A_768, %add3A_776 : vector<16xi32>
        tpu.vector_store_idx %arg7[%add3A_777], %select_n3A_756 masked %ne3A_767 {add = true} : memref<65536xf32, #tpu.memory_space<vmem>>[vector<16xi32>], vector<16xf32>, vector<16xi1>
        %add3A_778 = arith.addf %select_n3A_746, %gather3A_764 : vector<16xf32>
        %select_n3A_779 = arith.select %ne3A_767, %gather3A_764, %add3A_778 : vector<16xi1>, vector<16xf32>
        %add3A_780 = arith.addf %select_n3A_748, %gather3A_765 : vector<16xf32>
        %select_n3A_781 = arith.select %ne3A_767, %gather3A_765, %add3A_780 : vector<16xi1>, vector<16xf32>
        %add3A_782 = arith.addf %select_n3A_750, %gather3A_766 : vector<16xf32>
        %select_n3A_783 = arith.select %ne3A_767, %gather3A_766, %add3A_782 : vector<16xi1>, vector<16xf32>
        %add3A_784 = arith.constant 1.000000e+00 : f32
        %add3A_785 = vector.broadcast %add3A_784 : f32 to vector<16xf32>
        %add3A_786 = arith.addf %select_n3A_756, %add3A_785 : vector<16xf32>
        %jit3A_787 = arith.constant 1.000000e+00 : f32
        %broadcast_in_dim3A_788 = vector.broadcast %jit3A_787 : f32 to vector<16xf32>
        %select_n3A_789 = arith.select %ne3A_767, %broadcast_in_dim3A_788, %add3A_786 : vector<16xi1>, vector<16xf32>
        %mul3A_790 = arith.constant 25 : i32
        %mul3A_791 = arith.muli %scan3A_161, %mul3A_790 : i32
        %add3A_792 = arith.constant 19 : i32
        %add3A_793 = arith.addi %mul3A_791, %add3A_792 : i32
        %add3A_794 = vector.broadcast %add3A_793 : i32 to vector<16xi32>
        %add3A_795 = arith.addi %mul3A_3, %add3A_794 : vector<16xi32>
        %gather3A_796 = tpu.vector_load_idx %arg13[%add3A_795] : memref<4000xi32, #tpu.memory_space<vmem>>[vector<16xi32>], vector<16xi32>,
        %gather3A_797 = tpu.vector_load_idx %arg14[%add3A_795] : memref<4000xf32, #tpu.memory_space<vmem>>[vector<16xi32>], vector<16xf32>,
        %gather3A_798 = tpu.vector_load_idx %arg15[%add3A_795] : memref<4000xf32, #tpu.memory_space<vmem>>[vector<16xi32>], vector<16xf32>,
        %gather3A_799 = tpu.vector_load_idx %arg16[%add3A_795] : memref<4000xf32, #tpu.memory_space<vmem>>[vector<16xi32>], vector<16xf32>,
        %ne3A_800 = arith.cmpi ne, %gather3A_796, %gather3A_763 : vector<16xi32>
        %add3A_801 = arith.addi %mul3A_6, %gather3A_763 : vector<16xi32>
        tpu.vector_store_idx %arg7[%add3A_801], %select_n3A_779 masked %ne3A_800 {add = true} : memref<65536xf32, #tpu.memory_space<vmem>>[vector<16xi32>], vector<16xf32>, vector<16xi1>
        %add3A_802 = arith.constant 1024 : i32
        %add3A_803 = vector.broadcast %add3A_802 : i32 to vector<16xi32>
        %add3A_804 = arith.addi %add3A_801, %add3A_803 : vector<16xi32>
        tpu.vector_store_idx %arg7[%add3A_804], %select_n3A_781 masked %ne3A_800 {add = true} : memref<65536xf32, #tpu.memory_space<vmem>>[vector<16xi32>], vector<16xf32>, vector<16xi1>
        %add3A_805 = arith.constant 2048 : i32
        %add3A_806 = vector.broadcast %add3A_805 : i32 to vector<16xi32>
        %add3A_807 = arith.addi %add3A_801, %add3A_806 : vector<16xi32>
        tpu.vector_store_idx %arg7[%add3A_807], %select_n3A_783 masked %ne3A_800 {add = true} : memref<65536xf32, #tpu.memory_space<vmem>>[vector<16xi32>], vector<16xf32>, vector<16xi1>
        %add3A_808 = arith.constant 3072 : i32
        %add3A_809 = vector.broadcast %add3A_808 : i32 to vector<16xi32>
        %add3A_810 = arith.addi %add3A_801, %add3A_809 : vector<16xi32>
        tpu.vector_store_idx %arg7[%add3A_810], %select_n3A_789 masked %ne3A_800 {add = true} : memref<65536xf32, #tpu.memory_space<vmem>>[vector<16xi32>], vector<16xf32>, vector<16xi1>
        %add3A_811 = arith.addf %select_n3A_779, %gather3A_797 : vector<16xf32>
        %select_n3A_812 = arith.select %ne3A_800, %gather3A_797, %add3A_811 : vector<16xi1>, vector<16xf32>
        %add3A_813 = arith.addf %select_n3A_781, %gather3A_798 : vector<16xf32>
        %select_n3A_814 = arith.select %ne3A_800, %gather3A_798, %add3A_813 : vector<16xi1>, vector<16xf32>
        %add3A_815 = arith.addf %select_n3A_783, %gather3A_799 : vector<16xf32>
        %select_n3A_816 = arith.select %ne3A_800, %gather3A_799, %add3A_815 : vector<16xi1>, vector<16xf32>
        %add3A_817 = arith.constant 1.000000e+00 : f32
        %add3A_818 = vector.broadcast %add3A_817 : f32 to vector<16xf32>
        %add3A_819 = arith.addf %select_n3A_789, %add3A_818 : vector<16xf32>
        %jit3A_820 = arith.constant 1.000000e+00 : f32
        %broadcast_in_dim3A_821 = vector.broadcast %jit3A_820 : f32 to vector<16xf32>
        %select_n3A_822 = arith.select %ne3A_800, %broadcast_in_dim3A_821, %add3A_819 : vector<16xi1>, vector<16xf32>
        %mul3A_823 = arith.constant 25 : i32
        %mul3A_824 = arith.muli %scan3A_161, %mul3A_823 : i32
        %add3A_825 = arith.constant 20 : i32
        %add3A_826 = arith.addi %mul3A_824, %add3A_825 : i32
        %add3A_827 = vector.broadcast %add3A_826 : i32 to vector<16xi32>
        %add3A_828 = arith.addi %mul3A_3, %add3A_827 : vector<16xi32>
        %gather3A_829 = tpu.vector_load_idx %arg13[%add3A_828] : memref<4000xi32, #tpu.memory_space<vmem>>[vector<16xi32>], vector<16xi32>,
        %gather3A_830 = tpu.vector_load_idx %arg14[%add3A_828] : memref<4000xf32, #tpu.memory_space<vmem>>[vector<16xi32>], vector<16xf32>,
        %gather3A_831 = tpu.vector_load_idx %arg15[%add3A_828] : memref<4000xf32, #tpu.memory_space<vmem>>[vector<16xi32>], vector<16xf32>,
        %gather3A_832 = tpu.vector_load_idx %arg16[%add3A_828] : memref<4000xf32, #tpu.memory_space<vmem>>[vector<16xi32>], vector<16xf32>,
        %ne3A_833 = arith.cmpi ne, %gather3A_829, %gather3A_796 : vector<16xi32>
        %add3A_834 = arith.addi %mul3A_6, %gather3A_796 : vector<16xi32>
        tpu.vector_store_idx %arg7[%add3A_834], %select_n3A_812 masked %ne3A_833 {add = true} : memref<65536xf32, #tpu.memory_space<vmem>>[vector<16xi32>], vector<16xf32>, vector<16xi1>
        %add3A_835 = arith.constant 1024 : i32
        %add3A_836 = vector.broadcast %add3A_835 : i32 to vector<16xi32>
        %add3A_837 = arith.addi %add3A_834, %add3A_836 : vector<16xi32>
        tpu.vector_store_idx %arg7[%add3A_837], %select_n3A_814 masked %ne3A_833 {add = true} : memref<65536xf32, #tpu.memory_space<vmem>>[vector<16xi32>], vector<16xf32>, vector<16xi1>
        %add3A_838 = arith.constant 2048 : i32
        %add3A_839 = vector.broadcast %add3A_838 : i32 to vector<16xi32>
        %add3A_840 = arith.addi %add3A_834, %add3A_839 : vector<16xi32>
        tpu.vector_store_idx %arg7[%add3A_840], %select_n3A_816 masked %ne3A_833 {add = true} : memref<65536xf32, #tpu.memory_space<vmem>>[vector<16xi32>], vector<16xf32>, vector<16xi1>
        %add3A_841 = arith.constant 3072 : i32
        %add3A_842 = vector.broadcast %add3A_841 : i32 to vector<16xi32>
        %add3A_843 = arith.addi %add3A_834, %add3A_842 : vector<16xi32>
        tpu.vector_store_idx %arg7[%add3A_843], %select_n3A_822 masked %ne3A_833 {add = true} : memref<65536xf32, #tpu.memory_space<vmem>>[vector<16xi32>], vector<16xf32>, vector<16xi1>
        %add3A_844 = arith.addf %select_n3A_812, %gather3A_830 : vector<16xf32>
        %select_n3A_845 = arith.select %ne3A_833, %gather3A_830, %add3A_844 : vector<16xi1>, vector<16xf32>
        %add3A_846 = arith.addf %select_n3A_814, %gather3A_831 : vector<16xf32>
        %select_n3A_847 = arith.select %ne3A_833, %gather3A_831, %add3A_846 : vector<16xi1>, vector<16xf32>
        %add3A_848 = arith.addf %select_n3A_816, %gather3A_832 : vector<16xf32>
        %select_n3A_849 = arith.select %ne3A_833, %gather3A_832, %add3A_848 : vector<16xi1>, vector<16xf32>
        %add3A_850 = arith.constant 1.000000e+00 : f32
        %add3A_851 = vector.broadcast %add3A_850 : f32 to vector<16xf32>
        %add3A_852 = arith.addf %select_n3A_822, %add3A_851 : vector<16xf32>
        %jit3A_853 = arith.constant 1.000000e+00 : f32
        %broadcast_in_dim3A_854 = vector.broadcast %jit3A_853 : f32 to vector<16xf32>
        %select_n3A_855 = arith.select %ne3A_833, %broadcast_in_dim3A_854, %add3A_852 : vector<16xi1>, vector<16xf32>
        %mul3A_856 = arith.constant 25 : i32
        %mul3A_857 = arith.muli %scan3A_161, %mul3A_856 : i32
        %add3A_858 = arith.constant 21 : i32
        %add3A_859 = arith.addi %mul3A_857, %add3A_858 : i32
        %add3A_860 = vector.broadcast %add3A_859 : i32 to vector<16xi32>
        %add3A_861 = arith.addi %mul3A_3, %add3A_860 : vector<16xi32>
        %gather3A_862 = tpu.vector_load_idx %arg13[%add3A_861] : memref<4000xi32, #tpu.memory_space<vmem>>[vector<16xi32>], vector<16xi32>,
        %gather3A_863 = tpu.vector_load_idx %arg14[%add3A_861] : memref<4000xf32, #tpu.memory_space<vmem>>[vector<16xi32>], vector<16xf32>,
        %gather3A_864 = tpu.vector_load_idx %arg15[%add3A_861] : memref<4000xf32, #tpu.memory_space<vmem>>[vector<16xi32>], vector<16xf32>,
        %gather3A_865 = tpu.vector_load_idx %arg16[%add3A_861] : memref<4000xf32, #tpu.memory_space<vmem>>[vector<16xi32>], vector<16xf32>,
        %ne3A_866 = arith.cmpi ne, %gather3A_862, %gather3A_829 : vector<16xi32>
        %add3A_867 = arith.addi %mul3A_6, %gather3A_829 : vector<16xi32>
        tpu.vector_store_idx %arg7[%add3A_867], %select_n3A_845 masked %ne3A_866 {add = true} : memref<65536xf32, #tpu.memory_space<vmem>>[vector<16xi32>], vector<16xf32>, vector<16xi1>
        %add3A_868 = arith.constant 1024 : i32
        %add3A_869 = vector.broadcast %add3A_868 : i32 to vector<16xi32>
        %add3A_870 = arith.addi %add3A_867, %add3A_869 : vector<16xi32>
        tpu.vector_store_idx %arg7[%add3A_870], %select_n3A_847 masked %ne3A_866 {add = true} : memref<65536xf32, #tpu.memory_space<vmem>>[vector<16xi32>], vector<16xf32>, vector<16xi1>
        %add3A_871 = arith.constant 2048 : i32
        %add3A_872 = vector.broadcast %add3A_871 : i32 to vector<16xi32>
        %add3A_873 = arith.addi %add3A_867, %add3A_872 : vector<16xi32>
        tpu.vector_store_idx %arg7[%add3A_873], %select_n3A_849 masked %ne3A_866 {add = true} : memref<65536xf32, #tpu.memory_space<vmem>>[vector<16xi32>], vector<16xf32>, vector<16xi1>
        %add3A_874 = arith.constant 3072 : i32
        %add3A_875 = vector.broadcast %add3A_874 : i32 to vector<16xi32>
        %add3A_876 = arith.addi %add3A_867, %add3A_875 : vector<16xi32>
        tpu.vector_store_idx %arg7[%add3A_876], %select_n3A_855 masked %ne3A_866 {add = true} : memref<65536xf32, #tpu.memory_space<vmem>>[vector<16xi32>], vector<16xf32>, vector<16xi1>
        %add3A_877 = arith.addf %select_n3A_845, %gather3A_863 : vector<16xf32>
        %select_n3A_878 = arith.select %ne3A_866, %gather3A_863, %add3A_877 : vector<16xi1>, vector<16xf32>
        %add3A_879 = arith.addf %select_n3A_847, %gather3A_864 : vector<16xf32>
        %select_n3A_880 = arith.select %ne3A_866, %gather3A_864, %add3A_879 : vector<16xi1>, vector<16xf32>
        %add3A_881 = arith.addf %select_n3A_849, %gather3A_865 : vector<16xf32>
        %select_n3A_882 = arith.select %ne3A_866, %gather3A_865, %add3A_881 : vector<16xi1>, vector<16xf32>
        %add3A_883 = arith.constant 1.000000e+00 : f32
        %add3A_884 = vector.broadcast %add3A_883 : f32 to vector<16xf32>
        %add3A_885 = arith.addf %select_n3A_855, %add3A_884 : vector<16xf32>
        %jit3A_886 = arith.constant 1.000000e+00 : f32
        %broadcast_in_dim3A_887 = vector.broadcast %jit3A_886 : f32 to vector<16xf32>
        %select_n3A_888 = arith.select %ne3A_866, %broadcast_in_dim3A_887, %add3A_885 : vector<16xi1>, vector<16xf32>
        %mul3A_889 = arith.constant 25 : i32
        %mul3A_890 = arith.muli %scan3A_161, %mul3A_889 : i32
        %add3A_891 = arith.constant 22 : i32
        %add3A_892 = arith.addi %mul3A_890, %add3A_891 : i32
        %add3A_893 = vector.broadcast %add3A_892 : i32 to vector<16xi32>
        %add3A_894 = arith.addi %mul3A_3, %add3A_893 : vector<16xi32>
        %gather3A_895 = tpu.vector_load_idx %arg13[%add3A_894] : memref<4000xi32, #tpu.memory_space<vmem>>[vector<16xi32>], vector<16xi32>,
        %gather3A_896 = tpu.vector_load_idx %arg14[%add3A_894] : memref<4000xf32, #tpu.memory_space<vmem>>[vector<16xi32>], vector<16xf32>,
        %gather3A_897 = tpu.vector_load_idx %arg15[%add3A_894] : memref<4000xf32, #tpu.memory_space<vmem>>[vector<16xi32>], vector<16xf32>,
        %gather3A_898 = tpu.vector_load_idx %arg16[%add3A_894] : memref<4000xf32, #tpu.memory_space<vmem>>[vector<16xi32>], vector<16xf32>,
        %ne3A_899 = arith.cmpi ne, %gather3A_895, %gather3A_862 : vector<16xi32>
        %add3A_900 = arith.addi %mul3A_6, %gather3A_862 : vector<16xi32>
        tpu.vector_store_idx %arg7[%add3A_900], %select_n3A_878 masked %ne3A_899 {add = true} : memref<65536xf32, #tpu.memory_space<vmem>>[vector<16xi32>], vector<16xf32>, vector<16xi1>
        %add3A_901 = arith.constant 1024 : i32
        %add3A_902 = vector.broadcast %add3A_901 : i32 to vector<16xi32>
        %add3A_903 = arith.addi %add3A_900, %add3A_902 : vector<16xi32>
        tpu.vector_store_idx %arg7[%add3A_903], %select_n3A_880 masked %ne3A_899 {add = true} : memref<65536xf32, #tpu.memory_space<vmem>>[vector<16xi32>], vector<16xf32>, vector<16xi1>
        %add3A_904 = arith.constant 2048 : i32
        %add3A_905 = vector.broadcast %add3A_904 : i32 to vector<16xi32>
        %add3A_906 = arith.addi %add3A_900, %add3A_905 : vector<16xi32>
        tpu.vector_store_idx %arg7[%add3A_906], %select_n3A_882 masked %ne3A_899 {add = true} : memref<65536xf32, #tpu.memory_space<vmem>>[vector<16xi32>], vector<16xf32>, vector<16xi1>
        %add3A_907 = arith.constant 3072 : i32
        %add3A_908 = vector.broadcast %add3A_907 : i32 to vector<16xi32>
        %add3A_909 = arith.addi %add3A_900, %add3A_908 : vector<16xi32>
        tpu.vector_store_idx %arg7[%add3A_909], %select_n3A_888 masked %ne3A_899 {add = true} : memref<65536xf32, #tpu.memory_space<vmem>>[vector<16xi32>], vector<16xf32>, vector<16xi1>
        %add3A_910 = arith.addf %select_n3A_878, %gather3A_896 : vector<16xf32>
        %select_n3A_911 = arith.select %ne3A_899, %gather3A_896, %add3A_910 : vector<16xi1>, vector<16xf32>
        %add3A_912 = arith.addf %select_n3A_880, %gather3A_897 : vector<16xf32>
        %select_n3A_913 = arith.select %ne3A_899, %gather3A_897, %add3A_912 : vector<16xi1>, vector<16xf32>
        %add3A_914 = arith.addf %select_n3A_882, %gather3A_898 : vector<16xf32>
        %select_n3A_915 = arith.select %ne3A_899, %gather3A_898, %add3A_914 : vector<16xi1>, vector<16xf32>
        %add3A_916 = arith.constant 1.000000e+00 : f32
        %add3A_917 = vector.broadcast %add3A_916 : f32 to vector<16xf32>
        %add3A_918 = arith.addf %select_n3A_888, %add3A_917 : vector<16xf32>
        %jit3A_919 = arith.constant 1.000000e+00 : f32
        %broadcast_in_dim3A_920 = vector.broadcast %jit3A_919 : f32 to vector<16xf32>
        %select_n3A_921 = arith.select %ne3A_899, %broadcast_in_dim3A_920, %add3A_918 : vector<16xi1>, vector<16xf32>
        %mul3A_922 = arith.constant 25 : i32
        %mul3A_923 = arith.muli %scan3A_161, %mul3A_922 : i32
        %add3A_924 = arith.constant 23 : i32
        %add3A_925 = arith.addi %mul3A_923, %add3A_924 : i32
        %add3A_926 = vector.broadcast %add3A_925 : i32 to vector<16xi32>
        %add3A_927 = arith.addi %mul3A_3, %add3A_926 : vector<16xi32>
        %gather3A_928 = tpu.vector_load_idx %arg13[%add3A_927] : memref<4000xi32, #tpu.memory_space<vmem>>[vector<16xi32>], vector<16xi32>,
        %gather3A_929 = tpu.vector_load_idx %arg14[%add3A_927] : memref<4000xf32, #tpu.memory_space<vmem>>[vector<16xi32>], vector<16xf32>,
        %gather3A_930 = tpu.vector_load_idx %arg15[%add3A_927] : memref<4000xf32, #tpu.memory_space<vmem>>[vector<16xi32>], vector<16xf32>,
        %gather3A_931 = tpu.vector_load_idx %arg16[%add3A_927] : memref<4000xf32, #tpu.memory_space<vmem>>[vector<16xi32>], vector<16xf32>,
        %ne3A_932 = arith.cmpi ne, %gather3A_928, %gather3A_895 : vector<16xi32>
        %add3A_933 = arith.addi %mul3A_6, %gather3A_895 : vector<16xi32>
        tpu.vector_store_idx %arg7[%add3A_933], %select_n3A_911 masked %ne3A_932 {add = true} : memref<65536xf32, #tpu.memory_space<vmem>>[vector<16xi32>], vector<16xf32>, vector<16xi1>
        %add3A_934 = arith.constant 1024 : i32
        %add3A_935 = vector.broadcast %add3A_934 : i32 to vector<16xi32>
        %add3A_936 = arith.addi %add3A_933, %add3A_935 : vector<16xi32>
        tpu.vector_store_idx %arg7[%add3A_936], %select_n3A_913 masked %ne3A_932 {add = true} : memref<65536xf32, #tpu.memory_space<vmem>>[vector<16xi32>], vector<16xf32>, vector<16xi1>
        %add3A_937 = arith.constant 2048 : i32
        %add3A_938 = vector.broadcast %add3A_937 : i32 to vector<16xi32>
        %add3A_939 = arith.addi %add3A_933, %add3A_938 : vector<16xi32>
        tpu.vector_store_idx %arg7[%add3A_939], %select_n3A_915 masked %ne3A_932 {add = true} : memref<65536xf32, #tpu.memory_space<vmem>>[vector<16xi32>], vector<16xf32>, vector<16xi1>
        %add3A_940 = arith.constant 3072 : i32
        %add3A_941 = vector.broadcast %add3A_940 : i32 to vector<16xi32>
        %add3A_942 = arith.addi %add3A_933, %add3A_941 : vector<16xi32>
        tpu.vector_store_idx %arg7[%add3A_942], %select_n3A_921 masked %ne3A_932 {add = true} : memref<65536xf32, #tpu.memory_space<vmem>>[vector<16xi32>], vector<16xf32>, vector<16xi1>
        %add3A_943 = arith.addf %select_n3A_911, %gather3A_929 : vector<16xf32>
        %select_n3A_944 = arith.select %ne3A_932, %gather3A_929, %add3A_943 : vector<16xi1>, vector<16xf32>
        %add3A_945 = arith.addf %select_n3A_913, %gather3A_930 : vector<16xf32>
        %select_n3A_946 = arith.select %ne3A_932, %gather3A_930, %add3A_945 : vector<16xi1>, vector<16xf32>
        %add3A_947 = arith.addf %select_n3A_915, %gather3A_931 : vector<16xf32>
        %select_n3A_948 = arith.select %ne3A_932, %gather3A_931, %add3A_947 : vector<16xi1>, vector<16xf32>
        %add3A_949 = arith.constant 1.000000e+00 : f32
        %add3A_950 = vector.broadcast %add3A_949 : f32 to vector<16xf32>
        %add3A_951 = arith.addf %select_n3A_921, %add3A_950 : vector<16xf32>
        %jit3A_952 = arith.constant 1.000000e+00 : f32
        %broadcast_in_dim3A_953 = vector.broadcast %jit3A_952 : f32 to vector<16xf32>
        %select_n3A_954 = arith.select %ne3A_932, %broadcast_in_dim3A_953, %add3A_951 : vector<16xi1>, vector<16xf32>
        %mul3A_955 = arith.constant 25 : i32
        %mul3A_956 = arith.muli %scan3A_161, %mul3A_955 : i32
        %add3A_957 = arith.constant 24 : i32
        %add3A_958 = arith.addi %mul3A_956, %add3A_957 : i32
        %add3A_959 = vector.broadcast %add3A_958 : i32 to vector<16xi32>
        %add3A_960 = arith.addi %mul3A_3, %add3A_959 : vector<16xi32>
        %gather3A_961 = tpu.vector_load_idx %arg13[%add3A_960] : memref<4000xi32, #tpu.memory_space<vmem>>[vector<16xi32>], vector<16xi32>,
        %gather3A_962 = tpu.vector_load_idx %arg14[%add3A_960] : memref<4000xf32, #tpu.memory_space<vmem>>[vector<16xi32>], vector<16xf32>,
        %gather3A_963 = tpu.vector_load_idx %arg15[%add3A_960] : memref<4000xf32, #tpu.memory_space<vmem>>[vector<16xi32>], vector<16xf32>,
        %gather3A_964 = tpu.vector_load_idx %arg16[%add3A_960] : memref<4000xf32, #tpu.memory_space<vmem>>[vector<16xi32>], vector<16xf32>,
        %ne3A_965 = arith.cmpi ne, %gather3A_961, %gather3A_928 : vector<16xi32>
        %add3A_966 = arith.addi %mul3A_6, %gather3A_928 : vector<16xi32>
        tpu.vector_store_idx %arg7[%add3A_966], %select_n3A_944 masked %ne3A_965 {add = true} : memref<65536xf32, #tpu.memory_space<vmem>>[vector<16xi32>], vector<16xf32>, vector<16xi1>
        %add3A_967 = arith.constant 1024 : i32
        %add3A_968 = vector.broadcast %add3A_967 : i32 to vector<16xi32>
        %add3A_969 = arith.addi %add3A_966, %add3A_968 : vector<16xi32>
        tpu.vector_store_idx %arg7[%add3A_969], %select_n3A_946 masked %ne3A_965 {add = true} : memref<65536xf32, #tpu.memory_space<vmem>>[vector<16xi32>], vector<16xf32>, vector<16xi1>
        %add3A_970 = arith.constant 2048 : i32
        %add3A_971 = vector.broadcast %add3A_970 : i32 to vector<16xi32>
        %add3A_972 = arith.addi %add3A_966, %add3A_971 : vector<16xi32>
        tpu.vector_store_idx %arg7[%add3A_972], %select_n3A_948 masked %ne3A_965 {add = true} : memref<65536xf32, #tpu.memory_space<vmem>>[vector<16xi32>], vector<16xf32>, vector<16xi1>
        %add3A_973 = arith.constant 3072 : i32
        %add3A_974 = vector.broadcast %add3A_973 : i32 to vector<16xi32>
        %add3A_975 = arith.addi %add3A_966, %add3A_974 : vector<16xi32>
        tpu.vector_store_idx %arg7[%add3A_975], %select_n3A_954 masked %ne3A_965 {add = true} : memref<65536xf32, #tpu.memory_space<vmem>>[vector<16xi32>], vector<16xf32>, vector<16xi1>
        %add3A_976 = arith.addf %select_n3A_944, %gather3A_962 : vector<16xf32>
        %select_n3A_977 = arith.select %ne3A_965, %gather3A_962, %add3A_976 : vector<16xi1>, vector<16xf32>
        %add3A_978 = arith.addf %select_n3A_946, %gather3A_963 : vector<16xf32>
        %select_n3A_979 = arith.select %ne3A_965, %gather3A_963, %add3A_978 : vector<16xi1>, vector<16xf32>
        %add3A_980 = arith.addf %select_n3A_948, %gather3A_964 : vector<16xf32>
        %select_n3A_981 = arith.select %ne3A_965, %gather3A_964, %add3A_980 : vector<16xi1>, vector<16xf32>
        %add3A_982 = arith.constant 1.000000e+00 : f32
        %add3A_983 = vector.broadcast %add3A_982 : f32 to vector<16xf32>
        %add3A_984 = arith.addf %select_n3A_954, %add3A_983 : vector<16xf32>
        %jit3A_985 = arith.constant 1.000000e+00 : f32
        %broadcast_in_dim3A_986 = vector.broadcast %jit3A_985 : f32 to vector<16xf32>
        %select_n3A_987 = arith.select %ne3A_965, %broadcast_in_dim3A_986, %add3A_984 : vector<16xi1>, vector<16xf32>
        scf.yield %gather3A_961, %select_n3A_977, %select_n3A_979, %select_n3A_981, %select_n3A_987 : vector<16xi32>, vector<16xf32>, vector<16xf32>, vector<16xf32>, vector<16xf32>
      }
      %scan3A_153 = arith.constant 10 : i32
      %add3A_154 = arith.constant 2 : i32
      %add3A_155 = arith.addi %add3A_131, %add3A_154 : i32
      %lt3A_156 = arith.constant 50 : i32
      %lt3A_157 = arith.cmpi slt, %add3A_155, %lt3A_156 : i32
      %convert_element_type3A_158 = arith.extui %lt3A_157 : i1 to i32
      %cond3A_159 = arith.constant 0 : i32
      %cond3A_160 = arith.cmpi ne, %convert_element_type3A_158, %cond3A_159 : i32
      scf.if %cond3A_160 {
        %add3A_161 = arith.constant 2 : i32
        %add3A_162 = arith.addi %add3A_131, %add3A_161 : i32
        %mul3A_163 = arith.constant 4000 : i32
        %mul3A_164 = arith.muli %add3A_162, %mul3A_163 : i32
        %add3A_165 = arith.addi %mul3A_13, %mul3A_164 : i32
        %add3A_166 = arith.constant 0 : i32
        %add3A_167 = arith.addi %add3A_166, %mul3A_13 : i32
        %mul3A_168 = arith.constant 4000 : i32
        %mul3A_169 = arith.muli %add3A_162, %mul3A_168 : i32
        %add3A_170 = arith.addi %add3A_167, %mul3A_169 : i32
        %dma_start3A_171 = tpu.memref_slice %arg5[%add3A_170] : memref<6400000xi32, #tpu.memory_space<hbm>> -> memref<4000xi32, #tpu.memory_space<hbm>>
        %dma_start3A_172 = tpu.memref_slice %arg5[%add3A_170] : memref<6400000xi32, #tpu.memory_space<hbm>> -> memref<4000xi32, #tpu.memory_space<hbm>>
        tpu.enqueue_dma source(%dma_start3A_172 : memref<4000xi32, #tpu.memory_space<hbm>>) target(%arg13 : memref<4000xi32, #tpu.memory_space<vmem>>) target_semaphore(%arg18 : memref<!tpu.dma_semaphore, #tpu.memory_space<semaphore_mem>>)
        %dma_start3A_173 = tpu.memref_slice %arg2[%add3A_165] : memref<6400000xf32, #tpu.memory_space<hbm>> -> memref<4000xf32, #tpu.memory_space<hbm>>
        %dma_start3A_174 = tpu.memref_slice %arg2[%add3A_165] : memref<6400000xf32, #tpu.memory_space<hbm>> -> memref<4000xf32, #tpu.memory_space<hbm>>
        tpu.enqueue_dma source(%dma_start3A_174 : memref<4000xf32, #tpu.memory_space<hbm>>) target(%arg14 : memref<4000xf32, #tpu.memory_space<vmem>>) target_semaphore(%arg18 : memref<!tpu.dma_semaphore, #tpu.memory_space<semaphore_mem>>)
        %dma_start3A_175 = tpu.memref_slice %arg3[%add3A_165] : memref<6400000xf32, #tpu.memory_space<hbm>> -> memref<4000xf32, #tpu.memory_space<hbm>>
        %dma_start3A_176 = tpu.memref_slice %arg3[%add3A_165] : memref<6400000xf32, #tpu.memory_space<hbm>> -> memref<4000xf32, #tpu.memory_space<hbm>>
        tpu.enqueue_dma source(%dma_start3A_176 : memref<4000xf32, #tpu.memory_space<hbm>>) target(%arg15 : memref<4000xf32, #tpu.memory_space<vmem>>) target_semaphore(%arg18 : memref<!tpu.dma_semaphore, #tpu.memory_space<semaphore_mem>>)
        %dma_start3A_177 = tpu.memref_slice %arg4[%add3A_165] : memref<6400000xf32, #tpu.memory_space<hbm>> -> memref<4000xf32, #tpu.memory_space<hbm>>
        %dma_start3A_178 = tpu.memref_slice %arg4[%add3A_165] : memref<6400000xf32, #tpu.memory_space<hbm>> -> memref<4000xf32, #tpu.memory_space<hbm>>
        tpu.enqueue_dma source(%dma_start3A_178 : memref<4000xf32, #tpu.memory_space<hbm>>) target(%arg16 : memref<4000xf32, #tpu.memory_space<vmem>>) target_semaphore(%arg18 : memref<!tpu.dma_semaphore, #tpu.memory_space<semaphore_mem>>)
      } else {
      }
      scf.yield %scan3A_152#0, %scan3A_152#1, %scan3A_152#2, %scan3A_152#3, %scan3A_152#4 : vector<16xi32>, vector<16xf32>, vector<16xf32>, vector<16xf32>, vector<16xf32>
    }
    %scan3A_52 = arith.constant 25 : i32
    %add3A_53 = arith.addi %mul3A_6, %scan3A_51#0 : vector<16xi32>
    tpu.vector_store_idx %arg7[%add3A_53], %scan3A_51#1 {add = true} : memref<65536xf32, #tpu.memory_space<vmem>>[vector<16xi32>], vector<16xf32>,
    %add3A_54 = arith.constant 1024 : i32
    %add3A_55 = vector.broadcast %add3A_54 : i32 to vector<16xi32>
    %add3A_56 = arith.addi %add3A_53, %add3A_55 : vector<16xi32>
    tpu.vector_store_idx %arg7[%add3A_56], %scan3A_51#2 {add = true} : memref<65536xf32, #tpu.memory_space<vmem>>[vector<16xi32>], vector<16xf32>,
    %add3A_57 = arith.constant 2048 : i32
    %add3A_58 = vector.broadcast %add3A_57 : i32 to vector<16xi32>
    %add3A_59 = arith.addi %add3A_53, %add3A_58 : vector<16xi32>
    tpu.vector_store_idx %arg7[%add3A_59], %scan3A_51#3 {add = true} : memref<65536xf32, #tpu.memory_space<vmem>>[vector<16xi32>], vector<16xf32>,
    %add3A_60 = arith.constant 3072 : i32
    %add3A_61 = vector.broadcast %add3A_60 : i32 to vector<16xi32>
    %add3A_62 = arith.addi %add3A_53, %add3A_61 : vector<16xi32>
    tpu.vector_store_idx %arg7[%add3A_62], %scan3A_51#4 {add = true} : memref<65536xf32, #tpu.memory_space<vmem>>[vector<16xi32>], vector<16xf32>,
    %scan3A_63 = arith.constant 0 : i32
    %scan3A_64 = arith.constant 0 : i32
    %scan3A_65 = arith.constant 64 : i32
    %scan3A_66 = arith.addi %scan3A_64, %scan3A_65 : i32
    %scan3A_67 = arith.constant 1 : i32
    %scan3A_68 = scf.for %scan3A_93 = %scan3A_64 to %scan3A_66 step %scan3A_67 iter_args(%scan3A_94 = %scan3A_63) -> (i32)  : i32 {
      %mul3A_95 = arith.constant 16 : i32
      %mul3A_96 = arith.muli %scan3A_93, %mul3A_95 : i32
      %add3A_97 = arith.constant 0 : i32
      %add3A_98 = arith.addi %add3A_97, %mul3A_96 : i32
      %get3A = arith.index_cast %add3A_98 : i32 to index
      %get3A_99 = tpu.vector_load %arg7[%get3A] {strides = array<i32>} : memref<65536xf32, #tpu.memory_space<vmem>>, vector<16xf32>,
      %add3A_100 = arith.addf %broadcast_in_dim3A_7, %get3A_99 : vector<16xf32>
      %mul3A_101 = arith.constant 16 : i32
      %mul3A_102 = arith.muli %scan3A_93, %mul3A_101 : i32
      %add3A_103 = arith.constant 4096 : i32
      %add3A_104 = arith.addi %add3A_103, %mul3A_102 : i32
      %get3A_105 = arith.index_cast %add3A_104 : i32 to index
      %get3A_106 = tpu.vector_load %arg7[%get3A_105] {strides = array<i32>} : memref<65536xf32, #tpu.memory_space<vmem>>, vector<16xf32>,
      %add3A_107 = arith.addf %add3A_100, %get3A_106 : vector<16xf32>
      %mul3A_108 = arith.constant 16 : i32
      %mul3A_109 = arith.muli %scan3A_93, %mul3A_108 : i32
      %add3A_110 = arith.constant 8192 : i32
      %add3A_111 = arith.addi %add3A_110, %mul3A_109 : i32
      %get3A_112 = arith.index_cast %add3A_111 : i32 to index
      %get3A_113 = tpu.vector_load %arg7[%get3A_112] {strides = array<i32>} : memref<65536xf32, #tpu.memory_space<vmem>>, vector<16xf32>,
      %add3A_114 = arith.addf %add3A_107, %get3A_113 : vector<16xf32>
      %mul3A_115 = arith.constant 16 : i32
      %mul3A_116 = arith.muli %scan3A_93, %mul3A_115 : i32
      %add3A_117 = arith.constant 12288 : i32
      %add3A_118 = arith.addi %add3A_117, %mul3A_116 : i32
      %get3A_119 = arith.index_cast %add3A_118 : i32 to index
      %get3A_120 = tpu.vector_load %arg7[%get3A_119] {strides = array<i32>} : memref<65536xf32, #tpu.memory_space<vmem>>, vector<16xf32>,
      %add3A_121 = arith.addf %add3A_114, %get3A_120 : vector<16xf32>
      %mul3A_122 = arith.constant 16 : i32
      %mul3A_123 = arith.muli %scan3A_93, %mul3A_122 : i32
      %add3A_124 = arith.constant 16384 : i32
      %add3A_125 = arith.addi %add3A_124, %mul3A_123 : i32
      %get3A_126 = arith.index_cast %add3A_125 : i32 to index
      %get3A_127 = tpu.vector_load %arg7[%get3A_126] {strides = array<i32>} : memref<65536xf32, #tpu.memory_space<vmem>>, vector<16xf32>,
      %add3A_128 = arith.addf %add3A_121, %get3A_127 : vector<16xf32>
      %mul3A_129 = arith.constant 16 : i32
      %mul3A_130 = arith.muli %scan3A_93, %mul3A_129 : i32
      %add3A_131 = arith.constant 20480 : i32
      %add3A_132 = arith.addi %add3A_131, %mul3A_130 : i32
      %get3A_133 = arith.index_cast %add3A_132 : i32 to index
      %get3A_134 = tpu.vector_load %arg7[%get3A_133] {strides = array<i32>} : memref<65536xf32, #tpu.memory_space<vmem>>, vector<16xf32>,
      %add3A_135 = arith.addf %add3A_128, %get3A_134 : vector<16xf32>
      %mul3A_136 = arith.constant 16 : i32
      %mul3A_137 = arith.muli %scan3A_93, %mul3A_136 : i32
      %add3A_138 = arith.constant 24576 : i32
      %add3A_139 = arith.addi %add3A_138, %mul3A_137 : i32
      %get3A_140 = arith.index_cast %add3A_139 : i32 to index
      %get3A_141 = tpu.vector_load %arg7[%get3A_140] {strides = array<i32>} : memref<65536xf32, #tpu.memory_space<vmem>>, vector<16xf32>,
      %add3A_142 = arith.addf %add3A_135, %get3A_141 : vector<16xf32>
      %mul3A_143 = arith.constant 16 : i32
      %mul3A_144 = arith.muli %scan3A_93, %mul3A_143 : i32
      %add3A_145 = arith.constant 28672 : i32
      %add3A_146 = arith.addi %add3A_145, %mul3A_144 : i32
      %get3A_147 = arith.index_cast %add3A_146 : i32 to index
      %get3A_148 = tpu.vector_load %arg7[%get3A_147] {strides = array<i32>} : memref<65536xf32, #tpu.memory_space<vmem>>, vector<16xf32>,
      %add3A_149 = arith.addf %add3A_142, %get3A_148 : vector<16xf32>
      %mul3A_150 = arith.constant 16 : i32
      %mul3A_151 = arith.muli %scan3A_93, %mul3A_150 : i32
      %add3A_152 = arith.constant 32768 : i32
      %add3A_153 = arith.addi %add3A_152, %mul3A_151 : i32
      %get3A_154 = arith.index_cast %add3A_153 : i32 to index
      %get3A_155 = tpu.vector_load %arg7[%get3A_154] {strides = array<i32>} : memref<65536xf32, #tpu.memory_space<vmem>>, vector<16xf32>,
      %add3A_156 = arith.addf %add3A_149, %get3A_155 : vector<16xf32>
      %mul3A_157 = arith.constant 16 : i32
      %mul3A_158 = arith.muli %scan3A_93, %mul3A_157 : i32
      %add3A_159 = arith.constant 36864 : i32
      %add3A_160 = arith.addi %add3A_159, %mul3A_158 : i32
      %get3A_161 = arith.index_cast %add3A_160 : i32 to index
      %get3A_162 = tpu.vector_load %arg7[%get3A_161] {strides = array<i32>} : memref<65536xf32, #tpu.memory_space<vmem>>, vector<16xf32>,
      %add3A_163 = arith.addf %add3A_156, %get3A_162 : vector<16xf32>
      %mul3A_164 = arith.constant 16 : i32
      %mul3A_165 = arith.muli %scan3A_93, %mul3A_164 : i32
      %add3A_166 = arith.constant 40960 : i32
      %add3A_167 = arith.addi %add3A_166, %mul3A_165 : i32
      %get3A_168 = arith.index_cast %add3A_167 : i32 to index
      %get3A_169 = tpu.vector_load %arg7[%get3A_168] {strides = array<i32>} : memref<65536xf32, #tpu.memory_space<vmem>>, vector<16xf32>,
      %add3A_170 = arith.addf %add3A_163, %get3A_169 : vector<16xf32>
      %mul3A_171 = arith.constant 16 : i32
      %mul3A_172 = arith.muli %scan3A_93, %mul3A_171 : i32
      %add3A_173 = arith.constant 45056 : i32
      %add3A_174 = arith.addi %add3A_173, %mul3A_172 : i32
      %get3A_175 = arith.index_cast %add3A_174 : i32 to index
      %get3A_176 = tpu.vector_load %arg7[%get3A_175] {strides = array<i32>} : memref<65536xf32, #tpu.memory_space<vmem>>, vector<16xf32>,
      %add3A_177 = arith.addf %add3A_170, %get3A_176 : vector<16xf32>
      %mul3A_178 = arith.constant 16 : i32
      %mul3A_179 = arith.muli %scan3A_93, %mul3A_178 : i32
      %add3A_180 = arith.constant 49152 : i32
      %add3A_181 = arith.addi %add3A_180, %mul3A_179 : i32
      %get3A_182 = arith.index_cast %add3A_181 : i32 to index
      %get3A_183 = tpu.vector_load %arg7[%get3A_182] {strides = array<i32>} : memref<65536xf32, #tpu.memory_space<vmem>>, vector<16xf32>,
      %add3A_184 = arith.addf %add3A_177, %get3A_183 : vector<16xf32>
      %mul3A_185 = arith.constant 16 : i32
      %mul3A_186 = arith.muli %scan3A_93, %mul3A_185 : i32
      %add3A_187 = arith.constant 53248 : i32
      %add3A_188 = arith.addi %add3A_187, %mul3A_186 : i32
      %get3A_189 = arith.index_cast %add3A_188 : i32 to index
      %get3A_190 = tpu.vector_load %arg7[%get3A_189] {strides = array<i32>} : memref<65536xf32, #tpu.memory_space<vmem>>, vector<16xf32>,
      %add3A_191 = arith.addf %add3A_184, %get3A_190 : vector<16xf32>
      %mul3A_192 = arith.constant 16 : i32
      %mul3A_193 = arith.muli %scan3A_93, %mul3A_192 : i32
      %add3A_194 = arith.constant 57344 : i32
      %add3A_195 = arith.addi %add3A_194, %mul3A_193 : i32
      %get3A_196 = arith.index_cast %add3A_195 : i32 to index
      %get3A_197 = tpu.vector_load %arg7[%get3A_196] {strides = array<i32>} : memref<65536xf32, #tpu.memory_space<vmem>>, vector<16xf32>,
      %add3A_198 = arith.addf %add3A_191, %get3A_197 : vector<16xf32>
      %mul3A_199 = arith.constant 16 : i32
      %mul3A_200 = arith.muli %scan3A_93, %mul3A_199 : i32
      %add3A_201 = arith.constant 61440 : i32
      %add3A_202 = arith.addi %add3A_201, %mul3A_200 : i32
      %get3A_203 = arith.index_cast %add3A_202 : i32 to index
      %get3A_204 = tpu.vector_load %arg7[%get3A_203] {strides = array<i32>} : memref<65536xf32, #tpu.memory_space<vmem>>, vector<16xf32>,
      %add3A_205 = arith.addf %add3A_198, %get3A_204 : vector<16xf32>
      %mul3A_206 = arith.constant 16 : i32
      %mul3A_207 = arith.muli %scan3A_93, %mul3A_206 : i32
      %swap3A = arith.constant 0 : i32
      %swap3A_208 = arith.index_cast %swap3A : i32 to index
      %swap3A_209 = arith.index_cast %mul3A_207 : i32 to index
      %swap3A_210 = tpu.vector_load %arg8[%swap3A_208, %swap3A_209] {strides = array<i32>} : memref<4x1024xf32, #tpu.memory_space<vmem>>, vector<16xf32>,
      tpu.vector_store %arg8[%swap3A_208, %swap3A_209], %add3A_205 {strides = array<i32>} : memref<4x1024xf32, #tpu.memory_space<vmem>>, vector<16xf32>,
      %scan3A_211 = arith.constant 0 : i32
      scf.yield %scan3A_211 : i32
    }
    %scan3A_69 = arith.constant 64 : i32
    %scan3A_70 = arith.constant 0 : i32
    %scan3A_71 = arith.constant 0 : i32
    %scan3A_72 = arith.constant 64 : i32
    %scan3A_73 = arith.addi %scan3A_71, %scan3A_72 : i32
    %scan3A_74 = arith.constant 1 : i32
    %scan3A_75 = scf.for %scan3A_93 = %scan3A_71 to %scan3A_73 step %scan3A_74 iter_args(%scan3A_94 = %scan3A_70) -> (i32)  : i32 {
      %mul3A_95 = arith.constant 16 : i32
      %mul3A_96 = arith.muli %scan3A_93, %mul3A_95 : i32
      %add3A_97 = arith.constant 1024 : i32
      %add3A_98 = arith.addi %add3A_97, %mul3A_96 : i32
      %get3A = arith.index_cast %add3A_98 : i32 to index
      %get3A_99 = tpu.vector_load %arg7[%get3A] {strides = array<i32>} : memref<65536xf32, #tpu.memory_space<vmem>>, vector<16xf32>,
      %add3A_100 = arith.addf %broadcast_in_dim3A_7, %get3A_99 : vector<16xf32>
      %mul3A_101 = arith.constant 16 : i32
      %mul3A_102 = arith.muli %scan3A_93, %mul3A_101 : i32
      %add3A_103 = arith.constant 5120 : i32
      %add3A_104 = arith.addi %add3A_103, %mul3A_102 : i32
      %get3A_105 = arith.index_cast %add3A_104 : i32 to index
      %get3A_106 = tpu.vector_load %arg7[%get3A_105] {strides = array<i32>} : memref<65536xf32, #tpu.memory_space<vmem>>, vector<16xf32>,
      %add3A_107 = arith.addf %add3A_100, %get3A_106 : vector<16xf32>
      %mul3A_108 = arith.constant 16 : i32
      %mul3A_109 = arith.muli %scan3A_93, %mul3A_108 : i32
      %add3A_110 = arith.constant 9216 : i32
      %add3A_111 = arith.addi %add3A_110, %mul3A_109 : i32
      %get3A_112 = arith.index_cast %add3A_111 : i32 to index
      %get3A_113 = tpu.vector_load %arg7[%get3A_112] {strides = array<i32>} : memref<65536xf32, #tpu.memory_space<vmem>>, vector<16xf32>,
      %add3A_114 = arith.addf %add3A_107, %get3A_113 : vector<16xf32>
      %mul3A_115 = arith.constant 16 : i32
      %mul3A_116 = arith.muli %scan3A_93, %mul3A_115 : i32
      %add3A_117 = arith.constant 13312 : i32
      %add3A_118 = arith.addi %add3A_117, %mul3A_116 : i32
      %get3A_119 = arith.index_cast %add3A_118 : i32 to index
      %get3A_120 = tpu.vector_load %arg7[%get3A_119] {strides = array<i32>} : memref<65536xf32, #tpu.memory_space<vmem>>, vector<16xf32>,
      %add3A_121 = arith.addf %add3A_114, %get3A_120 : vector<16xf32>
      %mul3A_122 = arith.constant 16 : i32
      %mul3A_123 = arith.muli %scan3A_93, %mul3A_122 : i32
      %add3A_124 = arith.constant 17408 : i32
      %add3A_125 = arith.addi %add3A_124, %mul3A_123 : i32
      %get3A_126 = arith.index_cast %add3A_125 : i32 to index
      %get3A_127 = tpu.vector_load %arg7[%get3A_126] {strides = array<i32>} : memref<65536xf32, #tpu.memory_space<vmem>>, vector<16xf32>,
      %add3A_128 = arith.addf %add3A_121, %get3A_127 : vector<16xf32>
      %mul3A_129 = arith.constant 16 : i32
      %mul3A_130 = arith.muli %scan3A_93, %mul3A_129 : i32
      %add3A_131 = arith.constant 21504 : i32
      %add3A_132 = arith.addi %add3A_131, %mul3A_130 : i32
      %get3A_133 = arith.index_cast %add3A_132 : i32 to index
      %get3A_134 = tpu.vector_load %arg7[%get3A_133] {strides = array<i32>} : memref<65536xf32, #tpu.memory_space<vmem>>, vector<16xf32>,
      %add3A_135 = arith.addf %add3A_128, %get3A_134 : vector<16xf32>
      %mul3A_136 = arith.constant 16 : i32
      %mul3A_137 = arith.muli %scan3A_93, %mul3A_136 : i32
      %add3A_138 = arith.constant 25600 : i32
      %add3A_139 = arith.addi %add3A_138, %mul3A_137 : i32
      %get3A_140 = arith.index_cast %add3A_139 : i32 to index
      %get3A_141 = tpu.vector_load %arg7[%get3A_140] {strides = array<i32>} : memref<65536xf32, #tpu.memory_space<vmem>>, vector<16xf32>,
      %add3A_142 = arith.addf %add3A_135, %get3A_141 : vector<16xf32>
      %mul3A_143 = arith.constant 16 : i32
      %mul3A_144 = arith.muli %scan3A_93, %mul3A_143 : i32
      %add3A_145 = arith.constant 29696 : i32
      %add3A_146 = arith.addi %add3A_145, %mul3A_144 : i32
      %get3A_147 = arith.index_cast %add3A_146 : i32 to index
      %get3A_148 = tpu.vector_load %arg7[%get3A_147] {strides = array<i32>} : memref<65536xf32, #tpu.memory_space<vmem>>, vector<16xf32>,
      %add3A_149 = arith.addf %add3A_142, %get3A_148 : vector<16xf32>
      %mul3A_150 = arith.constant 16 : i32
      %mul3A_151 = arith.muli %scan3A_93, %mul3A_150 : i32
      %add3A_152 = arith.constant 33792 : i32
      %add3A_153 = arith.addi %add3A_152, %mul3A_151 : i32
      %get3A_154 = arith.index_cast %add3A_153 : i32 to index
      %get3A_155 = tpu.vector_load %arg7[%get3A_154] {strides = array<i32>} : memref<65536xf32, #tpu.memory_space<vmem>>, vector<16xf32>,
      %add3A_156 = arith.addf %add3A_149, %get3A_155 : vector<16xf32>
      %mul3A_157 = arith.constant 16 : i32
      %mul3A_158 = arith.muli %scan3A_93, %mul3A_157 : i32
      %add3A_159 = arith.constant 37888 : i32
      %add3A_160 = arith.addi %add3A_159, %mul3A_158 : i32
      %get3A_161 = arith.index_cast %add3A_160 : i32 to index
      %get3A_162 = tpu.vector_load %arg7[%get3A_161] {strides = array<i32>} : memref<65536xf32, #tpu.memory_space<vmem>>, vector<16xf32>,
      %add3A_163 = arith.addf %add3A_156, %get3A_162 : vector<16xf32>
      %mul3A_164 = arith.constant 16 : i32
      %mul3A_165 = arith.muli %scan3A_93, %mul3A_164 : i32
      %add3A_166 = arith.constant 41984 : i32
      %add3A_167 = arith.addi %add3A_166, %mul3A_165 : i32
      %get3A_168 = arith.index_cast %add3A_167 : i32 to index
      %get3A_169 = tpu.vector_load %arg7[%get3A_168] {strides = array<i32>} : memref<65536xf32, #tpu.memory_space<vmem>>, vector<16xf32>,
      %add3A_170 = arith.addf %add3A_163, %get3A_169 : vector<16xf32>
      %mul3A_171 = arith.constant 16 : i32
      %mul3A_172 = arith.muli %scan3A_93, %mul3A_171 : i32
      %add3A_173 = arith.constant 46080 : i32
      %add3A_174 = arith.addi %add3A_173, %mul3A_172 : i32
      %get3A_175 = arith.index_cast %add3A_174 : i32 to index
      %get3A_176 = tpu.vector_load %arg7[%get3A_175] {strides = array<i32>} : memref<65536xf32, #tpu.memory_space<vmem>>, vector<16xf32>,
      %add3A_177 = arith.addf %add3A_170, %get3A_176 : vector<16xf32>
      %mul3A_178 = arith.constant 16 : i32
      %mul3A_179 = arith.muli %scan3A_93, %mul3A_178 : i32
      %add3A_180 = arith.constant 50176 : i32
      %add3A_181 = arith.addi %add3A_180, %mul3A_179 : i32
      %get3A_182 = arith.index_cast %add3A_181 : i32 to index
      %get3A_183 = tpu.vector_load %arg7[%get3A_182] {strides = array<i32>} : memref<65536xf32, #tpu.memory_space<vmem>>, vector<16xf32>,
      %add3A_184 = arith.addf %add3A_177, %get3A_183 : vector<16xf32>
      %mul3A_185 = arith.constant 16 : i32
      %mul3A_186 = arith.muli %scan3A_93, %mul3A_185 : i32
      %add3A_187 = arith.constant 54272 : i32
      %add3A_188 = arith.addi %add3A_187, %mul3A_186 : i32
      %get3A_189 = arith.index_cast %add3A_188 : i32 to index
      %get3A_190 = tpu.vector_load %arg7[%get3A_189] {strides = array<i32>} : memref<65536xf32, #tpu.memory_space<vmem>>, vector<16xf32>,
      %add3A_191 = arith.addf %add3A_184, %get3A_190 : vector<16xf32>
      %mul3A_192 = arith.constant 16 : i32
      %mul3A_193 = arith.muli %scan3A_93, %mul3A_192 : i32
      %add3A_194 = arith.constant 58368 : i32
      %add3A_195 = arith.addi %add3A_194, %mul3A_193 : i32
      %get3A_196 = arith.index_cast %add3A_195 : i32 to index
      %get3A_197 = tpu.vector_load %arg7[%get3A_196] {strides = array<i32>} : memref<65536xf32, #tpu.memory_space<vmem>>, vector<16xf32>,
      %add3A_198 = arith.addf %add3A_191, %get3A_197 : vector<16xf32>
      %mul3A_199 = arith.constant 16 : i32
      %mul3A_200 = arith.muli %scan3A_93, %mul3A_199 : i32
      %add3A_201 = arith.constant 62464 : i32
      %add3A_202 = arith.addi %add3A_201, %mul3A_200 : i32
      %get3A_203 = arith.index_cast %add3A_202 : i32 to index
      %get3A_204 = tpu.vector_load %arg7[%get3A_203] {strides = array<i32>} : memref<65536xf32, #tpu.memory_space<vmem>>, vector<16xf32>,
      %add3A_205 = arith.addf %add3A_198, %get3A_204 : vector<16xf32>
      %mul3A_206 = arith.constant 16 : i32
      %mul3A_207 = arith.muli %scan3A_93, %mul3A_206 : i32
      %swap3A = arith.constant 1 : i32
      %swap3A_208 = arith.index_cast %swap3A : i32 to index
      %swap3A_209 = arith.index_cast %mul3A_207 : i32 to index
      %swap3A_210 = tpu.vector_load %arg8[%swap3A_208, %swap3A_209] {strides = array<i32>} : memref<4x1024xf32, #tpu.memory_space<vmem>>, vector<16xf32>,
      tpu.vector_store %arg8[%swap3A_208, %swap3A_209], %add3A_205 {strides = array<i32>} : memref<4x1024xf32, #tpu.memory_space<vmem>>, vector<16xf32>,
      %scan3A_211 = arith.constant 0 : i32
      scf.yield %scan3A_211 : i32
    }
    %scan3A_76 = arith.constant 64 : i32
    %scan3A_77 = arith.constant 0 : i32
    %scan3A_78 = arith.constant 0 : i32
    %scan3A_79 = arith.constant 64 : i32
    %scan3A_80 = arith.addi %scan3A_78, %scan3A_79 : i32
    %scan3A_81 = arith.constant 1 : i32
    %scan3A_82 = scf.for %scan3A_93 = %scan3A_78 to %scan3A_80 step %scan3A_81 iter_args(%scan3A_94 = %scan3A_77) -> (i32)  : i32 {
      %mul3A_95 = arith.constant 16 : i32
      %mul3A_96 = arith.muli %scan3A_93, %mul3A_95 : i32
      %add3A_97 = arith.constant 2048 : i32
      %add3A_98 = arith.addi %add3A_97, %mul3A_96 : i32
      %get3A = arith.index_cast %add3A_98 : i32 to index
      %get3A_99 = tpu.vector_load %arg7[%get3A] {strides = array<i32>} : memref<65536xf32, #tpu.memory_space<vmem>>, vector<16xf32>,
      %add3A_100 = arith.addf %broadcast_in_dim3A_7, %get3A_99 : vector<16xf32>
      %mul3A_101 = arith.constant 16 : i32
      %mul3A_102 = arith.muli %scan3A_93, %mul3A_101 : i32
      %add3A_103 = arith.constant 6144 : i32
      %add3A_104 = arith.addi %add3A_103, %mul3A_102 : i32
      %get3A_105 = arith.index_cast %add3A_104 : i32 to index
      %get3A_106 = tpu.vector_load %arg7[%get3A_105] {strides = array<i32>} : memref<65536xf32, #tpu.memory_space<vmem>>, vector<16xf32>,
      %add3A_107 = arith.addf %add3A_100, %get3A_106 : vector<16xf32>
      %mul3A_108 = arith.constant 16 : i32
      %mul3A_109 = arith.muli %scan3A_93, %mul3A_108 : i32
      %add3A_110 = arith.constant 10240 : i32
      %add3A_111 = arith.addi %add3A_110, %mul3A_109 : i32
      %get3A_112 = arith.index_cast %add3A_111 : i32 to index
      %get3A_113 = tpu.vector_load %arg7[%get3A_112] {strides = array<i32>} : memref<65536xf32, #tpu.memory_space<vmem>>, vector<16xf32>,
      %add3A_114 = arith.addf %add3A_107, %get3A_113 : vector<16xf32>
      %mul3A_115 = arith.constant 16 : i32
      %mul3A_116 = arith.muli %scan3A_93, %mul3A_115 : i32
      %add3A_117 = arith.constant 14336 : i32
      %add3A_118 = arith.addi %add3A_117, %mul3A_116 : i32
      %get3A_119 = arith.index_cast %add3A_118 : i32 to index
      %get3A_120 = tpu.vector_load %arg7[%get3A_119] {strides = array<i32>} : memref<65536xf32, #tpu.memory_space<vmem>>, vector<16xf32>,
      %add3A_121 = arith.addf %add3A_114, %get3A_120 : vector<16xf32>
      %mul3A_122 = arith.constant 16 : i32
      %mul3A_123 = arith.muli %scan3A_93, %mul3A_122 : i32
      %add3A_124 = arith.constant 18432 : i32
      %add3A_125 = arith.addi %add3A_124, %mul3A_123 : i32
      %get3A_126 = arith.index_cast %add3A_125 : i32 to index
      %get3A_127 = tpu.vector_load %arg7[%get3A_126] {strides = array<i32>} : memref<65536xf32, #tpu.memory_space<vmem>>, vector<16xf32>,
      %add3A_128 = arith.addf %add3A_121, %get3A_127 : vector<16xf32>
      %mul3A_129 = arith.constant 16 : i32
      %mul3A_130 = arith.muli %scan3A_93, %mul3A_129 : i32
      %add3A_131 = arith.constant 22528 : i32
      %add3A_132 = arith.addi %add3A_131, %mul3A_130 : i32
      %get3A_133 = arith.index_cast %add3A_132 : i32 to index
      %get3A_134 = tpu.vector_load %arg7[%get3A_133] {strides = array<i32>} : memref<65536xf32, #tpu.memory_space<vmem>>, vector<16xf32>,
      %add3A_135 = arith.addf %add3A_128, %get3A_134 : vector<16xf32>
      %mul3A_136 = arith.constant 16 : i32
      %mul3A_137 = arith.muli %scan3A_93, %mul3A_136 : i32
      %add3A_138 = arith.constant 26624 : i32
      %add3A_139 = arith.addi %add3A_138, %mul3A_137 : i32
      %get3A_140 = arith.index_cast %add3A_139 : i32 to index
      %get3A_141 = tpu.vector_load %arg7[%get3A_140] {strides = array<i32>} : memref<65536xf32, #tpu.memory_space<vmem>>, vector<16xf32>,
      %add3A_142 = arith.addf %add3A_135, %get3A_141 : vector<16xf32>
      %mul3A_143 = arith.constant 16 : i32
      %mul3A_144 = arith.muli %scan3A_93, %mul3A_143 : i32
      %add3A_145 = arith.constant 30720 : i32
      %add3A_146 = arith.addi %add3A_145, %mul3A_144 : i32
      %get3A_147 = arith.index_cast %add3A_146 : i32 to index
      %get3A_148 = tpu.vector_load %arg7[%get3A_147] {strides = array<i32>} : memref<65536xf32, #tpu.memory_space<vmem>>, vector<16xf32>,
      %add3A_149 = arith.addf %add3A_142, %get3A_148 : vector<16xf32>
      %mul3A_150 = arith.constant 16 : i32
      %mul3A_151 = arith.muli %scan3A_93, %mul3A_150 : i32
      %add3A_152 = arith.constant 34816 : i32
      %add3A_153 = arith.addi %add3A_152, %mul3A_151 : i32
      %get3A_154 = arith.index_cast %add3A_153 : i32 to index
      %get3A_155 = tpu.vector_load %arg7[%get3A_154] {strides = array<i32>} : memref<65536xf32, #tpu.memory_space<vmem>>, vector<16xf32>,
      %add3A_156 = arith.addf %add3A_149, %get3A_155 : vector<16xf32>
      %mul3A_157 = arith.constant 16 : i32
      %mul3A_158 = arith.muli %scan3A_93, %mul3A_157 : i32
      %add3A_159 = arith.constant 38912 : i32
      %add3A_160 = arith.addi %add3A_159, %mul3A_158 : i32
      %get3A_161 = arith.index_cast %add3A_160 : i32 to index
      %get3A_162 = tpu.vector_load %arg7[%get3A_161] {strides = array<i32>} : memref<65536xf32, #tpu.memory_space<vmem>>, vector<16xf32>,
      %add3A_163 = arith.addf %add3A_156, %get3A_162 : vector<16xf32>
      %mul3A_164 = arith.constant 16 : i32
      %mul3A_165 = arith.muli %scan3A_93, %mul3A_164 : i32
      %add3A_166 = arith.constant 43008 : i32
      %add3A_167 = arith.addi %add3A_166, %mul3A_165 : i32
      %get3A_168 = arith.index_cast %add3A_167 : i32 to index
      %get3A_169 = tpu.vector_load %arg7[%get3A_168] {strides = array<i32>} : memref<65536xf32, #tpu.memory_space<vmem>>, vector<16xf32>,
      %add3A_170 = arith.addf %add3A_163, %get3A_169 : vector<16xf32>
      %mul3A_171 = arith.constant 16 : i32
      %mul3A_172 = arith.muli %scan3A_93, %mul3A_171 : i32
      %add3A_173 = arith.constant 47104 : i32
      %add3A_174 = arith.addi %add3A_173, %mul3A_172 : i32
      %get3A_175 = arith.index_cast %add3A_174 : i32 to index
      %get3A_176 = tpu.vector_load %arg7[%get3A_175] {strides = array<i32>} : memref<65536xf32, #tpu.memory_space<vmem>>, vector<16xf32>,
      %add3A_177 = arith.addf %add3A_170, %get3A_176 : vector<16xf32>
      %mul3A_178 = arith.constant 16 : i32
      %mul3A_179 = arith.muli %scan3A_93, %mul3A_178 : i32
      %add3A_180 = arith.constant 51200 : i32
      %add3A_181 = arith.addi %add3A_180, %mul3A_179 : i32
      %get3A_182 = arith.index_cast %add3A_181 : i32 to index
      %get3A_183 = tpu.vector_load %arg7[%get3A_182] {strides = array<i32>} : memref<65536xf32, #tpu.memory_space<vmem>>, vector<16xf32>,
      %add3A_184 = arith.addf %add3A_177, %get3A_183 : vector<16xf32>
      %mul3A_185 = arith.constant 16 : i32
      %mul3A_186 = arith.muli %scan3A_93, %mul3A_185 : i32
      %add3A_187 = arith.constant 55296 : i32
      %add3A_188 = arith.addi %add3A_187, %mul3A_186 : i32
      %get3A_189 = arith.index_cast %add3A_188 : i32 to index
      %get3A_190 = tpu.vector_load %arg7[%get3A_189] {strides = array<i32>} : memref<65536xf32, #tpu.memory_space<vmem>>, vector<16xf32>,
      %add3A_191 = arith.addf %add3A_184, %get3A_190 : vector<16xf32>
      %mul3A_192 = arith.constant 16 : i32
      %mul3A_193 = arith.muli %scan3A_93, %mul3A_192 : i32
      %add3A_194 = arith.constant 59392 : i32
      %add3A_195 = arith.addi %add3A_194, %mul3A_193 : i32
      %get3A_196 = arith.index_cast %add3A_195 : i32 to index
      %get3A_197 = tpu.vector_load %arg7[%get3A_196] {strides = array<i32>} : memref<65536xf32, #tpu.memory_space<vmem>>, vector<16xf32>,
      %add3A_198 = arith.addf %add3A_191, %get3A_197 : vector<16xf32>
      %mul3A_199 = arith.constant 16 : i32
      %mul3A_200 = arith.muli %scan3A_93, %mul3A_199 : i32
      %add3A_201 = arith.constant 63488 : i32
      %add3A_202 = arith.addi %add3A_201, %mul3A_200 : i32
      %get3A_203 = arith.index_cast %add3A_202 : i32 to index
      %get3A_204 = tpu.vector_load %arg7[%get3A_203] {strides = array<i32>} : memref<65536xf32, #tpu.memory_space<vmem>>, vector<16xf32>,
      %add3A_205 = arith.addf %add3A_198, %get3A_204 : vector<16xf32>
      %mul3A_206 = arith.constant 16 : i32
      %mul3A_207 = arith.muli %scan3A_93, %mul3A_206 : i32
      %swap3A = arith.constant 2 : i32
      %swap3A_208 = arith.index_cast %swap3A : i32 to index
      %swap3A_209 = arith.index_cast %mul3A_207 : i32 to index
      %swap3A_210 = tpu.vector_load %arg8[%swap3A_208, %swap3A_209] {strides = array<i32>} : memref<4x1024xf32, #tpu.memory_space<vmem>>, vector<16xf32>,
      tpu.vector_store %arg8[%swap3A_208, %swap3A_209], %add3A_205 {strides = array<i32>} : memref<4x1024xf32, #tpu.memory_space<vmem>>, vector<16xf32>,
      %scan3A_211 = arith.constant 0 : i32
      scf.yield %scan3A_211 : i32
    }
    %scan3A_83 = arith.constant 64 : i32
    %scan3A_84 = arith.constant 0 : i32
    %scan3A_85 = arith.constant 0 : i32
    %scan3A_86 = arith.constant 64 : i32
    %scan3A_87 = arith.addi %scan3A_85, %scan3A_86 : i32
    %scan3A_88 = arith.constant 1 : i32
    %scan3A_89 = scf.for %scan3A_93 = %scan3A_85 to %scan3A_87 step %scan3A_88 iter_args(%scan3A_94 = %scan3A_84) -> (i32)  : i32 {
      %mul3A_95 = arith.constant 16 : i32
      %mul3A_96 = arith.muli %scan3A_93, %mul3A_95 : i32
      %add3A_97 = arith.constant 3072 : i32
      %add3A_98 = arith.addi %add3A_97, %mul3A_96 : i32
      %get3A = arith.index_cast %add3A_98 : i32 to index
      %get3A_99 = tpu.vector_load %arg7[%get3A] {strides = array<i32>} : memref<65536xf32, #tpu.memory_space<vmem>>, vector<16xf32>,
      %add3A_100 = arith.addf %broadcast_in_dim3A_7, %get3A_99 : vector<16xf32>
      %mul3A_101 = arith.constant 16 : i32
      %mul3A_102 = arith.muli %scan3A_93, %mul3A_101 : i32
      %add3A_103 = arith.constant 7168 : i32
      %add3A_104 = arith.addi %add3A_103, %mul3A_102 : i32
      %get3A_105 = arith.index_cast %add3A_104 : i32 to index
      %get3A_106 = tpu.vector_load %arg7[%get3A_105] {strides = array<i32>} : memref<65536xf32, #tpu.memory_space<vmem>>, vector<16xf32>,
      %add3A_107 = arith.addf %add3A_100, %get3A_106 : vector<16xf32>
      %mul3A_108 = arith.constant 16 : i32
      %mul3A_109 = arith.muli %scan3A_93, %mul3A_108 : i32
      %add3A_110 = arith.constant 11264 : i32
      %add3A_111 = arith.addi %add3A_110, %mul3A_109 : i32
      %get3A_112 = arith.index_cast %add3A_111 : i32 to index
      %get3A_113 = tpu.vector_load %arg7[%get3A_112] {strides = array<i32>} : memref<65536xf32, #tpu.memory_space<vmem>>, vector<16xf32>,
      %add3A_114 = arith.addf %add3A_107, %get3A_113 : vector<16xf32>
      %mul3A_115 = arith.constant 16 : i32
      %mul3A_116 = arith.muli %scan3A_93, %mul3A_115 : i32
      %add3A_117 = arith.constant 15360 : i32
      %add3A_118 = arith.addi %add3A_117, %mul3A_116 : i32
      %get3A_119 = arith.index_cast %add3A_118 : i32 to index
      %get3A_120 = tpu.vector_load %arg7[%get3A_119] {strides = array<i32>} : memref<65536xf32, #tpu.memory_space<vmem>>, vector<16xf32>,
      %add3A_121 = arith.addf %add3A_114, %get3A_120 : vector<16xf32>
      %mul3A_122 = arith.constant 16 : i32
      %mul3A_123 = arith.muli %scan3A_93, %mul3A_122 : i32
      %add3A_124 = arith.constant 19456 : i32
      %add3A_125 = arith.addi %add3A_124, %mul3A_123 : i32
      %get3A_126 = arith.index_cast %add3A_125 : i32 to index
      %get3A_127 = tpu.vector_load %arg7[%get3A_126] {strides = array<i32>} : memref<65536xf32, #tpu.memory_space<vmem>>, vector<16xf32>,
      %add3A_128 = arith.addf %add3A_121, %get3A_127 : vector<16xf32>
      %mul3A_129 = arith.constant 16 : i32
      %mul3A_130 = arith.muli %scan3A_93, %mul3A_129 : i32
      %add3A_131 = arith.constant 23552 : i32
      %add3A_132 = arith.addi %add3A_131, %mul3A_130 : i32
      %get3A_133 = arith.index_cast %add3A_132 : i32 to index
      %get3A_134 = tpu.vector_load %arg7[%get3A_133] {strides = array<i32>} : memref<65536xf32, #tpu.memory_space<vmem>>, vector<16xf32>,
      %add3A_135 = arith.addf %add3A_128, %get3A_134 : vector<16xf32>
      %mul3A_136 = arith.constant 16 : i32
      %mul3A_137 = arith.muli %scan3A_93, %mul3A_136 : i32
      %add3A_138 = arith.constant 27648 : i32
      %add3A_139 = arith.addi %add3A_138, %mul3A_137 : i32
      %get3A_140 = arith.index_cast %add3A_139 : i32 to index
      %get3A_141 = tpu.vector_load %arg7[%get3A_140] {strides = array<i32>} : memref<65536xf32, #tpu.memory_space<vmem>>, vector<16xf32>,
      %add3A_142 = arith.addf %add3A_135, %get3A_141 : vector<16xf32>
      %mul3A_143 = arith.constant 16 : i32
      %mul3A_144 = arith.muli %scan3A_93, %mul3A_143 : i32
      %add3A_145 = arith.constant 31744 : i32
      %add3A_146 = arith.addi %add3A_145, %mul3A_144 : i32
      %get3A_147 = arith.index_cast %add3A_146 : i32 to index
      %get3A_148 = tpu.vector_load %arg7[%get3A_147] {strides = array<i32>} : memref<65536xf32, #tpu.memory_space<vmem>>, vector<16xf32>,
      %add3A_149 = arith.addf %add3A_142, %get3A_148 : vector<16xf32>
      %mul3A_150 = arith.constant 16 : i32
      %mul3A_151 = arith.muli %scan3A_93, %mul3A_150 : i32
      %add3A_152 = arith.constant 35840 : i32
      %add3A_153 = arith.addi %add3A_152, %mul3A_151 : i32
      %get3A_154 = arith.index_cast %add3A_153 : i32 to index
      %get3A_155 = tpu.vector_load %arg7[%get3A_154] {strides = array<i32>} : memref<65536xf32, #tpu.memory_space<vmem>>, vector<16xf32>,
      %add3A_156 = arith.addf %add3A_149, %get3A_155 : vector<16xf32>
      %mul3A_157 = arith.constant 16 : i32
      %mul3A_158 = arith.muli %scan3A_93, %mul3A_157 : i32
      %add3A_159 = arith.constant 39936 : i32
      %add3A_160 = arith.addi %add3A_159, %mul3A_158 : i32
      %get3A_161 = arith.index_cast %add3A_160 : i32 to index
      %get3A_162 = tpu.vector_load %arg7[%get3A_161] {strides = array<i32>} : memref<65536xf32, #tpu.memory_space<vmem>>, vector<16xf32>,
      %add3A_163 = arith.addf %add3A_156, %get3A_162 : vector<16xf32>
      %mul3A_164 = arith.constant 16 : i32
      %mul3A_165 = arith.muli %scan3A_93, %mul3A_164 : i32
      %add3A_166 = arith.constant 44032 : i32
      %add3A_167 = arith.addi %add3A_166, %mul3A_165 : i32
      %get3A_168 = arith.index_cast %add3A_167 : i32 to index
      %get3A_169 = tpu.vector_load %arg7[%get3A_168] {strides = array<i32>} : memref<65536xf32, #tpu.memory_space<vmem>>, vector<16xf32>,
      %add3A_170 = arith.addf %add3A_163, %get3A_169 : vector<16xf32>
      %mul3A_171 = arith.constant 16 : i32
      %mul3A_172 = arith.muli %scan3A_93, %mul3A_171 : i32
      %add3A_173 = arith.constant 48128 : i32
      %add3A_174 = arith.addi %add3A_173, %mul3A_172 : i32
      %get3A_175 = arith.index_cast %add3A_174 : i32 to index
      %get3A_176 = tpu.vector_load %arg7[%get3A_175] {strides = array<i32>} : memref<65536xf32, #tpu.memory_space<vmem>>, vector<16xf32>,
      %add3A_177 = arith.addf %add3A_170, %get3A_176 : vector<16xf32>
      %mul3A_178 = arith.constant 16 : i32
      %mul3A_179 = arith.muli %scan3A_93, %mul3A_178 : i32
      %add3A_180 = arith.constant 52224 : i32
      %add3A_181 = arith.addi %add3A_180, %mul3A_179 : i32
      %get3A_182 = arith.index_cast %add3A_181 : i32 to index
      %get3A_183 = tpu.vector_load %arg7[%get3A_182] {strides = array<i32>} : memref<65536xf32, #tpu.memory_space<vmem>>, vector<16xf32>,
      %add3A_184 = arith.addf %add3A_177, %get3A_183 : vector<16xf32>
      %mul3A_185 = arith.constant 16 : i32
      %mul3A_186 = arith.muli %scan3A_93, %mul3A_185 : i32
      %add3A_187 = arith.constant 56320 : i32
      %add3A_188 = arith.addi %add3A_187, %mul3A_186 : i32
      %get3A_189 = arith.index_cast %add3A_188 : i32 to index
      %get3A_190 = tpu.vector_load %arg7[%get3A_189] {strides = array<i32>} : memref<65536xf32, #tpu.memory_space<vmem>>, vector<16xf32>,
      %add3A_191 = arith.addf %add3A_184, %get3A_190 : vector<16xf32>
      %mul3A_192 = arith.constant 16 : i32
      %mul3A_193 = arith.muli %scan3A_93, %mul3A_192 : i32
      %add3A_194 = arith.constant 60416 : i32
      %add3A_195 = arith.addi %add3A_194, %mul3A_193 : i32
      %get3A_196 = arith.index_cast %add3A_195 : i32 to index
      %get3A_197 = tpu.vector_load %arg7[%get3A_196] {strides = array<i32>} : memref<65536xf32, #tpu.memory_space<vmem>>, vector<16xf32>,
      %add3A_198 = arith.addf %add3A_191, %get3A_197 : vector<16xf32>
      %mul3A_199 = arith.constant 16 : i32
      %mul3A_200 = arith.muli %scan3A_93, %mul3A_199 : i32
      %add3A_201 = arith.constant 64512 : i32
      %add3A_202 = arith.addi %add3A_201, %mul3A_200 : i32
      %get3A_203 = arith.index_cast %add3A_202 : i32 to index
      %get3A_204 = tpu.vector_load %arg7[%get3A_203] {strides = array<i32>} : memref<65536xf32, #tpu.memory_space<vmem>>, vector<16xf32>,
      %add3A_205 = arith.addf %add3A_198, %get3A_204 : vector<16xf32>
      %mul3A_206 = arith.constant 16 : i32
      %mul3A_207 = arith.muli %scan3A_93, %mul3A_206 : i32
      %swap3A = arith.constant 3 : i32
      %swap3A_208 = arith.index_cast %swap3A : i32 to index
      %swap3A_209 = arith.index_cast %mul3A_207 : i32 to index
      %swap3A_210 = tpu.vector_load %arg8[%swap3A_208, %swap3A_209] {strides = array<i32>} : memref<4x1024xf32, #tpu.memory_space<vmem>>, vector<16xf32>,
      tpu.vector_store %arg8[%swap3A_208, %swap3A_209], %add3A_205 {strides = array<i32>} : memref<4x1024xf32, #tpu.memory_space<vmem>>, vector<16xf32>,
      %scan3A_211 = arith.constant 0 : i32
      scf.yield %scan3A_211 : i32
    }
    %scan3A_90 = arith.constant 64 : i32
    %mul3A_91 = arith.constant 4 : i32
    %mul3A_92 = arith.muli %add3A, %mul3A_91 : i32
    "tpu.region"() ({
      %run_scoped3A = tpu.sem_alloc : memref<!tpu.dma_semaphore, #tpu.memory_space<semaphore_mem>>
      %dma_start3A_93 = arith.constant 0 : i32
      %dma_start3A_94 = tpu.memref_slice %arg6[%mul3A_92, %dma_start3A_93] : memref<128x1024xf32, #tpu.memory_space<hbm>> -> memref<4x1024xf32, #tpu.memory_space<hbm>>
      %dma_start3A_95 = arith.constant 0 : i32
      %dma_start3A_96 = tpu.memref_slice %arg6[%mul3A_92, %dma_start3A_95] : memref<128x1024xf32, #tpu.memory_space<hbm>> -> memref<4x1024xf32, #tpu.memory_space<hbm>>
      tpu.enqueue_dma source(%arg8 : memref<4x1024xf32, #tpu.memory_space<vmem>>) target(%dma_start3A_96 : memref<4x1024xf32, #tpu.memory_space<hbm>>) target_semaphore(%run_scoped3A : memref<!tpu.dma_semaphore, #tpu.memory_space<semaphore_mem>>)
      %dma_wait3A = arith.constant 0 : i32
      %dma_wait3A_97 = tpu.memref_slice %arg6[%mul3A_92, %dma_wait3A] : memref<128x1024xf32, #tpu.memory_space<hbm>> -> memref<4x1024xf32, #tpu.memory_space<hbm>>
      %dma_wait3A_98 = arith.constant 0 : i32
      %dma_wait3A_99 = tpu.memref_slice %arg6[%mul3A_92, %dma_wait3A_98] : memref<128x1024xf32, #tpu.memory_space<hbm>> -> memref<4x1024xf32, #tpu.memory_space<hbm>>
      tpu.wait_dma2 semaphore(%run_scoped3A : memref<!tpu.dma_semaphore, #tpu.memory_space<semaphore_mem>>) src(%arg8 : memref<4x1024xf32, #tpu.memory_space<vmem>>) dst(%dma_wait3A_99 : memref<4x1024xf32, #tpu.memory_space<hbm>>)
      tpu.yield
    }) : () -> ()
    return
  }
}

module attributes {stable_mosaic.version = 14 : i64} {
  func.func @_loss_body(%arg0: memref<128x1024xf32, #tpu.memory_space<vmem>>, %arg1: memref<1x1xf32, #tpu.memory_space<vmem>>) attributes {dimension_semantics = [], scalar_prefetch = 0 : i64, scratch_operands = 0 : i64, tpu.core_type = #tpu.core_type<tc>} {
    %get3A = arith.constant 0 : index
    %get3A_0 = arith.constant 0 : index
    %get3A_1 = vector.load %arg0[%get3A, %get3A_0] : memref<128x1024xf32, #tpu.memory_space<vmem>>, vector<128x1024xf32>
    %iota3A = tpu.iota {dimensions = array<i32: 0>} : vector<128x1024xi32>
    %rem3A = arith.constant 4 : i32
    %rem3A_2 = vector.broadcast %rem3A : i32 to vector<128x1024xi32>
    %rem3A_3 = arith.remsi %iota3A, %rem3A_2 : vector<128x1024xi32>
    %eq3A = arith.constant 0 : i32
    %eq3A_4 = vector.broadcast %eq3A : i32 to vector<128x1024xi32>
    %eq3A_5 = arith.cmpi eq, %rem3A_3, %eq3A_4 : vector<128x1024xi32>
    %jit3A = arith.constant 0.000000e+00 : f32
    %broadcast_in_dim3A = vector.broadcast %jit3A : f32 to vector<128x1024xf32>
    %select_n3A = arith.select %eq3A_5, %get3A_1, %broadcast_in_dim3A : vector<128x1024xi1>, vector<128x1024xf32>
    %reduce_sum3A = arith.constant dense<0.000000e+00> : vector<1024xf32>
    %reduce_sum3A_6 = vector.multi_reduction <add>, %select_n3A, %reduce_sum3A [0] : vector<128x1024xf32> to vector<1024xf32>
    %broadcast_in_dim3A_7 = vector.shape_cast %reduce_sum3A_6 : vector<1024xf32> to vector<1x1024xf32>
    %eq3A_8 = arith.constant 1 : i32
    %eq3A_9 = vector.broadcast %eq3A_8 : i32 to vector<128x1024xi32>
    %eq3A_10 = arith.cmpi eq, %rem3A_3, %eq3A_9 : vector<128x1024xi32>
    %jit3A_11 = arith.constant 0.000000e+00 : f32
    %broadcast_in_dim3A_12 = vector.broadcast %jit3A_11 : f32 to vector<128x1024xf32>
    %select_n3A_13 = arith.select %eq3A_10, %get3A_1, %broadcast_in_dim3A_12 : vector<128x1024xi1>, vector<128x1024xf32>
    %reduce_sum3A_14 = arith.constant dense<0.000000e+00> : vector<1024xf32>
    %reduce_sum3A_15 = vector.multi_reduction <add>, %select_n3A_13, %reduce_sum3A_14 [0] : vector<128x1024xf32> to vector<1024xf32>
    %broadcast_in_dim3A_16 = vector.shape_cast %reduce_sum3A_15 : vector<1024xf32> to vector<1x1024xf32>
    %eq3A_17 = arith.constant 2 : i32
    %eq3A_18 = vector.broadcast %eq3A_17 : i32 to vector<128x1024xi32>
    %eq3A_19 = arith.cmpi eq, %rem3A_3, %eq3A_18 : vector<128x1024xi32>
    %jit3A_20 = arith.constant 0.000000e+00 : f32
    %broadcast_in_dim3A_21 = vector.broadcast %jit3A_20 : f32 to vector<128x1024xf32>
    %select_n3A_22 = arith.select %eq3A_19, %get3A_1, %broadcast_in_dim3A_21 : vector<128x1024xi1>, vector<128x1024xf32>
    %reduce_sum3A_23 = arith.constant dense<0.000000e+00> : vector<1024xf32>
    %reduce_sum3A_24 = vector.multi_reduction <add>, %select_n3A_22, %reduce_sum3A_23 [0] : vector<128x1024xf32> to vector<1024xf32>
    %broadcast_in_dim3A_25 = vector.shape_cast %reduce_sum3A_24 : vector<1024xf32> to vector<1x1024xf32>
    %eq3A_26 = arith.constant 3 : i32
    %eq3A_27 = vector.broadcast %eq3A_26 : i32 to vector<128x1024xi32>
    %eq3A_28 = arith.cmpi eq, %rem3A_3, %eq3A_27 : vector<128x1024xi32>
    %jit3A_29 = arith.constant 0.000000e+00 : f32
    %broadcast_in_dim3A_30 = vector.broadcast %jit3A_29 : f32 to vector<128x1024xf32>
    %select_n3A_31 = arith.select %eq3A_28, %get3A_1, %broadcast_in_dim3A_30 : vector<128x1024xi1>, vector<128x1024xf32>
    %reduce_sum3A_32 = arith.constant dense<0.000000e+00> : vector<1024xf32>
    %reduce_sum3A_33 = vector.multi_reduction <add>, %select_n3A_31, %reduce_sum3A_32 [0] : vector<128x1024xf32> to vector<1024xf32>
    %broadcast_in_dim3A_34 = vector.shape_cast %reduce_sum3A_33 : vector<1024xf32> to vector<1x1024xf32>
    %gt3A = arith.constant 0.000000e+00 : f32
    %gt3A_35 = vector.broadcast %gt3A : f32 to vector<1x1024xf32>
    %gt3A_36 = arith.cmpf ogt, %broadcast_in_dim3A_34, %gt3A_35 : vector<1x1024xf32>
    %jit3A_37 = arith.constant 1.000000e+00 : f32
    %broadcast_in_dim3A_38 = vector.broadcast %jit3A_37 : f32 to vector<1x1024xf32>
    %select_n3A_39 = arith.select %gt3A_36, %broadcast_in_dim3A_34, %broadcast_in_dim3A_38 : vector<1x1024xi1>, vector<1x1024xf32>
    %div3A = arith.divf %broadcast_in_dim3A_7, %select_n3A_39 : vector<1x1024xf32>
    %div3A_40 = arith.divf %broadcast_in_dim3A_16, %select_n3A_39 : vector<1x1024xf32>
    %div3A_41 = arith.divf %broadcast_in_dim3A_25, %select_n3A_39 : vector<1x1024xf32>
    %mul3A = arith.mulf %div3A, %div3A : vector<1x1024xf32>
    %mul3A_42 = arith.mulf %div3A_40, %div3A_40 : vector<1x1024xf32>
    %add3A = arith.addf %mul3A, %mul3A_42 : vector<1x1024xf32>
    %mul3A_43 = arith.mulf %div3A_41, %div3A_41 : vector<1x1024xf32>
    %add3A_44 = arith.addf %add3A, %mul3A_43 : vector<1x1024xf32>
    %iota3A_45 = tpu.iota {dimensions = array<i32: 1>} : vector<1x1024xi32>
    %gt3A_46 = arith.constant 0 : i32
    %gt3A_47 = vector.broadcast %gt3A_46 : i32 to vector<1x1024xi32>
    %gt3A_48 = arith.cmpi sgt, %iota3A_45, %gt3A_47 : vector<1x1024xi32>
    %ge3A = arith.constant 2.000000e+00 : f32
    %ge3A_49 = vector.broadcast %ge3A : f32 to vector<1x1024xf32>
    %ge3A_50 = arith.cmpf oge, %broadcast_in_dim3A_34, %ge3A_49 : vector<1x1024xf32>
    %and3A = arith.andi %ge3A_50, %gt3A_48 : vector<1x1024xi1>
    %ge3A_51 = arith.constant 1.000000e+00 : f32
    %ge3A_52 = vector.broadcast %ge3A_51 : f32 to vector<1x1024xf32>
    %ge3A_53 = arith.cmpf oge, %broadcast_in_dim3A_34, %ge3A_52 : vector<1x1024xf32>
    %and3A_54 = arith.andi %ge3A_53, %gt3A_48 : vector<1x1024xi1>
    %jit3A_55 = arith.constant 0.000000e+00 : f32
    %broadcast_in_dim3A_56 = vector.broadcast %jit3A_55 : f32 to vector<1x1024xf32>
    %select_n3A_57 = arith.select %and3A, %add3A_44, %broadcast_in_dim3A_56 : vector<1x1024xi1>, vector<1x1024xf32>
    %reduce_sum3A_58 = vector.shape_cast %select_n3A_57 : vector<1x1024xf32> to vector<1x1x1024xf32>
    %reduce_sum3A_59 = arith.constant dense<0.000000e+00> : vector<1xf32>
    %reduce_sum3A_60 = vector.multi_reduction <add>, %reduce_sum3A_58, %reduce_sum3A_59 [1, 2] : vector<1x1x1024xf32> to vector<1xf32>
    %reduce_sum3A_61 = vector.shape_cast %reduce_sum3A_60 : vector<1xf32> to vector<1x1x1xf32>
    %reduce_sum3A_62 = vector.extract %reduce_sum3A_61[0, 0, 0] : f32 from vector<1x1x1xf32>
    %jit3A_63 = arith.constant 1.000000e+00 : f32
    %jit3A_64 = arith.constant 0.000000e+00 : f32
    %broadcast_in_dim3A_65 = vector.broadcast %jit3A_63 : f32 to vector<1x1024xf32>
    %broadcast_in_dim3A_66 = vector.broadcast %jit3A_64 : f32 to vector<1x1024xf32>
    %select_n3A_67 = arith.select %and3A_54, %broadcast_in_dim3A_65, %broadcast_in_dim3A_66 : vector<1x1024xi1>, vector<1x1024xf32>
    %reduce_sum3A_68 = vector.shape_cast %select_n3A_67 : vector<1x1024xf32> to vector<1x1x1024xf32>
    %reduce_sum3A_69 = arith.constant dense<0.000000e+00> : vector<1xf32>
    %reduce_sum3A_70 = vector.multi_reduction <add>, %reduce_sum3A_68, %reduce_sum3A_69 [1, 2] : vector<1x1x1024xf32> to vector<1xf32>
    %reduce_sum3A_71 = vector.shape_cast %reduce_sum3A_70 : vector<1xf32> to vector<1x1x1xf32>
    %reduce_sum3A_72 = vector.extract %reduce_sum3A_71[0, 0, 0] : f32 from vector<1x1x1xf32>
    %gt3A_73 = arith.constant 0.000000e+00 : f32
    %gt3A_74 = arith.cmpf ogt, %reduce_sum3A_72, %gt3A_73 : f32
    %max3A = arith.constant 1.000000e+00 : f32
    %max3A_75 = arith.maximumf %reduce_sum3A_72, %max3A : f32
    %div3A_76 = arith.divf %reduce_sum3A_62, %max3A_75 : f32
    %jit3A_77 = arith.constant 0.000000e+00 : f32
    %select_n3A_78 = arith.select %gt3A_74, %div3A_76, %jit3A_77 : f32
    %broadcast_in_dim3A_79 = vector.broadcast %select_n3A_78 : f32 to vector<1x1xf32>
    %swap3A = arith.constant 0 : index
    %swap3A_80 = arith.constant 0 : index
    %swap3A_81 = vector.load %arg1[%swap3A, %swap3A_80] : memref<1x1xf32, #tpu.memory_space<vmem>>, vector<1x1xf32>
    tpu.vector_store %arg1[%swap3A, %swap3A_80], %broadcast_in_dim3A_79 {strides = array<i32>} : memref<1x1xf32, #tpu.memory_space<vmem>>, vector<1x1xf32>,
    return
  }
}

</mosaic_0001>

<sc_bundles>
// kernel: kernel.4.cloned.1.call-start
scs
__scs_entry_jumppad:
0x0: {  	(pc) =	sbr.rel $0x88, $3  }
0x1: {  	(tag) =	ssettag $0x0;
	lr =	simm.s32 $0x1  }
0x2: {  	[smem:$0x3F9E] =	sst lr;
	_ =	strace $0xD0000000  }
0x3: {  	_ = 	snop  }
0x4: {  	_ = 	snop  }
0x5: {  	_ = 	snop  }
0x6: {  	_ = 	snop  }
0x7: {  	_ = 	snop  }
__scs_overlays_trampoline_lowered:
0x8: {  	[smem:$0x3FAD] =	sst s0  }
0x9: {  	[smem:$0x3FAE] =	sst s1  }
0xa: {  	[smem:$0x3FAF] =	sst s2  }
0xb: {  	[smem:$0x3FB0] =	sst s3  }
0xc: {  	[smem:$0x3FB1] =	sst s4  }
0xd: {  	[smem:$0x3FB2] =	sst s5  }
0xe: {  	[smem:$0x3FB3] =	sst s6  }
0xf: {  	[smem:$0x3FB4] =	sst s7  }
0x10: {  	[smem:$0x3FB5] =	sst s8  }
0x11: {  	[smem:$0x3FB6] =	sst s9;
	s0 =	simm.s32 @!p0 $0x0  }
0x12: {  	s1 =	sld [smem:$0x3F9C];
	s0 =	simm.s32 @p0 $0x1  }
0x13: {  	[smem:$0x3FB7] =	sst s0;
	s0 =	simm.s32 @!p1 $0x0  }
0x14: {  	s2 =	sld [smem:$0x3F9B];
	s0 =	simm.s32 @p1 $0x1  }
0x15: {  	[smem:$0x3FB8] =	sst s0;
	s0 =	simm.s32 @!p2 $0x0  }
0x16: {  	s3 =	sld [smem:$0x3FDB];
	s0 =	simm.s32 @p2 $0x1  }
0x17: {  	s4 =	simm.s32 $0x1BF5;
	[smem:$0x3FBA] =	sst s0  }
0x18: {  	s0 =	sld [smem:$0x3F9D];
	_ =	swait.ge [sflag:s4], $0x0  }
0x19: {  	s7 =	sld [smem:$0x3F9E]  }
0x1a: {  	s8 =	sadd.s32 $0xFFFFE003, lr  }
0x1b: {  	s9 =	sadd.s32 $0xFFFFFEF7, lr;
	s5 =	simm.s32 $0xFFFFFFFF;
	p2 =	slt.u32 s8, $0xFFFFF086  }
0x1c: {  	p1 =	slt.u32 s9, $0xF7A;
	s5 =	simm.s32 @!p2 $0x0  }
0x1d: {  	s5 =	simm.s32 @p1 $0x1;
	p0 =	seq.s32 s7, s2  }
0x1e: {  	s7 =	smul.u32 @!p0 $0xF7A, s2;
	p2 =	seq.s32 @!p0 s5, $0x0  }
0x1f: {  	s9 =	smul.u32 $0xF7A, s1;
	s8 =	simm.s32 @!p0 $0x1BF5;
	p2 =	por !p2, p0  }
0x20: {  	[sflag:s8] =	ssyncset.s32 @!p0 $0xFFFFF086;
	s6 =	sadd.s32 @!p0 s3, s7;
	s7 =	simm.s32 @!p0 $0x108  }
0x21: {  	s3 =	sadd.s32 s3, s9;
	s6 =	sadd.s32 @!p0 $0x88, s6;
	s7 =	simm.s32 @p2 $0x1082  }
0x22: {  	[simem:s7], [sflag:s8] =	dma.local @!p0 [hbm:s6], $0xF7A  }
0x23: {  	s9 =	sor.u32 $0xD0000000, s2;
	s6 =	simm.s32 $0x108;
	_ =	swait.ge @!p0 [sflag:s8], $0x0  }
0x24: {  	s3 =	sadd.s32 $0x88, s3;
	s6 =	simm.s32 @!p1 $0x1082;
	[sflag:s4] =	ssyncset.s32 $0xFFFFF086  }
0x25: {  	[simem:s6], [sflag:s4] =	dma.local [hbm:s3], $0xF7A  }
0x26: {  	[smem:$0x3F9E] =	sst s1;
	(tag) =	ssettag s2;
	_ =	strace s9  }
0x27: {  	s1 =	sld [smem:$0x3FAE]  }
0x28: {  	s2 =	sld [smem:$0x3FAF]  }
0x29: {  	s4 =	sld [smem:$0x3FB1]  }
0x2a: {  	p0 =	seq.s32 s5, $0x0;
	s5 =	sld [smem:$0x3FB2]  }
0x2b: {  	s6 =	sld [smem:$0x3FB3]  }
0x2c: {  	s7 =	sld [smem:$0x3FB4]  }
0x2d: {  	s3 =	simm.s32 $0x108;
	s8 =	sld [smem:$0x3FB5]  }
0x2e: {  	s3 =	simm.s32 @!p0 $0x1082;
	s9 =	sld [smem:$0x3FB6]  }
0x2f: {  	lr =	sadd.s32 s0, s3;
	s0 =	sld [smem:$0x3FAD]  }
0x30: {  	s3 =	sld [smem:$0x3FB0]  }
0x31: {  	[smem:$0x3FB9] =	sst s10  }
0x32: {  	s10 =	sld [smem:$0x3FB7];
	_ =	sdelay $0x3  }
0x33: {  	p0 =	seq.s32 s10, $0x1;
	s10 =	sld [smem:$0x3FB9];
	_ =	sdelay $0x3  }
0x34: {  	[smem:$0x3FB9] =	sst s10  }
0x35: {  	s10 =	sld [smem:$0x3FB8];
	_ =	sdelay $0x3  }
0x36: {  	p1 =	seq.s32 s10, $0x1;
	s10 =	sld [smem:$0x3FB9];
	_ =	sdelay $0x3  }
0x37: {  	[smem:$0x3FB9] =	sst s10  }
0x38: {  	s10 =	sld [smem:$0x3FBA]  }
0x39: {  	_ = 	snop;
	(pc) =	sbr.ind lr, $3  }
0x3a: {  	_ = 	snop  }
0x3b: {  	_ = 	snop  }
0x3c: {  	p2 =	seq.s32 s10, $0x1;
	s10 =	sld [smem:$0x3FB9]  }
0x3d: {  	_ =	shalt  }
0x3e: {  	_ =	shalt  }
0x3f: {  	_ =	shalt  }
0x40: {  	_ =	shalt  }
0x41: {  	_ =	shalt  }
0x42: {  	_ =	shalt  }
0x43: {  	_ =	shalt  }
0x44: {  	_ =	shalt  }
0x45: {  	_ =	shalt  }
0x46: {  	_ =	shalt  }
0x47: {  	_ =	shalt  }
0x48: {  	_ =	shalt  }
0x49: {  	_ =	shalt  }
0x4a: {  	_ =	shalt  }
0x4b: {  	_ =	shalt  }
0x4c: {  	_ =	shalt  }
0x4d: {  	_ =	shalt  }
0x4e: {  	_ =	shalt  }
0x4f: {  	_ =	shalt  }
0x50: {  	_ =	shalt  }
0x51: {  	_ =	shalt  }
0x52: {  	_ =	shalt  }
0x53: {  	_ =	shalt  }
0x54: {  	_ =	shalt  }
0x55: {  	_ =	shalt  }
0x56: {  	_ =	shalt  }
0x57: {  	_ =	shalt  }
0x58: {  	_ =	shalt  }
0x59: {  	_ =	shalt  }
0x5a: {  	_ =	shalt  }
0x5b: {  	_ =	shalt  }
0x5c: {  	_ =	shalt  }
0x5d: {  	_ =	shalt  }
0x5e: {  	_ =	shalt  }
0x5f: {  	_ =	shalt  }
0x60: {  	_ =	shalt  }
0x61: {  	_ =	shalt  }
0x62: {  	_ =	shalt  }
0x63: {  	_ =	shalt  }
0x64: {  	_ =	shalt  }
0x65: {  	_ =	shalt  }
0x66: {  	_ =	shalt  }
0x67: {  	_ =	shalt  }
0x68: {  	_ =	shalt  }
0x69: {  	_ =	shalt  }
0x6a: {  	_ =	shalt  }
0x6b: {  	_ =	shalt  }
0x6c: {  	_ =	shalt  }
0x6d: {  	_ =	shalt  }
0x6e: {  	_ =	shalt  }
0x6f: {  	_ =	shalt  }
0x70: {  	_ =	shalt  }
0x71: {  	_ =	shalt  }
0x72: {  	_ =	shalt  }
0x73: {  	_ =	shalt  }
0x74: {  	_ =	shalt  }
0x75: {  	_ =	shalt  }
0x76: {  	_ =	shalt  }
0x77: {  	_ =	shalt  }
0x78: {  	_ =	shalt  }
0x79: {  	_ =	shalt  }
0x7a: {  	_ =	shalt  }
0x7b: {  	_ =	shalt  }
0x7c: {  	_ =	shalt  }
0x7d: {  	_ =	shalt  }
0x7e: {  	_ =	shalt  }
0x7f: {  	_ =	shalt  }
0x80: {  	_ =	shalt  }
0x81: {  	_ =	shalt  }
0x82: {  	_ =	shalt  }
0x83: {  	_ =	shalt  }
0x84: {  	_ =	shalt  }
0x85: {  	_ =	shalt  }
0x86: {  	_ =	shalt  }
0x87: {  	_ =	shalt  }
.Lfunc_end0:
.L_simem_size_0:
called_computation_lowered:
.L_overlay_start_0:
0x88: {  	s2 =	sld [smem:$0x3FD9]  }
0x89: {  	s3 =	sld [smem:$0x3FFE];
	_ =	sdelay $0x1  }
0x8a: {  	s1 =	srdreg.scid  }
0x8b: {  	s0 =	sand.u32 $0x1, s1  }
0x8c: {  	s17 =	sshll.u32 s0, $0xA;
	s2 =	sadd.s32 s3, s2  }
0x8d: {  	s2 =	sadd.s32 s2, s17  }
0x8e: {  	[smem:$0x3FC5] =	sst s2  }
0x8f: {  	_ = 	snop  }
0x90: {  	s2 =	sld [smem:$0x3FC7];
	(tm) =	ssettm $0x1  }
0x91: {  	s18 =	sld [smem:$0x3FFB];
	_ =	sdelay $0x3  }
0x92: {  	_ =	strace s18  }
0x93: {  	s3 =	sld [smem:$0x3FFC];
	_ =	sdelay $0x3  }
0x94: {  	_ =	strace s3  }
0x95: {  	s3 =	sld [smem:$0x3FFD];
	_ =	sdelay $0x3  }
0x96: {  	_ =	strace s3  }
0x97: {  	_ =	strace $0x8FFFFFFF  }
0x98: {  	s19 =	sld [smem:$0x3FDB];
	_ =	sdelay $0x1  }
0x99: {  	s4 =	simm.s32 $_scs_section_size  }
0x9a: {  	s5 =	simm.s32 $_size__tile_overlayer_lowered;
	s6 =	simm.s32 $_tile_overlayer_lowered  }
0x9b: {  	s22 =	simm.s32 $0x1BFF;
	s21 =	sshll.u32 s6, $0x1;
	s3 =	sadd.s32 s4, s19  }
0x9c: {  	s7 =	simm.s32 $0x0;
	s20 =	sshll.u32 s5, $0x1;
	s5 =	sadd.s32 s21, s3  }
0x9d: {  	[timem:s7], [sflag:s22] =	dma.local [hbm:s5], s20  }
0x9e: {  	_ =	swait.ge [sflag:s22], s20  }
0x9f: {  	s4 =	ssub.s32 $0x0, s20;
	[sflag:s22] =	ssyncset.done $0x0  }
0xa0: {  	[sflag:s22] =	ssyncadd.s32 s4;
	_ =	sdelay $0x1  }
0xa1: {  	s23 =	simm.s32 $0x1B8B  }
0xa2: {  	_ =	swait.ge [sflag:s23], $0x1  }
0xa3: {  	[sflag:s23] =	ssyncset.done $0x0  }
0xa4: {  	s25 =	simm.s32 $0x1B8E;
	s24 =	sld [smem:$0x3FFE];
	[sflag:s23] =	ssyncadd.s32 $0xFFFFFFFF  }
0xa5: {  	s26 =	simm.s32 $execute0_lowered;
	[smem:$0x3FD2] =	sst s25  }
0xa6: {  	s5 =	sshll.u32 s26, $0x1;
	_ =	strace $0x80000046;
	[dreg:$0x1] =	wrdreg $0xFFFFFFFF  }
0xa7: {  	s28 =	simm.s32 $_size_execute0_lowered;
	s3 =	sadd.s32 s3, s5;
	[dreg:$0x0] =	wrdreg $0x0  }
0xa8: {  	s5 =	sshll.u32 s28, $0x1;
	[dreg:$0x2] =	wrdreg s3  }
0xa9: {  	[dreg:$0x3] =	wrdreg s5  }
0xaa: {  	[dreg:$0x4] =	wrdreg $0xC0  }
0xab: {  	_ =	task [dreg:s7], $0x5FFFF  }
0xac: {  	[dreg:$0x1] =	wrdreg $0xFFFFFFFF  }
0xad: {  	[dreg:$0x0] =	wrdreg $0x60  }
0xae: {  	[dreg:$0x2] =	wrdreg s24  }
0xaf: {  	[dreg:$0x3] =	wrdreg s2  }
0xb0: {  	[dreg:$0x4] =	wrdreg $0x9  }
0xb1: {  	_ =	task.clear_ibuf [dreg:s7], $0x5FFFF;
	_ =	strace $0x90000046  }
0xb2: {  	s29 =	simm.s32 $0x9;
	_ =	strace $0x80000048  }
0xb3: {  	_ =	swait.ge [sflag:s29], $0x1  }
0xb4: {  	[sflag:s29] =	ssyncadd.s32 $0xFFFFFFFF  }
0xb5: {  	_ =	strace $0x90000048  }
0xb6: {  	_ =	sfence  }
0xb7: {  	s30 =	sld [smem:$0x0];
	_ =	sdelay $0x2  }
0xb8: {  	s31 =	sshll.u32 s1, $0xD;
	s1 =	sshrl.u32 s1, $0x2  }
0xb9: {  	s3 =	sand.u32 $0x4000, s31;
	s1 =	sadd.s32 s1, s30  }
0xba: {  	s0 =	sor.u32 s3, s0;
	s1 =	sshll.u32 s1, $0x11  }
0xbb: {  	s0 =	sor.u32 s1, s0  }
0xbc: {  	s0 =	sadd.s32 $0x8F2B, s0  }
0xbd: {  	[sflag:s0] =	ssyncadd.remote.s32 $0x1  }
0xbe: {  	_ =	sfence.sel $0xFFFF  }
0xbf: {  	[dreg:$0x0] =	wrdreg $0xFFFFFFFF;
	(pc) =	sbr.abs _section_cstart, $3  }
0xc0: {  	[dreg:$0x1] =	wrdreg $0xFFFFFFFF  }
0xc1: {  	_ =	task.clear_ibuf [dreg:s7], $0x2FFFF;
	_ =	strace $0x9FFFFFFF  }
0xc2: {  	(tm) =	ssettm $0x7FFFFFFF  }
0xc3: {  	_ =	shalt  }
tec
execute0_lowered:
.L_overlay_start_1:
0x0: {  	(tag) =	ssettag $0x1  }
0x1: {  	s0 =	rddreg [dreg:$0x0]  }
0x2: {  	s2 =	rddreg [dreg:$0x1]  }
0x3: {  	s3 =	simm.s32 $0x0;
	s1 =	srdreg.scid;
	s10 =	stileid.u32  }
0x4: {  	s19 =	simm.s32 $0x11000;
	s28 =	simm.s32 $0x1;
	s29 =	simm.s32 $0x2  }
0x5: {  	s30 =	simm.s32 $0x0;
	[smem:$0x7FF] =	sst s3;
	s1 =	sand.u32 $0x1, s1  }
0x6: {  	s5 =	sshll.u32 s10, $0x1;
	s4 =	sadd.s32 $0x187400, s0;
	s31 =	sshll.u32 s10, $0xA  }
0x7: {  	_ =	strace $0x80000047;
	s6 =	sor.u32 s1, s5;
	s5 =	sadd.s32 $0xC3E00, s0  }
0x8: {  	s7 =	ssub.s32 $0x2, s1;
	s1 =	sshll.u32 s1, $0x6;
	s8 =	smul.u32 $0x30D40, s6  }
0x9: {  	s6 =	sadd.s32 $0x800, s0;
	s9 =	sshrl.u32 s7, $0x1;
	s0 =	sadd.s32 s1, s0  }
0xa: {  	s1 =	simm.s32 $0x3;
	s20 =	ssub.s32 s7, s9;
	s0 =	sadd.s32 s31, s0  }
0xb: {  	s21 =	sshrl.u32 s8, $0x3;
	s15 =	sadd.s32 $0x1F40, s8;
	s16 =	sadd.s32 $0x2EE0, s8  }
0xc: {  	s17 =	sadd.s32 $0x24AA00, s0;
	s18 =	smax.u32 s20, $0x1;
	s22 =	sadd.s32 s2, s21  }
0xd: {  	s20 =	simm.s32 $0x12000;
	s23 =	sadd.s32 s4, s21;
	[dreg:$0x3] =	wrdreg s22  }
0xe: {  	s24 =	sadd.s32 $0x1F4, s21;
	s11 =	sadd.s32 s5, s21;
	[dreg:$0x4] =	wrdreg s23  }
0xf: {  	s7 =	sadd.s32 s6, s21;
	s21 =	simm.s32 $0x13000;
	[dreg:$0x5] =	wrdreg s11  }
0x10: {  	v2 =	vlaneseq.u32;
	[dreg:$0x6] =	wrdreg s7;
	s25 =	sadd.s32 s2, s24;
	s26 =	sadd.s32 s4, s24  }
0x11: {  	v0 =	vmul.u32 $0x1000, v2;
	s13 =	sadd.s32 s5, s24;
	s14 =	sadd.s32 s6, s24;
	s22 =	simm.s32 $0x14000  }
0x12: {  	v1 =	vimm.f32 $0.0e+00;
	v2 =	vmul.u32 $0xFA, v2;
	s23 =	simm.s32 $0x15000;
	s24 =	simm.s32 $0x16000;
	[dreg:$0x7] =	wrdreg s25  }
0x13: {  	v3 =	vor.u32 $0x400, v0;
	v4 =	vor.u32 $0x800, v0;
	v5 =	vor.u32 $0xC00, v0;
	[dreg:$0x8] =	wrdreg s26;
	s25 =	simm.s32 $0x17000;
	s26 =	simm.s32 $0x18000  }
.LBB2_1:
0x14: {  	s0 =	rddreg [dreg:$0x3]  }
0x15: {  	[tilespmem:s19], [sflag:$0x1] =	stream.linear.gather [hbm4b:s0+s3], $0xFA0, $0x38;
	[tilespmem:$0x19000] =	vst v63  }
0x16: {  	s11 =	rddreg [dreg:$0x4]  }
0x17: {  	[tilespmem:s20], [sflag:$0x1] =	stream.linear.gather [hbm4b:s11+s3], $0xFA0, $0x38;
	[tilespmem:$0x19000] =	vst v63  }
0x18: {  	s12 =	rddreg [dreg:$0x5]  }
0x19: {  	[tilespmem:s21], [sflag:$0x1] =	stream.linear.gather [hbm4b:s12+s3], $0xFA0, $0x38;
	[tilespmem:$0x19000] =	vst v63  }
0x1a: {  	s31 =	rddreg [dreg:$0x6];
	s7 =	simm.s32 $0x200;
	s0 =	simm.s32 $0x0  }
0x1b: {  	[tilespmem:s22], [sflag:$0x1] =	stream.linear.gather [hbm4b:s31+s3], $0xFA0, $0x38;
	[tilespmem:$0x19000] =	vst v63  }
.LBB2_2:
0x1c: {  	p0 =	sne.s32 s7, $0x3FE00;
	[tilespmem:s0+$0x70] =	vst v1  }
0x1d: {  	[tilespmem:s0+$0x0] =	vst v1  }
0x1e: {  	[tilespmem:s0+$0x10] =	vst v1  }
.Ltmp0:
0x1f: {  	[tilespmem:s0+$0x20] =	vst v1;
	(pc) =	sbr.rel @p0 .LBB2_2-.Ltmp0, $4  }
0x20: {  	[tilespmem:s0+$0x30] =	vst v1  }
0x21: {  	[tilespmem:s0+$0x40] =	vst v1  }
0x22: {  	[tilespmem:s0+$0x50] =	vst v1  }
0x23: {  	[tilespmem:s0+$0x60] =	vst v1;
	s0 =	sshra.s32 s7, $0x2;
	s7 =	sadd.s32 $0x200, s7  }
0x24: {  	[tilespmem:s0+$0x70] =	vst v1  }
0x25: {  	[tilespmem:s0+$0x0] =	vst v1  }
0x26: {  	[tilespmem:s0+$0x10] =	vst v1  }
0x27: {  	[tilespmem:s0+$0x20] =	vst v1  }
0x28: {  	[tilespmem:s0+$0x30] =	vst v1  }
0x29: {  	[tilespmem:s0+$0x40] =	vst v1  }
0x2a: {  	[tilespmem:s0+$0x50] =	vst v1  }
0x2b: {  	[tilespmem:s0+$0x60] =	vst v1;
	s31 =	simm.s32 $0x0;
	s11 =	rddreg [dreg:$0x7]  }
0x2c: {  	[tilespmem:s23], [sflag:$0x2] =	stream.linear.gather [hbm4b:s11+s31], $0xFA0, $0x38;
	[tilespmem:$0x19000] =	vst v63  }
0x2d: {  	s12 =	rddreg [dreg:$0x8]  }
0x2e: {  	[tilespmem:s24], [sflag:$0x2] =	stream.linear.gather [hbm4b:s12+s31], $0xFA0, $0x38;
	[tilespmem:$0x19000] =	vst v63  }
0x2f: {  	_ = 	snop  }
0x30: {  	[tilespmem:s25], [sflag:$0x2] =	stream.linear.gather [hbm4b:s13+s31], $0xFA0, $0x38;
	[tilespmem:$0x19000] =	vst v63  }
0x31: {  	v6 =	vimm.s32 $0x0;
	v7 =	vimm.f32 $0.0e+00  }
0x32: {  	v8 =	vimm.f32 $0.0e+00;
	v9 =	vimm.f32 $0.0e+00;
	v10 =	vimm.f32 $0.0e+00;
	[tilespmem:s26], [sflag:$0x2] =	stream.linear.gather [hbm4b:s14+s31], $0xFA0, $0x38;
	[tilespmem:$0x19000] =	vst v63  }
.LBB2_4:
0x33: {  	_ =	swait.ge [sflag:s28], $0xFA0  }
0x34: {  	[sflag:s28] =	ssyncset.done $0x0  }
0x35: {  	[sflag:s28] =	ssyncadd.s32 $0xFFFFF060  }
0x36: {  	_ =	swait.ge [sflag:s28], $0xFA0  }
0x37: {  	[sflag:s28] =	ssyncset.done $0x0  }
0x38: {  	[sflag:s28] =	ssyncadd.s32 $0xFFFFF060  }
0x39: {  	_ =	swait.ge [sflag:s28], $0xFA0  }
0x3a: {  	[sflag:s28] =	ssyncset.done $0x0  }
0x3b: {  	[sflag:s28] =	ssyncadd.s32 $0xFFFFF060  }
0x3c: {  	_ =	swait.ge [sflag:s28], $0xFA0  }
0x3d: {  	[sflag:s28] =	ssyncset.done $0x0  }
0x3e: {  	s0 =	simm.s32 $0x18;
	[sflag:s28] =	ssyncadd.s32 $0xFFFFF060  }
.LBB2_5:
0x3f: {  	s7 =	sadd.s32 $0xFFFFFFE8, s0  }
0x40: {  	v11 =	vadd.s32 s7, v2;
	_ =	sdelay $0x4  }
0x41: {  	v12 =	vld.idx.msk [tilespmem:v11+s19+$0x0], $0xffff;
	_ =	sdelay $0x4  }
0x42: {  	vm1 =	vne.s32 v12, v6  }
0x43: {  	v13 =	vadd.s32 v0, v6  }
0x44: {  	v14 =	vadd.s32 v3, v6  }
0x45: {  	v16 =	vadd.s32 v4, v6;
	v15 =	vld.idx.msk [tilespmem:v11+s20+$0x0], $0xffff  }
0x46: {  	s10 =	sadd.s32 $0xFFFFFFE9, s0;
	v17 =	vld.idx.msk [tilespmem:v11+s21+$0x0], $0xffff;
	v6 =	vadd.s32 v5, v6  }
0x47: {  	v18 =	vadd.s32 s10, v2;
	v11 =	vld.idx.msk [tilespmem:v11+s22+$0x0], $0xffff  }
0x48: {  	[tilespmem:v13+s3+$0x0] =	vst.idx.add.f32.msk vm1, v10  }
0x49: {  	[tilespmem:v14+s3+$0x0] =	vst.idx.add.f32.msk vm1, v9  }
0x4a: {  	[tilespmem:v16+s3+$0x0] =	vst.idx.add.f32.msk vm1, v8  }
0x4b: {  	[tilespmem:v6+s3+$0x0] =	vst.idx.add.f32.msk vm1, v7  }
0x4c: {  	v6 =	vld.idx.msk [tilespmem:v18+s19+$0x0], $0xffff;
	_ =	sdelay $0x4  }
0x4d: {  	vm0 =	vne.s32 v6, v12  }
0x4e: {  	v63 =	vadd.s32 v0, v12  }
0x4f: {  	v24 =	vadd.s32 v3, v12  }
0x50: {  	v19 =	vadd.s32 v4, v12;
	v10 =	vadd.f32 v15, v10;
	v16 =	vld.idx.msk [tilespmem:v18+s20+$0x0], $0xffff  }
0x51: {  	s11 =	sadd.s32 $0xFFFFFFEA, s0;
	v9 =	vadd.f32 v17, v9;
	v20 =	vld.idx.msk [tilespmem:v18+s21+$0x0], $0xffff;
	v12 =	vadd.s32 v5, v12  }
0x52: {  	v26 =	vadd.s32 s11, v2;
	v10 =	vsel vm1, v15, v10;
	v8 =	vadd.f32 v11, v8;
	v25 =	vld.idx.msk [tilespmem:v18+s22+$0x0], $0xffff  }
0x53: {  	v9 =	vsel vm1, v17, v9;
	v7 =	vadd.f32 $1.000000000e+00, v7;
	[tilespmem:v63+s3+$0x0] =	vst.idx.add.f32.msk vm0, v10  }
0x54: {  	v8 =	vsel vm1, v11, v8;
	[tilespmem:v24+s3+$0x0] =	vst.idx.add.f32.msk vm0, v9  }
0x55: {  	v7 =	vsel vm1, $0x3F800000, v7;
	[tilespmem:v19+s3+$0x0] =	vst.idx.add.f32.msk vm0, v8  }
0x56: {  	[tilespmem:v12+s3+$0x0] =	vst.idx.add.f32.msk vm0, v7  }
0x57: {  	v11 =	vld.idx.msk [tilespmem:v26+s19+$0x0], $0xffff;
	_ =	sdelay $0x4  }
0x58: {  	vm5 =	vne.s32 v11, v6  }
0x59: {  	v27 =	vadd.s32 v0, v6  }
0x5a: {  	v28 =	vadd.s32 v3, v6  }
0x5b: {  	v29 =	vadd.s32 v4, v6;
	v10 =	vadd.f32 v16, v10;
	v14 =	vld.idx.msk [tilespmem:v26+s20+$0x0], $0xffff  }
0x5c: {  	s12 =	sadd.s32 $0xFFFFFFEB, s0;
	v9 =	vadd.f32 v20, v9;
	v19 =	vld.idx.msk [tilespmem:v26+s21+$0x0], $0xffff;
	v6 =	vadd.s32 v5, v6  }
0x5d: {  	v31 =	vadd.s32 s12, v2;
	v10 =	vsel vm0, v16, v10;
	v8 =	vadd.f32 v25, v8;
	v30 =	vld.idx.msk [tilespmem:v26+s22+$0x0], $0xffff  }
0x5e: {  	v9 =	vsel vm0, v20, v9;
	v7 =	vadd.f32 $1.000000000e+00, v7;
	[tilespmem:v27+s3+$0x0] =	vst.idx.add.f32.msk vm5, v10  }
0x5f: {  	v8 =	vsel vm0, v25, v8;
	[tilespmem:v28+s3+$0x0] =	vst.idx.add.f32.msk vm5, v9  }
0x60: {  	v7 =	vsel vm0, $0x3F800000, v7;
	[tilespmem:v29+s3+$0x0] =	vst.idx.add.f32.msk vm5, v8  }
0x61: {  	[tilespmem:v6+s3+$0x0] =	vst.idx.add.f32.msk vm5, v7  }
0x62: {  	v6 =	vld.idx.msk [tilespmem:v31+s19+$0x0], $0xffff;
	_ =	sdelay $0x4  }
0x63: {  	vm6 =	vne.s32 v6, v11  }
0x64: {  	v32 =	vadd.s32 v0, v11  }
0x65: {  	v33 =	vadd.s32 v3, v11  }
0x66: {  	v35 =	vadd.s32 v4, v11;
	v10 =	vadd.f32 v14, v10;
	v34 =	vld.idx.msk [tilespmem:v31+s20+$0x0], $0xffff  }
0x67: {  	s8 =	sadd.s32 $0xFFFFFFEC, s0;
	v9 =	vadd.f32 v19, v9;
	v36 =	vld.idx.msk [tilespmem:v31+s21+$0x0], $0xffff;
	v11 =	vadd.s32 v5, v11  }
0x68: {  	v38 =	vadd.s32 s8, v2;
	v10 =	vsel vm5, v14, v10;
	v8 =	vadd.f32 v30, v8;
	v37 =	vld.idx.msk [tilespmem:v31+s22+$0x0], $0xffff  }
0x69: {  	v9 =	vsel vm5, v19, v9;
	v7 =	vadd.f32 $1.000000000e+00, v7;
	[tilespmem:v32+s3+$0x0] =	vst.idx.add.f32.msk vm6, v10  }
0x6a: {  	v8 =	vsel vm5, v30, v8;
	[tilespmem:v33+s3+$0x0] =	vst.idx.add.f32.msk vm6, v9  }
0x6b: {  	v7 =	vsel vm5, $0x3F800000, v7;
	[tilespmem:v35+s3+$0x0] =	vst.idx.add.f32.msk vm6, v8  }
0x6c: {  	[tilespmem:v11+s3+$0x0] =	vst.idx.add.f32.msk vm6, v7  }
0x6d: {  	v11 =	vld.idx.msk [tilespmem:v38+s19+$0x0], $0xffff;
	_ =	sdelay $0x4  }
0x6e: {  	vm7 =	vne.s32 v11, v6  }
0x6f: {  	v39 =	vadd.s32 v0, v6  }
0x70: {  	v40 =	vadd.s32 v3, v6  }
0x71: {  	v42 =	vadd.s32 v4, v6;
	v10 =	vadd.f32 v34, v10;
	v41 =	vld.idx.msk [tilespmem:v38+s20+$0x0], $0xffff  }
0x72: {  	s9 =	sadd.s32 $0xFFFFFFED, s0;
	v9 =	vadd.f32 v36, v9;
	v43 =	vld.idx.msk [tilespmem:v38+s21+$0x0], $0xffff;
	v6 =	vadd.s32 v5, v6  }
0x73: {  	v45 =	vadd.s32 s9, v2;
	v10 =	vsel vm6, v34, v10;
	v8 =	vadd.f32 v37, v8;
	v44 =	vld.idx.msk [tilespmem:v38+s22+$0x0], $0xffff  }
0x74: {  	v9 =	vsel vm6, v36, v9;
	v7 =	vadd.f32 $1.000000000e+00, v7;
	[tilespmem:v39+s3+$0x0] =	vst.idx.add.f32.msk vm7, v10  }
0x75: {  	v8 =	vsel vm6, v37, v8;
	[tilespmem:v40+s3+$0x0] =	vst.idx.add.f32.msk vm7, v9  }
0x76: {  	v7 =	vsel vm6, $0x3F800000, v7;
	[tilespmem:v42+s3+$0x0] =	vst.idx.add.f32.msk vm7, v8  }
0x77: {  	[tilespmem:v6+s3+$0x0] =	vst.idx.add.f32.msk vm7, v7  }
0x78: {  	v6 =	vld.idx.msk [tilespmem:v45+s19+$0x0], $0xffff;
	_ =	sdelay $0x4  }
0x79: {  	vm8 =	vne.s32 v6, v11  }
0x7a: {  	v46 =	vadd.s32 v0, v11  }
0x7b: {  	v47 =	vadd.s32 v3, v11  }
0x7c: {  	v49 =	vadd.s32 v4, v11;
	v10 =	vadd.f32 v41, v10;
	v48 =	vld.idx.msk [tilespmem:v45+s20+$0x0], $0xffff  }
0x7d: {  	s10 =	sadd.s32 $0xFFFFFFEE, s0;
	v9 =	vadd.f32 v43, v9;
	v50 =	vld.idx.msk [tilespmem:v45+s21+$0x0], $0xffff;
	v11 =	vadd.s32 v5, v11  }
0x7e: {  	v52 =	vadd.s32 s10, v2;
	v10 =	vsel vm7, v41, v10;
	v8 =	vadd.f32 v44, v8;
	v51 =	vld.idx.msk [tilespmem:v45+s22+$0x0], $0xffff  }
0x7f: {  	v9 =	vsel vm7, v43, v9;
	v7 =	vadd.f32 $1.000000000e+00, v7;
	[tilespmem:v46+s3+$0x0] =	vst.idx.add.f32.msk vm8, v10  }
0x80: {  	v8 =	vsel vm7, v44, v8;
	[tilespmem:v47+s3+$0x0] =	vst.idx.add.f32.msk vm8, v9  }
0x81: {  	v7 =	vsel vm7, $0x3F800000, v7;
	[tilespmem:v49+s3+$0x0] =	vst.idx.add.f32.msk vm8, v8  }
0x82: {  	[tilespmem:v11+s3+$0x0] =	vst.idx.add.f32.msk vm8, v7  }
0x83: {  	v11 =	vld.idx.msk [tilespmem:v52+s19+$0x0], $0xffff;
	_ =	sdelay $0x4  }
0x84: {  	vm9 =	vne.s32 v11, v6  }
0x85: {  	v53 =	vadd.s32 v0, v6  }
0x86: {  	v54 =	vadd.s32 v3, v6  }
0x87: {  	v56 =	vadd.s32 v4, v6;
	v10 =	vadd.f32 v48, v10;
	v55 =	vld.idx.msk [tilespmem:v52+s20+$0x0], $0xffff  }
0x88: {  	s11 =	sadd.s32 $0xFFFFFFEF, s0;
	v9 =	vadd.f32 v50, v9;
	v57 =	vld.idx.msk [tilespmem:v52+s21+$0x0], $0xffff;
	v6 =	vadd.s32 v5, v6  }
0x89: {  	v59 =	vadd.s32 s11, v2;
	v10 =	vsel vm8, v48, v10;
	v8 =	vadd.f32 v51, v8;
	v58 =	vld.idx.msk [tilespmem:v52+s22+$0x0], $0xffff  }
0x8a: {  	v9 =	vsel vm8, v50, v9;
	v7 =	vadd.f32 $1.000000000e+00, v7;
	[tilespmem:v53+s3+$0x0] =	vst.idx.add.f32.msk vm9, v10  }
0x8b: {  	v8 =	vsel vm8, v51, v8;
	[tilespmem:v54+s3+$0x0] =	vst.idx.add.f32.msk vm9, v9  }
0x8c: {  	v7 =	vsel vm8, $0x3F800000, v7;
	[tilespmem:v56+s3+$0x0] =	vst.idx.add.f32.msk vm9, v8  }
0x8d: {  	[tilespmem:v6+s3+$0x0] =	vst.idx.add.f32.msk vm9, v7  }
0x8e: {  	v6 =	vld.idx.msk [tilespmem:v59+s19+$0x0], $0xffff;
	_ =	sdelay $0x4  }
0x8f: {  	vm10 =	vne.s32 v6, v11  }
0x90: {  	v60 =	vadd.s32 v0, v11  }
0x91: {  	v61 =	vadd.s32 v3, v11  }
0x92: {  	v63 =	vadd.s32 v4, v11;
	v10 =	vadd.f32 v55, v10;
	v62 =	vld.idx.msk [tilespmem:v59+s20+$0x0], $0xffff  }
0x93: {  	s12 =	sadd.s32 $0xFFFFFFF0, s0;
	v9 =	vadd.f32 v57, v9;
	v24 =	vld.idx.msk [tilespmem:v59+s21+$0x0], $0xffff;
	v11 =	vadd.s32 v5, v11  }
0x94: {  	v26 =	vadd.s32 s12, v2;
	v10 =	vsel vm9, v55, v10;
	v8 =	vadd.f32 v58, v8;
	v25 =	vld.idx.msk [tilespmem:v59+s22+$0x0], $0xffff  }
0x95: {  	v9 =	vsel vm9, v57, v9;
	v7 =	vadd.f32 $1.000000000e+00, v7;
	[tilespmem:v60+s3+$0x0] =	vst.idx.add.f32.msk vm10, v10  }
0x96: {  	v8 =	vsel vm9, v58, v8;
	[tilespmem:v61+s3+$0x0] =	vst.idx.add.f32.msk vm10, v9  }
0x97: {  	v7 =	vsel vm9, $0x3F800000, v7;
	[tilespmem:v63+s3+$0x0] =	vst.idx.add.f32.msk vm10, v8  }
0x98: {  	[tilespmem:v11+s3+$0x0] =	vst.idx.add.f32.msk vm10, v7  }
0x99: {  	v11 =	vld.idx.msk [tilespmem:v26+s19+$0x0], $0xffff;
	_ =	sdelay $0x4  }
0x9a: {  	vm11 =	vne.s32 v11, v6  }
0x9b: {  	v27 =	vadd.s32 v0, v6  }
0x9c: {  	v28 =	vadd.s32 v3, v6  }
0x9d: {  	v30 =	vadd.s32 v4, v6;
	v10 =	vadd.f32 v62, v10;
	v29 =	vld.idx.msk [tilespmem:v26+s20+$0x0], $0xffff  }
0x9e: {  	s8 =	sadd.s32 $0xFFFFFFF1, s0;
	v9 =	vadd.f32 v24, v9;
	v31 =	vld.idx.msk [tilespmem:v26+s21+$0x0], $0xffff;
	v6 =	vadd.s32 v5, v6  }
0x9f: {  	v33 =	vadd.s32 s8, v2;
	v10 =	vsel vm10, v62, v10;
	v8 =	vadd.f32 v25, v8;
	v32 =	vld.idx.msk [tilespmem:v26+s22+$0x0], $0xffff  }
0xa0: {  	v9 =	vsel vm10, v24, v9;
	v7 =	vadd.f32 $1.000000000e+00, v7;
	[tilespmem:v27+s3+$0x0] =	vst.idx.add.f32.msk vm11, v10  }
0xa1: {  	v8 =	vsel vm10, v25, v8;
	[tilespmem:v28+s3+$0x0] =	vst.idx.add.f32.msk vm11, v9  }
0xa2: {  	v7 =	vsel vm10, $0x3F800000, v7;
	[tilespmem:v30+s3+$0x0] =	vst.idx.add.f32.msk vm11, v8  }
0xa3: {  	[tilespmem:v6+s3+$0x0] =	vst.idx.add.f32.msk vm11, v7  }
0xa4: {  	v6 =	vld.idx.msk [tilespmem:v33+s19+$0x0], $0xffff;
	_ =	sdelay $0x4  }
0xa5: {  	vm12 =	vne.s32 v6, v11  }
0xa6: {  	v34 =	vadd.s32 v0, v11  }
0xa7: {  	v35 =	vadd.s32 v3, v11  }
0xa8: {  	v37 =	vadd.s32 v4, v11;
	v10 =	vadd.f32 v29, v10;
	v36 =	vld.idx.msk [tilespmem:v33+s20+$0x0], $0xffff  }
0xa9: {  	s9 =	sadd.s32 $0xFFFFFFF2, s0;
	v9 =	vadd.f32 v31, v9;
	v38 =	vld.idx.msk [tilespmem:v33+s21+$0x0], $0xffff;
	v11 =	vadd.s32 v5, v11  }
0xaa: {  	v40 =	vadd.s32 s9, v2;
	v10 =	vsel vm11, v29, v10;
	v8 =	vadd.f32 v32, v8;
	v39 =	vld.idx.msk [tilespmem:v33+s22+$0x0], $0xffff  }
0xab: {  	v9 =	vsel vm11, v31, v9;
	v7 =	vadd.f32 $1.000000000e+00, v7;
	[tilespmem:v34+s3+$0x0] =	vst.idx.add.f32.msk vm12, v10  }
0xac: {  	v8 =	vsel vm11, v32, v8;
	[tilespmem:v35+s3+$0x0] =	vst.idx.add.f32.msk vm12, v9  }
0xad: {  	v7 =	vsel vm11, $0x3F800000, v7;
	[tilespmem:v37+s3+$0x0] =	vst.idx.add.f32.msk vm12, v8  }
0xae: {  	[tilespmem:v11+s3+$0x0] =	vst.idx.add.f32.msk vm12, v7  }
0xaf: {  	v11 =	vld.idx.msk [tilespmem:v40+s19+$0x0], $0xffff;
	_ =	sdelay $0x4  }
0xb0: {  	vm13 =	vne.s32 v11, v6  }
0xb1: {  	v41 =	vadd.s32 v0, v6  }
0xb2: {  	v42 =	vadd.s32 v3, v6  }
0xb3: {  	v44 =	vadd.s32 v4, v6;
	v10 =	vadd.f32 v36, v10;
	v43 =	vld.idx.msk [tilespmem:v40+s20+$0x0], $0xffff  }
0xb4: {  	s10 =	sadd.s32 $0xFFFFFFF3, s0;
	v9 =	vadd.f32 v38, v9;
	v45 =	vld.idx.msk [tilespmem:v40+s21+$0x0], $0xffff;
	v6 =	vadd.s32 v5, v6  }
0xb5: {  	v47 =	vadd.s32 s10, v2;
	v10 =	vsel vm12, v36, v10;
	v8 =	vadd.f32 v39, v8;
	v46 =	vld.idx.msk [tilespmem:v40+s22+$0x0], $0xffff  }
0xb6: {  	v9 =	vsel vm12, v38, v9;
	v7 =	vadd.f32 $1.000000000e+00, v7;
	[tilespmem:v41+s3+$0x0] =	vst.idx.add.f32.msk vm13, v10  }
0xb7: {  	v8 =	vsel vm12, v39, v8;
	[tilespmem:v42+s3+$0x0] =	vst.idx.add.f32.msk vm13, v9  }
0xb8: {  	v7 =	vsel vm12, $0x3F800000, v7;
	[tilespmem:v44+s3+$0x0] =	vst.idx.add.f32.msk vm13, v8  }
0xb9: {  	[tilespmem:v6+s3+$0x0] =	vst.idx.add.f32.msk vm13, v7  }
0xba: {  	v6 =	vld.idx.msk [tilespmem:v47+s19+$0x0], $0xffff;
	_ =	sdelay $0x4  }
0xbb: {  	vm14 =	vne.s32 v6, v11  }
0xbc: {  	v48 =	vadd.s32 v0, v11  }
0xbd: {  	v49 =	vadd.s32 v3, v11  }
0xbe: {  	v51 =	vadd.s32 v4, v11;
	v10 =	vadd.f32 v43, v10;
	v50 =	vld.idx.msk [tilespmem:v47+s20+$0x0], $0xffff  }
0xbf: {  	s11 =	sadd.s32 $0xFFFFFFF4, s0;
	v9 =	vadd.f32 v45, v9;
	v52 =	vld.idx.msk [tilespmem:v47+s21+$0x0], $0xffff;
	v11 =	vadd.s32 v5, v11  }
0xc0: {  	v54 =	vadd.s32 s11, v2;
	v10 =	vsel vm13, v43, v10;
	v8 =	vadd.f32 v46, v8;
	v53 =	vld.idx.msk [tilespmem:v47+s22+$0x0], $0xffff  }
0xc1: {  	v9 =	vsel vm13, v45, v9;
	v7 =	vadd.f32 $1.000000000e+00, v7;
	[tilespmem:v48+s3+$0x0] =	vst.idx.add.f32.msk vm14, v10  }
0xc2: {  	v8 =	vsel vm13, v46, v8;
	[tilespmem:v49+s3+$0x0] =	vst.idx.add.f32.msk vm14, v9  }
0xc3: {  	v7 =	vsel vm13, $0x3F800000, v7;
	[tilespmem:v51+s3+$0x0] =	vst.idx.add.f32.msk vm14, v8  }
0xc4: {  	[tilespmem:v11+s3+$0x0] =	vst.idx.add.f32.msk vm14, v7  }
0xc5: {  	v11 =	vld.idx.msk [tilespmem:v54+s19+$0x0], $0xffff;
	_ =	sdelay $0x4  }
0xc6: {  	vm15 =	vne.s32 v11, v6  }
0xc7: {  	v55 =	vadd.s32 v0, v6  }
0xc8: {  	v56 =	vadd.s32 v3, v6  }
0xc9: {  	v58 =	vadd.s32 v4, v6;
	v10 =	vadd.f32 v50, v10;
	v57 =	vld.idx.msk [tilespmem:v54+s20+$0x0], $0xffff  }
0xca: {  	s12 =	sadd.s32 $0xFFFFFFF5, s0;
	v9 =	vadd.f32 v52, v9;
	v59 =	vld.idx.msk [tilespmem:v54+s21+$0x0], $0xffff;
	v6 =	vadd.s32 v5, v6  }
0xcb: {  	v61 =	vadd.s32 s12, v2;
	v10 =	vsel vm14, v50, v10;
	v8 =	vadd.f32 v53, v8;
	v60 =	vld.idx.msk [tilespmem:v54+s22+$0x0], $0xffff  }
0xcc: {  	v9 =	vsel vm14, v52, v9;
	v7 =	vadd.f32 $1.000000000e+00, v7;
	[tilespmem:v55+s3+$0x0] =	vst.idx.add.f32.msk vm15, v10  }
0xcd: {  	v8 =	vsel vm14, v53, v8;
	[tilespmem:v56+s3+$0x0] =	vst.idx.add.f32.msk vm15, v9  }
0xce: {  	v7 =	vsel vm14, $0x3F800000, v7;
	[tilespmem:v58+s3+$0x0] =	vst.idx.add.f32.msk vm15, v8  }
0xcf: {  	[tilespmem:v6+s3+$0x0] =	vst.idx.add.f32.msk vm15, v7  }
0xd0: {  	v6 =	vld.idx.msk [tilespmem:v61+s19+$0x0], $0xffff;
	_ =	sdelay $0x4  }
0xd1: {  	vm4 =	vne.s32 v6, v11  }
0xd2: {  	v62 =	vadd.s32 v0, v11  }
0xd3: {  	v63 =	vadd.s32 v3, v11  }
0xd4: {  	v25 =	vadd.s32 v4, v11;
	v10 =	vadd.f32 v57, v10;
	v24 =	vld.idx.msk [tilespmem:v61+s20+$0x0], $0xffff  }
0xd5: {  	s8 =	sadd.s32 $0xFFFFFFF6, s0;
	v9 =	vadd.f32 v59, v9;
	v26 =	vld.idx.msk [tilespmem:v61+s21+$0x0], $0xffff;
	v11 =	vadd.s32 v5, v11  }
0xd6: {  	v28 =	vadd.s32 s8, v2;
	v10 =	vsel vm15, v57, v10;
	v8 =	vadd.f32 v60, v8;
	v27 =	vld.idx.msk [tilespmem:v61+s22+$0x0], $0xffff  }
0xd7: {  	v9 =	vsel vm15, v59, v9;
	v7 =	vadd.f32 $1.000000000e+00, v7;
	[tilespmem:v62+s3+$0x0] =	vst.idx.add.f32.msk vm4, v10  }
0xd8: {  	v8 =	vsel vm15, v60, v8;
	[tilespmem:v63+s3+$0x0] =	vst.idx.add.f32.msk vm4, v9  }
0xd9: {  	v7 =	vsel vm15, $0x3F800000, v7;
	[tilespmem:v25+s3+$0x0] =	vst.idx.add.f32.msk vm4, v8  }
0xda: {  	[tilespmem:v11+s3+$0x0] =	vst.idx.add.f32.msk vm4, v7  }
0xdb: {  	v11 =	vld.idx.msk [tilespmem:v28+s19+$0x0], $0xffff;
	_ =	sdelay $0x4  }
0xdc: {  	vm5 =	vne.s32 v11, v6  }
0xdd: {  	v29 =	vadd.s32 v0, v6  }
0xde: {  	v30 =	vadd.s32 v3, v6  }
0xdf: {  	v32 =	vadd.s32 v4, v6;
	v10 =	vadd.f32 v24, v10;
	v31 =	vld.idx.msk [tilespmem:v28+s20+$0x0], $0xffff  }
0xe0: {  	s9 =	sadd.s32 $0xFFFFFFF7, s0;
	v9 =	vadd.f32 v26, v9;
	v33 =	vld.idx.msk [tilespmem:v28+s21+$0x0], $0xffff;
	v6 =	vadd.s32 v5, v6  }
0xe1: {  	v35 =	vadd.s32 s9, v2;
	v10 =	vsel vm4, v24, v10;
	v8 =	vadd.f32 v27, v8;
	v34 =	vld.idx.msk [tilespmem:v28+s22+$0x0], $0xffff  }
0xe2: {  	v9 =	vsel vm4, v26, v9;
	v7 =	vadd.f32 $1.000000000e+00, v7;
	[tilespmem:v29+s3+$0x0] =	vst.idx.add.f32.msk vm5, v10  }
0xe3: {  	v8 =	vsel vm4, v27, v8;
	[tilespmem:v30+s3+$0x0] =	vst.idx.add.f32.msk vm5, v9  }
0xe4: {  	v7 =	vsel vm4, $0x3F800000, v7;
	[tilespmem:v32+s3+$0x0] =	vst.idx.add.f32.msk vm5, v8  }
0xe5: {  	[tilespmem:v6+s3+$0x0] =	vst.idx.add.f32.msk vm5, v7  }
0xe6: {  	v6 =	vld.idx.msk [tilespmem:v35+s19+$0x0], $0xffff;
	_ =	sdelay $0x4  }
0xe7: {  	vm6 =	vne.s32 v6, v11  }
0xe8: {  	v36 =	vadd.s32 v0, v11  }
0xe9: {  	v37 =	vadd.s32 v3, v11  }
0xea: {  	v39 =	vadd.s32 v4, v11;
	v10 =	vadd.f32 v31, v10;
	v38 =	vld.idx.msk [tilespmem:v35+s20+$0x0], $0xffff  }
0xeb: {  	s10 =	sadd.s32 $0xFFFFFFF8, s0;
	v9 =	vadd.f32 v33, v9;
	v40 =	vld.idx.msk [tilespmem:v35+s21+$0x0], $0xffff;
	v11 =	vadd.s32 v5, v11  }
0xec: {  	v42 =	vadd.s32 s10, v2;
	v10 =	vsel vm5, v31, v10;
	v8 =	vadd.f32 v34, v8;
	v41 =	vld.idx.msk [tilespmem:v35+s22+$0x0], $0xffff  }
0xed: {  	v9 =	vsel vm5, v33, v9;
	v7 =	vadd.f32 $1.000000000e+00, v7;
	[tilespmem:v36+s3+$0x0] =	vst.idx.add.f32.msk vm6, v10  }
0xee: {  	v8 =	vsel vm5, v34, v8;
	[tilespmem:v37+s3+$0x0] =	vst.idx.add.f32.msk vm6, v9  }
0xef: {  	v7 =	vsel vm5, $0x3F800000, v7;
	[tilespmem:v39+s3+$0x0] =	vst.idx.add.f32.msk vm6, v8  }
0xf0: {  	[tilespmem:v11+s3+$0x0] =	vst.idx.add.f32.msk vm6, v7  }
0xf1: {  	v11 =	vld.idx.msk [tilespmem:v42+s19+$0x0], $0xffff;
	_ =	sdelay $0x4  }
0xf2: {  	vm7 =	vne.s32 v11, v6  }
0xf3: {  	v43 =	vadd.s32 v0, v6  }
0xf4: {  	v44 =	vadd.s32 v3, v6  }
0xf5: {  	v46 =	vadd.s32 v4, v6;
	v10 =	vadd.f32 v38, v10;
	v45 =	vld.idx.msk [tilespmem:v42+s20+$0x0], $0xffff  }
0xf6: {  	s11 =	sadd.s32 $0xFFFFFFF9, s0;
	v9 =	vadd.f32 v40, v9;
	v47 =	vld.idx.msk [tilespmem:v42+s21+$0x0], $0xffff;
	v6 =	vadd.s32 v5, v6  }
0xf7: {  	v49 =	vadd.s32 s11, v2;
	v10 =	vsel vm6, v38, v10;
	v8 =	vadd.f32 v41, v8;
	v48 =	vld.idx.msk [tilespmem:v42+s22+$0x0], $0xffff  }
0xf8: {  	v9 =	vsel vm6, v40, v9;
	v7 =	vadd.f32 $1.000000000e+00, v7;
	[tilespmem:v43+s3+$0x0] =	vst.idx.add.f32.msk vm7, v10  }
0xf9: {  	v8 =	vsel vm6, v41, v8;
	[tilespmem:v44+s3+$0x0] =	vst.idx.add.f32.msk vm7, v9  }
0xfa: {  	v7 =	vsel vm6, $0x3F800000, v7;
	[tilespmem:v46+s3+$0x0] =	vst.idx.add.f32.msk vm7, v8  }
0xfb: {  	[tilespmem:v6+s3+$0x0] =	vst.idx.add.f32.msk vm7, v7  }
0xfc: {  	v6 =	vld.idx.msk [tilespmem:v49+s19+$0x0], $0xffff;
	_ =	sdelay $0x4  }
0xfd: {  	vm8 =	vne.s32 v6, v11  }
0xfe: {  	v50 =	vadd.s32 v0, v11  }
0xff: {  	v51 =	vadd.s32 v3, v11  }
0x100: {  	v53 =	vadd.s32 v4, v11;
	v10 =	vadd.f32 v45, v10;
	v52 =	vld.idx.msk [tilespmem:v49+s20+$0x0], $0xffff  }
0x101: {  	s12 =	sadd.s32 $0xFFFFFFFA, s0;
	v9 =	vadd.f32 v47, v9;
	v54 =	vld.idx.msk [tilespmem:v49+s21+$0x0], $0xffff;
	v11 =	vadd.s32 v5, v11  }
0x102: {  	v56 =	vadd.s32 s12, v2;
	v10 =	vsel vm7, v45, v10;
	v8 =	vadd.f32 v48, v8;
	v55 =	vld.idx.msk [tilespmem:v49+s22+$0x0], $0xffff  }
0x103: {  	v9 =	vsel vm7, v47, v9;
	v7 =	vadd.f32 $1.000000000e+00, v7;
	[tilespmem:v50+s3+$0x0] =	vst.idx.add.f32.msk vm8, v10  }
0x104: {  	v8 =	vsel vm7, v48, v8;
	[tilespmem:v51+s3+$0x0] =	vst.idx.add.f32.msk vm8, v9  }
0x105: {  	v7 =	vsel vm7, $0x3F800000, v7;
	[tilespmem:v53+s3+$0x0] =	vst.idx.add.f32.msk vm8, v8  }
0x106: {  	[tilespmem:v11+s3+$0x0] =	vst.idx.add.f32.msk vm8, v7  }
0x107: {  	v11 =	vld.idx.msk [tilespmem:v56+s19+$0x0], $0xffff;
	_ =	sdelay $0x4  }
0x108: {  	vm9 =	vne.s32 v11, v6  }
0x109: {  	v57 =	vadd.s32 v0, v6  }
0x10a: {  	v58 =	vadd.s32 v3, v6  }
0x10b: {  	v60 =	vadd.s32 v4, v6;
	v10 =	vadd.f32 v52, v10;
	v59 =	vld.idx.msk [tilespmem:v56+s20+$0x0], $0xffff  }
0x10c: {  	s8 =	sadd.s32 $0xFFFFFFFB, s0;
	v9 =	vadd.f32 v54, v9;
	v61 =	vld.idx.msk [tilespmem:v56+s21+$0x0], $0xffff;
	v6 =	vadd.s32 v5, v6  }
0x10d: {  	v63 =	vadd.s32 s8, v2;
	v10 =	vsel vm8, v52, v10;
	v8 =	vadd.f32 v55, v8;
	v62 =	vld.idx.msk [tilespmem:v56+s22+$0x0], $0xffff  }
0x10e: {  	v9 =	vsel vm8, v54, v9;
	v7 =	vadd.f32 $1.000000000e+00, v7;
	[tilespmem:v57+s3+$0x0] =	vst.idx.add.f32.msk vm9, v10  }
0x10f: {  	v8 =	vsel vm8, v55, v8;
	[tilespmem:v58+s3+$0x0] =	vst.idx.add.f32.msk vm9, v9  }
0x110: {  	v7 =	vsel vm8, $0x3F800000, v7;
	[tilespmem:v60+s3+$0x0] =	vst.idx.add.f32.msk vm9, v8  }
0x111: {  	[tilespmem:v6+s3+$0x0] =	vst.idx.add.f32.msk vm9, v7  }
0x112: {  	v6 =	vld.idx.msk [tilespmem:v63+s19+$0x0], $0xffff;
	_ =	sdelay $0x4  }
0x113: {  	vm10 =	vne.s32 v6, v11  }
0x114: {  	v24 =	vadd.s32 v0, v11  }
0x115: {  	v25 =	vadd.s32 v3, v11  }
0x116: {  	v27 =	vadd.s32 v4, v11;
	v10 =	vadd.f32 v59, v10;
	v26 =	vld.idx.msk [tilespmem:v63+s20+$0x0], $0xffff  }
0x117: {  	s9 =	sadd.s32 $0xFFFFFFFC, s0;
	v9 =	vadd.f32 v61, v9;
	v28 =	vld.idx.msk [tilespmem:v63+s21+$0x0], $0xffff;
	v11 =	vadd.s32 v5, v11  }
0x118: {  	v30 =	vadd.s32 s9, v2;
	v10 =	vsel vm9, v59, v10;
	v8 =	vadd.f32 v62, v8;
	v29 =	vld.idx.msk [tilespmem:v63+s22+$0x0], $0xffff  }
0x119: {  	v9 =	vsel vm9, v61, v9;
	v7 =	vadd.f32 $1.000000000e+00, v7;
	[tilespmem:v24+s3+$0x0] =	vst.idx.add.f32.msk vm10, v10  }
0x11a: {  	v8 =	vsel vm9, v62, v8;
	[tilespmem:v25+s3+$0x0] =	vst.idx.add.f32.msk vm10, v9  }
0x11b: {  	v7 =	vsel vm9, $0x3F800000, v7;
	[tilespmem:v27+s3+$0x0] =	vst.idx.add.f32.msk vm10, v8  }
0x11c: {  	[tilespmem:v11+s3+$0x0] =	vst.idx.add.f32.msk vm10, v7  }
0x11d: {  	v11 =	vld.idx.msk [tilespmem:v30+s19+$0x0], $0xffff;
	_ =	sdelay $0x4  }
0x11e: {  	vm11 =	vne.s32 v11, v6  }
0x11f: {  	v31 =	vadd.s32 v0, v6  }
0x120: {  	v32 =	vadd.s32 v3, v6  }
0x121: {  	v34 =	vadd.s32 v4, v6;
	v10 =	vadd.f32 v26, v10;
	v33 =	vld.idx.msk [tilespmem:v30+s20+$0x0], $0xffff  }
0x122: {  	s10 =	sadd.s32 $0xFFFFFFFD, s0;
	v9 =	vadd.f32 v28, v9;
	v35 =	vld.idx.msk [tilespmem:v30+s21+$0x0], $0xffff;
	v6 =	vadd.s32 v5, v6  }
0x123: {  	v37 =	vadd.s32 s10, v2;
	v10 =	vsel vm10, v26, v10;
	v8 =	vadd.f32 v29, v8;
	v36 =	vld.idx.msk [tilespmem:v30+s22+$0x0], $0xffff  }
0x124: {  	v9 =	vsel vm10, v28, v9;
	v7 =	vadd.f32 $1.000000000e+00, v7;
	[tilespmem:v31+s3+$0x0] =	vst.idx.add.f32.msk vm11, v10  }
0x125: {  	v8 =	vsel vm10, v29, v8;
	[tilespmem:v32+s3+$0x0] =	vst.idx.add.f32.msk vm11, v9  }
0x126: {  	v7 =	vsel vm10, $0x3F800000, v7;
	[tilespmem:v34+s3+$0x0] =	vst.idx.add.f32.msk vm11, v8  }
0x127: {  	[tilespmem:v6+s3+$0x0] =	vst.idx.add.f32.msk vm11, v7  }
0x128: {  	v6 =	vld.idx.msk [tilespmem:v37+s19+$0x0], $0xffff;
	_ =	sdelay $0x4  }
0x129: {  	vm12 =	vne.s32 v6, v11  }
0x12a: {  	v38 =	vadd.s32 v0, v11  }
0x12b: {  	v39 =	vadd.s32 v3, v11  }
0x12c: {  	v41 =	vadd.s32 v4, v11;
	v10 =	vadd.f32 v33, v10;
	v40 =	vld.idx.msk [tilespmem:v37+s20+$0x0], $0xffff  }
0x12d: {  	s11 =	sadd.s32 $0xFFFFFFFE, s0;
	v9 =	vadd.f32 v35, v9;
	v42 =	vld.idx.msk [tilespmem:v37+s21+$0x0], $0xffff;
	v11 =	vadd.s32 v5, v11  }
0x12e: {  	v44 =	vadd.s32 s11, v2;
	v10 =	vsel vm11, v33, v10;
	v8 =	vadd.f32 v36, v8;
	v43 =	vld.idx.msk [tilespmem:v37+s22+$0x0], $0xffff  }
0x12f: {  	v9 =	vsel vm11, v35, v9;
	v7 =	vadd.f32 $1.000000000e+00, v7;
	[tilespmem:v38+s3+$0x0] =	vst.idx.add.f32.msk vm12, v10  }
0x130: {  	v8 =	vsel vm11, v36, v8;
	[tilespmem:v39+s3+$0x0] =	vst.idx.add.f32.msk vm12, v9  }
0x131: {  	v7 =	vsel vm11, $0x3F800000, v7;
	[tilespmem:v41+s3+$0x0] =	vst.idx.add.f32.msk vm12, v8  }
0x132: {  	[tilespmem:v11+s3+$0x0] =	vst.idx.add.f32.msk vm12, v7  }
0x133: {  	v11 =	vld.idx.msk [tilespmem:v44+s19+$0x0], $0xffff;
	_ =	sdelay $0x4  }
0x134: {  	vm13 =	vne.s32 v11, v6  }
0x135: {  	v45 =	vadd.s32 v0, v6  }
0x136: {  	v46 =	vadd.s32 v3, v6  }
0x137: {  	v48 =	vadd.s32 v4, v6;
	v10 =	vadd.f32 v40, v10;
	v47 =	vld.idx.msk [tilespmem:v44+s20+$0x0], $0xffff  }
0x138: {  	s12 =	sadd.s32 $0xFFFFFFFF, s0;
	v9 =	vadd.f32 v42, v9;
	v49 =	vld.idx.msk [tilespmem:v44+s21+$0x0], $0xffff;
	v6 =	vadd.s32 v5, v6  }
0x139: {  	v51 =	vadd.s32 s12, v2;
	v10 =	vsel vm12, v40, v10;
	v8 =	vadd.f32 v43, v8;
	v50 =	vld.idx.msk [tilespmem:v44+s22+$0x0], $0xffff  }
0x13a: {  	v9 =	vsel vm12, v42, v9;
	v7 =	vadd.f32 $1.000000000e+00, v7;
	[tilespmem:v45+s3+$0x0] =	vst.idx.add.f32.msk vm13, v10  }
0x13b: {  	v8 =	vsel vm12, v43, v8;
	[tilespmem:v46+s3+$0x0] =	vst.idx.add.f32.msk vm13, v9  }
0x13c: {  	v7 =	vsel vm12, $0x3F800000, v7;
	[tilespmem:v48+s3+$0x0] =	vst.idx.add.f32.msk vm13, v8  }
0x13d: {  	[tilespmem:v6+s3+$0x0] =	vst.idx.add.f32.msk vm13, v7  }
0x13e: {  	v12 =	vld.idx.msk [tilespmem:v51+s19+$0x0], $0xffff;
	_ =	sdelay $0x4  }
0x13f: {  	vm14 =	vne.s32 v12, v11  }
0x140: {  	v6 =	vadd.s32 v0, v11  }
0x141: {  	v52 =	vadd.s32 v3, v11  }
0x142: {  	v54 =	vadd.s32 v4, v11;
	v10 =	vadd.f32 v47, v10;
	v53 =	vld.idx.msk [tilespmem:v51+s20+$0x0], $0xffff  }
0x143: {  	v9 =	vadd.f32 v49, v9;
	v55 =	vld.idx.msk [tilespmem:v51+s21+$0x0], $0xffff;
	v11 =	vadd.s32 v5, v11  }
0x144: {  	v57 =	vadd.s32 s0, v2;
	v10 =	vsel vm13, v47, v10;
	v8 =	vadd.f32 v50, v8;
	v56 =	vld.idx.msk [tilespmem:v51+s22+$0x0], $0xffff  }
0x145: {  	v9 =	vsel vm13, v49, v9;
	v7 =	vadd.f32 $1.000000000e+00, v7;
	[tilespmem:v6+s3+$0x0] =	vst.idx.add.f32.msk vm14, v10  }
0x146: {  	v8 =	vsel vm13, v50, v8;
	[tilespmem:v52+s3+$0x0] =	vst.idx.add.f32.msk vm14, v9  }
0x147: {  	v7 =	vsel vm13, $0x3F800000, v7;
	[tilespmem:v54+s3+$0x0] =	vst.idx.add.f32.msk vm14, v8  }
0x148: {  	[tilespmem:v11+s3+$0x0] =	vst.idx.add.f32.msk vm14, v7  }
0x149: {  	v6 =	vld.idx.msk [tilespmem:v57+s19+$0x0], $0xffff;
	_ =	sdelay $0x4  }
0x14a: {  	v11 =	vld.idx.msk [tilespmem:v57+s20+$0x0], $0xffff;
	vm15 =	vne.s32 v6, v12  }
0x14b: {  	v58 =	vadd.s32 v0, v12;
	v13 =	vld.idx.msk [tilespmem:v57+s21+$0x0], $0xffff  }
0x14c: {  	v59 =	vadd.s32 v3, v12;
	v10 =	vadd.f32 v53, v10;
	v17 =	vld.idx.msk [tilespmem:v57+s22+$0x0], $0xffff  }
0x14d: {  	v60 =	vadd.s32 v4, v12;
	v9 =	vadd.f32 v55, v9;
	v7 =	vadd.f32 $1.000000000e+00, v7  }
0x14e: {  	p0 =	sne.s32 s0, $0xF9;
	v8 =	vadd.f32 v56, v8;
	v12 =	vadd.s32 v5, v12  }
.Ltmp1:
0x14f: {  	v10 =	vsel vm14, v53, v10;
	v9 =	vsel vm14, v55, v9;
	v7 =	vsel vm14, $0x3F800000, v7;
	(pc) =	sbr.rel @p0 .LBB2_5-.Ltmp1, $4  }
0x150: {  	v8 =	vsel vm14, v56, v8;
	v63 =	vadd.f32 $1.000000000e+00, v7;
	v61 =	vadd.f32 v13, v9;
	[tilespmem:v58+s3+$0x0] =	vst.idx.add.f32.msk vm15, v10  }
0x151: {  	v62 =	vadd.f32 v17, v8;
	v10 =	vadd.f32 v11, v10;
	[tilespmem:v59+s3+$0x0] =	vst.idx.add.f32.msk vm15, v9  }
0x152: {  	v9 =	vsel vm15, v13, v61;
	[tilespmem:v60+s3+$0x0] =	vst.idx.add.f32.msk vm15, v8  }
0x153: {  	s0 =	sadd.s32 $0x19, s0;
	v10 =	vsel vm15, v11, v10;
	v8 =	vsel vm15, v17, v62;
	[tilespmem:v12+s3+$0x0] =	vst.idx.add.f32.msk vm15, v7;
	v7 =	vsel vm15, $0x3F800000, v63  }
0x154: {  	p0 =	seq.s32 s31, $0x18  }
0x155: {  	s0 =	smul.u32 @!p0 $0x1F40, s31;
	_ =	sdelay $0x1  }
0x156: {  	s0 =	sadd.s32 @!p0 s0, s15  }
0x157: {  	s0 =	sshrl.u32 @!p0 s0, $0x3  }
0x158: {  	s8 =	simm.s32 @!p0 $0x0;
	s9 =	simm.s32 @!p0 $0x11000;
	s7 =	sadd.s32 @!p0 s2, s0  }
0x159: {  	[tilespmem:s9], [sflag:$0x1] =	stream.linear.gather @!p0 [hbm4b:s7+s8], $0xFA0, $0x38;
	[tilespmem:$0x19000] =	vst v63  }
0x15a: {  	s7 =	sadd.s32 @!p0 s4, s0;
	s9 =	simm.s32 @!p0 $0x12000  }
0x15b: {  	[tilespmem:s9], [sflag:$0x1] =	stream.linear.gather @!p0 [hbm4b:s7+s8], $0xFA0, $0x38;
	[tilespmem:$0x19000] =	vst v63  }
0x15c: {  	s7 =	sadd.s32 @!p0 s5, s0;
	s9 =	simm.s32 @!p0 $0x13000  }
0x15d: {  	[tilespmem:s9], [sflag:$0x1] =	stream.linear.gather @!p0 [hbm4b:s7+s8], $0xFA0, $0x38;
	[tilespmem:$0x19000] =	vst v63  }
0x15e: {  	s0 =	sadd.s32 @!p0 s6, s0;
	s7 =	simm.s32 @!p0 $0x14000  }
0x15f: {  	[tilespmem:s7], [sflag:$0x1] =	stream.linear.gather @!p0 [hbm4b:s0+s8], $0xFA0, $0x38;
	[tilespmem:$0x19000] =	vst v63  }
0x160: {  	_ =	swait.ge [sflag:s29], $0xFA0  }
0x161: {  	[sflag:s29] =	ssyncset.done $0x0  }
0x162: {  	[sflag:s29] =	ssyncadd.s32 $0xFFFFF060  }
0x163: {  	_ =	swait.ge [sflag:s29], $0xFA0  }
0x164: {  	[sflag:s29] =	ssyncset.done $0x0  }
0x165: {  	[sflag:s29] =	ssyncadd.s32 $0xFFFFF060  }
0x166: {  	_ =	swait.ge [sflag:s29], $0xFA0  }
0x167: {  	[sflag:s29] =	ssyncset.done $0x0  }
0x168: {  	[sflag:s29] =	ssyncadd.s32 $0xFFFFF060  }
0x169: {  	_ =	swait.ge [sflag:s29], $0xFA0  }
0x16a: {  	[sflag:s29] =	ssyncset.done $0x0  }
0x16b: {  	s0 =	simm.s32 $0x18;
	[sflag:s29] =	ssyncadd.s32 $0xFFFFF060  }
.LBB2_7:
0x16c: {  	s7 =	sadd.s32 $0xFFFFFFE8, s0  }
0x16d: {  	v11 =	vadd.s32 s7, v2;
	_ =	sdelay $0x4  }
0x16e: {  	v12 =	vld.idx.msk [tilespmem:v11+s23+$0x0], $0xffff;
	_ =	sdelay $0x4  }
0x16f: {  	vm1 =	vne.s32 v12, v6  }
0x170: {  	v13 =	vadd.s32 v0, v6  }
0x171: {  	v14 =	vadd.s32 v3, v6  }
0x172: {  	v16 =	vadd.s32 v4, v6;
	v15 =	vld.idx.msk [tilespmem:v11+s24+$0x0], $0xffff  }
0x173: {  	s10 =	sadd.s32 $0xFFFFFFE9, s0;
	v17 =	vld.idx.msk [tilespmem:v11+s25+$0x0], $0xffff;
	v6 =	vadd.s32 v5, v6  }
0x174: {  	v18 =	vadd.s32 s10, v2;
	v11 =	vld.idx.msk [tilespmem:v11+s26+$0x0], $0xffff  }
0x175: {  	[tilespmem:v13+s3+$0x0] =	vst.idx.add.f32.msk vm1, v10  }
0x176: {  	[tilespmem:v14+s3+$0x0] =	vst.idx.add.f32.msk vm1, v9  }
0x177: {  	[tilespmem:v16+s3+$0x0] =	vst.idx.add.f32.msk vm1, v8  }
0x178: {  	[tilespmem:v6+s3+$0x0] =	vst.idx.add.f32.msk vm1, v7  }
0x179: {  	v6 =	vld.idx.msk [tilespmem:v18+s23+$0x0], $0xffff;
	_ =	sdelay $0x4  }
0x17a: {  	vm0 =	vne.s32 v6, v12  }
0x17b: {  	v63 =	vadd.s32 v0, v12  }
0x17c: {  	v24 =	vadd.s32 v3, v12  }
0x17d: {  	v19 =	vadd.s32 v4, v12;
	v10 =	vadd.f32 v15, v10;
	v16 =	vld.idx.msk [tilespmem:v18+s24+$0x0], $0xffff  }
0x17e: {  	s11 =	sadd.s32 $0xFFFFFFEA, s0;
	v9 =	vadd.f32 v17, v9;
	v20 =	vld.idx.msk [tilespmem:v18+s25+$0x0], $0xffff;
	v12 =	vadd.s32 v5, v12  }
0x17f: {  	v26 =	vadd.s32 s11, v2;
	v10 =	vsel vm1, v15, v10;
	v8 =	vadd.f32 v11, v8;
	v25 =	vld.idx.msk [tilespmem:v18+s26+$0x0], $0xffff  }
0x180: {  	v9 =	vsel vm1, v17, v9;
	v7 =	vadd.f32 $1.000000000e+00, v7;
	[tilespmem:v63+s3+$0x0] =	vst.idx.add.f32.msk vm0, v10  }
0x181: {  	v8 =	vsel vm1, v11, v8;
	[tilespmem:v24+s3+$0x0] =	vst.idx.add.f32.msk vm0, v9  }
0x182: {  	v7 =	vsel vm1, $0x3F800000, v7;
	[tilespmem:v19+s3+$0x0] =	vst.idx.add.f32.msk vm0, v8  }
0x183: {  	[tilespmem:v12+s3+$0x0] =	vst.idx.add.f32.msk vm0, v7  }
0x184: {  	v11 =	vld.idx.msk [tilespmem:v26+s23+$0x0], $0xffff;
	_ =	sdelay $0x4  }
0x185: {  	vm5 =	vne.s32 v11, v6  }
0x186: {  	v27 =	vadd.s32 v0, v6  }
0x187: {  	v28 =	vadd.s32 v3, v6  }
0x188: {  	v29 =	vadd.s32 v4, v6;
	v10 =	vadd.f32 v16, v10;
	v14 =	vld.idx.msk [tilespmem:v26+s24+$0x0], $0xffff  }
0x189: {  	s12 =	sadd.s32 $0xFFFFFFEB, s0;
	v9 =	vadd.f32 v20, v9;
	v19 =	vld.idx.msk [tilespmem:v26+s25+$0x0], $0xffff;
	v6 =	vadd.s32 v5, v6  }
0x18a: {  	v31 =	vadd.s32 s12, v2;
	v10 =	vsel vm0, v16, v10;
	v8 =	vadd.f32 v25, v8;
	v30 =	vld.idx.msk [tilespmem:v26+s26+$0x0], $0xffff  }
0x18b: {  	v9 =	vsel vm0, v20, v9;
	v7 =	vadd.f32 $1.000000000e+00, v7;
	[tilespmem:v27+s3+$0x0] =	vst.idx.add.f32.msk vm5, v10  }
0x18c: {  	v8 =	vsel vm0, v25, v8;
	[tilespmem:v28+s3+$0x0] =	vst.idx.add.f32.msk vm5, v9  }
0x18d: {  	v7 =	vsel vm0, $0x3F800000, v7;
	[tilespmem:v29+s3+$0x0] =	vst.idx.add.f32.msk vm5, v8  }
0x18e: {  	[tilespmem:v6+s3+$0x0] =	vst.idx.add.f32.msk vm5, v7  }
0x18f: {  	v6 =	vld.idx.msk [tilespmem:v31+s23+$0x0], $0xffff;
	_ =	sdelay $0x4  }
0x190: {  	vm6 =	vne.s32 v6, v11  }
0x191: {  	v32 =	vadd.s32 v0, v11  }
0x192: {  	v33 =	vadd.s32 v3, v11  }
0x193: {  	v35 =	vadd.s32 v4, v11;
	v10 =	vadd.f32 v14, v10;
	v34 =	vld.idx.msk [tilespmem:v31+s24+$0x0], $0xffff  }
0x194: {  	s8 =	sadd.s32 $0xFFFFFFEC, s0;
	v9 =	vadd.f32 v19, v9;
	v36 =	vld.idx.msk [tilespmem:v31+s25+$0x0], $0xffff;
	v11 =	vadd.s32 v5, v11  }
0x195: {  	v38 =	vadd.s32 s8, v2;
	v10 =	vsel vm5, v14, v10;
	v8 =	vadd.f32 v30, v8;
	v37 =	vld.idx.msk [tilespmem:v31+s26+$0x0], $0xffff  }
0x196: {  	v9 =	vsel vm5, v19, v9;
	v7 =	vadd.f32 $1.000000000e+00, v7;
	[tilespmem:v32+s3+$0x0] =	vst.idx.add.f32.msk vm6, v10  }
0x197: {  	v8 =	vsel vm5, v30, v8;
	[tilespmem:v33+s3+$0x0] =	vst.idx.add.f32.msk vm6, v9  }
0x198: {  	v7 =	vsel vm5, $0x3F800000, v7;
	[tilespmem:v35+s3+$0x0] =	vst.idx.add.f32.msk vm6, v8  }
0x199: {  	[tilespmem:v11+s3+$0x0] =	vst.idx.add.f32.msk vm6, v7  }
0x19a: {  	v11 =	vld.idx.msk [tilespmem:v38+s23+$0x0], $0xffff;
	_ =	sdelay $0x4  }
0x19b: {  	vm7 =	vne.s32 v11, v6  }
0x19c: {  	v39 =	vadd.s32 v0, v6  }
0x19d: {  	v40 =	vadd.s32 v3, v6  }
0x19e: {  	v42 =	vadd.s32 v4, v6;
	v10 =	vadd.f32 v34, v10;
	v41 =	vld.idx.msk [tilespmem:v38+s24+$0x0], $0xffff  }
0x19f: {  	s9 =	sadd.s32 $0xFFFFFFED, s0;
	v9 =	vadd.f32 v36, v9;
	v43 =	vld.idx.msk [tilespmem:v38+s25+$0x0], $0xffff;
	v6 =	vadd.s32 v5, v6  }
0x1a0: {  	v45 =	vadd.s32 s9, v2;
	v10 =	vsel vm6, v34, v10;
	v8 =	vadd.f32 v37, v8;
	v44 =	vld.idx.msk [tilespmem:v38+s26+$0x0], $0xffff  }
0x1a1: {  	v9 =	vsel vm6, v36, v9;
	v7 =	vadd.f32 $1.000000000e+00, v7;
	[tilespmem:v39+s3+$0x0] =	vst.idx.add.f32.msk vm7, v10  }
0x1a2: {  	v8 =	vsel vm6, v37, v8;
	[tilespmem:v40+s3+$0x0] =	vst.idx.add.f32.msk vm7, v9  }
0x1a3: {  	v7 =	vsel vm6, $0x3F800000, v7;
	[tilespmem:v42+s3+$0x0] =	vst.idx.add.f32.msk vm7, v8  }
0x1a4: {  	[tilespmem:v6+s3+$0x0] =	vst.idx.add.f32.msk vm7, v7  }
0x1a5: {  	v6 =	vld.idx.msk [tilespmem:v45+s23+$0x0], $0xffff;
	_ =	sdelay $0x4  }
0x1a6: {  	vm8 =	vne.s32 v6, v11  }
0x1a7: {  	v46 =	vadd.s32 v0, v11  }
0x1a8: {  	v47 =	vadd.s32 v3, v11  }
0x1a9: {  	v49 =	vadd.s32 v4, v11;
	v10 =	vadd.f32 v41, v10;
	v48 =	vld.idx.msk [tilespmem:v45+s24+$0x0], $0xffff  }
0x1aa: {  	s10 =	sadd.s32 $0xFFFFFFEE, s0;
	v9 =	vadd.f32 v43, v9;
	v50 =	vld.idx.msk [tilespmem:v45+s25+$0x0], $0xffff;
	v11 =	vadd.s32 v5, v11  }
0x1ab: {  	v52 =	vadd.s32 s10, v2;
	v10 =	vsel vm7, v41, v10;
	v8 =	vadd.f32 v44, v8;
	v51 =	vld.idx.msk [tilespmem:v45+s26+$0x0], $0xffff  }
0x1ac: {  	v9 =	vsel vm7, v43, v9;
	v7 =	vadd.f32 $1.000000000e+00, v7;
	[tilespmem:v46+s3+$0x0] =	vst.idx.add.f32.msk vm8, v10  }
0x1ad: {  	v8 =	vsel vm7, v44, v8;
	[tilespmem:v47+s3+$0x0] =	vst.idx.add.f32.msk vm8, v9  }
0x1ae: {  	v7 =	vsel vm7, $0x3F800000, v7;
	[tilespmem:v49+s3+$0x0] =	vst.idx.add.f32.msk vm8, v8  }
0x1af: {  	[tilespmem:v11+s3+$0x0] =	vst.idx.add.f32.msk vm8, v7  }
0x1b0: {  	v11 =	vld.idx.msk [tilespmem:v52+s23+$0x0], $0xffff;
	_ =	sdelay $0x4  }
0x1b1: {  	vm9 =	vne.s32 v11, v6  }
0x1b2: {  	v53 =	vadd.s32 v0, v6  }
0x1b3: {  	v54 =	vadd.s32 v3, v6  }
0x1b4: {  	v56 =	vadd.s32 v4, v6;
	v10 =	vadd.f32 v48, v10;
	v55 =	vld.idx.msk [tilespmem:v52+s24+$0x0], $0xffff  }
0x1b5: {  	s11 =	sadd.s32 $0xFFFFFFEF, s0;
	v9 =	vadd.f32 v50, v9;
	v57 =	vld.idx.msk [tilespmem:v52+s25+$0x0], $0xffff;
	v6 =	vadd.s32 v5, v6  }
0x1b6: {  	v59 =	vadd.s32 s11, v2;
	v10 =	vsel vm8, v48, v10;
	v8 =	vadd.f32 v51, v8;
	v58 =	vld.idx.msk [tilespmem:v52+s26+$0x0], $0xffff  }
0x1b7: {  	v9 =	vsel vm8, v50, v9;
	v7 =	vadd.f32 $1.000000000e+00, v7;
	[tilespmem:v53+s3+$0x0] =	vst.idx.add.f32.msk vm9, v10  }
0x1b8: {  	v8 =	vsel vm8, v51, v8;
	[tilespmem:v54+s3+$0x0] =	vst.idx.add.f32.msk vm9, v9  }
0x1b9: {  	v7 =	vsel vm8, $0x3F800000, v7;
	[tilespmem:v56+s3+$0x0] =	vst.idx.add.f32.msk vm9, v8  }
0x1ba: {  	[tilespmem:v6+s3+$0x0] =	vst.idx.add.f32.msk vm9, v7  }
0x1bb: {  	v6 =	vld.idx.msk [tilespmem:v59+s23+$0x0], $0xffff;
	_ =	sdelay $0x4  }
0x1bc: {  	vm10 =	vne.s32 v6, v11  }
0x1bd: {  	v60 =	vadd.s32 v0, v11  }
0x1be: {  	v61 =	vadd.s32 v3, v11  }
0x1bf: {  	v63 =	vadd.s32 v4, v11;
	v10 =	vadd.f32 v55, v10;
	v62 =	vld.idx.msk [tilespmem:v59+s24+$0x0], $0xffff  }
0x1c0: {  	s12 =	sadd.s32 $0xFFFFFFF0, s0;
	v9 =	vadd.f32 v57, v9;
	v24 =	vld.idx.msk [tilespmem:v59+s25+$0x0], $0xffff;
	v11 =	vadd.s32 v5, v11  }
0x1c1: {  	v26 =	vadd.s32 s12, v2;
	v10 =	vsel vm9, v55, v10;
	v8 =	vadd.f32 v58, v8;
	v25 =	vld.idx.msk [tilespmem:v59+s26+$0x0], $0xffff  }
0x1c2: {  	v9 =	vsel vm9, v57, v9;
	v7 =	vadd.f32 $1.000000000e+00, v7;
	[tilespmem:v60+s3+$0x0] =	vst.idx.add.f32.msk vm10, v10  }
0x1c3: {  	v8 =	vsel vm9, v58, v8;
	[tilespmem:v61+s3+$0x0] =	vst.idx.add.f32.msk vm10, v9  }
0x1c4: {  	v7 =	vsel vm9, $0x3F800000, v7;
	[tilespmem:v63+s3+$0x0] =	vst.idx.add.f32.msk vm10, v8  }
0x1c5: {  	[tilespmem:v11+s3+$0x0] =	vst.idx.add.f32.msk vm10, v7  }
0x1c6: {  	v11 =	vld.idx.msk [tilespmem:v26+s23+$0x0], $0xffff;
	_ =	sdelay $0x4  }
0x1c7: {  	vm11 =	vne.s32 v11, v6  }
0x1c8: {  	v27 =	vadd.s32 v0, v6  }
0x1c9: {  	v28 =	vadd.s32 v3, v6  }
0x1ca: {  	v30 =	vadd.s32 v4, v6;
	v10 =	vadd.f32 v62, v10;
	v29 =	vld.idx.msk [tilespmem:v26+s24+$0x0], $0xffff  }
0x1cb: {  	s8 =	sadd.s32 $0xFFFFFFF1, s0;
	v9 =	vadd.f32 v24, v9;
	v31 =	vld.idx.msk [tilespmem:v26+s25+$0x0], $0xffff;
	v6 =	vadd.s32 v5, v6  }
0x1cc: {  	v33 =	vadd.s32 s8, v2;
	v10 =	vsel vm10, v62, v10;
	v8 =	vadd.f32 v25, v8;
	v32 =	vld.idx.msk [tilespmem:v26+s26+$0x0], $0xffff  }
0x1cd: {  	v9 =	vsel vm10, v24, v9;
	v7 =	vadd.f32 $1.000000000e+00, v7;
	[tilespmem:v27+s3+$0x0] =	vst.idx.add.f32.msk vm11, v10  }
0x1ce: {  	v8 =	vsel vm10, v25, v8;
	[tilespmem:v28+s3+$0x0] =	vst.idx.add.f32.msk vm11, v9  }
0x1cf: {  	v7 =	vsel vm10, $0x3F800000, v7;
	[tilespmem:v30+s3+$0x0] =	vst.idx.add.f32.msk vm11, v8  }
0x1d0: {  	[tilespmem:v6+s3+$0x0] =	vst.idx.add.f32.msk vm11, v7  }
0x1d1: {  	v6 =	vld.idx.msk [tilespmem:v33+s23+$0x0], $0xffff;
	_ =	sdelay $0x4  }
0x1d2: {  	vm12 =	vne.s32 v6, v11  }
0x1d3: {  	v34 =	vadd.s32 v0, v11  }
0x1d4: {  	v35 =	vadd.s32 v3, v11  }
0x1d5: {  	v37 =	vadd.s32 v4, v11;
	v10 =	vadd.f32 v29, v10;
	v36 =	vld.idx.msk [tilespmem:v33+s24+$0x0], $0xffff  }
0x1d6: {  	s9 =	sadd.s32 $0xFFFFFFF2, s0;
	v9 =	vadd.f32 v31, v9;
	v38 =	vld.idx.msk [tilespmem:v33+s25+$0x0], $0xffff;
	v11 =	vadd.s32 v5, v11  }
0x1d7: {  	v40 =	vadd.s32 s9, v2;
	v10 =	vsel vm11, v29, v10;
	v8 =	vadd.f32 v32, v8;
	v39 =	vld.idx.msk [tilespmem:v33+s26+$0x0], $0xffff  }
0x1d8: {  	v9 =	vsel vm11, v31, v9;
	v7 =	vadd.f32 $1.000000000e+00, v7;
	[tilespmem:v34+s3+$0x0] =	vst.idx.add.f32.msk vm12, v10  }
0x1d9: {  	v8 =	vsel vm11, v32, v8;
	[tilespmem:v35+s3+$0x0] =	vst.idx.add.f32.msk vm12, v9  }
0x1da: {  	v7 =	vsel vm11, $0x3F800000, v7;
	[tilespmem:v37+s3+$0x0] =	vst.idx.add.f32.msk vm12, v8  }
0x1db: {  	[tilespmem:v11+s3+$0x0] =	vst.idx.add.f32.msk vm12, v7  }
0x1dc: {  	v11 =	vld.idx.msk [tilespmem:v40+s23+$0x0], $0xffff;
	_ =	sdelay $0x4  }
0x1dd: {  	vm13 =	vne.s32 v11, v6  }
0x1de: {  	v41 =	vadd.s32 v0, v6  }
0x1df: {  	v42 =	vadd.s32 v3, v6  }
0x1e0: {  	v44 =	vadd.s32 v4, v6;
	v10 =	vadd.f32 v36, v10;
	v43 =	vld.idx.msk [tilespmem:v40+s24+$0x0], $0xffff  }
0x1e1: {  	s10 =	sadd.s32 $0xFFFFFFF3, s0;
	v9 =	vadd.f32 v38, v9;
	v45 =	vld.idx.msk [tilespmem:v40+s25+$0x0], $0xffff;
	v6 =	vadd.s32 v5, v6  }
0x1e2: {  	v47 =	vadd.s32 s10, v2;
	v10 =	vsel vm12, v36, v10;
	v8 =	vadd.f32 v39, v8;
	v46 =	vld.idx.msk [tilespmem:v40+s26+$0x0], $0xffff  }
0x1e3: {  	v9 =	vsel vm12, v38, v9;
	v7 =	vadd.f32 $1.000000000e+00, v7;
	[tilespmem:v41+s3+$0x0] =	vst.idx.add.f32.msk vm13, v10  }
0x1e4: {  	v8 =	vsel vm12, v39, v8;
	[tilespmem:v42+s3+$0x0] =	vst.idx.add.f32.msk vm13, v9  }
0x1e5: {  	v7 =	vsel vm12, $0x3F800000, v7;
	[tilespmem:v44+s3+$0x0] =	vst.idx.add.f32.msk vm13, v8  }
0x1e6: {  	[tilespmem:v6+s3+$0x0] =	vst.idx.add.f32.msk vm13, v7  }
0x1e7: {  	v6 =	vld.idx.msk [tilespmem:v47+s23+$0x0], $0xffff;
	_ =	sdelay $0x4  }
0x1e8: {  	vm14 =	vne.s32 v6, v11  }
0x1e9: {  	v48 =	vadd.s32 v0, v11  }
0x1ea: {  	v49 =	vadd.s32 v3, v11  }
0x1eb: {  	v51 =	vadd.s32 v4, v11;
	v10 =	vadd.f32 v43, v10;
	v50 =	vld.idx.msk [tilespmem:v47+s24+$0x0], $0xffff  }
0x1ec: {  	s11 =	sadd.s32 $0xFFFFFFF4, s0;
	v9 =	vadd.f32 v45, v9;
	v52 =	vld.idx.msk [tilespmem:v47+s25+$0x0], $0xffff;
	v11 =	vadd.s32 v5, v11  }
0x1ed: {  	v54 =	vadd.s32 s11, v2;
	v10 =	vsel vm13, v43, v10;
	v8 =	vadd.f32 v46, v8;
	v53 =	vld.idx.msk [tilespmem:v47+s26+$0x0], $0xffff  }
0x1ee: {  	v9 =	vsel vm13, v45, v9;
	v7 =	vadd.f32 $1.000000000e+00, v7;
	[tilespmem:v48+s3+$0x0] =	vst.idx.add.f32.msk vm14, v10  }
0x1ef: {  	v8 =	vsel vm13, v46, v8;
	[tilespmem:v49+s3+$0x0] =	vst.idx.add.f32.msk vm14, v9  }
0x1f0: {  	v7 =	vsel vm13, $0x3F800000, v7;
	[tilespmem:v51+s3+$0x0] =	vst.idx.add.f32.msk vm14, v8  }
0x1f1: {  	[tilespmem:v11+s3+$0x0] =	vst.idx.add.f32.msk vm14, v7  }
0x1f2: {  	v11 =	vld.idx.msk [tilespmem:v54+s23+$0x0], $0xffff;
	_ =	sdelay $0x4  }
0x1f3: {  	vm15 =	vne.s32 v11, v6  }
0x1f4: {  	v55 =	vadd.s32 v0, v6  }
0x1f5: {  	v56 =	vadd.s32 v3, v6  }
0x1f6: {  	v58 =	vadd.s32 v4, v6;
	v10 =	vadd.f32 v50, v10;
	v57 =	vld.idx.msk [tilespmem:v54+s24+$0x0], $0xffff  }
0x1f7: {  	s12 =	sadd.s32 $0xFFFFFFF5, s0;
	v9 =	vadd.f32 v52, v9;
	v59 =	vld.idx.msk [tilespmem:v54+s25+$0x0], $0xffff;
	v6 =	vadd.s32 v5, v6  }
0x1f8: {  	v61 =	vadd.s32 s12, v2;
	v10 =	vsel vm14, v50, v10;
	v8 =	vadd.f32 v53, v8;
	v60 =	vld.idx.msk [tilespmem:v54+s26+$0x0], $0xffff  }
0x1f9: {  	v9 =	vsel vm14, v52, v9;
	v7 =	vadd.f32 $1.000000000e+00, v7;
	[tilespmem:v55+s3+$0x0] =	vst.idx.add.f32.msk vm15, v10  }
0x1fa: {  	v8 =	vsel vm14, v53, v8;
	[tilespmem:v56+s3+$0x0] =	vst.idx.add.f32.msk vm15, v9  }
0x1fb: {  	v7 =	vsel vm14, $0x3F800000, v7;
	[tilespmem:v58+s3+$0x0] =	vst.idx.add.f32.msk vm15, v8  }
0x1fc: {  	[tilespmem:v6+s3+$0x0] =	vst.idx.add.f32.msk vm15, v7  }
0x1fd: {  	v6 =	vld.idx.msk [tilespmem:v61+s23+$0x0], $0xffff;
	_ =	sdelay $0x4  }
0x1fe: {  	vm4 =	vne.s32 v6, v11  }
0x1ff: {  	v62 =	vadd.s32 v0, v11  }
0x200: {  	v63 =	vadd.s32 v3, v11  }
0x201: {  	v25 =	vadd.s32 v4, v11;
	v10 =	vadd.f32 v57, v10;
	v24 =	vld.idx.msk [tilespmem:v61+s24+$0x0], $0xffff  }
0x202: {  	s8 =	sadd.s32 $0xFFFFFFF6, s0;
	v9 =	vadd.f32 v59, v9;
	v26 =	vld.idx.msk [tilespmem:v61+s25+$0x0], $0xffff;
	v11 =	vadd.s32 v5, v11  }
0x203: {  	v28 =	vadd.s32 s8, v2;
	v10 =	vsel vm15, v57, v10;
	v8 =	vadd.f32 v60, v8;
	v27 =	vld.idx.msk [tilespmem:v61+s26+$0x0], $0xffff  }
0x204: {  	v9 =	vsel vm15, v59, v9;
	v7 =	vadd.f32 $1.000000000e+00, v7;
	[tilespmem:v62+s3+$0x0] =	vst.idx.add.f32.msk vm4, v10  }
0x205: {  	v8 =	vsel vm15, v60, v8;
	[tilespmem:v63+s3+$0x0] =	vst.idx.add.f32.msk vm4, v9  }
0x206: {  	v7 =	vsel vm15, $0x3F800000, v7;
	[tilespmem:v25+s3+$0x0] =	vst.idx.add.f32.msk vm4, v8  }
0x207: {  	[tilespmem:v11+s3+$0x0] =	vst.idx.add.f32.msk vm4, v7  }
0x208: {  	v11 =	vld.idx.msk [tilespmem:v28+s23+$0x0], $0xffff;
	_ =	sdelay $0x4  }
0x209: {  	vm5 =	vne.s32 v11, v6  }
0x20a: {  	v29 =	vadd.s32 v0, v6  }
0x20b: {  	v30 =	vadd.s32 v3, v6  }
0x20c: {  	v32 =	vadd.s32 v4, v6;
	v10 =	vadd.f32 v24, v10;
	v31 =	vld.idx.msk [tilespmem:v28+s24+$0x0], $0xffff  }
0x20d: {  	s9 =	sadd.s32 $0xFFFFFFF7, s0;
	v9 =	vadd.f32 v26, v9;
	v33 =	vld.idx.msk [tilespmem:v28+s25+$0x0], $0xffff;
	v6 =	vadd.s32 v5, v6  }
0x20e: {  	v35 =	vadd.s32 s9, v2;
	v10 =	vsel vm4, v24, v10;
	v8 =	vadd.f32 v27, v8;
	v34 =	vld.idx.msk [tilespmem:v28+s26+$0x0], $0xffff  }
0x20f: {  	v9 =	vsel vm4, v26, v9;
	v7 =	vadd.f32 $1.000000000e+00, v7;
	[tilespmem:v29+s3+$0x0] =	vst.idx.add.f32.msk vm5, v10  }
0x210: {  	v8 =	vsel vm4, v27, v8;
	[tilespmem:v30+s3+$0x0] =	vst.idx.add.f32.msk vm5, v9  }
0x211: {  	v7 =	vsel vm4, $0x3F800000, v7;
	[tilespmem:v32+s3+$0x0] =	vst.idx.add.f32.msk vm5, v8  }
0x212: {  	[tilespmem:v6+s3+$0x0] =	vst.idx.add.f32.msk vm5, v7  }
0x213: {  	v6 =	vld.idx.msk [tilespmem:v35+s23+$0x0], $0xffff;
	_ =	sdelay $0x4  }
0x214: {  	vm6 =	vne.s32 v6, v11  }
0x215: {  	v36 =	vadd.s32 v0, v11  }
0x216: {  	v37 =	vadd.s32 v3, v11  }
0x217: {  	v39 =	vadd.s32 v4, v11;
	v10 =	vadd.f32 v31, v10;
	v38 =	vld.idx.msk [tilespmem:v35+s24+$0x0], $0xffff  }
0x218: {  	s10 =	sadd.s32 $0xFFFFFFF8, s0;
	v9 =	vadd.f32 v33, v9;
	v40 =	vld.idx.msk [tilespmem:v35+s25+$0x0], $0xffff;
	v11 =	vadd.s32 v5, v11  }
0x219: {  	v42 =	vadd.s32 s10, v2;
	v10 =	vsel vm5, v31, v10;
	v8 =	vadd.f32 v34, v8;
	v41 =	vld.idx.msk [tilespmem:v35+s26+$0x0], $0xffff  }
0x21a: {  	v9 =	vsel vm5, v33, v9;
	v7 =	vadd.f32 $1.000000000e+00, v7;
	[tilespmem:v36+s3+$0x0] =	vst.idx.add.f32.msk vm6, v10  }
0x21b: {  	v8 =	vsel vm5, v34, v8;
	[tilespmem:v37+s3+$0x0] =	vst.idx.add.f32.msk vm6, v9  }
0x21c: {  	v7 =	vsel vm5, $0x3F800000, v7;
	[tilespmem:v39+s3+$0x0] =	vst.idx.add.f32.msk vm6, v8  }
0x21d: {  	[tilespmem:v11+s3+$0x0] =	vst.idx.add.f32.msk vm6, v7  }
0x21e: {  	v11 =	vld.idx.msk [tilespmem:v42+s23+$0x0], $0xffff;
	_ =	sdelay $0x4  }
0x21f: {  	vm7 =	vne.s32 v11, v6  }
0x220: {  	v43 =	vadd.s32 v0, v6  }
0x221: {  	v44 =	vadd.s32 v3, v6  }
0x222: {  	v46 =	vadd.s32 v4, v6;
	v10 =	vadd.f32 v38, v10;
	v45 =	vld.idx.msk [tilespmem:v42+s24+$0x0], $0xffff  }
0x223: {  	s11 =	sadd.s32 $0xFFFFFFF9, s0;
	v9 =	vadd.f32 v40, v9;
	v47 =	vld.idx.msk [tilespmem:v42+s25+$0x0], $0xffff;
	v6 =	vadd.s32 v5, v6  }
0x224: {  	v49 =	vadd.s32 s11, v2;
	v10 =	vsel vm6, v38, v10;
	v8 =	vadd.f32 v41, v8;
	v48 =	vld.idx.msk [tilespmem:v42+s26+$0x0], $0xffff  }
0x225: {  	v9 =	vsel vm6, v40, v9;
	v7 =	vadd.f32 $1.000000000e+00, v7;
	[tilespmem:v43+s3+$0x0] =	vst.idx.add.f32.msk vm7, v10  }
0x226: {  	v8 =	vsel vm6, v41, v8;
	[tilespmem:v44+s3+$0x0] =	vst.idx.add.f32.msk vm7, v9  }
0x227: {  	v7 =	vsel vm6, $0x3F800000, v7;
	[tilespmem:v46+s3+$0x0] =	vst.idx.add.f32.msk vm7, v8  }
0x228: {  	[tilespmem:v6+s3+$0x0] =	vst.idx.add.f32.msk vm7, v7  }
0x229: {  	v6 =	vld.idx.msk [tilespmem:v49+s23+$0x0], $0xffff;
	_ =	sdelay $0x4  }
0x22a: {  	vm8 =	vne.s32 v6, v11  }
0x22b: {  	v50 =	vadd.s32 v0, v11  }
0x22c: {  	v51 =	vadd.s32 v3, v11  }
0x22d: {  	v53 =	vadd.s32 v4, v11;
	v10 =	vadd.f32 v45, v10;
	v52 =	vld.idx.msk [tilespmem:v49+s24+$0x0], $0xffff  }
0x22e: {  	s12 =	sadd.s32 $0xFFFFFFFA, s0;
	v9 =	vadd.f32 v47, v9;
	v54 =	vld.idx.msk [tilespmem:v49+s25+$0x0], $0xffff;
	v11 =	vadd.s32 v5, v11  }
0x22f: {  	v56 =	vadd.s32 s12, v2;
	v10 =	vsel vm7, v45, v10;
	v8 =	vadd.f32 v48, v8;
	v55 =	vld.idx.msk [tilespmem:v49+s26+$0x0], $0xffff  }
0x230: {  	v9 =	vsel vm7, v47, v9;
	v7 =	vadd.f32 $1.000000000e+00, v7;
	[tilespmem:v50+s3+$0x0] =	vst.idx.add.f32.msk vm8, v10  }
0x231: {  	v8 =	vsel vm7, v48, v8;
	[tilespmem:v51+s3+$0x0] =	vst.idx.add.f32.msk vm8, v9  }
0x232: {  	v7 =	vsel vm7, $0x3F800000, v7;
	[tilespmem:v53+s3+$0x0] =	vst.idx.add.f32.msk vm8, v8  }
0x233: {  	[tilespmem:v11+s3+$0x0] =	vst.idx.add.f32.msk vm8, v7  }
0x234: {  	v11 =	vld.idx.msk [tilespmem:v56+s23+$0x0], $0xffff;
	_ =	sdelay $0x4  }
0x235: {  	vm9 =	vne.s32 v11, v6  }
0x236: {  	v57 =	vadd.s32 v0, v6  }
0x237: {  	v58 =	vadd.s32 v3, v6  }
0x238: {  	v60 =	vadd.s32 v4, v6;
	v10 =	vadd.f32 v52, v10;
	v59 =	vld.idx.msk [tilespmem:v56+s24+$0x0], $0xffff  }
0x239: {  	s8 =	sadd.s32 $0xFFFFFFFB, s0;
	v9 =	vadd.f32 v54, v9;
	v61 =	vld.idx.msk [tilespmem:v56+s25+$0x0], $0xffff;
	v6 =	vadd.s32 v5, v6  }
0x23a: {  	v63 =	vadd.s32 s8, v2;
	v10 =	vsel vm8, v52, v10;
	v8 =	vadd.f32 v55, v8;
	v62 =	vld.idx.msk [tilespmem:v56+s26+$0x0], $0xffff  }
0x23b: {  	v9 =	vsel vm8, v54, v9;
	v7 =	vadd.f32 $1.000000000e+00, v7;
	[tilespmem:v57+s3+$0x0] =	vst.idx.add.f32.msk vm9, v10  }
0x23c: {  	v8 =	vsel vm8, v55, v8;
	[tilespmem:v58+s3+$0x0] =	vst.idx.add.f32.msk vm9, v9  }
0x23d: {  	v7 =	vsel vm8, $0x3F800000, v7;
	[tilespmem:v60+s3+$0x0] =	vst.idx.add.f32.msk vm9, v8  }
0x23e: {  	[tilespmem:v6+s3+$0x0] =	vst.idx.add.f32.msk vm9, v7  }
0x23f: {  	v6 =	vld.idx.msk [tilespmem:v63+s23+$0x0], $0xffff;
	_ =	sdelay $0x4  }
0x240: {  	vm10 =	vne.s32 v6, v11  }
0x241: {  	v24 =	vadd.s32 v0, v11  }
0x242: {  	v25 =	vadd.s32 v3, v11  }
0x243: {  	v27 =	vadd.s32 v4, v11;
	v10 =	vadd.f32 v59, v10;
	v26 =	vld.idx.msk [tilespmem:v63+s24+$0x0], $0xffff  }
0x244: {  	s9 =	sadd.s32 $0xFFFFFFFC, s0;
	v9 =	vadd.f32 v61, v9;
	v28 =	vld.idx.msk [tilespmem:v63+s25+$0x0], $0xffff;
	v11 =	vadd.s32 v5, v11  }
0x245: {  	v30 =	vadd.s32 s9, v2;
	v10 =	vsel vm9, v59, v10;
	v8 =	vadd.f32 v62, v8;
	v29 =	vld.idx.msk [tilespmem:v63+s26+$0x0], $0xffff  }
0x246: {  	v9 =	vsel vm9, v61, v9;
	v7 =	vadd.f32 $1.000000000e+00, v7;
	[tilespmem:v24+s3+$0x0] =	vst.idx.add.f32.msk vm10, v10  }
0x247: {  	v8 =	vsel vm9, v62, v8;
	[tilespmem:v25+s3+$0x0] =	vst.idx.add.f32.msk vm10, v9  }
0x248: {  	v7 =	vsel vm9, $0x3F800000, v7;
	[tilespmem:v27+s3+$0x0] =	vst.idx.add.f32.msk vm10, v8  }
0x249: {  	[tilespmem:v11+s3+$0x0] =	vst.idx.add.f32.msk vm10, v7  }
0x24a: {  	v11 =	vld.idx.msk [tilespmem:v30+s23+$0x0], $0xffff;
	_ =	sdelay $0x4  }
0x24b: {  	vm11 =	vne.s32 v11, v6  }
0x24c: {  	v31 =	vadd.s32 v0, v6  }
0x24d: {  	v32 =	vadd.s32 v3, v6  }
0x24e: {  	v34 =	vadd.s32 v4, v6;
	v10 =	vadd.f32 v26, v10;
	v33 =	vld.idx.msk [tilespmem:v30+s24+$0x0], $0xffff  }
0x24f: {  	s10 =	sadd.s32 $0xFFFFFFFD, s0;
	v9 =	vadd.f32 v28, v9;
	v35 =	vld.idx.msk [tilespmem:v30+s25+$0x0], $0xffff;
	v6 =	vadd.s32 v5, v6  }
0x250: {  	v37 =	vadd.s32 s10, v2;
	v10 =	vsel vm10, v26, v10;
	v8 =	vadd.f32 v29, v8;
	v36 =	vld.idx.msk [tilespmem:v30+s26+$0x0], $0xffff  }
0x251: {  	v9 =	vsel vm10, v28, v9;
	v7 =	vadd.f32 $1.000000000e+00, v7;
	[tilespmem:v31+s3+$0x0] =	vst.idx.add.f32.msk vm11, v10  }
0x252: {  	v8 =	vsel vm10, v29, v8;
	[tilespmem:v32+s3+$0x0] =	vst.idx.add.f32.msk vm11, v9  }
0x253: {  	v7 =	vsel vm10, $0x3F800000, v7;
	[tilespmem:v34+s3+$0x0] =	vst.idx.add.f32.msk vm11, v8  }
0x254: {  	[tilespmem:v6+s3+$0x0] =	vst.idx.add.f32.msk vm11, v7  }
0x255: {  	v6 =	vld.idx.msk [tilespmem:v37+s23+$0x0], $0xffff;
	_ =	sdelay $0x4  }
0x256: {  	vm12 =	vne.s32 v6, v11  }
0x257: {  	v38 =	vadd.s32 v0, v11  }
0x258: {  	v39 =	vadd.s32 v3, v11  }
0x259: {  	v41 =	vadd.s32 v4, v11;
	v10 =	vadd.f32 v33, v10;
	v40 =	vld.idx.msk [tilespmem:v37+s24+$0x0], $0xffff  }
0x25a: {  	s11 =	sadd.s32 $0xFFFFFFFE, s0;
	v9 =	vadd.f32 v35, v9;
	v42 =	vld.idx.msk [tilespmem:v37+s25+$0x0], $0xffff;
	v11 =	vadd.s32 v5, v11  }
0x25b: {  	v44 =	vadd.s32 s11, v2;
	v10 =	vsel vm11, v33, v10;
	v8 =	vadd.f32 v36, v8;
	v43 =	vld.idx.msk [tilespmem:v37+s26+$0x0], $0xffff  }
0x25c: {  	v9 =	vsel vm11, v35, v9;
	v7 =	vadd.f32 $1.000000000e+00, v7;
	[tilespmem:v38+s3+$0x0] =	vst.idx.add.f32.msk vm12, v10  }
0x25d: {  	v8 =	vsel vm11, v36, v8;
	[tilespmem:v39+s3+$0x0] =	vst.idx.add.f32.msk vm12, v9  }
0x25e: {  	v7 =	vsel vm11, $0x3F800000, v7;
	[tilespmem:v41+s3+$0x0] =	vst.idx.add.f32.msk vm12, v8  }
0x25f: {  	[tilespmem:v11+s3+$0x0] =	vst.idx.add.f32.msk vm12, v7  }
0x260: {  	v11 =	vld.idx.msk [tilespmem:v44+s23+$0x0], $0xffff;
	_ =	sdelay $0x4  }
0x261: {  	vm13 =	vne.s32 v11, v6  }
0x262: {  	v45 =	vadd.s32 v0, v6  }
0x263: {  	v46 =	vadd.s32 v3, v6  }
0x264: {  	v48 =	vadd.s32 v4, v6;
	v10 =	vadd.f32 v40, v10;
	v47 =	vld.idx.msk [tilespmem:v44+s24+$0x0], $0xffff  }
0x265: {  	s12 =	sadd.s32 $0xFFFFFFFF, s0;
	v9 =	vadd.f32 v42, v9;
	v49 =	vld.idx.msk [tilespmem:v44+s25+$0x0], $0xffff;
	v6 =	vadd.s32 v5, v6  }
0x266: {  	v51 =	vadd.s32 s12, v2;
	v10 =	vsel vm12, v40, v10;
	v8 =	vadd.f32 v43, v8;
	v50 =	vld.idx.msk [tilespmem:v44+s26+$0x0], $0xffff  }
0x267: {  	v9 =	vsel vm12, v42, v9;
	v7 =	vadd.f32 $1.000000000e+00, v7;
	[tilespmem:v45+s3+$0x0] =	vst.idx.add.f32.msk vm13, v10  }
0x268: {  	v8 =	vsel vm12, v43, v8;
	[tilespmem:v46+s3+$0x0] =	vst.idx.add.f32.msk vm13, v9  }
0x269: {  	v7 =	vsel vm12, $0x3F800000, v7;
	[tilespmem:v48+s3+$0x0] =	vst.idx.add.f32.msk vm13, v8  }
0x26a: {  	[tilespmem:v6+s3+$0x0] =	vst.idx.add.f32.msk vm13, v7  }
0x26b: {  	v12 =	vld.idx.msk [tilespmem:v51+s23+$0x0], $0xffff;
	_ =	sdelay $0x4  }
0x26c: {  	vm14 =	vne.s32 v12, v11  }
0x26d: {  	v6 =	vadd.s32 v0, v11  }
0x26e: {  	v52 =	vadd.s32 v3, v11  }
0x26f: {  	v54 =	vadd.s32 v4, v11;
	v10 =	vadd.f32 v47, v10;
	v53 =	vld.idx.msk [tilespmem:v51+s24+$0x0], $0xffff  }
0x270: {  	v9 =	vadd.f32 v49, v9;
	v55 =	vld.idx.msk [tilespmem:v51+s25+$0x0], $0xffff;
	v11 =	vadd.s32 v5, v11  }
0x271: {  	v57 =	vadd.s32 s0, v2;
	v10 =	vsel vm13, v47, v10;
	v8 =	vadd.f32 v50, v8;
	v56 =	vld.idx.msk [tilespmem:v51+s26+$0x0], $0xffff  }
0x272: {  	v9 =	vsel vm13, v49, v9;
	v7 =	vadd.f32 $1.000000000e+00, v7;
	[tilespmem:v6+s3+$0x0] =	vst.idx.add.f32.msk vm14, v10  }
0x273: {  	v8 =	vsel vm13, v50, v8;
	[tilespmem:v52+s3+$0x0] =	vst.idx.add.f32.msk vm14, v9  }
0x274: {  	v7 =	vsel vm13, $0x3F800000, v7;
	[tilespmem:v54+s3+$0x0] =	vst.idx.add.f32.msk vm14, v8  }
0x275: {  	[tilespmem:v11+s3+$0x0] =	vst.idx.add.f32.msk vm14, v7  }
0x276: {  	v6 =	vld.idx.msk [tilespmem:v57+s23+$0x0], $0xffff;
	_ =	sdelay $0x4  }
0x277: {  	v11 =	vld.idx.msk [tilespmem:v57+s24+$0x0], $0xffff;
	vm15 =	vne.s32 v6, v12  }
0x278: {  	v58 =	vadd.s32 v0, v12;
	v13 =	vld.idx.msk [tilespmem:v57+s25+$0x0], $0xffff  }
0x279: {  	v59 =	vadd.s32 v3, v12;
	v10 =	vadd.f32 v53, v10;
	v17 =	vld.idx.msk [tilespmem:v57+s26+$0x0], $0xffff  }
0x27a: {  	v60 =	vadd.s32 v4, v12;
	v9 =	vadd.f32 v55, v9;
	v7 =	vadd.f32 $1.000000000e+00, v7  }
0x27b: {  	p1 =	sne.s32 s0, $0xF9;
	v8 =	vadd.f32 v56, v8;
	v12 =	vadd.s32 v5, v12  }
.Ltmp2:
0x27c: {  	v10 =	vsel vm14, v53, v10;
	v9 =	vsel vm14, v55, v9;
	v7 =	vsel vm14, $0x3F800000, v7;
	(pc) =	sbr.rel @p1 .LBB2_7-.Ltmp2, $4  }
0x27d: {  	v8 =	vsel vm14, v56, v8;
	v63 =	vadd.f32 $1.000000000e+00, v7;
	v61 =	vadd.f32 v13, v9;
	[tilespmem:v58+s3+$0x0] =	vst.idx.add.f32.msk vm15, v10  }
0x27e: {  	v62 =	vadd.f32 v17, v8;
	v10 =	vadd.f32 v11, v10;
	[tilespmem:v59+s3+$0x0] =	vst.idx.add.f32.msk vm15, v9  }
0x27f: {  	v9 =	vsel vm15, v13, v61;
	[tilespmem:v60+s3+$0x0] =	vst.idx.add.f32.msk vm15, v8  }
0x280: {  	s0 =	sadd.s32 $0x19, s0;
	v10 =	vsel vm15, v11, v10;
	v8 =	vsel vm15, v17, v62;
	[tilespmem:v12+s3+$0x0] =	vst.idx.add.f32.msk vm15, v7;
	v7 =	vsel vm15, $0x3F800000, v63  }
.Ltmp3:
0x281: {  	(pc) =	sbr.rel @p0 .LBB2_10-.Ltmp3, $1  }
0x282: {  	_ =	sdelay $0x3  }
0x283: {  	s0 =	smul.u32 $0x1F40, s31;
	_ =	sdelay $0x1  }
0x284: {  	s0 =	sadd.s32 s0, s16  }
0x285: {  	s0 =	sshrl.u32 s0, $0x3  }
0x286: {  	s7 =	sadd.s32 s2, s0  }
0x287: {  	[tilespmem:s23], [sflag:$0x2] =	stream.linear.gather [hbm4b:s7+s3], $0xFA0, $0x38;
	[tilespmem:$0x19000] =	vst v63  }
0x288: {  	s11 =	sadd.s32 s4, s0  }
0x289: {  	[tilespmem:s24], [sflag:$0x2] =	stream.linear.gather [hbm4b:s11+s3], $0xFA0, $0x38;
	[tilespmem:$0x19000] =	vst v63  }
.Ltmp4:
0x28a: {  	_ = 	snop;
	(pc) =	sbr.rel .LBB2_4-.Ltmp4, $4  }
0x28b: {  	s12 =	sadd.s32 s5, s0  }
0x28c: {  	[tilespmem:s25], [sflag:$0x2] =	stream.linear.gather [hbm4b:s12+s3], $0xFA0, $0x38;
	[tilespmem:$0x19000] =	vst v63  }
0x28d: {  	s31 =	sadd.s32 $0x1, s31;
	s0 =	sadd.s32 s6, s0  }
0x28e: {  	[tilespmem:s26], [sflag:$0x2] =	stream.linear.gather [hbm4b:s0+s3], $0xFA0, $0x38;
	[tilespmem:$0x19000] =	vst v63  }
.LBB2_10:
0x28f: {  	v11 =	vadd.s32 v0, v6  }
0x290: {  	v12 =	vadd.s32 v3, v6  }
0x291: {  	v13 =	vadd.s32 v4, v6  }
0x292: {  	v6 =	vadd.s32 v5, v6  }
0x293: {  	s0 =	simm.s32 $0x0  }
0x294: {  	[tilespmem:v11+s0+$0x0] =	vst.idx.add.f32.msk $0xffff, v10  }
0x295: {  	[tilespmem:v12+s0+$0x0] =	vst.idx.add.f32.msk $0xffff, v9  }
0x296: {  	s10 =	simm.s32 $0x0;
	[tilespmem:v13+s0+$0x0] =	vst.idx.add.f32.msk $0xffff, v8  }
0x297: {  	s9 =	simm.s32 $0x10;
	s8 =	simm.s32 $0x0;
	s7 =	simm.s32 $0x0;
	[tilespmem:v6+s0+$0x0] =	vst.idx.add.f32.msk $0xffff, v7  }
.LBB2_11:
0x298: {  	p0 =	sne.s32 s9, $0x3F0;
	v6 =	vld [tilespmem:s10+$0x0]  }
0x299: {  	s10 =	sand.u32 $0x3F0, s8  }
0x29a: {  	v7 =	vld [tilespmem:s10+$0x1000];
	_ =	sdelay $0x1  }
0x29b: {  	v8 =	vld [tilespmem:s10+$0x2000]  }
0x29c: {  	v6 =	vadd.f32 $0.0e+00, v6  }
0x29d: {  	v9 =	vld [tilespmem:s10+$0x3000]  }
0x29e: {  	v6 =	vadd.f32 v7, v6  }
0x29f: {  	v7 =	vld [tilespmem:s10+$0x4000]  }
0x2a0: {  	v6 =	vadd.f32 v8, v6  }
0x2a1: {  	v8 =	vld [tilespmem:s10+$0x5000]  }
0x2a2: {  	v6 =	vadd.f32 v9, v6  }
0x2a3: {  	v9 =	vld [tilespmem:s10+$0x6000]  }
0x2a4: {  	v6 =	vadd.f32 v7, v6  }
0x2a5: {  	v7 =	vld [tilespmem:s10+$0x7000]  }
0x2a6: {  	v6 =	vadd.f32 v8, v6  }
0x2a7: {  	v8 =	vld [tilespmem:s10+$0x8000]  }
0x2a8: {  	v6 =	vadd.f32 v9, v6  }
0x2a9: {  	v9 =	vld [tilespmem:s10+$0x9000]  }
0x2aa: {  	v6 =	vadd.f32 v7, v6  }
0x2ab: {  	v7 =	vld [tilespmem:s10+$0xA000]  }
0x2ac: {  	v6 =	vadd.f32 v8, v6  }
0x2ad: {  	v8 =	vld [tilespmem:s10+$0xB000]  }
0x2ae: {  	v6 =	vadd.f32 v9, v6  }
0x2af: {  	v9 =	vld [tilespmem:s10+$0xC000]  }
0x2b0: {  	v6 =	vadd.f32 v7, v6  }
0x2b1: {  	v7 =	vld [tilespmem:s10+$0xD000]  }
0x2b2: {  	v6 =	vadd.f32 v8, v6  }
0x2b3: {  	v8 =	vld [tilespmem:s10+$0xE000]  }
0x2b4: {  	v6 =	vadd.f32 v9, v6  }
0x2b5: {  	v9 =	vld [tilespmem:s10+$0xF000]  }
0x2b6: {  	v6 =	vadd.f32 v7, v6;
	_ =	sdelay $0x1  }
.Ltmp5:
0x2b7: {  	v6 =	vadd.f32 v8, v6;
	(pc) =	sbr.rel @p0 .LBB2_11-.Ltmp5, $4  }
0x2b8: {  	_ = 	snop  }
0x2b9: {  	s11 =	sand.u32 $0xE00, s7;
	s10 =	sand.u32 $0x70, s8;
	s8 =	smov.u32 s9;
	v6 =	vadd.f32 v9, v6  }
0x2ba: {  	s7 =	sadd.s32 $0x40, s7;
	s11 =	sor.u32 s10, s11  }
0x2bb: {  	s9 =	sadd.s32 $0x10, s9;
	s10 =	sshra.s32 s7, $0x2;
	[tilespmem:s11+$0x10000] =	vst v6  }
0x2bc: {  	v6 =	vld [tilespmem:s10+$0x0]  }
0x2bd: {  	s9 =	sand.u32 $0x3F0, s8  }
0x2be: {  	v7 =	vld [tilespmem:s9+$0x1000];
	_ =	sdelay $0x1  }
0x2bf: {  	v8 =	vld [tilespmem:s9+$0x2000]  }
0x2c0: {  	v6 =	vadd.f32 $0.0e+00, v6  }
0x2c1: {  	v9 =	vld [tilespmem:s9+$0x3000]  }
0x2c2: {  	v6 =	vadd.f32 v7, v6  }
0x2c3: {  	v7 =	vld [tilespmem:s9+$0x4000]  }
0x2c4: {  	v6 =	vadd.f32 v8, v6  }
0x2c5: {  	v46 =	vld [tilespmem:s9+$0x5000]  }
0x2c6: {  	v6 =	vadd.f32 v9, v6  }
0x2c7: {  	v47 =	vld [tilespmem:s9+$0x6000]  }
0x2c8: {  	v6 =	vadd.f32 v7, v6  }
0x2c9: {  	v7 =	vld [tilespmem:s9+$0x7000]  }
0x2ca: {  	v6 =	vadd.f32 v46, v6  }
0x2cb: {  	v48 =	vld [tilespmem:s9+$0x8000]  }
0x2cc: {  	v6 =	vadd.f32 v47, v6  }
0x2cd: {  	v49 =	vld [tilespmem:s9+$0x9000]  }
0x2ce: {  	v6 =	vadd.f32 v7, v6  }
0x2cf: {  	v7 =	vld [tilespmem:s9+$0xA000]  }
0x2d0: {  	v6 =	vadd.f32 v48, v6  }
0x2d1: {  	v50 =	vld [tilespmem:s9+$0xB000]  }
0x2d2: {  	v6 =	vadd.f32 v49, v6  }
0x2d3: {  	v51 =	vld [tilespmem:s9+$0xC000]  }
0x2d4: {  	v6 =	vadd.f32 v7, v6  }
0x2d5: {  	v7 =	vld [tilespmem:s9+$0xD000]  }
0x2d6: {  	v6 =	vadd.f32 v50, v6  }
0x2d7: {  	v52 =	vld [tilespmem:s9+$0xE000]  }
0x2d8: {  	v6 =	vadd.f32 v51, v6  }
0x2d9: {  	v53 =	vld [tilespmem:s9+$0xF000]  }
0x2da: {  	v6 =	vadd.f32 v7, v6;
	_ =	sdelay $0x1  }
0x2db: {  	v6 =	vadd.f32 v52, v6;
	_ =	sdelay $0x1  }
0x2dc: {  	s7 =	sand.u32 $0xE00, s7;
	s9 =	sand.u32 $0x70, s8;
	v6 =	vadd.f32 v53, v6  }
0x2dd: {  	s7 =	sor.u32 s9, s7  }
0x2de: {  	s10 =	sand.u32 $0x3F0, s0;
	[tilespmem:s7+$0x10000] =	vst v6  }
0x2df: {  	v6 =	vld [tilespmem:s10+$0x400];
	_ =	sdelay $0x1  }
0x2e0: {  	v7 =	vld [tilespmem:s10+$0x1400];
	_ =	sdelay $0x1  }
0x2e1: {  	v54 =	vld [tilespmem:s10+$0x2400]  }
0x2e2: {  	v6 =	vadd.f32 $0.0e+00, v6  }
0x2e3: {  	v55 =	vld [tilespmem:s10+$0x3400]  }
0x2e4: {  	v6 =	vadd.f32 v7, v6  }
0x2e5: {  	v7 =	vld [tilespmem:s10+$0x4400]  }
0x2e6: {  	v6 =	vadd.f32 v54, v6  }
0x2e7: {  	v56 =	vld [tilespmem:s10+$0x5400]  }
0x2e8: {  	v6 =	vadd.f32 v55, v6  }
0x2e9: {  	v57 =	vld [tilespmem:s10+$0x6400]  }
0x2ea: {  	v6 =	vadd.f32 v7, v6  }
0x2eb: {  	v7 =	vld [tilespmem:s10+$0x7400]  }
0x2ec: {  	v6 =	vadd.f32 v56, v6  }
0x2ed: {  	v58 =	vld [tilespmem:s10+$0x8400]  }
0x2ee: {  	v6 =	vadd.f32 v57, v6  }
0x2ef: {  	v59 =	vld [tilespmem:s10+$0x9400]  }
0x2f0: {  	v6 =	vadd.f32 v7, v6  }
0x2f1: {  	v7 =	vld [tilespmem:s10+$0xA400]  }
0x2f2: {  	v6 =	vadd.f32 v58, v6  }
0x2f3: {  	v60 =	vld [tilespmem:s10+$0xB400]  }
0x2f4: {  	v6 =	vadd.f32 v59, v6  }
0x2f5: {  	v61 =	vld [tilespmem:s10+$0xC400]  }
0x2f6: {  	v6 =	vadd.f32 v7, v6  }
0x2f7: {  	v7 =	vld [tilespmem:s10+$0xD400]  }
0x2f8: {  	v6 =	vadd.f32 v60, v6  }
0x2f9: {  	v62 =	vld [tilespmem:s10+$0xE400]  }
0x2fa: {  	v6 =	vadd.f32 v61, v6  }
0x2fb: {  	v63 =	vld [tilespmem:s10+$0xF400]  }
0x2fc: {  	v6 =	vadd.f32 v7, v6;
	_ =	sdelay $0x1  }
0x2fd: {  	v6 =	vadd.f32 v62, v6;
	_ =	sdelay $0x1  }
0x2fe: {  	s11 =	sand.u32 $0x70, s0;
	s12 =	sand.u32 $0xE00, s0;
	v6 =	vadd.f32 v63, v6  }
0x2ff: {  	s31 =	sor.u32 s11, s12;
	s7 =	simm.s32 $0x10  }
0x300: {  	s9 =	simm.s32 $0x20;
	s8 =	sand.u32 $0x3F0, s7;
	[tilespmem:s31+$0x10080] =	vst v6  }
.LBB2_13:
0x301: {  	p0 =	sne.s32 s9, $0x3F0;
	v6 =	vld [tilespmem:s8+$0x400];
	_ =	sdelay $0x1  }
0x302: {  	v7 =	vld [tilespmem:s8+$0x1400];
	_ =	sdelay $0x1  }
0x303: {  	v8 =	vld [tilespmem:s8+$0x2400]  }
0x304: {  	v6 =	vadd.f32 $0.0e+00, v6  }
0x305: {  	v9 =	vld [tilespmem:s8+$0x3400]  }
0x306: {  	v6 =	vadd.f32 v7, v6  }
0x307: {  	v7 =	vld [tilespmem:s8+$0x4400]  }
0x308: {  	v6 =	vadd.f32 v8, v6  }
0x309: {  	v8 =	vld [tilespmem:s8+$0x5400]  }
0x30a: {  	v6 =	vadd.f32 v9, v6  }
0x30b: {  	v9 =	vld [tilespmem:s8+$0x6400]  }
0x30c: {  	v6 =	vadd.f32 v7, v6  }
0x30d: {  	v7 =	vld [tilespmem:s8+$0x7400]  }
0x30e: {  	v6 =	vadd.f32 v8, v6  }
0x30f: {  	v8 =	vld [tilespmem:s8+$0x8400]  }
0x310: {  	v6 =	vadd.f32 v9, v6  }
0x311: {  	v9 =	vld [tilespmem:s8+$0x9400]  }
0x312: {  	v6 =	vadd.f32 v7, v6  }
0x313: {  	v7 =	vld [tilespmem:s8+$0xA400]  }
0x314: {  	v6 =	vadd.f32 v8, v6  }
0x315: {  	v8 =	vld [tilespmem:s8+$0xB400]  }
0x316: {  	v6 =	vadd.f32 v9, v6  }
0x317: {  	v9 =	vld [tilespmem:s8+$0xC400]  }
0x318: {  	v6 =	vadd.f32 v7, v6  }
0x319: {  	v7 =	vld [tilespmem:s8+$0xD400]  }
0x31a: {  	v6 =	vadd.f32 v8, v6  }
0x31b: {  	v8 =	vld [tilespmem:s8+$0xE400]  }
0x31c: {  	v6 =	vadd.f32 v9, v6  }
0x31d: {  	v9 =	vld [tilespmem:s8+$0xF400]  }
0x31e: {  	v6 =	vadd.f32 v7, v6;
	_ =	sdelay $0x1  }
.Ltmp6:
0x31f: {  	v6 =	vadd.f32 v8, v6;
	(pc) =	sbr.rel @p0 .LBB2_13-.Ltmp6, $4  }
0x320: {  	s0 =	sadd.s32 $0x40, s0  }
0x321: {  	s10 =	sand.u32 $0xE00, s0;
	s8 =	sand.u32 $0x70, s7;
	s7 =	smov.u32 s9;
	v6 =	vadd.f32 v9, v6  }
0x322: {  	s10 =	sor.u32 s8, s10  }
0x323: {  	s9 =	sadd.s32 $0x10, s9;
	s8 =	sand.u32 $0x3F0, s7;
	[tilespmem:s10+$0x10080] =	vst v6  }
0x324: {  	v6 =	vld [tilespmem:s8+$0x400];
	_ =	sdelay $0x1  }
0x325: {  	v7 =	vld [tilespmem:s8+$0x1400];
	_ =	sdelay $0x1  }
0x326: {  	v8 =	vld [tilespmem:s8+$0x2400]  }
0x327: {  	v6 =	vadd.f32 $0.0e+00, v6  }
0x328: {  	v9 =	vld [tilespmem:s8+$0x3400]  }
0x329: {  	v6 =	vadd.f32 v7, v6  }
0x32a: {  	v7 =	vld [tilespmem:s8+$0x4400]  }
0x32b: {  	v6 =	vadd.f32 v8, v6  }
0x32c: {  	v56 =	vld [tilespmem:s8+$0x5400]  }
0x32d: {  	v6 =	vadd.f32 v9, v6  }
0x32e: {  	v57 =	vld [tilespmem:s8+$0x6400]  }
0x32f: {  	v6 =	vadd.f32 v7, v6  }
0x330: {  	v7 =	vld [tilespmem:s8+$0x7400]  }
0x331: {  	v6 =	vadd.f32 v56, v6  }
0x332: {  	v58 =	vld [tilespmem:s8+$0x8400]  }
0x333: {  	v6 =	vadd.f32 v57, v6  }
0x334: {  	v59 =	vld [tilespmem:s8+$0x9400]  }
0x335: {  	v6 =	vadd.f32 v7, v6  }
0x336: {  	v7 =	vld [tilespmem:s8+$0xA400]  }
0x337: {  	v6 =	vadd.f32 v58, v6  }
0x338: {  	v60 =	vld [tilespmem:s8+$0xB400]  }
0x339: {  	v6 =	vadd.f32 v59, v6  }
0x33a: {  	v61 =	vld [tilespmem:s8+$0xC400]  }
0x33b: {  	v6 =	vadd.f32 v7, v6  }
0x33c: {  	v7 =	vld [tilespmem:s8+$0xD400]  }
0x33d: {  	v6 =	vadd.f32 v60, v6  }
0x33e: {  	v62 =	vld [tilespmem:s8+$0xE400]  }
0x33f: {  	v6 =	vadd.f32 v61, v6  }
0x340: {  	v63 =	vld [tilespmem:s8+$0xF400]  }
0x341: {  	v6 =	vadd.f32 v7, v6  }
0x342: {  	p1 =	por $0x1, $0x1  }
.Ltmp7:
0x343: {  	s0 =	sadd.s32 $0x40, s0;
	v6 =	vadd.f32 v62, v6;
	(pc) =	sbr.rel @!p1 .LBB2_18-.Ltmp7, $4  }
0x344: {  	s7 =	sand.u32 $0x70, s7;
	s0 =	sand.u32 $0xE00, s0  }
0x345: {  	s31 =	simm.s32 $0x10;
	s7 =	sor.u32 s7, s0;
	s0 =	simm.s32 $0x0;
	v6 =	vadd.f32 v63, v6  }
0x346: {  	p0 =	por $0x0, $0x0;
	s9 =	simm.s32 $0x0;
	s10 =	sand.u32 $0x3F0, s0  }
0x347: {  	p2 =	por $0x0, $0x0;
	s8 =	simm.s32 $0x0;
	[tilespmem:s7+$0x10080] =	vst v6;
	s7 =	smov.u32 s10  }
0x348: {  	v6 =	vld [tilespmem:s10+$0x800];
	_ =	sdelay $0x1  }
0x349: {  	v7 =	vld [tilespmem:s10+$0x1800];
	_ =	sdelay $0x1  }
0x34a: {  	v8 =	vld [tilespmem:s10+$0x2800]  }
0x34b: {  	v6 =	vadd.f32 $0.0e+00, v6  }
0x34c: {  	v9 =	vld [tilespmem:s10+$0x3800]  }
0x34d: {  	v6 =	vadd.f32 v7, v6  }
0x34e: {  	v7 =	vld [tilespmem:s10+$0x4800]  }
0x34f: {  	v6 =	vadd.f32 v8, v6  }
0x350: {  	v56 =	vld [tilespmem:s10+$0x5800]  }
0x351: {  	v6 =	vadd.f32 v9, v6  }
0x352: {  	v57 =	vld [tilespmem:s10+$0x6800]  }
0x353: {  	v6 =	vadd.f32 v7, v6  }
0x354: {  	v7 =	vld [tilespmem:s10+$0x7800]  }
0x355: {  	v6 =	vadd.f32 v56, v6  }
0x356: {  	v58 =	vld [tilespmem:s10+$0x8800]  }
0x357: {  	v6 =	vadd.f32 v57, v6  }
0x358: {  	v59 =	vld [tilespmem:s10+$0x9800]  }
0x359: {  	v6 =	vadd.f32 v7, v6  }
0x35a: {  	v7 =	vld [tilespmem:s10+$0xA800]  }
0x35b: {  	v6 =	vadd.f32 v58, v6  }
0x35c: {  	v60 =	vld [tilespmem:s10+$0xB800]  }
0x35d: {  	v6 =	vadd.f32 v59, v6  }
0x35e: {  	v61 =	vld [tilespmem:s10+$0xC800]  }
0x35f: {  	v6 =	vadd.f32 v7, v6  }
0x360: {  	v7 =	vld [tilespmem:s10+$0xD800]  }
0x361: {  	v6 =	vadd.f32 v60, v6  }
0x362: {  	v62 =	vld [tilespmem:s10+$0xE800]  }
0x363: {  	v6 =	vadd.f32 v61, v6  }
0x364: {  	v63 =	vld [tilespmem:s10+$0xF800]  }
0x365: {  	v6 =	vadd.f32 v7, v6  }
0x366: {  	p3 =	por $0x1, $0x1  }
.Ltmp8:
0x367: {  	v6 =	vadd.f32 v62, v6;
	(pc) =	sbr.rel @!p3 .LBB2_16-.Ltmp8, $4  }
0x368: {  	_ = 	snop  }
0x369: {  	s7 =	sand.u32 $0x70, s0;
	s8 =	sand.u32 $0xE00, s0;
	v6 =	vadd.f32 v63, v6  }
0x36a: {  	s11 =	simm.s32 $0x20;
	p2 =	por $0x1, $0x1;
	s8 =	sor.u32 s7, s8  }
0x36b: {  	s9 =	simm.s32 $0x10;
	s7 =	sand.u32 $0x3F0, s31;
	[tilespmem:s8+$0x10100] =	vst v6;
	s8 =	simm.s32 $0x0  }
.LBB2_17:
0x36c: {  	p3 =	sne.s32 s11, $0x3F0;
	v6 =	vld [tilespmem:s7+$0x800];
	_ =	sdelay $0x1  }
0x36d: {  	v7 =	vld [tilespmem:s7+$0x1800];
	_ =	sdelay $0x1  }
0x36e: {  	v8 =	vld [tilespmem:s7+$0x2800]  }
0x36f: {  	v6 =	vadd.f32 $0.0e+00, v6  }
0x370: {  	v9 =	vld [tilespmem:s7+$0x3800]  }
0x371: {  	v6 =	vadd.f32 v7, v6  }
0x372: {  	v7 =	vld [tilespmem:s7+$0x4800]  }
0x373: {  	v6 =	vadd.f32 v8, v6  }
0x374: {  	v8 =	vld [tilespmem:s7+$0x5800]  }
0x375: {  	v6 =	vadd.f32 v9, v6  }
0x376: {  	v9 =	vld [tilespmem:s7+$0x6800]  }
0x377: {  	v6 =	vadd.f32 v7, v6  }
0x378: {  	v7 =	vld [tilespmem:s7+$0x7800]  }
0x379: {  	v6 =	vadd.f32 v8, v6  }
0x37a: {  	v8 =	vld [tilespmem:s7+$0x8800]  }
0x37b: {  	v6 =	vadd.f32 v9, v6  }
0x37c: {  	v9 =	vld [tilespmem:s7+$0x9800]  }
0x37d: {  	v6 =	vadd.f32 v7, v6  }
0x37e: {  	v7 =	vld [tilespmem:s7+$0xA800]  }
0x37f: {  	v6 =	vadd.f32 v8, v6  }
0x380: {  	v8 =	vld [tilespmem:s7+$0xB800]  }
0x381: {  	v6 =	vadd.f32 v9, v6  }
0x382: {  	v9 =	vld [tilespmem:s7+$0xC800]  }
0x383: {  	v6 =	vadd.f32 v7, v6  }
0x384: {  	v7 =	vld [tilespmem:s7+$0xD800]  }
0x385: {  	v6 =	vadd.f32 v8, v6  }
0x386: {  	v8 =	vld [tilespmem:s7+$0xE800]  }
0x387: {  	v6 =	vadd.f32 v9, v6  }
0x388: {  	v9 =	vld [tilespmem:s7+$0xF800]  }
0x389: {  	v6 =	vadd.f32 v7, v6;
	_ =	sdelay $0x1  }
.Ltmp9:
0x38a: {  	v6 =	vadd.f32 v8, v6;
	(pc) =	sbr.rel @p3 .LBB2_17-.Ltmp9, $4  }
0x38b: {  	s8 =	sadd.s32 $0x40, s8  }
0x38c: {  	s12 =	sand.u32 $0xE00, s8;
	s7 =	sand.u32 $0x70, s9;
	s9 =	smov.u32 s11;
	v6 =	vadd.f32 v9, v6  }
0x38d: {  	s12 =	sor.u32 s7, s12  }
0x38e: {  	s11 =	sadd.s32 $0x10, s11;
	s7 =	sand.u32 $0x3F0, s9;
	[tilespmem:s12+$0x10100] =	vst v6  }
.LBB2_18:
0x38f: {  	v6 =	vld [tilespmem:s7+$0x800];
	_ =	sdelay $0x1  }
0x390: {  	v7 =	vld [tilespmem:s7+$0x1800];
	_ =	sdelay $0x1  }
0x391: {  	v8 =	vld [tilespmem:s7+$0x2800]  }
0x392: {  	v6 =	vadd.f32 $0.0e+00, v6  }
0x393: {  	v9 =	vld [tilespmem:s7+$0x3800]  }
0x394: {  	v6 =	vadd.f32 v7, v6  }
0x395: {  	v7 =	vld [tilespmem:s7+$0x4800]  }
0x396: {  	v6 =	vadd.f32 v8, v6  }
0x397: {  	v56 =	vld [tilespmem:s7+$0x5800]  }
0x398: {  	v6 =	vadd.f32 v9, v6  }
0x399: {  	v57 =	vld [tilespmem:s7+$0x6800]  }
0x39a: {  	v6 =	vadd.f32 v7, v6  }
0x39b: {  	v7 =	vld [tilespmem:s7+$0x7800]  }
0x39c: {  	v6 =	vadd.f32 v56, v6  }
0x39d: {  	v58 =	vld [tilespmem:s7+$0x8800]  }
0x39e: {  	v6 =	vadd.f32 v57, v6  }
0x39f: {  	v59 =	vld [tilespmem:s7+$0x9800]  }
0x3a0: {  	v6 =	vadd.f32 v7, v6  }
0x3a1: {  	v7 =	vld [tilespmem:s7+$0xA800]  }
0x3a2: {  	v6 =	vadd.f32 v58, v6  }
0x3a3: {  	v60 =	vld [tilespmem:s7+$0xB800]  }
0x3a4: {  	v6 =	vadd.f32 v59, v6  }
0x3a5: {  	v61 =	vld [tilespmem:s7+$0xC800]  }
0x3a6: {  	v6 =	vadd.f32 v7, v6  }
0x3a7: {  	v7 =	vld [tilespmem:s7+$0xD800]  }
0x3a8: {  	v6 =	vadd.f32 v60, v6  }
0x3a9: {  	v62 =	vld [tilespmem:s7+$0xE800]  }
0x3aa: {  	v6 =	vadd.f32 v61, v6  }
0x3ab: {  	v63 =	vld [tilespmem:s7+$0xF800]  }
0x3ac: {  	v6 =	vadd.f32 v7, v6;
	_ =	sdelay $0x1  }
.Ltmp10:
0x3ad: {  	s7 =	sadd.s32 @p2 $0x40, s8;
	s8 =	simm.s32 $0x0;
	v6 =	vadd.f32 v62, v6;
	(pc) =	sbr.rel @!p1 .LBB2_19-.Ltmp10, $4  }
0x3ae: {  	s8 =	smov.u32 @p2 s7  }
0x3af: {  	s12 =	sand.u32 $0x70, s9;
	s8 =	sand.u32 $0xE00, s8;
	v6 =	vadd.f32 v63, v6  }
0x3b0: {  	s7 =	sor.u32 s12, s8  }
0x3b1: {  	[tilespmem:s7+$0x10100] =	vst v6  }
0x3b2: {  	v6 =	vld [tilespmem:s10+$0xC00];
	_ =	sdelay $0x1  }
0x3b3: {  	v7 =	vld [tilespmem:s10+$0x1C00];
	_ =	sdelay $0x1  }
0x3b4: {  	v8 =	vld [tilespmem:s10+$0x2C00]  }
0x3b5: {  	v6 =	vadd.f32 $0.0e+00, v6  }
0x3b6: {  	v9 =	vld [tilespmem:s10+$0x3C00]  }
0x3b7: {  	v6 =	vadd.f32 v7, v6  }
0x3b8: {  	v7 =	vld [tilespmem:s10+$0x4C00]  }
0x3b9: {  	v6 =	vadd.f32 v8, v6  }
0x3ba: {  	v56 =	vld [tilespmem:s10+$0x5C00]  }
0x3bb: {  	v6 =	vadd.f32 v9, v6  }
0x3bc: {  	v57 =	vld [tilespmem:s10+$0x6C00]  }
0x3bd: {  	v6 =	vadd.f32 v7, v6  }
0x3be: {  	v7 =	vld [tilespmem:s10+$0x7C00]  }
0x3bf: {  	v6 =	vadd.f32 v56, v6  }
0x3c0: {  	v58 =	vld [tilespmem:s10+$0x8C00]  }
0x3c1: {  	v6 =	vadd.f32 v57, v6  }
0x3c2: {  	v59 =	vld [tilespmem:s10+$0x9C00]  }
0x3c3: {  	v6 =	vadd.f32 v7, v6  }
0x3c4: {  	v7 =	vld [tilespmem:s10+$0xAC00]  }
0x3c5: {  	v6 =	vadd.f32 v58, v6  }
0x3c6: {  	v60 =	vld [tilespmem:s10+$0xBC00]  }
0x3c7: {  	v6 =	vadd.f32 v59, v6  }
0x3c8: {  	v61 =	vld [tilespmem:s10+$0xCC00]  }
0x3c9: {  	v6 =	vadd.f32 v7, v6  }
0x3ca: {  	v7 =	vld [tilespmem:s10+$0xDC00]  }
0x3cb: {  	v6 =	vadd.f32 v60, v6  }
0x3cc: {  	v62 =	vld [tilespmem:s10+$0xEC00]  }
0x3cd: {  	v6 =	vadd.f32 v61, v6  }
0x3ce: {  	v63 =	vld [tilespmem:s10+$0xFC00]  }
0x3cf: {  	v6 =	vadd.f32 v7, v6  }
0x3d0: {  	p1 =	por $0x1, $0x1  }
.Ltmp11:
0x3d1: {  	v6 =	vadd.f32 v62, v6;
	(pc) =	sbr.rel @!p1 .LBB2_21-.Ltmp11, $4  }
0x3d2: {  	_ = 	snop  }
0x3d3: {  	s7 =	sand.u32 $0x70, s0;
	s8 =	sand.u32 $0xE00, s0;
	v6 =	vadd.f32 v63, v6  }
0x3d4: {  	p0 =	por $0x1, $0x1;
	s8 =	sor.u32 s7, s8  }
0x3d5: {  	s7 =	simm.s32 $0x20;
	s10 =	sand.u32 $0x3F0, s31;
	[tilespmem:s8+$0x10180] =	vst v6;
	s8 =	simm.s32 $0x0  }
.LBB2_22:
0x3d6: {  	p1 =	sne.s32 s7, $0x3F0;
	v6 =	vld [tilespmem:s10+$0xC00];
	_ =	sdelay $0x1  }
0x3d7: {  	v7 =	vld [tilespmem:s10+$0x1C00];
	_ =	sdelay $0x1  }
0x3d8: {  	v8 =	vld [tilespmem:s10+$0x2C00]  }
0x3d9: {  	v6 =	vadd.f32 $0.0e+00, v6  }
0x3da: {  	v9 =	vld [tilespmem:s10+$0x3C00]  }
0x3db: {  	v6 =	vadd.f32 v7, v6  }
0x3dc: {  	v7 =	vld [tilespmem:s10+$0x4C00]  }
0x3dd: {  	v6 =	vadd.f32 v8, v6  }
0x3de: {  	v8 =	vld [tilespmem:s10+$0x5C00]  }
0x3df: {  	v6 =	vadd.f32 v9, v6  }
0x3e0: {  	v9 =	vld [tilespmem:s10+$0x6C00]  }
0x3e1: {  	v6 =	vadd.f32 v7, v6  }
0x3e2: {  	v7 =	vld [tilespmem:s10+$0x7C00]  }
0x3e3: {  	v6 =	vadd.f32 v8, v6  }
0x3e4: {  	v8 =	vld [tilespmem:s10+$0x8C00]  }
0x3e5: {  	v6 =	vadd.f32 v9, v6  }
0x3e6: {  	v9 =	vld [tilespmem:s10+$0x9C00]  }
0x3e7: {  	v6 =	vadd.f32 v7, v6  }
0x3e8: {  	v7 =	vld [tilespmem:s10+$0xAC00]  }
0x3e9: {  	v6 =	vadd.f32 v8, v6  }
0x3ea: {  	v8 =	vld [tilespmem:s10+$0xBC00]  }
0x3eb: {  	v6 =	vadd.f32 v9, v6  }
0x3ec: {  	v9 =	vld [tilespmem:s10+$0xCC00]  }
0x3ed: {  	v6 =	vadd.f32 v7, v6  }
0x3ee: {  	v7 =	vld [tilespmem:s10+$0xDC00]  }
0x3ef: {  	v6 =	vadd.f32 v8, v6  }
0x3f0: {  	v8 =	vld [tilespmem:s10+$0xEC00]  }
0x3f1: {  	v6 =	vadd.f32 v9, v6  }
0x3f2: {  	v9 =	vld [tilespmem:s10+$0xFC00]  }
0x3f3: {  	v6 =	vadd.f32 v7, v6;
	_ =	sdelay $0x1  }
.Ltmp12:
0x3f4: {  	v6 =	vadd.f32 v8, v6;
	(pc) =	sbr.rel @p1 .LBB2_22-.Ltmp12, $4  }
0x3f5: {  	s8 =	sadd.s32 $0x40, s8  }
0x3f6: {  	s9 =	sand.u32 $0x70, s31;
	s31 =	smov.u32 s7;
	s10 =	sand.u32 $0xE00, s8;
	v6 =	vadd.f32 v9, v6  }
0x3f7: {  	s9 =	sor.u32 s9, s10  }
0x3f8: {  	s7 =	sadd.s32 $0x10, s7;
	s10 =	sand.u32 $0x3F0, s31;
	[tilespmem:s9+$0x10180] =	vst v6  }
.LBB2_23:
0x3f9: {  	v6 =	vld [tilespmem:s10+$0xC00];
	_ =	sdelay $0x1  }
0x3fa: {  	v7 =	vld [tilespmem:s10+$0x1C00];
	_ =	sdelay $0x1  }
0x3fb: {  	v8 =	vld [tilespmem:s10+$0x2C00]  }
0x3fc: {  	v6 =	vadd.f32 $0.0e+00, v6  }
0x3fd: {  	v9 =	vld [tilespmem:s10+$0x3C00]  }
0x3fe: {  	v6 =	vadd.f32 v7, v6  }
0x3ff: {  	v7 =	vld [tilespmem:s10+$0x4C00]  }
0x400: {  	v6 =	vadd.f32 v8, v6  }
0x401: {  	v56 =	vld [tilespmem:s10+$0x5C00]  }
0x402: {  	v6 =	vadd.f32 v9, v6  }
0x403: {  	v57 =	vld [tilespmem:s10+$0x6C00]  }
0x404: {  	v6 =	vadd.f32 v7, v6  }
0x405: {  	v7 =	vld [tilespmem:s10+$0x7C00]  }
0x406: {  	v6 =	vadd.f32 v56, v6  }
0x407: {  	v58 =	vld [tilespmem:s10+$0x8C00]  }
0x408: {  	v6 =	vadd.f32 v57, v6  }
0x409: {  	v59 =	vld [tilespmem:s10+$0x9C00]  }
0x40a: {  	v6 =	vadd.f32 v7, v6  }
0x40b: {  	v7 =	vld [tilespmem:s10+$0xAC00]  }
0x40c: {  	v6 =	vadd.f32 v58, v6  }
0x40d: {  	v60 =	vld [tilespmem:s10+$0xBC00]  }
0x40e: {  	v6 =	vadd.f32 v59, v6  }
0x40f: {  	v61 =	vld [tilespmem:s10+$0xCC00]  }
0x410: {  	v6 =	vadd.f32 v7, v6  }
0x411: {  	v7 =	vld [tilespmem:s10+$0xDC00]  }
0x412: {  	v6 =	vadd.f32 v60, v6  }
0x413: {  	v62 =	vld [tilespmem:s10+$0xEC00]  }
0x414: {  	v6 =	vadd.f32 v61, v6  }
0x415: {  	v63 =	vld [tilespmem:s10+$0xFC00]  }
0x416: {  	v6 =	vadd.f32 v7, v6;
	_ =	sdelay $0x1  }
0x417: {  	s7 =	sadd.s32 @p0 $0x40, s8;
	v6 =	vadd.f32 v62, v6  }
0x418: {  	s0 =	smov.u32 @p0 s7  }
0x419: {  	s0 =	sand.u32 $0xE00, s0;
	s10 =	sand.u32 $0x70, s31;
	v6 =	vadd.f32 v63, v6  }
0x41a: {  	s11 =	simm.s32 $0x200;
	s30 =	sadd.s32 $0x1, s30;
	s0 =	sor.u32 s10, s0  }
0x41b: {  	s12 =	simm.s32 $0x400;
	p0 =	sne.s32 s30, s18;
	s31 =	simm.s32 $0x10000;
	[tilespmem:s0+$0x10180] =	vst v6  }
0x41c: {  	[hbm4b:s17+s11] =	stream.strided.scatter [tilespmem:s31], [sflag:$0x3], $0x1000, s12, s11, $0x38;
	[tilespmem:$0x19000] =	vst v63  }
.Ltmp13:
0x41d: {  	_ = 	snop;
	(pc) =	sbr.rel @p0 .LBB2_1-.Ltmp13, $4  }
.Ltmp14:
0x41e: {  	_ = 	snop;
	(pc) =	sbr.rel @!p0 .LBB2_24-.Ltmp14, $4  }
0x41f: {  	_ =	swait.ge [sflag:s1], $0x1000  }
0x420: {  	[sflag:s1] =	ssyncset.done $0x0  }
0x421: {  	[sflag:s1] =	ssyncadd.s32 $0xFFFFF000  }
0x422: {  	_ = 	snop  }
.LBB2_19:
.Ltmp15:
0x423: {  	(pc) =	sbr.rel .LBB2_23-.Ltmp15, $2  }
0x424: {  	_ =	sdelay $0x2  }
0x425: {  	s8 =	simm.s32 $0x0;
	s31 =	simm.s32 $0x0  }
.LBB2_16:
.Ltmp16:
0x426: {  	(pc) =	sbr.rel .LBB2_18-.Ltmp16, $2  }
0x427: {  	_ =	sdelay $0x2  }
0x428: {  	s8 =	simm.s32 $0x0;
	s9 =	simm.s32 $0x10  }
.LBB2_21:
.Ltmp17:
0x429: {  	(pc) =	sbr.rel .LBB2_23-.Ltmp17, $2  }
0x42a: {  	_ =	sdelay $0x2  }
0x42b: {  	s8 =	simm.s32 $0x0  }
.LBB2_24:
0x42c: {  	_ =	sfence.sel $0x180000  }
0x42d: {  	[bflag:$0x0] =	sbarrier.arrive $0xFFFF  }
0x42e: {  	_ =	strace $0x90000047  }
0x42f: {  	s0 =	stileid.u32;
	[bflag:$0x2] =	sbarrier.arrive $0xFFFF  }
0x430: {  	p0 =	sne.s32 s0, $0x0;
	s0 =	rddreg [dreg:$0x2]  }
0x431: {  	s0 =	sadd.s32 @!p0 $0x100000, s0  }
0x432: {  	[sflag:s0] =	ssyncadd.tile.s32 @!p0 $0x1;
	_ =	shalt  }
.Lfunc_end2:
_tile_overlayer_lowered:
.L_overlay_start_2:
0x433: {  	(tag) =	ssettag $0x2  }
0x434: {  	s0 =	rddreg [dreg:$0x0];
	s2 =	stileid.u32  }
0x435: {  	s1 =	rddreg [dreg:$0x1];
	p0 =	sne.s32 s2, $0x0  }
0x436: {  	s3 =	rddreg [dreg:$0x2];
	[bflag:$0x3] =	sbarrier.arrive $0xFFFF;
	s2 =	simm.s32 @!p0 $0x1C03  }
0x437: {  	[timem:s3], [sflag:s2] =	dma.local @!p0 [hbm:s0], s1  }
0x438: {  	s0 =	simm.s32 @!p0 $0x3  }
0x439: {  	_ =	swait.ge @!p0 [sflag:s0], s1  }
0x43a: {  	s1 =	ssub.s32 @!p0 $0x0, s1;
	[sflag:s0] =	ssyncset.done @!p0 $0x0  }
0x43b: {  	[sflag:s0] =	ssyncadd.s32 @!p0 s1  }
0x43c: {  	[bflag:$0x3] =	sbarrier.arrive $0xFFFF  }
0x43d: {  	_ =	shalt  }

</sc_bundles>
